<compile_context>
chip_gen: v7x
topology: tpu7x:2x2x1
jax: 0.10.2.dev20260603
libtpu: 0.0.44.dev20260713+nightly
codegen_flags: <defaults>
</compile_context>

<pallas_src>
import functools

import jax
import jax.numpy as jnp
from jax import lax
from jax.experimental import pallas as pl
from jax.experimental.pallas import tpu as pltpu
from jax.experimental.pallas import tpu_sc as plsc

B = 1024
N = 100000
K = 30
KP = 32
NEG = -1e30
CAP = 1024
G = 22
GE = G * 16
TRIG = CAP - GE - 16
NMAIN = 99968
TW = N - NMAIN
CHW = 5632
NFULL = 17
LASTW = NMAIN - NFULL * CHW
NGF = CHW // GE
NGL = LASTW // GE
NC = 2
NS = 16
NW = NC * NS
RPW = B // NW
NOCT = RPW // 8


NTC = 782
TCW = B * 128


def _flat_index(row, col):
    return (col >> 7) * TCW + row * 128 + (col & 127)


def _sc_topk_body(tgt_hbm, tail_hbm, tt_hbm, ti_hbm,
                  chunk_v, tail_v, cand_v, cand_i, val_v, idx_v,
                  thr_v, cnt_s, sem):
    wid = lax.axis_index("s") * NC + lax.axis_index("c")
    row0 = wid * RPW
    iota = lax.iota(jnp.int32, 16)
    neg16 = jnp.full((16,), NEG, jnp.float32)

    def sort16(v, p):
        sv, sp = plsc.sort_key_val(v, p, descending=True)
        return sv, sp

    def merge_top16(av, ap, bv, bp):
        bvr = lax.rev(bv, (0,))
        bpr = lax.rev(bp, (0,))
        ta = av >= bvr
        return sort16(jnp.where(ta, av, bvr), jnp.where(ta, ap, bpr))

    def round_top16(rbase, nvr):
        bv, bp = sort16(cand_v[pl.ds(rbase, 16)], iota)

        def rbody(j, carry):
            sv, sp = sort16(cand_v[pl.ds(rbase + j * 16, 16)],
                            iota + j * 16)
            return merge_top16(carry[0], carry[1], sv, sp)

        return lax.fori_loop(1, nvr, rbody, (bv, bp))

    def select_top32(r8):
        rbase = r8 * CAP
        cnt = cnt_s[r8]
        cand_v[pl.ds(rbase + cnt, 16)] = neg16
        nvr = cnt // 16 + 1
        v1, p1 = round_top16(rbase, nvr)
        saved = plsc.load_gather(cand_v, [rbase + p1])
        plsc.store_scatter(cand_v, [rbase + p1], neg16)
        v2, p2 = round_top16(rbase, nvr)
        plsc.store_scatter(cand_v, [rbase + p1], saved)
        i1 = plsc.load_gather(cand_i, [rbase + p1])
        i2 = plsc.load_gather(cand_i, [rbase + p2])
        return v1, i1, v2, i2

    def append(r8, vals, cols, mask):
        cnt = r8 * CAP + cnt_s[r8]
        plsc.store_compressed(cand_v.at[pl.ds(cnt, 16)], vals, mask=mask)
        plsc.store_compressed(cand_i.at[pl.ds(cnt, 16)], cols, mask=mask)
        cnt_s[r8] = cnt_s[r8] + jnp.sum(mask.astype(jnp.int32))

    def compact(r8):
        @pl.when(cnt_s[r8] > TRIG)
        def _():
            rbase = r8 * CAP
            v1, i1, v2, i2 = select_top32(r8)
            cand_v[pl.ds(rbase, 16)] = v1
            cand_v[pl.ds(rbase + 16, 16)] = v2
            cand_i[pl.ds(rbase, 16)] = i1
            cand_i[pl.ds(rbase + 16, 16)] = i2
            cnt_s[r8] = KP
            thr_v[r8, :] = plsc.load_gather(
                cand_v, [jnp.full((16,), 31, jnp.int32) + rbase])

    def scan_rows(s, cbase, ngroups):
        def row_scan(r8, _):
            def group_body(g, _):
                base = g * GE
                thr = thr_v[r8, :]
                colbase = cbase + base
                vs, ms, pcs, cts = [], [], [], []
                for j in range(G):
                    v = chunk_v[s, r8, pl.ds(base + j * 16, 16)]
                    m = v > thr
                    vs.append(v)
                    ms.append(m)
                    pcs.append(plsc.cumsum(m.astype(jnp.int32)))
                    cts.append(plsc.all_reduce_population_count(m))
                off = jnp.full((16,), r8 * CAP + cnt_s[r8] - 1, jnp.int32)
                offs = []
                for j in range(G):
                    offs.append(off)
                    off = off + cts[j]
                for j in range(G):
                    pos = offs[j] + pcs[j]
                    plsc.store_scatter(cand_v, [pos], vs[j], mask=ms[j])
                    plsc.store_scatter(cand_i, [pos],
                                       colbase + j * 16 + iota, mask=ms[j])
                cnt_s[r8] = jnp.max(off) + 1 - r8 * CAP
                compact(r8)
                return 0

            lax.fori_loop(0, ngroups, group_body, 0)
            return 0

        lax.fori_loop(0, 8, row_scan, 0)

    def octet_body(o, _):
        row8 = pl.multiple_of(row0 + o * 8, 8)

        def full_copy(c, s):
            return pltpu.make_async_copy(
                tgt_hbm.at[pl.ds(row8, 8),
                           pl.ds(pl.multiple_of(c * CHW, 128), CHW)],
                chunk_v.at[s, :, pl.ds(0, CHW)], sem)

        def last_copy(s):
            return pltpu.make_async_copy(
                tgt_hbm.at[pl.ds(row8, 8), pl.ds(NFULL * CHW, LASTW)],
                chunk_v.at[s, :, pl.ds(0, LASTW)], sem)

        def rbody(r8, _):
            thr_v[r8, :] = neg16
            cnt_s[r8] = 0
            return 0

        lax.fori_loop(0, 8, rbody, 0)

        full_copy(0, 0).start()
        pltpu.sync_copy(tail_hbm.at[pl.ds(row8 * TW, 8 * TW)], tail_v)

        def chunk_body(c, _):
            s = lax.rem(c, 2)
            full_copy(c, s).wait()

            @pl.when(c + 1 < NFULL)
            def _():
                full_copy(c + 1, 1 - s).start()

            @pl.when(c + 1 == NFULL)
            def _():
                last_copy(1 - s).start()

            scan_rows(s, c * CHW, NGF)
            return 0

        lax.fori_loop(0, NFULL, chunk_body, 0)
        st = NFULL % 2
        last_copy(st).wait()
        scan_rows(st, NFULL * CHW, NGL)

        def tail_scan(r8, _):
            v0 = tail_v[pl.ds(r8 * TW, 16)]
            v1 = tail_v[pl.ds(r8 * TW + 16, 16)]
            thr = thr_v[r8, :]
            hit = jnp.any(jnp.maximum(v0, v1) > thr)

            @pl.when(hit)
            def _():
                append(r8, v0, NMAIN + iota, v0 > thr)
                append(r8, v1, NMAIN + 16 + iota, v1 > thr)
                compact(r8)

            return 0

        lax.fori_loop(0, 8, tail_scan, 0)

        def out_body(r8, _):
            v1, i1, v2, i2 = select_top32(r8)
            rl = o * 8 + r8
            val_v[pl.ds(rl * KP, 16)] = v1
            val_v[pl.ds(rl * KP + 16, 16)] = v2
            row = row8 + r8
            idx_v[pl.ds(rl * KP, 16)] = _flat_index(row, i1)
            idx_v[pl.ds(rl * KP + 16, 16)] = _flat_index(row, i2)
            return 0

        lax.fori_loop(0, 8, out_body, 0)
        return 0

    lax.fori_loop(0, NOCT, octet_body, 0)

    out0 = wid * RPW * KP
    pltpu.sync_copy(val_v, tt_hbm.at[pl.ds(out0, RPW * KP)])
    pltpu.sync_copy(idx_v, ti_hbm.at[pl.ds(out0, RPW * KP)])


_sc_topk = functools.partial(
    pl.kernel,
    out_type=(jax.ShapeDtypeStruct((B * KP,), jnp.float32),
              jax.ShapeDtypeStruct((B * KP,), jnp.int32)),
    mesh=plsc.VectorSubcoreMesh(core_axis_name="c", subcore_axis_name="s"),
    compiler_params=pltpu.CompilerParams(needs_layout_passes=False),
    scratch_types=(
        pltpu.VMEM((2, 8, CHW), jnp.float32),
        pltpu.VMEM((8 * TW,), jnp.float32),
        pltpu.VMEM((8 * CAP,), jnp.float32),
        pltpu.VMEM((8 * CAP,), jnp.int32),
        pltpu.VMEM((RPW * KP,), jnp.float32),
        pltpu.VMEM((RPW * KP,), jnp.int32),
        pltpu.VMEM((8, 16), jnp.float32),
        pltpu.SMEM((8,), jnp.int32),
        pltpu.SemaphoreType.DMA,
    ),
)(_sc_topk_body)


def _sc_gather_body(lin_hbm, ti_hbm, tl_hbm, idx_v, lgt_v, sem, gsem):
    wid = lax.axis_index("s") * NC + lax.axis_index("c")
    base = wid * RPW * KP
    pltpu.async_copy(ti_hbm.at[pl.ds(base, RPW * KP)], idx_v, sem).wait()
    for q in range(RPW * KP // 128):
        pltpu.async_copy(lin_hbm.at[idx_v.at[pl.ds(q * 128, 128)]],
                         lgt_v.at[pl.ds(q * 128, 128)], gsem).wait()
    pltpu.sync_copy(lgt_v, tl_hbm.at[pl.ds(base, RPW * KP)])


_sc_gather = functools.partial(
    pl.kernel,
    out_type=jax.ShapeDtypeStruct((B * KP,), jnp.float32),
    mesh=plsc.VectorSubcoreMesh(core_axis_name="c", subcore_axis_name="s"),
    compiler_params=pltpu.CompilerParams(needs_layout_passes=False),
    scratch_types=(
        pltpu.VMEM((RPW * KP,), jnp.int32),
        pltpu.VMEM((RPW * KP,), jnp.float32),
        pltpu.SemaphoreType.DMA,
        pltpu.SemaphoreType.DMA,
    ),
)(_sc_gather_body)


TCPB = 16
NLB = (NTC + TCPB - 1) // TCPB


def _lin_body(x_ref, o_ref):
    for t in range(TCPB):
        o_ref[pl.ds(t * TCW, TCW)] = x_ref[:, pl.ds(t * 128, 128)].reshape(TCW)


_lin_logits = pl.pallas_call(
    _lin_body,
    grid=(NLB,),
    in_specs=[pl.BlockSpec((B, 128 * TCPB), lambda i: (0, i))],
    out_specs=pl.BlockSpec((TCPB * TCW,), lambda i: (i,)),
    out_shape=jax.ShapeDtypeStruct((NLB * TCPB * TCW,), jnp.float32),
)


def _loss_body(t_ref, l_ref, o_ref):
    t = t_ref[...]
    l = l_ref[...]
    mask = lax.broadcasted_iota(jnp.int32, (B, KP), 1) < K
    t = jnp.where(mask, t, NEG)
    l = jnp.where(mask, l, NEG)
    tm = jnp.max(t, axis=1, keepdims=True)
    lm = jnp.max(l, axis=1, keepdims=True)
    te = jnp.exp(t - tm)
    le = jnp.exp(l - lm)
    ts = jnp.sum(jnp.where(mask, te, 0.0), axis=1, keepdims=True)
    ls = jnp.sum(jnp.where(mask, le, 0.0), axis=1, keepdims=True)
    pt = te / ts
    diff = (t - tm) - jnp.log(ts) - (l - lm) + jnp.log(ls)
    pw = jnp.where(mask, pt * diff, 0.0)
    o_ref[...] = jnp.broadcast_to(jnp.sum(pw) * (1.0 / B), (1, 1))


def kernel(logits, targets):
    tail = targets[:, NMAIN:].reshape(-1)
    tt_flat, ti_flat = _sc_topk(targets, tail)
    lin = _lin_logits(logits)
    tl_flat = _sc_gather(lin, ti_flat)
    tt = tt_flat.reshape(B, KP)
    tl = tl_flat.reshape(B, KP)
    loss = pl.pallas_call(
        _loss_body,
        out_shape=jax.ShapeDtypeStruct((1, 1), jnp.float32),
    )(tt, tl)
    return loss[0, 0]

# --- scband reference (transcript-rebuilt; emitter-appended) ---
"""Pipeline reference for scband-improved-listwise-loss-30940944401146 (READ-ONLY COPY).

The authoritative reference and input builder live on the scoring server;
editing this copy changes nothing except your own understanding.
"""

import jax, jax.numpy as jnp
import numpy as np

TEMPERATURE = 1.0
TOP_K = 30


def setup_inputs(seed: int = 0) -> dict:
    key = jax.random.key(seed)
    k1, k2 = jax.random.split(key)
    logits = jax.random.normal(k1, (1024, 100000), dtype=jnp.float32)
    targets = jax.random.uniform(k2, (1024, 100000), dtype=jnp.float32)
    return {"logits": logits, "targets": targets}


def reference(logits, targets):
    batch_size, num_classes = logits.shape
    k = min(TOP_K, num_classes)
    # torch.topk(targets, k, dim=-1) -> values, indices
    top_targets, top_idx = jax.lax.top_k(targets, k)
    # torch.gather(logits, 1, top_idx)
    top_logits = jnp.take_along_axis(logits, top_idx, axis=1)
    pred_probs = jax.nn.softmax(top_logits / TEMPERATURE, axis=-1)
    target_probs = jax.nn.softmax(top_targets / TEMPERATURE, axis=-1)
    # F.kl_div(pred_probs.log(), target_probs, reduction='batchmean')
    #   pointwise: target * (log(target) - input), input = log(pred)
    log_pred = jnp.log(pred_probs)
    pointwise = target_probs * (jnp.log(target_probs) - log_pred)
    loss = jnp.sum(pointwise) / batch_size
    return loss

if __name__ == "__main__":
    import jax
    _d = setup_inputs()
    print(jax.jit(kernel)(*tuple(_d.values())))

</pallas_src>

<mosaic_0001>
#map = affine_map<(d0, d1) -> (0, 0)>
#map1 = affine_map<(d0, d1) -> (0)>
module attributes {stable_mosaic.version = 14 : i64} {
  func.func @_sc_topk_body(%arg0: i32, %arg1: i32, %arg2: memref<1024x100000xf32, #tpu.memory_space<hbm>>, %arg3: memref<32768xf32, #tpu.memory_space<hbm>>, %arg4: memref<32768xf32, #tpu.memory_space<hbm>>, %arg5: memref<32768xi32, #tpu.memory_space<hbm>>, %arg6: memref<2x8x5632xf32, #tpu.memory_space<vmem>>, %arg7: memref<256xf32, #tpu.memory_space<vmem>>, %arg8: memref<8192xf32, #tpu.memory_space<vmem>>, %arg9: memref<8192xi32, #tpu.memory_space<vmem>>, %arg10: memref<1024xf32, #tpu.memory_space<vmem>>, %arg11: memref<1024xi32, #tpu.memory_space<vmem>>, %arg12: memref<8x16xf32, #tpu.memory_space<vmem>>, %arg13: memref<8xi32, #tpu.memory_space<smem>>, %arg14: memref<!tpu.dma_semaphore, #tpu.memory_space<semaphore_mem>>) attributes {dimension_semantics = [#tpu.dimension_semantics<core_parallel>, #tpu.dimension_semantics<subcore_parallel>], iteration_bounds = array<i64: 2, 16>, scalar_prefetch = 0 : i64, scratch_operands = 9 : i64, tpu.core_type = #tpu.core_type<sc_vector_subcore>, window_params = [{transform_indices = #map}, {transform_indices = #map1}, {transform_indices = #map1}, {transform_indices = #map1}]} {
    %mul3A = arith.constant 2 : i32
    %mul3A_0 = arith.muli %arg1, %mul3A : i32
    %add3A = arith.addi %mul3A_0, %arg0 : i32
    %mul3A_1 = arith.constant 32 : i32
    %mul3A_2 = arith.muli %add3A, %mul3A_1 : i32
    %iota3A = tpu.iota {dimensions = array<i32: 0>} : vector<16xi32>
    %broadcast_in_dim3A = arith.constant -1.000000e+30 : f32
    %broadcast_in_dim3A_3 = vector.broadcast %broadcast_in_dim3A : f32 to vector<16xf32>
    %scan3A = arith.constant 0 : i32
    %scan3A_4 = arith.constant 0 : i32
    %scan3A_5 = arith.constant 4 : i32
    %scan3A_6 = arith.addi %scan3A_4, %scan3A_5 : i32
    %scan3A_7 = arith.constant 1 : i32
    %scan3A_8 = scf.for %scan3A_14 = %scan3A_4 to %scan3A_6 step %scan3A_7 iter_args(%scan3A_15 = %scan3A) -> (i32)  : i32 {
      %mul3A_16 = arith.constant 8 : i32
      %mul3A_17 = arith.muli %scan3A_14, %mul3A_16 : i32
      %add3A_18 = arith.addi %mul3A_2, %mul3A_17 : i32
      %multiple_of3A = tpu.assume_multiple %add3A_18, 8 : i32
      %scan3A_19 = arith.constant 0 : i32
      %scan3A_20 = arith.constant 0 : i32
      %scan3A_21 = arith.constant 8 : i32
      %scan3A_22 = arith.addi %scan3A_20, %scan3A_21 : i32
      %scan3A_23 = arith.constant 1 : i32
      %scan3A_24 = scf.for %scan3A_81 = %scan3A_20 to %scan3A_22 step %scan3A_23 iter_args(%scan3A_82 = %scan3A_19) -> (i32)  : i32 {
        %swap3A = arith.index_cast %scan3A_81 : i32 to index
        %swap3A_83 = arith.constant 0 : index
        %swap3A_84 = tpu.vector_load %arg12[%swap3A, %swap3A_83] {strides = array<i32>} : memref<8x16xf32, #tpu.memory_space<vmem>>, vector<16xf32>,
        tpu.vector_store %arg12[%swap3A, %swap3A_83], %broadcast_in_dim3A_3 {strides = array<i32>} : memref<8x16xf32, #tpu.memory_space<vmem>>, vector<16xf32>,
        %swap3A_85 = arith.constant 0 : i32
        %swap3A_86 = arith.index_cast %scan3A_81 : i32 to index
        %swap3A_87 = memref.load %arg13[%swap3A_86] : memref<8xi32, #tpu.memory_space<smem>>
        memref.store %swap3A_85, %arg13[%swap3A_86] : memref<8xi32, #tpu.memory_space<smem>>
        %scan3A_88 = arith.constant 0 : i32
        scf.yield %scan3A_88 : i32
      }
      %scan3A_25 = arith.constant 8 : i32
      %multiple_of3A_26 = arith.constant 0 : i32
      %multiple_of3A_27 = tpu.assume_multiple %multiple_of3A_26, 128 : i32
      %dma_start3A = arith.constant 0 : i32
      %dma_start3A_28 = arith.constant 0 : i32
      %dma_start3A_29 = arith.constant 0 : i32
      %dma_start3A_30 = tpu.memref_slice %arg6[%dma_start3A, %dma_start3A_28, %dma_start3A_29] : memref<2x8x5632xf32, #tpu.memory_space<vmem>> -> memref<1x8x5632xf32, #tpu.memory_space<vmem>>
      %dma_start3A_31 = tpu.memref_squeeze %dma_start3A_30 : memref<1x8x5632xf32, #tpu.memory_space<vmem>> -> memref<8x5632xf32, #tpu.memory_space<vmem>>
      %dma_start3A_32 = tpu.memref_slice %arg2[%multiple_of3A, %multiple_of3A_27] : memref<1024x100000xf32, #tpu.memory_space<hbm>> -> memref<8x5632xf32, #tpu.memory_space<hbm>>
      %dma_start3A_33 = arith.constant 0 : i32
      %dma_start3A_34 = arith.constant 0 : i32
      %dma_start3A_35 = tpu.memref_slice %arg6[%dma_start3A, %dma_start3A_33, %dma_start3A_34] : memref<2x8x5632xf32, #tpu.memory_space<vmem>> -> memref<1x8x5632xf32, #tpu.memory_space<vmem>>
      %dma_start3A_36 = tpu.memref_squeeze %dma_start3A_35 : memref<1x8x5632xf32, #tpu.memory_space<vmem>> -> memref<8x5632xf32, #tpu.memory_space<vmem>>
      %dma_start3A_37 = tpu.memref_slice %arg2[%multiple_of3A, %multiple_of3A_27] : memref<1024x100000xf32, #tpu.memory_space<hbm>> -> memref<8x5632xf32, #tpu.memory_space<hbm>>
      tpu.enqueue_dma source(%dma_start3A_37 : memref<8x5632xf32, #tpu.memory_space<hbm>>) target(%dma_start3A_36 : memref<8x5632xf32, #tpu.memory_space<vmem>>) target_semaphore(%arg14 : memref<!tpu.dma_semaphore, #tpu.memory_space<semaphore_mem>>)
      %mul3A_38 = arith.constant 32 : i32
      %mul3A_39 = arith.muli %multiple_of3A, %mul3A_38 : i32
      "tpu.region"() ({
        %run_scoped3A = tpu.sem_alloc : memref<!tpu.dma_semaphore, #tpu.memory_space<semaphore_mem>>
        %dma_start3A_81 = tpu.memref_slice %arg3[%mul3A_39] : memref<32768xf32, #tpu.memory_space<hbm>> -> memref<256xf32, #tpu.memory_space<hbm>>
        %dma_start3A_82 = tpu.memref_slice %arg3[%mul3A_39] : memref<32768xf32, #tpu.memory_space<hbm>> -> memref<256xf32, #tpu.memory_space<hbm>>
        tpu.enqueue_dma source(%dma_start3A_82 : memref<256xf32, #tpu.memory_space<hbm>>) target(%arg7 : memref<256xf32, #tpu.memory_space<vmem>>) target_semaphore(%run_scoped3A : memref<!tpu.dma_semaphore, #tpu.memory_space<semaphore_mem>>)
        %dma_wait3A_83 = tpu.memref_slice %arg3[%mul3A_39] : memref<32768xf32, #tpu.memory_space<hbm>> -> memref<256xf32, #tpu.memory_space<hbm>>
        %dma_wait3A_84 = tpu.memref_slice %arg3[%mul3A_39] : memref<32768xf32, #tpu.memory_space<hbm>> -> memref<256xf32, #tpu.memory_space<hbm>>
        tpu.wait_dma2 semaphore(%run_scoped3A : memref<!tpu.dma_semaphore, #tpu.memory_space<semaphore_mem>>) src(%dma_wait3A_84 : memref<256xf32, #tpu.memory_space<hbm>>) dst(%arg7 : memref<256xf32, #tpu.memory_space<vmem>>)
        tpu.yield
      }) : () -> ()
      %scan3A_40 = arith.constant 0 : i32
      %scan3A_41 = arith.constant 0 : i32
      %scan3A_42 = arith.constant 17 : i32
      %scan3A_43 = arith.addi %scan3A_41, %scan3A_42 : i32
      %scan3A_44 = arith.constant 1 : i32
      %scan3A_45 = scf.for %scan3A_81 = %scan3A_41 to %scan3A_43 step %scan3A_44 iter_args(%scan3A_82 = %scan3A_40) -> (i32)  : i32 {
        %rem3A = arith.constant 2 : i32
        %rem3A_83 = arith.remsi %scan3A_81, %rem3A : i32
        %mul3A_84 = arith.constant 5632 : i32
        %mul3A_85 = arith.muli %scan3A_81, %mul3A_84 : i32
        %multiple_of3A_86 = tpu.assume_multiple %mul3A_85, 128 : i32
        %dma_wait3A_87 = arith.constant 0 : i32
        %dma_wait3A_88 = arith.constant 0 : i32
        %dma_wait3A_89 = tpu.memref_slice %arg6[%rem3A_83, %dma_wait3A_87, %dma_wait3A_88] : memref<2x8x5632xf32, #tpu.memory_space<vmem>> -> memref<1x8x5632xf32, #tpu.memory_space<vmem>>
        %dma_wait3A_90 = tpu.memref_squeeze %dma_wait3A_89 : memref<1x8x5632xf32, #tpu.memory_space<vmem>> -> memref<8x5632xf32, #tpu.memory_space<vmem>>
        %dma_wait3A_91 = tpu.memref_slice %arg2[%multiple_of3A, %multiple_of3A_86] : memref<1024x100000xf32, #tpu.memory_space<hbm>> -> memref<8x5632xf32, #tpu.memory_space<hbm>>
        %dma_wait3A_92 = arith.constant 0 : i32
        %dma_wait3A_93 = arith.constant 0 : i32
        %dma_wait3A_94 = tpu.memref_slice %arg6[%rem3A_83, %dma_wait3A_92, %dma_wait3A_93] : memref<2x8x5632xf32, #tpu.memory_space<vmem>> -> memref<1x8x5632xf32, #tpu.memory_space<vmem>>
        %dma_wait3A_95 = tpu.memref_squeeze %dma_wait3A_94 : memref<1x8x5632xf32, #tpu.memory_space<vmem>> -> memref<8x5632xf32, #tpu.memory_space<vmem>>
        %dma_wait3A_96 = tpu.memref_slice %arg2[%multiple_of3A, %multiple_of3A_86] : memref<1024x100000xf32, #tpu.memory_space<hbm>> -> memref<8x5632xf32, #tpu.memory_space<hbm>>
        tpu.wait_dma2 semaphore(%arg14 : memref<!tpu.dma_semaphore, #tpu.memory_space<semaphore_mem>>) src(%dma_wait3A_96 : memref<8x5632xf32, #tpu.memory_space<hbm>>) dst(%dma_wait3A_95 : memref<8x5632xf32, #tpu.memory_space<vmem>>)
        %add3A_97 = arith.constant 1 : i32
        %add3A_98 = arith.addi %scan3A_81, %add3A_97 : i32
        %lt3A = arith.constant 17 : i32
        %lt3A_99 = arith.cmpi slt, %add3A_98, %lt3A : i32
        %convert_element_type3A = arith.extui %lt3A_99 : i1 to i32
        %cond3A = arith.constant 0 : i32
        %cond3A_100 = arith.cmpi ne, %convert_element_type3A, %cond3A : i32
        scf.if %cond3A_100 {
          %add3A_117 = arith.constant 1 : i32
          %add3A_118 = arith.addi %scan3A_81, %add3A_117 : i32
          %sub3A = arith.constant 1 : i32
          %sub3A_119 = arith.subi %sub3A, %rem3A_83 : i32
          %mul3A_120 = arith.constant 5632 : i32
          %mul3A_121 = arith.muli %add3A_118, %mul3A_120 : i32
          %multiple_of3A_122 = tpu.assume_multiple %mul3A_121, 128 : i32
          %dma_start3A_123 = arith.constant 0 : i32
          %dma_start3A_124 = arith.constant 0 : i32
          %dma_start3A_125 = tpu.memref_slice %arg6[%sub3A_119, %dma_start3A_123, %dma_start3A_124] : memref<2x8x5632xf32, #tpu.memory_space<vmem>> -> memref<1x8x5632xf32, #tpu.memory_space<vmem>>
          %dma_start3A_126 = tpu.memref_squeeze %dma_start3A_125 : memref<1x8x5632xf32, #tpu.memory_space<vmem>> -> memref<8x5632xf32, #tpu.memory_space<vmem>>
          %dma_start3A_127 = tpu.memref_slice %arg2[%multiple_of3A, %multiple_of3A_122] : memref<1024x100000xf32, #tpu.memory_space<hbm>> -> memref<8x5632xf32, #tpu.memory_space<hbm>>
          %dma_start3A_128 = arith.constant 0 : i32
          %dma_start3A_129 = arith.constant 0 : i32
          %dma_start3A_130 = tpu.memref_slice %arg6[%sub3A_119, %dma_start3A_128, %dma_start3A_129] : memref<2x8x5632xf32, #tpu.memory_space<vmem>> -> memref<1x8x5632xf32, #tpu.memory_space<vmem>>
          %dma_start3A_131 = tpu.memref_squeeze %dma_start3A_130 : memref<1x8x5632xf32, #tpu.memory_space<vmem>> -> memref<8x5632xf32, #tpu.memory_space<vmem>>
          %dma_start3A_132 = tpu.memref_slice %arg2[%multiple_of3A, %multiple_of3A_122] : memref<1024x100000xf32, #tpu.memory_space<hbm>> -> memref<8x5632xf32, #tpu.memory_space<hbm>>
          tpu.enqueue_dma source(%dma_start3A_132 : memref<8x5632xf32, #tpu.memory_space<hbm>>) target(%dma_start3A_131 : memref<8x5632xf32, #tpu.memory_space<vmem>>) target_semaphore(%arg14 : memref<!tpu.dma_semaphore, #tpu.memory_space<semaphore_mem>>)
        } else {
        }
        %add3A_101 = arith.constant 1 : i32
        %add3A_102 = arith.addi %scan3A_81, %add3A_101 : i32
        %eq3A = arith.constant 17 : i32
        %eq3A_103 = arith.cmpi eq, %add3A_102, %eq3A : i32
        %convert_element_type3A_104 = arith.extui %eq3A_103 : i1 to i32
        %cond3A_105 = arith.constant 0 : i32
        %cond3A_106 = arith.cmpi ne, %convert_element_type3A_104, %cond3A_105 : i32
        scf.if %cond3A_106 {
          %sub3A = arith.constant 1 : i32
          %sub3A_117 = arith.subi %sub3A, %rem3A_83 : i32
          %dma_start3A_118 = arith.constant 0 : i32
          %dma_start3A_119 = arith.constant 0 : i32
          %dma_start3A_120 = tpu.memref_slice %arg6[%sub3A_117, %dma_start3A_118, %dma_start3A_119] : memref<2x8x5632xf32, #tpu.memory_space<vmem>> -> memref<1x8x4224xf32, #tpu.memory_space<vmem>>
          %dma_start3A_121 = tpu.memref_squeeze %dma_start3A_120 : memref<1x8x4224xf32, #tpu.memory_space<vmem>> -> memref<8x4224xf32, #tpu.memory_space<vmem>>
          %dma_start3A_122 = arith.constant 95744 : i32
          %dma_start3A_123 = tpu.memref_slice %arg2[%multiple_of3A, %dma_start3A_122] : memref<1024x100000xf32, #tpu.memory_space<hbm>> -> memref<8x4224xf32, #tpu.memory_space<hbm>>
          %dma_start3A_124 = arith.constant 0 : i32
          %dma_start3A_125 = arith.constant 0 : i32
          %dma_start3A_126 = tpu.memref_slice %arg6[%sub3A_117, %dma_start3A_124, %dma_start3A_125] : memref<2x8x5632xf32, #tpu.memory_space<vmem>> -> memref<1x8x4224xf32, #tpu.memory_space<vmem>>
          %dma_start3A_127 = tpu.memref_squeeze %dma_start3A_126 : memref<1x8x4224xf32, #tpu.memory_space<vmem>> -> memref<8x4224xf32, #tpu.memory_space<vmem>>
          %dma_start3A_128 = arith.constant 95744 : i32
          %dma_start3A_129 = tpu.memref_slice %arg2[%multiple_of3A, %dma_start3A_128] : memref<1024x100000xf32, #tpu.memory_space<hbm>> -> memref<8x4224xf32, #tpu.memory_space<hbm>>
          tpu.enqueue_dma source(%dma_start3A_129 : memref<8x4224xf32, #tpu.memory_space<hbm>>) target(%dma_start3A_127 : memref<8x4224xf32, #tpu.memory_space<vmem>>) target_semaphore(%arg14 : memref<!tpu.dma_semaphore, #tpu.memory_space<semaphore_mem>>)
        } else {
        }
        %mul3A_107 = arith.constant 5632 : i32
        %mul3A_108 = arith.muli %scan3A_81, %mul3A_107 : i32
        %scan3A_109 = arith.constant 0 : i32
        %scan3A_110 = arith.constant 0 : i32
        %scan3A_111 = arith.constant 8 : i32
        %scan3A_112 = arith.addi %scan3A_110, %scan3A_111 : i32
        %scan3A_113 = arith.constant 1 : i32
        %scan3A_114 = scf.for %scan3A_117 = %scan3A_110 to %scan3A_112 step %scan3A_113 iter_args(%scan3A_118 = %scan3A_109) -> (i32)  : i32 {
          %scan3A_119 = arith.constant 0 : i32
          %scan3A_120 = arith.constant 0 : i32
          %scan3A_121 = arith.constant 16 : i32
          %scan3A_122 = arith.addi %scan3A_120, %scan3A_121 : i32
          %scan3A_123 = arith.constant 1 : i32
          %scan3A_124 = scf.for %scan3A_127 = %scan3A_120 to %scan3A_122 step %scan3A_123 iter_args(%scan3A_128 = %scan3A_119) -> (i32)  : i32 {
            %mul3A_129 = arith.constant 352 : i32
            %mul3A_130 = arith.muli %scan3A_127, %mul3A_129 : i32
            %get3A = arith.index_cast %scan3A_117 : i32 to index
            %get3A_131 = arith.constant 0 : index
            %get3A_132 = tpu.vector_load %arg12[%get3A, %get3A_131] {strides = array<i32>} : memref<8x16xf32, #tpu.memory_space<vmem>>, vector<16xf32>,
            %add3A_133 = arith.addi %mul3A_108, %mul3A_130 : i32
            %add3A_134 = arith.constant 0 : i32
            %add3A_135 = arith.addi %mul3A_130, %add3A_134 : i32
            %get3A_136 = arith.index_cast %rem3A_83 : i32 to index
            %get3A_137 = arith.index_cast %scan3A_117 : i32 to index
            %get3A_138 = arith.index_cast %add3A_135 : i32 to index
            %get3A_139 = tpu.vector_load %arg6[%get3A_136, %get3A_137, %get3A_138] {strides = array<i32>} : memref<2x8x5632xf32, #tpu.memory_space<vmem>>, vector<16xf32>,
            %gt3A = arith.cmpf ogt, %get3A_139, %get3A_132 : vector<16xf32>
            %convert_element_type3A_140 = arith.extui %gt3A : vector<16xi1> to vector<16xi32>
            %broadcast_in_dim3A_141 = arith.constant true
            %broadcast_in_dim3A_142 = vector.broadcast %broadcast_in_dim3A_141 : i1 to vector<16xi1>
            %masked_cumsum3A = tpu.scan <sum>, %convert_element_type3A_140 masked %broadcast_in_dim3A_142 : vector<16xi32>, vector<16xi1> -> vector<16xi32>
            %all_reduce_population_count3A = tpu.all_reduce %gt3A {dim = 0 : i64, kind = #tpu.reduction_kind<sum>} : vector<16xi1> -> vector<16xi32>
            %add3A_143 = arith.constant 16 : i32
            %add3A_144 = arith.addi %mul3A_130, %add3A_143 : i32
            %get3A_145 = arith.index_cast %rem3A_83 : i32 to index
            %get3A_146 = arith.index_cast %scan3A_117 : i32 to index
            %get3A_147 = arith.index_cast %add3A_144 : i32 to index
            %get3A_148 = tpu.vector_load %arg6[%get3A_145, %get3A_146, %get3A_147] {strides = array<i32>} : memref<2x8x5632xf32, #tpu.memory_space<vmem>>, vector<16xf32>,
            %gt3A_149 = arith.cmpf ogt, %get3A_148, %get3A_132 : vector<16xf32>
            %convert_element_type3A_150 = arith.extui %gt3A_149 : vector<16xi1> to vector<16xi32>
            %broadcast_in_dim3A_151 = arith.constant true
            %broadcast_in_dim3A_152 = vector.broadcast %broadcast_in_dim3A_151 : i1 to vector<16xi1>
            %masked_cumsum3A_153 = tpu.scan <sum>, %convert_element_type3A_150 masked %broadcast_in_dim3A_152 : vector<16xi32>, vector<16xi1> -> vector<16xi32>
            %all_reduce_population_count3A_154 = tpu.all_reduce %gt3A_149 {dim = 0 : i64, kind = #tpu.reduction_kind<sum>} : vector<16xi1> -> vector<16xi32>
            %add3A_155 = arith.constant 32 : i32
            %add3A_156 = arith.addi %mul3A_130, %add3A_155 : i32
            %get3A_157 = arith.index_cast %rem3A_83 : i32 to index
            %get3A_158 = arith.index_cast %scan3A_117 : i32 to index
            %get3A_159 = arith.index_cast %add3A_156 : i32 to index
            %get3A_160 = tpu.vector_load %arg6[%get3A_157, %get3A_158, %get3A_159] {strides = array<i32>} : memref<2x8x5632xf32, #tpu.memory_space<vmem>>, vector<16xf32>,
            %gt3A_161 = arith.cmpf ogt, %get3A_160, %get3A_132 : vector<16xf32>
            %convert_element_type3A_162 = arith.extui %gt3A_161 : vector<16xi1> to vector<16xi32>
            %broadcast_in_dim3A_163 = arith.constant true
            %broadcast_in_dim3A_164 = vector.broadcast %broadcast_in_dim3A_163 : i1 to vector<16xi1>
            %masked_cumsum3A_165 = tpu.scan <sum>, %convert_element_type3A_162 masked %broadcast_in_dim3A_164 : vector<16xi32>, vector<16xi1> -> vector<16xi32>
            %all_reduce_population_count3A_166 = tpu.all_reduce %gt3A_161 {dim = 0 : i64, kind = #tpu.reduction_kind<sum>} : vector<16xi1> -> vector<16xi32>
            %add3A_167 = arith.constant 48 : i32
            %add3A_168 = arith.addi %mul3A_130, %add3A_167 : i32
            %get3A_169 = arith.index_cast %rem3A_83 : i32 to index
            %get3A_170 = arith.index_cast %scan3A_117 : i32 to index
            %get3A_171 = arith.index_cast %add3A_168 : i32 to index
            %get3A_172 = tpu.vector_load %arg6[%get3A_169, %get3A_170, %get3A_171] {strides = array<i32>} : memref<2x8x5632xf32, #tpu.memory_space<vmem>>, vector<16xf32>,
            %gt3A_173 = arith.cmpf ogt, %get3A_172, %get3A_132 : vector<16xf32>
            %convert_element_type3A_174 = arith.extui %gt3A_173 : vector<16xi1> to vector<16xi32>
            %broadcast_in_dim3A_175 = arith.constant true
            %broadcast_in_dim3A_176 = vector.broadcast %broadcast_in_dim3A_175 : i1 to vector<16xi1>
            %masked_cumsum3A_177 = tpu.scan <sum>, %convert_element_type3A_174 masked %broadcast_in_dim3A_176 : vector<16xi32>, vector<16xi1> -> vector<16xi32>
            %all_reduce_population_count3A_178 = tpu.all_reduce %gt3A_173 {dim = 0 : i64, kind = #tpu.reduction_kind<sum>} : vector<16xi1> -> vector<16xi32>
            %add3A_179 = arith.constant 64 : i32
            %add3A_180 = arith.addi %mul3A_130, %add3A_179 : i32
            %get3A_181 = arith.index_cast %rem3A_83 : i32 to index
            %get3A_182 = arith.index_cast %scan3A_117 : i32 to index
            %get3A_183 = arith.index_cast %add3A_180 : i32 to index
            %get3A_184 = tpu.vector_load %arg6[%get3A_181, %get3A_182, %get3A_183] {strides = array<i32>} : memref<2x8x5632xf32, #tpu.memory_space<vmem>>, vector<16xf32>,
            %gt3A_185 = arith.cmpf ogt, %get3A_184, %get3A_132 : vector<16xf32>
            %convert_element_type3A_186 = arith.extui %gt3A_185 : vector<16xi1> to vector<16xi32>
            %broadcast_in_dim3A_187 = arith.constant true
            %broadcast_in_dim3A_188 = vector.broadcast %broadcast_in_dim3A_187 : i1 to vector<16xi1>
            %masked_cumsum3A_189 = tpu.scan <sum>, %convert_element_type3A_186 masked %broadcast_in_dim3A_188 : vector<16xi32>, vector<16xi1> -> vector<16xi32>
            %all_reduce_population_count3A_190 = tpu.all_reduce %gt3A_185 {dim = 0 : i64, kind = #tpu.reduction_kind<sum>} : vector<16xi1> -> vector<16xi32>
            %add3A_191 = arith.constant 80 : i32
            %add3A_192 = arith.addi %mul3A_130, %add3A_191 : i32
            %get3A_193 = arith.index_cast %rem3A_83 : i32 to index
            %get3A_194 = arith.index_cast %scan3A_117 : i32 to index
            %get3A_195 = arith.index_cast %add3A_192 : i32 to index
            %get3A_196 = tpu.vector_load %arg6[%get3A_193, %get3A_194, %get3A_195] {strides = array<i32>} : memref<2x8x5632xf32, #tpu.memory_space<vmem>>, vector<16xf32>,
            %gt3A_197 = arith.cmpf ogt, %get3A_196, %get3A_132 : vector<16xf32>
            %convert_element_type3A_198 = arith.extui %gt3A_197 : vector<16xi1> to vector<16xi32>
            %broadcast_in_dim3A_199 = arith.constant true
            %broadcast_in_dim3A_200 = vector.broadcast %broadcast_in_dim3A_199 : i1 to vector<16xi1>
            %masked_cumsum3A_201 = tpu.scan <sum>, %convert_element_type3A_198 masked %broadcast_in_dim3A_200 : vector<16xi32>, vector<16xi1> -> vector<16xi32>
            %all_reduce_population_count3A_202 = tpu.all_reduce %gt3A_197 {dim = 0 : i64, kind = #tpu.reduction_kind<sum>} : vector<16xi1> -> vector<16xi32>
            %add3A_203 = arith.constant 96 : i32
            %add3A_204 = arith.addi %mul3A_130, %add3A_203 : i32
            %get3A_205 = arith.index_cast %rem3A_83 : i32 to index
            %get3A_206 = arith.index_cast %scan3A_117 : i32 to index
            %get3A_207 = arith.index_cast %add3A_204 : i32 to index
            %get3A_208 = tpu.vector_load %arg6[%get3A_205, %get3A_206, %get3A_207] {strides = array<i32>} : memref<2x8x5632xf32, #tpu.memory_space<vmem>>, vector<16xf32>,
            %gt3A_209 = arith.cmpf ogt, %get3A_208, %get3A_132 : vector<16xf32>
            %convert_element_type3A_210 = arith.extui %gt3A_209 : vector<16xi1> to vector<16xi32>
            %broadcast_in_dim3A_211 = arith.constant true
            %broadcast_in_dim3A_212 = vector.broadcast %broadcast_in_dim3A_211 : i1 to vector<16xi1>
            %masked_cumsum3A_213 = tpu.scan <sum>, %convert_element_type3A_210 masked %broadcast_in_dim3A_212 : vector<16xi32>, vector<16xi1> -> vector<16xi32>
            %all_reduce_population_count3A_214 = tpu.all_reduce %gt3A_209 {dim = 0 : i64, kind = #tpu.reduction_kind<sum>} : vector<16xi1> -> vector<16xi32>
            %add3A_215 = arith.constant 112 : i32
            %add3A_216 = arith.addi %mul3A_130, %add3A_215 : i32
            %get3A_217 = arith.index_cast %rem3A_83 : i32 to index
            %get3A_218 = arith.index_cast %scan3A_117 : i32 to index
            %get3A_219 = arith.index_cast %add3A_216 : i32 to index
            %get3A_220 = tpu.vector_load %arg6[%get3A_217, %get3A_218, %get3A_219] {strides = array<i32>} : memref<2x8x5632xf32, #tpu.memory_space<vmem>>, vector<16xf32>,
            %gt3A_221 = arith.cmpf ogt, %get3A_220, %get3A_132 : vector<16xf32>
            %convert_element_type3A_222 = arith.extui %gt3A_221 : vector<16xi1> to vector<16xi32>
            %broadcast_in_dim3A_223 = arith.constant true
            %broadcast_in_dim3A_224 = vector.broadcast %broadcast_in_dim3A_223 : i1 to vector<16xi1>
            %masked_cumsum3A_225 = tpu.scan <sum>, %convert_element_type3A_222 masked %broadcast_in_dim3A_224 : vector<16xi32>, vector<16xi1> -> vector<16xi32>
            %all_reduce_population_count3A_226 = tpu.all_reduce %gt3A_221 {dim = 0 : i64, kind = #tpu.reduction_kind<sum>} : vector<16xi1> -> vector<16xi32>
            %add3A_227 = arith.constant 128 : i32
            %add3A_228 = arith.addi %mul3A_130, %add3A_227 : i32
            %get3A_229 = arith.index_cast %rem3A_83 : i32 to index
            %get3A_230 = arith.index_cast %scan3A_117 : i32 to index
            %get3A_231 = arith.index_cast %add3A_228 : i32 to index
            %get3A_232 = tpu.vector_load %arg6[%get3A_229, %get3A_230, %get3A_231] {strides = array<i32>} : memref<2x8x5632xf32, #tpu.memory_space<vmem>>, vector<16xf32>,
            %gt3A_233 = arith.cmpf ogt, %get3A_232, %get3A_132 : vector<16xf32>
            %convert_element_type3A_234 = arith.extui %gt3A_233 : vector<16xi1> to vector<16xi32>
            %broadcast_in_dim3A_235 = arith.constant true
            %broadcast_in_dim3A_236 = vector.broadcast %broadcast_in_dim3A_235 : i1 to vector<16xi1>
            %masked_cumsum3A_237 = tpu.scan <sum>, %convert_element_type3A_234 masked %broadcast_in_dim3A_236 : vector<16xi32>, vector<16xi1> -> vector<16xi32>
            %all_reduce_population_count3A_238 = tpu.all_reduce %gt3A_233 {dim = 0 : i64, kind = #tpu.reduction_kind<sum>} : vector<16xi1> -> vector<16xi32>
            %add3A_239 = arith.constant 144 : i32
            %add3A_240 = arith.addi %mul3A_130, %add3A_239 : i32
            %get3A_241 = arith.index_cast %rem3A_83 : i32 to index
            %get3A_242 = arith.index_cast %scan3A_117 : i32 to index
            %get3A_243 = arith.index_cast %add3A_240 : i32 to index
            %get3A_244 = tpu.vector_load %arg6[%get3A_241, %get3A_242, %get3A_243] {strides = array<i32>} : memref<2x8x5632xf32, #tpu.memory_space<vmem>>, vector<16xf32>,
            %gt3A_245 = arith.cmpf ogt, %get3A_244, %get3A_132 : vector<16xf32>
            %convert_element_type3A_246 = arith.extui %gt3A_245 : vector<16xi1> to vector<16xi32>
            %broadcast_in_dim3A_247 = arith.constant true
            %broadcast_in_dim3A_248 = vector.broadcast %broadcast_in_dim3A_247 : i1 to vector<16xi1>
            %masked_cumsum3A_249 = tpu.scan <sum>, %convert_element_type3A_246 masked %broadcast_in_dim3A_248 : vector<16xi32>, vector<16xi1> -> vector<16xi32>
            %all_reduce_population_count3A_250 = tpu.all_reduce %gt3A_245 {dim = 0 : i64, kind = #tpu.reduction_kind<sum>} : vector<16xi1> -> vector<16xi32>
            %add3A_251 = arith.constant 160 : i32
            %add3A_252 = arith.addi %mul3A_130, %add3A_251 : i32
            %get3A_253 = arith.index_cast %rem3A_83 : i32 to index
            %get3A_254 = arith.index_cast %scan3A_117 : i32 to index
            %get3A_255 = arith.index_cast %add3A_252 : i32 to index
            %get3A_256 = tpu.vector_load %arg6[%get3A_253, %get3A_254, %get3A_255] {strides = array<i32>} : memref<2x8x5632xf32, #tpu.memory_space<vmem>>, vector<16xf32>,
            %gt3A_257 = arith.cmpf ogt, %get3A_256, %get3A_132 : vector<16xf32>
            %convert_element_type3A_258 = arith.extui %gt3A_257 : vector<16xi1> to vector<16xi32>
            %broadcast_in_dim3A_259 = arith.constant true
            %broadcast_in_dim3A_260 = vector.broadcast %broadcast_in_dim3A_259 : i1 to vector<16xi1>
            %masked_cumsum3A_261 = tpu.scan <sum>, %convert_element_type3A_258 masked %broadcast_in_dim3A_260 : vector<16xi32>, vector<16xi1> -> vector<16xi32>
            %all_reduce_population_count3A_262 = tpu.all_reduce %gt3A_257 {dim = 0 : i64, kind = #tpu.reduction_kind<sum>} : vector<16xi1> -> vector<16xi32>
            %add3A_263 = arith.constant 176 : i32
            %add3A_264 = arith.addi %mul3A_130, %add3A_263 : i32
            %get3A_265 = arith.index_cast %rem3A_83 : i32 to index
            %get3A_266 = arith.index_cast %scan3A_117 : i32 to index
            %get3A_267 = arith.index_cast %add3A_264 : i32 to index
            %get3A_268 = tpu.vector_load %arg6[%get3A_265, %get3A_266, %get3A_267] {strides = array<i32>} : memref<2x8x5632xf32, #tpu.memory_space<vmem>>, vector<16xf32>,
            %gt3A_269 = arith.cmpf ogt, %get3A_268, %get3A_132 : vector<16xf32>
            %convert_element_type3A_270 = arith.extui %gt3A_269 : vector<16xi1> to vector<16xi32>
            %broadcast_in_dim3A_271 = arith.constant true
            %broadcast_in_dim3A_272 = vector.broadcast %broadcast_in_dim3A_271 : i1 to vector<16xi1>
            %masked_cumsum3A_273 = tpu.scan <sum>, %convert_element_type3A_270 masked %broadcast_in_dim3A_272 : vector<16xi32>, vector<16xi1> -> vector<16xi32>
            %all_reduce_population_count3A_274 = tpu.all_reduce %gt3A_269 {dim = 0 : i64, kind = #tpu.reduction_kind<sum>} : vector<16xi1> -> vector<16xi32>
            %add3A_275 = arith.constant 192 : i32
            %add3A_276 = arith.addi %mul3A_130, %add3A_275 : i32
            %get3A_277 = arith.index_cast %rem3A_83 : i32 to index
            %get3A_278 = arith.index_cast %scan3A_117 : i32 to index
            %get3A_279 = arith.index_cast %add3A_276 : i32 to index
            %get3A_280 = tpu.vector_load %arg6[%get3A_277, %get3A_278, %get3A_279] {strides = array<i32>} : memref<2x8x5632xf32, #tpu.memory_space<vmem>>, vector<16xf32>,
            %gt3A_281 = arith.cmpf ogt, %get3A_280, %get3A_132 : vector<16xf32>
            %convert_element_type3A_282 = arith.extui %gt3A_281 : vector<16xi1> to vector<16xi32>
            %broadcast_in_dim3A_283 = arith.constant true
            %broadcast_in_dim3A_284 = vector.broadcast %broadcast_in_dim3A_283 : i1 to vector<16xi1>
            %masked_cumsum3A_285 = tpu.scan <sum>, %convert_element_type3A_282 masked %broadcast_in_dim3A_284 : vector<16xi32>, vector<16xi1> -> vector<16xi32>
            %all_reduce_population_count3A_286 = tpu.all_reduce %gt3A_281 {dim = 0 : i64, kind = #tpu.reduction_kind<sum>} : vector<16xi1> -> vector<16xi32>
            %add3A_287 = arith.constant 208 : i32
            %add3A_288 = arith.addi %mul3A_130, %add3A_287 : i32
            %get3A_289 = arith.index_cast %rem3A_83 : i32 to index
            %get3A_290 = arith.index_cast %scan3A_117 : i32 to index
            %get3A_291 = arith.index_cast %add3A_288 : i32 to index
            %get3A_292 = tpu.vector_load %arg6[%get3A_289, %get3A_290, %get3A_291] {strides = array<i32>} : memref<2x8x5632xf32, #tpu.memory_space<vmem>>, vector<16xf32>,
            %gt3A_293 = arith.cmpf ogt, %get3A_292, %get3A_132 : vector<16xf32>
            %convert_element_type3A_294 = arith.extui %gt3A_293 : vector<16xi1> to vector<16xi32>
            %broadcast_in_dim3A_295 = arith.constant true
            %broadcast_in_dim3A_296 = vector.broadcast %broadcast_in_dim3A_295 : i1 to vector<16xi1>
            %masked_cumsum3A_297 = tpu.scan <sum>, %convert_element_type3A_294 masked %broadcast_in_dim3A_296 : vector<16xi32>, vector<16xi1> -> vector<16xi32>
            %all_reduce_population_count3A_298 = tpu.all_reduce %gt3A_293 {dim = 0 : i64, kind = #tpu.reduction_kind<sum>} : vector<16xi1> -> vector<16xi32>
            %add3A_299 = arith.constant 224 : i32
            %add3A_300 = arith.addi %mul3A_130, %add3A_299 : i32
            %get3A_301 = arith.index_cast %rem3A_83 : i32 to index
            %get3A_302 = arith.index_cast %scan3A_117 : i32 to index
            %get3A_303 = arith.index_cast %add3A_300 : i32 to index
            %get3A_304 = tpu.vector_load %arg6[%get3A_301, %get3A_302, %get3A_303] {strides = array<i32>} : memref<2x8x5632xf32, #tpu.memory_space<vmem>>, vector<16xf32>,
            %gt3A_305 = arith.cmpf ogt, %get3A_304, %get3A_132 : vector<16xf32>
            %convert_element_type3A_306 = arith.extui %gt3A_305 : vector<16xi1> to vector<16xi32>
            %broadcast_in_dim3A_307 = arith.constant true
            %broadcast_in_dim3A_308 = vector.broadcast %broadcast_in_dim3A_307 : i1 to vector<16xi1>
            %masked_cumsum3A_309 = tpu.scan <sum>, %convert_element_type3A_306 masked %broadcast_in_dim3A_308 : vector<16xi32>, vector<16xi1> -> vector<16xi32>
            %all_reduce_population_count3A_310 = tpu.all_reduce %gt3A_305 {dim = 0 : i64, kind = #tpu.reduction_kind<sum>} : vector<16xi1> -> vector<16xi32>
            %add3A_311 = arith.constant 240 : i32
            %add3A_312 = arith.addi %mul3A_130, %add3A_311 : i32
            %get3A_313 = arith.index_cast %rem3A_83 : i32 to index
            %get3A_314 = arith.index_cast %scan3A_117 : i32 to index
            %get3A_315 = arith.index_cast %add3A_312 : i32 to index
            %get3A_316 = tpu.vector_load %arg6[%get3A_313, %get3A_314, %get3A_315] {strides = array<i32>} : memref<2x8x5632xf32, #tpu.memory_space<vmem>>, vector<16xf32>,
            %gt3A_317 = arith.cmpf ogt, %get3A_316, %get3A_132 : vector<16xf32>
            %convert_element_type3A_318 = arith.extui %gt3A_317 : vector<16xi1> to vector<16xi32>
            %broadcast_in_dim3A_319 = arith.constant true
            %broadcast_in_dim3A_320 = vector.broadcast %broadcast_in_dim3A_319 : i1 to vector<16xi1>
            %masked_cumsum3A_321 = tpu.scan <sum>, %convert_element_type3A_318 masked %broadcast_in_dim3A_320 : vector<16xi32>, vector<16xi1> -> vector<16xi32>
            %all_reduce_population_count3A_322 = tpu.all_reduce %gt3A_317 {dim = 0 : i64, kind = #tpu.reduction_kind<sum>} : vector<16xi1> -> vector<16xi32>
            %add3A_323 = arith.constant 256 : i32
            %add3A_324 = arith.addi %mul3A_130, %add3A_323 : i32
            %get3A_325 = arith.index_cast %rem3A_83 : i32 to index
            %get3A_326 = arith.index_cast %scan3A_117 : i32 to index
            %get3A_327 = arith.index_cast %add3A_324 : i32 to index
            %get3A_328 = tpu.vector_load %arg6[%get3A_325, %get3A_326, %get3A_327] {strides = array<i32>} : memref<2x8x5632xf32, #tpu.memory_space<vmem>>, vector<16xf32>,
            %gt3A_329 = arith.cmpf ogt, %get3A_328, %get3A_132 : vector<16xf32>
            %convert_element_type3A_330 = arith.extui %gt3A_329 : vector<16xi1> to vector<16xi32>
            %broadcast_in_dim3A_331 = arith.constant true
            %broadcast_in_dim3A_332 = vector.broadcast %broadcast_in_dim3A_331 : i1 to vector<16xi1>
            %masked_cumsum3A_333 = tpu.scan <sum>, %convert_element_type3A_330 masked %broadcast_in_dim3A_332 : vector<16xi32>, vector<16xi1> -> vector<16xi32>
            %all_reduce_population_count3A_334 = tpu.all_reduce %gt3A_329 {dim = 0 : i64, kind = #tpu.reduction_kind<sum>} : vector<16xi1> -> vector<16xi32>
            %add3A_335 = arith.constant 272 : i32
            %add3A_336 = arith.addi %mul3A_130, %add3A_335 : i32
            %get3A_337 = arith.index_cast %rem3A_83 : i32 to index
            %get3A_338 = arith.index_cast %scan3A_117 : i32 to index
            %get3A_339 = arith.index_cast %add3A_336 : i32 to index
            %get3A_340 = tpu.vector_load %arg6[%get3A_337, %get3A_338, %get3A_339] {strides = array<i32>} : memref<2x8x5632xf32, #tpu.memory_space<vmem>>, vector<16xf32>,
            %gt3A_341 = arith.cmpf ogt, %get3A_340, %get3A_132 : vector<16xf32>
            %convert_element_type3A_342 = arith.extui %gt3A_341 : vector<16xi1> to vector<16xi32>
            %broadcast_in_dim3A_343 = arith.constant true
            %broadcast_in_dim3A_344 = vector.broadcast %broadcast_in_dim3A_343 : i1 to vector<16xi1>
            %masked_cumsum3A_345 = tpu.scan <sum>, %convert_element_type3A_342 masked %broadcast_in_dim3A_344 : vector<16xi32>, vector<16xi1> -> vector<16xi32>
            %all_reduce_population_count3A_346 = tpu.all_reduce %gt3A_341 {dim = 0 : i64, kind = #tpu.reduction_kind<sum>} : vector<16xi1> -> vector<16xi32>
            %add3A_347 = arith.constant 288 : i32
            %add3A_348 = arith.addi %mul3A_130, %add3A_347 : i32
            %get3A_349 = arith.index_cast %rem3A_83 : i32 to index
            %get3A_350 = arith.index_cast %scan3A_117 : i32 to index
            %get3A_351 = arith.index_cast %add3A_348 : i32 to index
            %get3A_352 = tpu.vector_load %arg6[%get3A_349, %get3A_350, %get3A_351] {strides = array<i32>} : memref<2x8x5632xf32, #tpu.memory_space<vmem>>, vector<16xf32>,
            %gt3A_353 = arith.cmpf ogt, %get3A_352, %get3A_132 : vector<16xf32>
            %convert_element_type3A_354 = arith.extui %gt3A_353 : vector<16xi1> to vector<16xi32>
            %broadcast_in_dim3A_355 = arith.constant true
            %broadcast_in_dim3A_356 = vector.broadcast %broadcast_in_dim3A_355 : i1 to vector<16xi1>
            %masked_cumsum3A_357 = tpu.scan <sum>, %convert_element_type3A_354 masked %broadcast_in_dim3A_356 : vector<16xi32>, vector<16xi1> -> vector<16xi32>
            %all_reduce_population_count3A_358 = tpu.all_reduce %gt3A_353 {dim = 0 : i64, kind = #tpu.reduction_kind<sum>} : vector<16xi1> -> vector<16xi32>
            %add3A_359 = arith.constant 304 : i32
            %add3A_360 = arith.addi %mul3A_130, %add3A_359 : i32
            %get3A_361 = arith.index_cast %rem3A_83 : i32 to index
            %get3A_362 = arith.index_cast %scan3A_117 : i32 to index
            %get3A_363 = arith.index_cast %add3A_360 : i32 to index
            %get3A_364 = tpu.vector_load %arg6[%get3A_361, %get3A_362, %get3A_363] {strides = array<i32>} : memref<2x8x5632xf32, #tpu.memory_space<vmem>>, vector<16xf32>,
            %gt3A_365 = arith.cmpf ogt, %get3A_364, %get3A_132 : vector<16xf32>
            %convert_element_type3A_366 = arith.extui %gt3A_365 : vector<16xi1> to vector<16xi32>
            %broadcast_in_dim3A_367 = arith.constant true
            %broadcast_in_dim3A_368 = vector.broadcast %broadcast_in_dim3A_367 : i1 to vector<16xi1>
            %masked_cumsum3A_369 = tpu.scan <sum>, %convert_element_type3A_366 masked %broadcast_in_dim3A_368 : vector<16xi32>, vector<16xi1> -> vector<16xi32>
            %all_reduce_population_count3A_370 = tpu.all_reduce %gt3A_365 {dim = 0 : i64, kind = #tpu.reduction_kind<sum>} : vector<16xi1> -> vector<16xi32>
            %add3A_371 = arith.constant 320 : i32
            %add3A_372 = arith.addi %mul3A_130, %add3A_371 : i32
            %get3A_373 = arith.index_cast %rem3A_83 : i32 to index
            %get3A_374 = arith.index_cast %scan3A_117 : i32 to index
            %get3A_375 = arith.index_cast %add3A_372 : i32 to index
            %get3A_376 = tpu.vector_load %arg6[%get3A_373, %get3A_374, %get3A_375] {strides = array<i32>} : memref<2x8x5632xf32, #tpu.memory_space<vmem>>, vector<16xf32>,
            %gt3A_377 = arith.cmpf ogt, %get3A_376, %get3A_132 : vector<16xf32>
            %convert_element_type3A_378 = arith.extui %gt3A_377 : vector<16xi1> to vector<16xi32>
            %broadcast_in_dim3A_379 = arith.constant true
            %broadcast_in_dim3A_380 = vector.broadcast %broadcast_in_dim3A_379 : i1 to vector<16xi1>
            %masked_cumsum3A_381 = tpu.scan <sum>, %convert_element_type3A_378 masked %broadcast_in_dim3A_380 : vector<16xi32>, vector<16xi1> -> vector<16xi32>
            %all_reduce_population_count3A_382 = tpu.all_reduce %gt3A_377 {dim = 0 : i64, kind = #tpu.reduction_kind<sum>} : vector<16xi1> -> vector<16xi32>
            %add3A_383 = arith.constant 336 : i32
            %add3A_384 = arith.addi %mul3A_130, %add3A_383 : i32
            %get3A_385 = arith.index_cast %rem3A_83 : i32 to index
            %get3A_386 = arith.index_cast %scan3A_117 : i32 to index
            %get3A_387 = arith.index_cast %add3A_384 : i32 to index
            %get3A_388 = tpu.vector_load %arg6[%get3A_385, %get3A_386, %get3A_387] {strides = array<i32>} : memref<2x8x5632xf32, #tpu.memory_space<vmem>>, vector<16xf32>,
            %gt3A_389 = arith.cmpf ogt, %get3A_388, %get3A_132 : vector<16xf32>
            %convert_element_type3A_390 = arith.extui %gt3A_389 : vector<16xi1> to vector<16xi32>
            %broadcast_in_dim3A_391 = arith.constant true
            %broadcast_in_dim3A_392 = vector.broadcast %broadcast_in_dim3A_391 : i1 to vector<16xi1>
            %masked_cumsum3A_393 = tpu.scan <sum>, %convert_element_type3A_390 masked %broadcast_in_dim3A_392 : vector<16xi32>, vector<16xi1> -> vector<16xi32>
            %all_reduce_population_count3A_394 = tpu.all_reduce %gt3A_389 {dim = 0 : i64, kind = #tpu.reduction_kind<sum>} : vector<16xi1> -> vector<16xi32>
            %mul3A_395 = arith.constant 1024 : i32
            %mul3A_396 = arith.muli %scan3A_117, %mul3A_395 : i32
            %get3A_397 = arith.index_cast %scan3A_117 : i32 to index
            %get3A_398 = memref.load %arg13[%get3A_397] : memref<8xi32, #tpu.memory_space<smem>>
            %add3A_399 = arith.addi %mul3A_396, %get3A_398 : i32
            %sub3A = arith.constant 1 : i32
            %sub3A_400 = arith.subi %add3A_399, %sub3A : i32
            %broadcast_in_dim3A_401 = vector.broadcast %sub3A_400 : i32 to vector<16xi32>
            %add3A_402 = arith.addi %broadcast_in_dim3A_401, %all_reduce_population_count3A : vector<16xi32>
            %add3A_403 = arith.addi %add3A_402, %all_reduce_population_count3A_154 : vector<16xi32>
            %add3A_404 = arith.addi %add3A_403, %all_reduce_population_count3A_166 : vector<16xi32>
            %add3A_405 = arith.addi %add3A_404, %all_reduce_population_count3A_178 : vector<16xi32>
            %add3A_406 = arith.addi %add3A_405, %all_reduce_population_count3A_190 : vector<16xi32>
            %add3A_407 = arith.addi %add3A_406, %all_reduce_population_count3A_202 : vector<16xi32>
            %add3A_408 = arith.addi %add3A_407, %all_reduce_population_count3A_214 : vector<16xi32>
            %add3A_409 = arith.addi %add3A_408, %all_reduce_population_count3A_226 : vector<16xi32>
            %add3A_410 = arith.addi %add3A_409, %all_reduce_population_count3A_238 : vector<16xi32>
            %add3A_411 = arith.addi %add3A_410, %all_reduce_population_count3A_250 : vector<16xi32>
            %add3A_412 = arith.addi %add3A_411, %all_reduce_population_count3A_262 : vector<16xi32>
            %add3A_413 = arith.addi %add3A_412, %all_reduce_population_count3A_274 : vector<16xi32>
            %add3A_414 = arith.addi %add3A_413, %all_reduce_population_count3A_286 : vector<16xi32>
            %add3A_415 = arith.addi %add3A_414, %all_reduce_population_count3A_298 : vector<16xi32>
            %add3A_416 = arith.addi %add3A_415, %all_reduce_population_count3A_310 : vector<16xi32>
            %add3A_417 = arith.addi %add3A_416, %all_reduce_population_count3A_322 : vector<16xi32>
            %add3A_418 = arith.addi %add3A_417, %all_reduce_population_count3A_334 : vector<16xi32>
            %add3A_419 = arith.addi %add3A_418, %all_reduce_population_count3A_346 : vector<16xi32>
            %add3A_420 = arith.addi %add3A_419, %all_reduce_population_count3A_358 : vector<16xi32>
            %add3A_421 = arith.addi %add3A_420, %all_reduce_population_count3A_370 : vector<16xi32>
            %add3A_422 = arith.addi %add3A_421, %all_reduce_population_count3A_382 : vector<16xi32>
            %add3A_423 = arith.addi %add3A_422, %all_reduce_population_count3A_394 : vector<16xi32>
            %add3A_424 = arith.addi %broadcast_in_dim3A_401, %masked_cumsum3A : vector<16xi32>
            tpu.vector_store_idx %arg8[%add3A_424], %get3A_139 masked %gt3A : memref<8192xf32, #tpu.memory_space<vmem>>[vector<16xi32>], vector<16xf32>, vector<16xi1>
            %add3A_425 = arith.constant 0 : i32
            %add3A_426 = arith.addi %add3A_133, %add3A_425 : i32
            %add3A_427 = vector.broadcast %add3A_426 : i32 to vector<16xi32>
            %add3A_428 = arith.addi %add3A_427, %iota3A : vector<16xi32>
            tpu.vector_store_idx %arg9[%add3A_424], %add3A_428 masked %gt3A : memref<8192xi32, #tpu.memory_space<vmem>>[vector<16xi32>], vector<16xi32>, vector<16xi1>
            %add3A_429 = arith.addi %add3A_402, %masked_cumsum3A_153 : vector<16xi32>
            tpu.vector_store_idx %arg8[%add3A_429], %get3A_148 masked %gt3A_149 : memref<8192xf32, #tpu.memory_space<vmem>>[vector<16xi32>], vector<16xf32>, vector<16xi1>
            %add3A_430 = arith.constant 16 : i32
            %add3A_431 = arith.addi %add3A_133, %add3A_430 : i32
            %add3A_432 = vector.broadcast %add3A_431 : i32 to vector<16xi32>
            %add3A_433 = arith.addi %add3A_432, %iota3A : vector<16xi32>
            tpu.vector_store_idx %arg9[%add3A_429], %add3A_433 masked %gt3A_149 : memref<8192xi32, #tpu.memory_space<vmem>>[vector<16xi32>], vector<16xi32>, vector<16xi1>
            %add3A_434 = arith.addi %add3A_403, %masked_cumsum3A_165 : vector<16xi32>
            tpu.vector_store_idx %arg8[%add3A_434], %get3A_160 masked %gt3A_161 : memref<8192xf32, #tpu.memory_space<vmem>>[vector<16xi32>], vector<16xf32>, vector<16xi1>
            %add3A_435 = arith.constant 32 : i32
            %add3A_436 = arith.addi %add3A_133, %add3A_435 : i32
            %add3A_437 = vector.broadcast %add3A_436 : i32 to vector<16xi32>
            %add3A_438 = arith.addi %add3A_437, %iota3A : vector<16xi32>
            tpu.vector_store_idx %arg9[%add3A_434], %add3A_438 masked %gt3A_161 : memref<8192xi32, #tpu.memory_space<vmem>>[vector<16xi32>], vector<16xi32>, vector<16xi1>
            %add3A_439 = arith.addi %add3A_404, %masked_cumsum3A_177 : vector<16xi32>
            tpu.vector_store_idx %arg8[%add3A_439], %get3A_172 masked %gt3A_173 : memref<8192xf32, #tpu.memory_space<vmem>>[vector<16xi32>], vector<16xf32>, vector<16xi1>
            %add3A_440 = arith.constant 48 : i32
            %add3A_441 = arith.addi %add3A_133, %add3A_440 : i32
            %add3A_442 = vector.broadcast %add3A_441 : i32 to vector<16xi32>
            %add3A_443 = arith.addi %add3A_442, %iota3A : vector<16xi32>
            tpu.vector_store_idx %arg9[%add3A_439], %add3A_443 masked %gt3A_173 : memref<8192xi32, #tpu.memory_space<vmem>>[vector<16xi32>], vector<16xi32>, vector<16xi1>
            %add3A_444 = arith.addi %add3A_405, %masked_cumsum3A_189 : vector<16xi32>
            tpu.vector_store_idx %arg8[%add3A_444], %get3A_184 masked %gt3A_185 : memref<8192xf32, #tpu.memory_space<vmem>>[vector<16xi32>], vector<16xf32>, vector<16xi1>
            %add3A_445 = arith.constant 64 : i32
            %add3A_446 = arith.addi %add3A_133, %add3A_445 : i32
            %add3A_447 = vector.broadcast %add3A_446 : i32 to vector<16xi32>
            %add3A_448 = arith.addi %add3A_447, %iota3A : vector<16xi32>
            tpu.vector_store_idx %arg9[%add3A_444], %add3A_448 masked %gt3A_185 : memref<8192xi32, #tpu.memory_space<vmem>>[vector<16xi32>], vector<16xi32>, vector<16xi1>
            %add3A_449 = arith.addi %add3A_406, %masked_cumsum3A_201 : vector<16xi32>
            tpu.vector_store_idx %arg8[%add3A_449], %get3A_196 masked %gt3A_197 : memref<8192xf32, #tpu.memory_space<vmem>>[vector<16xi32>], vector<16xf32>, vector<16xi1>
            %add3A_450 = arith.constant 80 : i32
            %add3A_451 = arith.addi %add3A_133, %add3A_450 : i32
            %add3A_452 = vector.broadcast %add3A_451 : i32 to vector<16xi32>
            %add3A_453 = arith.addi %add3A_452, %iota3A : vector<16xi32>
            tpu.vector_store_idx %arg9[%add3A_449], %add3A_453 masked %gt3A_197 : memref<8192xi32, #tpu.memory_space<vmem>>[vector<16xi32>], vector<16xi32>, vector<16xi1>
            %add3A_454 = arith.addi %add3A_407, %masked_cumsum3A_213 : vector<16xi32>
            tpu.vector_store_idx %arg8[%add3A_454], %get3A_208 masked %gt3A_209 : memref<8192xf32, #tpu.memory_space<vmem>>[vector<16xi32>], vector<16xf32>, vector<16xi1>
            %add3A_455 = arith.constant 96 : i32
            %add3A_456 = arith.addi %add3A_133, %add3A_455 : i32
            %add3A_457 = vector.broadcast %add3A_456 : i32 to vector<16xi32>
            %add3A_458 = arith.addi %add3A_457, %iota3A : vector<16xi32>
            tpu.vector_store_idx %arg9[%add3A_454], %add3A_458 masked %gt3A_209 : memref<8192xi32, #tpu.memory_space<vmem>>[vector<16xi32>], vector<16xi32>, vector<16xi1>
            %add3A_459 = arith.addi %add3A_408, %masked_cumsum3A_225 : vector<16xi32>
            tpu.vector_store_idx %arg8[%add3A_459], %get3A_220 masked %gt3A_221 : memref<8192xf32, #tpu.memory_space<vmem>>[vector<16xi32>], vector<16xf32>, vector<16xi1>
            %add3A_460 = arith.constant 112 : i32
            %add3A_461 = arith.addi %add3A_133, %add3A_460 : i32
            %add3A_462 = vector.broadcast %add3A_461 : i32 to vector<16xi32>
            %add3A_463 = arith.addi %add3A_462, %iota3A : vector<16xi32>
            tpu.vector_store_idx %arg9[%add3A_459], %add3A_463 masked %gt3A_221 : memref<8192xi32, #tpu.memory_space<vmem>>[vector<16xi32>], vector<16xi32>, vector<16xi1>
            %add3A_464 = arith.addi %add3A_409, %masked_cumsum3A_237 : vector<16xi32>
            tpu.vector_store_idx %arg8[%add3A_464], %get3A_232 masked %gt3A_233 : memref<8192xf32, #tpu.memory_space<vmem>>[vector<16xi32>], vector<16xf32>, vector<16xi1>
            %add3A_465 = arith.constant 128 : i32
            %add3A_466 = arith.addi %add3A_133, %add3A_465 : i32
            %add3A_467 = vector.broadcast %add3A_466 : i32 to vector<16xi32>
            %add3A_468 = arith.addi %add3A_467, %iota3A : vector<16xi32>
            tpu.vector_store_idx %arg9[%add3A_464], %add3A_468 masked %gt3A_233 : memref<8192xi32, #tpu.memory_space<vmem>>[vector<16xi32>], vector<16xi32>, vector<16xi1>
            %add3A_469 = arith.addi %add3A_410, %masked_cumsum3A_249 : vector<16xi32>
            tpu.vector_store_idx %arg8[%add3A_469], %get3A_244 masked %gt3A_245 : memref<8192xf32, #tpu.memory_space<vmem>>[vector<16xi32>], vector<16xf32>, vector<16xi1>
            %add3A_470 = arith.constant 144 : i32
            %add3A_471 = arith.addi %add3A_133, %add3A_470 : i32
            %add3A_472 = vector.broadcast %add3A_471 : i32 to vector<16xi32>
            %add3A_473 = arith.addi %add3A_472, %iota3A : vector<16xi32>
            tpu.vector_store_idx %arg9[%add3A_469], %add3A_473 masked %gt3A_245 : memref<8192xi32, #tpu.memory_space<vmem>>[vector<16xi32>], vector<16xi32>, vector<16xi1>
            %add3A_474 = arith.addi %add3A_411, %masked_cumsum3A_261 : vector<16xi32>
            tpu.vector_store_idx %arg8[%add3A_474], %get3A_256 masked %gt3A_257 : memref<8192xf32, #tpu.memory_space<vmem>>[vector<16xi32>], vector<16xf32>, vector<16xi1>
            %add3A_475 = arith.constant 160 : i32
            %add3A_476 = arith.addi %add3A_133, %add3A_475 : i32
            %add3A_477 = vector.broadcast %add3A_476 : i32 to vector<16xi32>
            %add3A_478 = arith.addi %add3A_477, %iota3A : vector<16xi32>
            tpu.vector_store_idx %arg9[%add3A_474], %add3A_478 masked %gt3A_257 : memref<8192xi32, #tpu.memory_space<vmem>>[vector<16xi32>], vector<16xi32>, vector<16xi1>
            %add3A_479 = arith.addi %add3A_412, %masked_cumsum3A_273 : vector<16xi32>
            tpu.vector_store_idx %arg8[%add3A_479], %get3A_268 masked %gt3A_269 : memref<8192xf32, #tpu.memory_space<vmem>>[vector<16xi32>], vector<16xf32>, vector<16xi1>
            %add3A_480 = arith.constant 176 : i32
            %add3A_481 = arith.addi %add3A_133, %add3A_480 : i32
            %add3A_482 = vector.broadcast %add3A_481 : i32 to vector<16xi32>
            %add3A_483 = arith.addi %add3A_482, %iota3A : vector<16xi32>
            tpu.vector_store_idx %arg9[%add3A_479], %add3A_483 masked %gt3A_269 : memref<8192xi32, #tpu.memory_space<vmem>>[vector<16xi32>], vector<16xi32>, vector<16xi1>
            %add3A_484 = arith.addi %add3A_413, %masked_cumsum3A_285 : vector<16xi32>
            tpu.vector_store_idx %arg8[%add3A_484], %get3A_280 masked %gt3A_281 : memref<8192xf32, #tpu.memory_space<vmem>>[vector<16xi32>], vector<16xf32>, vector<16xi1>
            %add3A_485 = arith.constant 192 : i32
            %add3A_486 = arith.addi %add3A_133, %add3A_485 : i32
            %add3A_487 = vector.broadcast %add3A_486 : i32 to vector<16xi32>
            %add3A_488 = arith.addi %add3A_487, %iota3A : vector<16xi32>
            tpu.vector_store_idx %arg9[%add3A_484], %add3A_488 masked %gt3A_281 : memref<8192xi32, #tpu.memory_space<vmem>>[vector<16xi32>], vector<16xi32>, vector<16xi1>
            %add3A_489 = arith.addi %add3A_414, %masked_cumsum3A_297 : vector<16xi32>
            tpu.vector_store_idx %arg8[%add3A_489], %get3A_292 masked %gt3A_293 : memref<8192xf32, #tpu.memory_space<vmem>>[vector<16xi32>], vector<16xf32>, vector<16xi1>
            %add3A_490 = arith.constant 208 : i32
            %add3A_491 = arith.addi %add3A_133, %add3A_490 : i32
            %add3A_492 = vector.broadcast %add3A_491 : i32 to vector<16xi32>
            %add3A_493 = arith.addi %add3A_492, %iota3A : vector<16xi32>
            tpu.vector_store_idx %arg9[%add3A_489], %add3A_493 masked %gt3A_293 : memref<8192xi32, #tpu.memory_space<vmem>>[vector<16xi32>], vector<16xi32>, vector<16xi1>
            %add3A_494 = arith.addi %add3A_415, %masked_cumsum3A_309 : vector<16xi32>
            tpu.vector_store_idx %arg8[%add3A_494], %get3A_304 masked %gt3A_305 : memref<8192xf32, #tpu.memory_space<vmem>>[vector<16xi32>], vector<16xf32>, vector<16xi1>
            %add3A_495 = arith.constant 224 : i32
            %add3A_496 = arith.addi %add3A_133, %add3A_495 : i32
            %add3A_497 = vector.broadcast %add3A_496 : i32 to vector<16xi32>
            %add3A_498 = arith.addi %add3A_497, %iota3A : vector<16xi32>
            tpu.vector_store_idx %arg9[%add3A_494], %add3A_498 masked %gt3A_305 : memref<8192xi32, #tpu.memory_space<vmem>>[vector<16xi32>], vector<16xi32>, vector<16xi1>
            %add3A_499 = arith.addi %add3A_416, %masked_cumsum3A_321 : vector<16xi32>
            tpu.vector_store_idx %arg8[%add3A_499], %get3A_316 masked %gt3A_317 : memref<8192xf32, #tpu.memory_space<vmem>>[vector<16xi32>], vector<16xf32>, vector<16xi1>
            %add3A_500 = arith.constant 240 : i32
            %add3A_501 = arith.addi %add3A_133, %add3A_500 : i32
            %add3A_502 = vector.broadcast %add3A_501 : i32 to vector<16xi32>
            %add3A_503 = arith.addi %add3A_502, %iota3A : vector<16xi32>
            tpu.vector_store_idx %arg9[%add3A_499], %add3A_503 masked %gt3A_317 : memref<8192xi32, #tpu.memory_space<vmem>>[vector<16xi32>], vector<16xi32>, vector<16xi1>
            %add3A_504 = arith.addi %add3A_417, %masked_cumsum3A_333 : vector<16xi32>
            tpu.vector_store_idx %arg8[%add3A_504], %get3A_328 masked %gt3A_329 : memref<8192xf32, #tpu.memory_space<vmem>>[vector<16xi32>], vector<16xf32>, vector<16xi1>
            %add3A_505 = arith.constant 256 : i32
            %add3A_506 = arith.addi %add3A_133, %add3A_505 : i32
            %add3A_507 = vector.broadcast %add3A_506 : i32 to vector<16xi32>
            %add3A_508 = arith.addi %add3A_507, %iota3A : vector<16xi32>
            tpu.vector_store_idx %arg9[%add3A_504], %add3A_508 masked %gt3A_329 : memref<8192xi32, #tpu.memory_space<vmem>>[vector<16xi32>], vector<16xi32>, vector<16xi1>
            %add3A_509 = arith.addi %add3A_418, %masked_cumsum3A_345 : vector<16xi32>
            tpu.vector_store_idx %arg8[%add3A_509], %get3A_340 masked %gt3A_341 : memref<8192xf32, #tpu.memory_space<vmem>>[vector<16xi32>], vector<16xf32>, vector<16xi1>
            %add3A_510 = arith.constant 272 : i32
            %add3A_511 = arith.addi %add3A_133, %add3A_510 : i32
            %add3A_512 = vector.broadcast %add3A_511 : i32 to vector<16xi32>
            %add3A_513 = arith.addi %add3A_512, %iota3A : vector<16xi32>
            tpu.vector_store_idx %arg9[%add3A_509], %add3A_513 masked %gt3A_341 : memref<8192xi32, #tpu.memory_space<vmem>>[vector<16xi32>], vector<16xi32>, vector<16xi1>
            %add3A_514 = arith.addi %add3A_419, %masked_cumsum3A_357 : vector<16xi32>
            tpu.vector_store_idx %arg8[%add3A_514], %get3A_352 masked %gt3A_353 : memref<8192xf32, #tpu.memory_space<vmem>>[vector<16xi32>], vector<16xf32>, vector<16xi1>
            %add3A_515 = arith.constant 288 : i32
            %add3A_516 = arith.addi %add3A_133, %add3A_515 : i32
            %add3A_517 = vector.broadcast %add3A_516 : i32 to vector<16xi32>
            %add3A_518 = arith.addi %add3A_517, %iota3A : vector<16xi32>
            tpu.vector_store_idx %arg9[%add3A_514], %add3A_518 masked %gt3A_353 : memref<8192xi32, #tpu.memory_space<vmem>>[vector<16xi32>], vector<16xi32>, vector<16xi1>
            %add3A_519 = arith.addi %add3A_420, %masked_cumsum3A_369 : vector<16xi32>
            tpu.vector_store_idx %arg8[%add3A_519], %get3A_364 masked %gt3A_365 : memref<8192xf32, #tpu.memory_space<vmem>>[vector<16xi32>], vector<16xf32>, vector<16xi1>
            %add3A_520 = arith.constant 304 : i32
            %add3A_521 = arith.addi %add3A_133, %add3A_520 : i32
            %add3A_522 = vector.broadcast %add3A_521 : i32 to vector<16xi32>
            %add3A_523 = arith.addi %add3A_522, %iota3A : vector<16xi32>
            tpu.vector_store_idx %arg9[%add3A_519], %add3A_523 masked %gt3A_365 : memref<8192xi32, #tpu.memory_space<vmem>>[vector<16xi32>], vector<16xi32>, vector<16xi1>
            %add3A_524 = arith.addi %add3A_421, %masked_cumsum3A_381 : vector<16xi32>
            tpu.vector_store_idx %arg8[%add3A_524], %get3A_376 masked %gt3A_377 : memref<8192xf32, #tpu.memory_space<vmem>>[vector<16xi32>], vector<16xf32>, vector<16xi1>
            %add3A_525 = arith.constant 320 : i32
            %add3A_526 = arith.addi %add3A_133, %add3A_525 : i32
            %add3A_527 = vector.broadcast %add3A_526 : i32 to vector<16xi32>
            %add3A_528 = arith.addi %add3A_527, %iota3A : vector<16xi32>
            tpu.vector_store_idx %arg9[%add3A_524], %add3A_528 masked %gt3A_377 : memref<8192xi32, #tpu.memory_space<vmem>>[vector<16xi32>], vector<16xi32>, vector<16xi1>
            %add3A_529 = arith.addi %add3A_422, %masked_cumsum3A_393 : vector<16xi32>
            tpu.vector_store_idx %arg8[%add3A_529], %get3A_388 masked %gt3A_389 : memref<8192xf32, #tpu.memory_space<vmem>>[vector<16xi32>], vector<16xf32>, vector<16xi1>
            %add3A_530 = arith.constant 336 : i32
            %add3A_531 = arith.addi %add3A_133, %add3A_530 : i32
            %add3A_532 = vector.broadcast %add3A_531 : i32 to vector<16xi32>
            %add3A_533 = arith.addi %add3A_532, %iota3A : vector<16xi32>
            tpu.vector_store_idx %arg9[%add3A_529], %add3A_533 masked %gt3A_389 : memref<8192xi32, #tpu.memory_space<vmem>>[vector<16xi32>], vector<16xi32>, vector<16xi1>
            %reduce_max3A = arith.constant true
            %reduce_max3A_534 = vector.broadcast %reduce_max3A : i1 to vector<16xi1>
            %reduce_max3A_535 = arith.constant -2147483648 : i32
            %reduce_max3A_536 = vector.broadcast %reduce_max3A_535 : i32 to vector<16xi32>
            %reduce_max3A_537 = arith.xori %add3A_423, %reduce_max3A_536 : vector<16xi32>
            %reduce_max3A_538 = tpu.scan <max>, %reduce_max3A_537 masked %reduce_max3A_534 : vector<16xi32>, vector<16xi1> -> vector<16xi32>
            %reduce_max3A_539 = arith.xori %reduce_max3A_538, %reduce_max3A_536 : vector<16xi32>
            %reduce_max3A_540 = vector.extract %reduce_max3A_539[15] : i32 from vector<16xi32>
            %add3A_541 = arith.constant 1 : i32
            %add3A_542 = arith.addi %reduce_max3A_540, %add3A_541 : i32
            %mul3A_543 = arith.constant 1024 : i32
            %mul3A_544 = arith.muli %scan3A_117, %mul3A_543 : i32
            %sub3A_545 = arith.subi %add3A_542, %mul3A_544 : i32
            %swap3A = arith.index_cast %scan3A_117 : i32 to index
            %swap3A_546 = memref.load %arg13[%swap3A] : memref<8xi32, #tpu.memory_space<smem>>
            memref.store %sub3A_545, %arg13[%swap3A] : memref<8xi32, #tpu.memory_space<smem>>
            %get3A_547 = arith.index_cast %scan3A_117 : i32 to index
            %get3A_548 = memref.load %arg13[%get3A_547] : memref<8xi32, #tpu.memory_space<smem>>
            %gt3A_549 = arith.constant 656 : i32
            %gt3A_550 = arith.cmpi sgt, %get3A_548, %gt3A_549 : i32
            %convert_element_type3A_551 = arith.extui %gt3A_550 : i1 to i32
            %cond3A_552 = arith.constant 0 : i32
            %cond3A_553 = arith.cmpi ne, %convert_element_type3A_551, %cond3A_552 : i32
            scf.if %cond3A_553 {
              %mul3A_555 = arith.constant 1024 : i32
              %mul3A_556 = arith.muli %scan3A_117, %mul3A_555 : i32
              %mul3A_557 = arith.constant 1024 : i32
              %mul3A_558 = arith.muli %scan3A_117, %mul3A_557 : i32
              %get3A_559 = arith.index_cast %scan3A_117 : i32 to index
              %get3A_560 = memref.load %arg13[%get3A_559] : memref<8xi32, #tpu.memory_space<smem>>
              %add3A_561 = arith.addi %mul3A_558, %get3A_560 : i32
              %swap3A_562 = arith.index_cast %add3A_561 : i32 to index
              %swap3A_563 = tpu.vector_load %arg8[%swap3A_562] {strides = array<i32>} : memref<8192xf32, #tpu.memory_space<vmem>>, vector<16xf32>,
              tpu.vector_store %arg8[%swap3A_562], %broadcast_in_dim3A_3 {strides = array<i32>} : memref<8192xf32, #tpu.memory_space<vmem>>, vector<16xf32>,
              %jit3A = arith.constant 16 : i32
              %div3A = arith.divsi %get3A_560, %jit3A : i32
              %sign3A = arith.constant 0 : i32
              %sign3A_564 = arith.cmpi sgt, %get3A_560, %sign3A : i32
              %sign3A_565 = arith.extui %sign3A_564 : i1 to i32
              %sign3A_566 = arith.constant 0 : i32
              %sign3A_567 = arith.cmpi slt, %get3A_560, %sign3A_566 : i32
              %sign3A_568 = arith.extui %sign3A_567 : i1 to i32
              %sign3A_569 = arith.subi %sign3A_565, %sign3A_568 : i32
              %sign3A_570 = arith.constant 0 : i32
              %sign3A_571 = arith.cmpi sgt, %jit3A, %sign3A_570 : i32
              %sign3A_572 = arith.extui %sign3A_571 : i1 to i32
              %sign3A_573 = arith.constant 0 : i32
              %sign3A_574 = arith.cmpi slt, %jit3A, %sign3A_573 : i32
              %sign3A_575 = arith.extui %sign3A_574 : i1 to i32
              %sign3A_576 = arith.subi %sign3A_572, %sign3A_575 : i32
              %ne3A = arith.cmpi ne, %sign3A_569, %sign3A_576 : i32
              %rem3A_577 = arith.remsi %get3A_560, %jit3A : i32
              %ne3A_578 = arith.constant 0 : i32
              %ne3A_579 = arith.cmpi ne, %rem3A_577, %ne3A_578 : i32
              %and3A = arith.andi %ne3A, %ne3A_579 : i1
              %sub3A_580 = arith.constant 1 : i32
              %sub3A_581 = arith.subi %div3A, %sub3A_580 : i32
              %select_n3A = arith.select %and3A, %sub3A_581, %div3A : i32
              %add3A_582 = arith.constant 1 : i32
              %add3A_583 = arith.addi %select_n3A, %add3A_582 : i32
              %get3A_584 = arith.index_cast %mul3A_558 : i32 to index
              %get3A_585 = tpu.vector_load %arg8[%get3A_584] {strides = array<i32>} : memref<8192xf32, #tpu.memory_space<vmem>>, vector<16xf32>,
              %masked_sort3A = arith.constant dense<true> : vector<16xi1>
              %masked_sort3A_586, %masked_sort3A_587, %masked_sort3A_588 = tpu.sort %get3A_585, %iota3A masked %masked_sort3A {descending = true} : (vector<16xf32>, vector<16xi32>, vector<16xi1>) -> (vector<16xi1>, vector<16xf32>, vector<16xi32>)
              %while3A = arith.constant 1 : i32
              %while3A_589 = arith.subi %add3A_583, %while3A : i32
              %while3A_590 = arith.addi %while3A, %while3A_589 : i32
              %while3A_591 = arith.constant 1 : i32
              %while3A_592 = arith.divsi %while3A_589, %while3A_591 : i32
              %while3A_593 = arith.muli %while3A_592, %while3A_591 : i32
              %while3A_594 = arith.addi %while3A, %while3A_593 : i32
              %while3A_595 = arith.constant 1 : i32
              %while3A_596:2 = scf.for %while3A_651 = %while3A to %while3A_594 step %while3A_595 iter_args(%while3A_652 = %masked_sort3A_587, %while3A_653 = %masked_sort3A_588) -> (vector<16xf32>, vector<16xi32>)  : i32 {
                %mul3A_654 = arith.constant 16 : i32
                %mul3A_655 = arith.muli %while3A_651, %mul3A_654 : i32
                %add3A_656 = arith.addi %mul3A_558, %mul3A_655 : i32
                %get3A_657 = arith.index_cast %add3A_656 : i32 to index
                %get3A_658 = tpu.vector_load %arg8[%get3A_657] {strides = array<i32>} : memref<8192xf32, #tpu.memory_space<vmem>>, vector<16xf32>,
                %mul3A_659 = arith.constant 16 : i32
                %mul3A_660 = arith.muli %while3A_651, %mul3A_659 : i32
                %add3A_661 = vector.broadcast %mul3A_660 : i32 to vector<16xi32>
                %add3A_662 = arith.addi %iota3A, %add3A_661 : vector<16xi32>
                %masked_sort3A_663 = arith.constant dense<true> : vector<16xi1>
                %masked_sort3A_664, %masked_sort3A_665, %masked_sort3A_666 = tpu.sort %get3A_658, %add3A_662 masked %masked_sort3A_663 {descending = true} : (vector<16xf32>, vector<16xi32>, vector<16xi1>) -> (vector<16xi1>, vector<16xf32>, vector<16xi32>)
                %rev3A = arith.constant 15 : i32
                %rev3A_667 = vector.broadcast %rev3A : i32 to vector<16xi32>
                %rev3A_668 = tpu.iota {dimensions = array<i32: 0>} : vector<16xi32>
                %rev3A_669 = arith.subi %rev3A_667, %rev3A_668 : vector<16xi32>
                %rev3A_670 = tpu.dynamic_gather %masked_sort3A_665[%rev3A_669] in [0] : vector<16xf32>, vector<16xi32> -> vector<16xf32>
                %rev3A_671 = arith.constant 15 : i32
                %rev3A_672 = vector.broadcast %rev3A_671 : i32 to vector<16xi32>
                %rev3A_673 = tpu.iota {dimensions = array<i32: 0>} : vector<16xi32>
                %rev3A_674 = arith.subi %rev3A_672, %rev3A_673 : vector<16xi32>
                %rev3A_675 = tpu.dynamic_gather %masked_sort3A_666[%rev3A_674] in [0] : vector<16xi32>, vector<16xi32> -> vector<16xi32>
                %ge3A = arith.cmpf oge, %while3A_652, %rev3A_670 : vector<16xf32>
                %select_n3A_676 = arith.select %ge3A, %while3A_652, %rev3A_670 : vector<16xi1>, vector<16xf32>
                %select_n3A_677 = arith.select %ge3A, %while3A_653, %rev3A_675 : vector<16xi1>, vector<16xi32>
                %masked_sort3A_678 = arith.constant dense<true> : vector<16xi1>
                %masked_sort3A_679, %masked_sort3A_680, %masked_sort3A_681 = tpu.sort %select_n3A_676, %select_n3A_677 masked %masked_sort3A_678 {descending = true} : (vector<16xf32>, vector<16xi32>, vector<16xi1>) -> (vector<16xi1>, vector<16xf32>, vector<16xi32>)
                scf.yield %masked_sort3A_680, %masked_sort3A_681 : vector<16xf32>, vector<16xi32>
              }
              %while3A_597 = arith.constant 1 : i32
              %while3A_598:2 = scf.for %while3A_651 = %while3A_594 to %while3A_590 step %while3A_597 iter_args(%while3A_652 = %while3A_596#0, %while3A_653 = %while3A_596#1) -> (vector<16xf32>, vector<16xi32>)  : i32 {
                %mul3A_654 = arith.constant 16 : i32
                %mul3A_655 = arith.muli %while3A_651, %mul3A_654 : i32
                %add3A_656 = arith.addi %mul3A_558, %mul3A_655 : i32
                %get3A_657 = arith.index_cast %add3A_656 : i32 to index
                %get3A_658 = tpu.vector_load %arg8[%get3A_657] {strides = array<i32>} : memref<8192xf32, #tpu.memory_space<vmem>>, vector<16xf32>,
                %mul3A_659 = arith.constant 16 : i32
                %mul3A_660 = arith.muli %while3A_651, %mul3A_659 : i32
                %add3A_661 = vector.broadcast %mul3A_660 : i32 to vector<16xi32>
                %add3A_662 = arith.addi %iota3A, %add3A_661 : vector<16xi32>
                %masked_sort3A_663 = arith.constant dense<true> : vector<16xi1>
                %masked_sort3A_664, %masked_sort3A_665, %masked_sort3A_666 = tpu.sort %get3A_658, %add3A_662 masked %masked_sort3A_663 {descending = true} : (vector<16xf32>, vector<16xi32>, vector<16xi1>) -> (vector<16xi1>, vector<16xf32>, vector<16xi32>)
                %rev3A = arith.constant 15 : i32
                %rev3A_667 = vector.broadcast %rev3A : i32 to vector<16xi32>
                %rev3A_668 = tpu.iota {dimensions = array<i32: 0>} : vector<16xi32>
                %rev3A_669 = arith.subi %rev3A_667, %rev3A_668 : vector<16xi32>
                %rev3A_670 = tpu.dynamic_gather %masked_sort3A_665[%rev3A_669] in [0] : vector<16xf32>, vector<16xi32> -> vector<16xf32>
                %rev3A_671 = arith.constant 15 : i32
                %rev3A_672 = vector.broadcast %rev3A_671 : i32 to vector<16xi32>
                %rev3A_673 = tpu.iota {dimensions = array<i32: 0>} : vector<16xi32>
                %rev3A_674 = arith.subi %rev3A_672, %rev3A_673 : vector<16xi32>
                %rev3A_675 = tpu.dynamic_gather %masked_sort3A_666[%rev3A_674] in [0] : vector<16xi32>, vector<16xi32> -> vector<16xi32>
                %ge3A = arith.cmpf oge, %while3A_652, %rev3A_670 : vector<16xf32>
                %select_n3A_676 = arith.select %ge3A, %while3A_652, %rev3A_670 : vector<16xi1>, vector<16xf32>
                %select_n3A_677 = arith.select %ge3A, %while3A_653, %rev3A_675 : vector<16xi1>, vector<16xi32>
                %masked_sort3A_678 = arith.constant dense<true> : vector<16xi1>
                %masked_sort3A_679, %masked_sort3A_680, %masked_sort3A_681 = tpu.sort %select_n3A_676, %select_n3A_677 masked %masked_sort3A_678 {descending = true} : (vector<16xf32>, vector<16xi32>, vector<16xi1>) -> (vector<16xi1>, vector<16xf32>, vector<16xi32>)
                scf.yield %masked_sort3A_680, %masked_sort3A_681 : vector<16xf32>, vector<16xi32>
              }
              %add3A_599 = vector.broadcast %mul3A_558 : i32 to vector<16xi32>
              %add3A_600 = arith.addi %add3A_599, %while3A_598#1 : vector<16xi32>
              %gather3A = tpu.vector_load_idx %arg8[%add3A_600] : memref<8192xf32, #tpu.memory_space<vmem>>[vector<16xi32>], vector<16xf32>,
              %add3A_601 = vector.broadcast %mul3A_558 : i32 to vector<16xi32>
              %add3A_602 = arith.addi %add3A_601, %while3A_598#1 : vector<16xi32>
              tpu.vector_store_idx %arg8[%add3A_602], %broadcast_in_dim3A_3 : memref<8192xf32, #tpu.memory_space<vmem>>[vector<16xi32>], vector<16xf32>,
              %get3A_603 = arith.index_cast %mul3A_558 : i32 to index
              %get3A_604 = tpu.vector_load %arg8[%get3A_603] {strides = array<i32>} : memref<8192xf32, #tpu.memory_space<vmem>>, vector<16xf32>,
              %masked_sort3A_605 = arith.constant dense<true> : vector<16xi1>
              %masked_sort3A_606, %masked_sort3A_607, %masked_sort3A_608 = tpu.sort %get3A_604, %iota3A masked %masked_sort3A_605 {descending = true} : (vector<16xf32>, vector<16xi32>, vector<16xi1>) -> (vector<16xi1>, vector<16xf32>, vector<16xi32>)
              %while3A_609 = arith.constant 1 : i32
              %while3A_610 = arith.subi %add3A_583, %while3A_609 : i32
              %while3A_611 = arith.addi %while3A_609, %while3A_610 : i32
              %while3A_612 = arith.constant 1 : i32
              %while3A_613 = arith.divsi %while3A_610, %while3A_612 : i32
              %while3A_614 = arith.muli %while3A_613, %while3A_612 : i32
              %while3A_615 = arith.addi %while3A_609, %while3A_614 : i32
              %while3A_616 = arith.constant 1 : i32
              %while3A_617:2 = scf.for %while3A_651 = %while3A_609 to %while3A_615 step %while3A_616 iter_args(%while3A_652 = %masked_sort3A_607, %while3A_653 = %masked_sort3A_608) -> (vector<16xf32>, vector<16xi32>)  : i32 {
                %mul3A_654 = arith.constant 16 : i32
                %mul3A_655 = arith.muli %while3A_651, %mul3A_654 : i32
                %add3A_656 = arith.addi %mul3A_558, %mul3A_655 : i32
                %get3A_657 = arith.index_cast %add3A_656 : i32 to index
                %get3A_658 = tpu.vector_load %arg8[%get3A_657] {strides = array<i32>} : memref<8192xf32, #tpu.memory_space<vmem>>, vector<16xf32>,
                %mul3A_659 = arith.constant 16 : i32
                %mul3A_660 = arith.muli %while3A_651, %mul3A_659 : i32
                %add3A_661 = vector.broadcast %mul3A_660 : i32 to vector<16xi32>
                %add3A_662 = arith.addi %iota3A, %add3A_661 : vector<16xi32>
                %masked_sort3A_663 = arith.constant dense<true> : vector<16xi1>
                %masked_sort3A_664, %masked_sort3A_665, %masked_sort3A_666 = tpu.sort %get3A_658, %add3A_662 masked %masked_sort3A_663 {descending = true} : (vector<16xf32>, vector<16xi32>, vector<16xi1>) -> (vector<16xi1>, vector<16xf32>, vector<16xi32>)
                %rev3A = arith.constant 15 : i32
                %rev3A_667 = vector.broadcast %rev3A : i32 to vector<16xi32>
                %rev3A_668 = tpu.iota {dimensions = array<i32: 0>} : vector<16xi32>
                %rev3A_669 = arith.subi %rev3A_667, %rev3A_668 : vector<16xi32>
                %rev3A_670 = tpu.dynamic_gather %masked_sort3A_665[%rev3A_669] in [0] : vector<16xf32>, vector<16xi32> -> vector<16xf32>
                %rev3A_671 = arith.constant 15 : i32
                %rev3A_672 = vector.broadcast %rev3A_671 : i32 to vector<16xi32>
                %rev3A_673 = tpu.iota {dimensions = array<i32: 0>} : vector<16xi32>
                %rev3A_674 = arith.subi %rev3A_672, %rev3A_673 : vector<16xi32>
                %rev3A_675 = tpu.dynamic_gather %masked_sort3A_666[%rev3A_674] in [0] : vector<16xi32>, vector<16xi32> -> vector<16xi32>
                %ge3A = arith.cmpf oge, %while3A_652, %rev3A_670 : vector<16xf32>
                %select_n3A_676 = arith.select %ge3A, %while3A_652, %rev3A_670 : vector<16xi1>, vector<16xf32>
                %select_n3A_677 = arith.select %ge3A, %while3A_653, %rev3A_675 : vector<16xi1>, vector<16xi32>
                %masked_sort3A_678 = arith.constant dense<true> : vector<16xi1>
                %masked_sort3A_679, %masked_sort3A_680, %masked_sort3A_681 = tpu.sort %select_n3A_676, %select_n3A_677 masked %masked_sort3A_678 {descending = true} : (vector<16xf32>, vector<16xi32>, vector<16xi1>) -> (vector<16xi1>, vector<16xf32>, vector<16xi32>)
                scf.yield %masked_sort3A_680, %masked_sort3A_681 : vector<16xf32>, vector<16xi32>
              }
              %while3A_618 = arith.constant 1 : i32
              %while3A_619:2 = scf.for %while3A_651 = %while3A_615 to %while3A_611 step %while3A_618 iter_args(%while3A_652 = %while3A_617#0, %while3A_653 = %while3A_617#1) -> (vector<16xf32>, vector<16xi32>)  : i32 {
                %mul3A_654 = arith.constant 16 : i32
                %mul3A_655 = arith.muli %while3A_651, %mul3A_654 : i32
                %add3A_656 = arith.addi %mul3A_558, %mul3A_655 : i32
                %get3A_657 = arith.index_cast %add3A_656 : i32 to index
                %get3A_658 = tpu.vector_load %arg8[%get3A_657] {strides = array<i32>} : memref<8192xf32, #tpu.memory_space<vmem>>, vector<16xf32>,
                %mul3A_659 = arith.constant 16 : i32
                %mul3A_660 = arith.muli %while3A_651, %mul3A_659 : i32
                %add3A_661 = vector.broadcast %mul3A_660 : i32 to vector<16xi32>
                %add3A_662 = arith.addi %iota3A, %add3A_661 : vector<16xi32>
                %masked_sort3A_663 = arith.constant dense<true> : vector<16xi1>
                %masked_sort3A_664, %masked_sort3A_665, %masked_sort3A_666 = tpu.sort %get3A_658, %add3A_662 masked %masked_sort3A_663 {descending = true} : (vector<16xf32>, vector<16xi32>, vector<16xi1>) -> (vector<16xi1>, vector<16xf32>, vector<16xi32>)
                %rev3A = arith.constant 15 : i32
                %rev3A_667 = vector.broadcast %rev3A : i32 to vector<16xi32>
                %rev3A_668 = tpu.iota {dimensions = array<i32: 0>} : vector<16xi32>
                %rev3A_669 = arith.subi %rev3A_667, %rev3A_668 : vector<16xi32>
                %rev3A_670 = tpu.dynamic_gather %masked_sort3A_665[%rev3A_669] in [0] : vector<16xf32>, vector<16xi32> -> vector<16xf32>
                %rev3A_671 = arith.constant 15 : i32
                %rev3A_672 = vector.broadcast %rev3A_671 : i32 to vector<16xi32>
                %rev3A_673 = tpu.iota {dimensions = array<i32: 0>} : vector<16xi32>
                %rev3A_674 = arith.subi %rev3A_672, %rev3A_673 : vector<16xi32>
                %rev3A_675 = tpu.dynamic_gather %masked_sort3A_666[%rev3A_674] in [0] : vector<16xi32>, vector<16xi32> -> vector<16xi32>
                %ge3A = arith.cmpf oge, %while3A_652, %rev3A_670 : vector<16xf32>
                %select_n3A_676 = arith.select %ge3A, %while3A_652, %rev3A_670 : vector<16xi1>, vector<16xf32>
                %select_n3A_677 = arith.select %ge3A, %while3A_653, %rev3A_675 : vector<16xi1>, vector<16xi32>
                %masked_sort3A_678 = arith.constant dense<true> : vector<16xi1>
                %masked_sort3A_679, %masked_sort3A_680, %masked_sort3A_681 = tpu.sort %select_n3A_676, %select_n3A_677 masked %masked_sort3A_678 {descending = true} : (vector<16xf32>, vector<16xi32>, vector<16xi1>) -> (vector<16xi1>, vector<16xf32>, vector<16xi32>)
                scf.yield %masked_sort3A_680, %masked_sort3A_681 : vector<16xf32>, vector<16xi32>
              }
              %add3A_620 = vector.broadcast %mul3A_558 : i32 to vector<16xi32>
              %add3A_621 = arith.addi %add3A_620, %while3A_598#1 : vector<16xi32>
              tpu.vector_store_idx %arg8[%add3A_621], %gather3A : memref<8192xf32, #tpu.memory_space<vmem>>[vector<16xi32>], vector<16xf32>,
              %add3A_622 = vector.broadcast %mul3A_558 : i32 to vector<16xi32>
              %add3A_623 = arith.addi %add3A_622, %while3A_598#1 : vector<16xi32>
              %gather3A_624 = tpu.vector_load_idx %arg9[%add3A_623] : memref<8192xi32, #tpu.memory_space<vmem>>[vector<16xi32>], vector<16xi32>,
              %add3A_625 = vector.broadcast %mul3A_558 : i32 to vector<16xi32>
              %add3A_626 = arith.addi %add3A_625, %while3A_619#1 : vector<16xi32>
              %gather3A_627 = tpu.vector_load_idx %arg9[%add3A_626] : memref<8192xi32, #tpu.memory_space<vmem>>[vector<16xi32>], vector<16xi32>,
              %swap3A_628 = arith.index_cast %mul3A_556 : i32 to index
              %swap3A_629 = tpu.vector_load %arg8[%swap3A_628] {strides = array<i32>} : memref<8192xf32, #tpu.memory_space<vmem>>, vector<16xf32>,
              tpu.vector_store %arg8[%swap3A_628], %while3A_598#0 {strides = array<i32>} : memref<8192xf32, #tpu.memory_space<vmem>>, vector<16xf32>,
              %add3A_630 = arith.constant 16 : i32
              %add3A_631 = arith.addi %mul3A_556, %add3A_630 : i32
              %swap3A_632 = arith.index_cast %add3A_631 : i32 to index
              %swap3A_633 = tpu.vector_load %arg8[%swap3A_632] {strides = array<i32>} : memref<8192xf32, #tpu.memory_space<vmem>>, vector<16xf32>,
              tpu.vector_store %arg8[%swap3A_632], %while3A_619#0 {strides = array<i32>} : memref<8192xf32, #tpu.memory_space<vmem>>, vector<16xf32>,
              %swap3A_634 = arith.index_cast %mul3A_556 : i32 to index
              %swap3A_635 = tpu.vector_load %arg9[%swap3A_634] {strides = array<i32>} : memref<8192xi32, #tpu.memory_space<vmem>>, vector<16xi32>,
              tpu.vector_store %arg9[%swap3A_634], %gather3A_624 {strides = array<i32>} : memref<8192xi32, #tpu.memory_space<vmem>>, vector<16xi32>,
              %add3A_636 = arith.constant 16 : i32
              %add3A_637 = arith.addi %mul3A_556, %add3A_636 : i32
              %swap3A_638 = arith.index_cast %add3A_637 : i32 to index
              %swap3A_639 = tpu.vector_load %arg9[%swap3A_638] {strides = array<i32>} : memref<8192xi32, #tpu.memory_space<vmem>>, vector<16xi32>,
              tpu.vector_store %arg9[%swap3A_638], %gather3A_627 {strides = array<i32>} : memref<8192xi32, #tpu.memory_space<vmem>>, vector<16xi32>,
              %swap3A_640 = arith.constant 32 : i32
              %swap3A_641 = arith.index_cast %scan3A_117 : i32 to index
              %swap3A_642 = memref.load %arg13[%swap3A_641] : memref<8xi32, #tpu.memory_space<smem>>
              memref.store %swap3A_640, %arg13[%swap3A_641] : memref<8xi32, #tpu.memory_space<smem>>
              %broadcast_in_dim3A_643 = arith.constant 31 : i32
              %broadcast_in_dim3A_644 = vector.broadcast %broadcast_in_dim3A_643 : i32 to vector<16xi32>
              %add3A_645 = vector.broadcast %mul3A_556 : i32 to vector<16xi32>
              %add3A_646 = arith.addi %broadcast_in_dim3A_644, %add3A_645 : vector<16xi32>
              %gather3A_647 = tpu.vector_load_idx %arg8[%add3A_646] : memref<8192xf32, #tpu.memory_space<vmem>>[vector<16xi32>], vector<16xf32>,
              %swap3A_648 = arith.index_cast %scan3A_117 : i32 to index
              %swap3A_649 = arith.constant 0 : index
              %swap3A_650 = tpu.vector_load %arg12[%swap3A_648, %swap3A_649] {strides = array<i32>} : memref<8x16xf32, #tpu.memory_space<vmem>>, vector<16xf32>,
              tpu.vector_store %arg12[%swap3A_648, %swap3A_649], %gather3A_647 {strides = array<i32>} : memref<8x16xf32, #tpu.memory_space<vmem>>, vector<16xf32>,
            } else {
            }
            %scan3A_554 = arith.constant 0 : i32
            scf.yield %scan3A_554 : i32
          }
          %scan3A_125 = arith.constant 16 : i32
          %scan3A_126 = arith.constant 0 : i32
          scf.yield %scan3A_126 : i32
        }
        %scan3A_115 = arith.constant 8 : i32
        %scan3A_116 = arith.constant 0 : i32
        scf.yield %scan3A_116 : i32
      }
      %scan3A_46 = arith.constant 17 : i32
      %dma_wait3A = arith.constant 1 : i32
      %dma_wait3A_47 = arith.constant 0 : i32
      %dma_wait3A_48 = arith.constant 0 : i32
      %dma_wait3A_49 = tpu.memref_slice %arg6[%dma_wait3A, %dma_wait3A_47, %dma_wait3A_48] : memref<2x8x5632xf32, #tpu.memory_space<vmem>> -> memref<1x8x4224xf32, #tpu.memory_space<vmem>>
      %dma_wait3A_50 = tpu.memref_squeeze %dma_wait3A_49 : memref<1x8x4224xf32, #tpu.memory_space<vmem>> -> memref<8x4224xf32, #tpu.memory_space<vmem>>
      %dma_wait3A_51 = arith.constant 95744 : i32
      %dma_wait3A_52 = tpu.memref_slice %arg2[%multiple_of3A, %dma_wait3A_51] : memref<1024x100000xf32, #tpu.memory_space<hbm>> -> memref<8x4224xf32, #tpu.memory_space<hbm>>
      %dma_wait3A_53 = arith.constant 0 : i32
      %dma_wait3A_54 = arith.constant 0 : i32
      %dma_wait3A_55 = tpu.memref_slice %arg6[%dma_wait3A, %dma_wait3A_53, %dma_wait3A_54] : memref<2x8x5632xf32, #tpu.memory_space<vmem>> -> memref<1x8x4224xf32, #tpu.memory_space<vmem>>
      %dma_wait3A_56 = tpu.memref_squeeze %dma_wait3A_55 : memref<1x8x4224xf32, #tpu.memory_space<vmem>> -> memref<8x4224xf32, #tpu.memory_space<vmem>>
      %dma_wait3A_57 = arith.constant 95744 : i32
      %dma_wait3A_58 = tpu.memref_slice %arg2[%multiple_of3A, %dma_wait3A_57] : memref<1024x100000xf32, #tpu.memory_space<hbm>> -> memref<8x4224xf32, #tpu.memory_space<hbm>>
      tpu.wait_dma2 semaphore(%arg14 : memref<!tpu.dma_semaphore, #tpu.memory_space<semaphore_mem>>) src(%dma_wait3A_58 : memref<8x4224xf32, #tpu.memory_space<hbm>>) dst(%dma_wait3A_56 : memref<8x4224xf32, #tpu.memory_space<vmem>>)
      %scan3A_59 = arith.constant 0 : i32
      %scan3A_60 = arith.constant 0 : i32
      %scan3A_61 = arith.constant 8 : i32
      %scan3A_62 = arith.addi %scan3A_60, %scan3A_61 : i32
      %scan3A_63 = arith.constant 1 : i32
      %scan3A_64 = scf.for %scan3A_81 = %scan3A_60 to %scan3A_62 step %scan3A_63 iter_args(%scan3A_82 = %scan3A_59) -> (i32)  : i32 {
        %scan3A_83 = arith.constant 0 : i32
        %scan3A_84 = arith.constant 0 : i32
        %scan3A_85 = arith.constant 12 : i32
        %scan3A_86 = arith.addi %scan3A_84, %scan3A_85 : i32
        %scan3A_87 = arith.constant 1 : i32
        %scan3A_88 = scf.for %scan3A_91 = %scan3A_84 to %scan3A_86 step %scan3A_87 iter_args(%scan3A_92 = %scan3A_83) -> (i32)  : i32 {
          %mul3A_93 = arith.constant 352 : i32
          %mul3A_94 = arith.muli %scan3A_91, %mul3A_93 : i32
          %get3A = arith.index_cast %scan3A_81 : i32 to index
          %get3A_95 = arith.constant 0 : index
          %get3A_96 = tpu.vector_load %arg12[%get3A, %get3A_95] {strides = array<i32>} : memref<8x16xf32, #tpu.memory_space<vmem>>, vector<16xf32>,
          %add3A_97 = arith.constant 95744 : i32
          %add3A_98 = arith.addi %add3A_97, %mul3A_94 : i32
          %add3A_99 = arith.constant 0 : i32
          %add3A_100 = arith.addi %mul3A_94, %add3A_99 : i32
          %get3A_101 = arith.constant 1 : i32
          %get3A_102 = arith.index_cast %get3A_101 : i32 to index
          %get3A_103 = arith.index_cast %scan3A_81 : i32 to index
          %get3A_104 = arith.index_cast %add3A_100 : i32 to index
          %get3A_105 = tpu.vector_load %arg6[%get3A_102, %get3A_103, %get3A_104] {strides = array<i32>} : memref<2x8x5632xf32, #tpu.memory_space<vmem>>, vector<16xf32>,
          %gt3A = arith.cmpf ogt, %get3A_105, %get3A_96 : vector<16xf32>
          %convert_element_type3A = arith.extui %gt3A : vector<16xi1> to vector<16xi32>
          %broadcast_in_dim3A_106 = arith.constant true
          %broadcast_in_dim3A_107 = vector.broadcast %broadcast_in_dim3A_106 : i1 to vector<16xi1>
          %masked_cumsum3A = tpu.scan <sum>, %convert_element_type3A masked %broadcast_in_dim3A_107 : vector<16xi32>, vector<16xi1> -> vector<16xi32>
          %all_reduce_population_count3A = tpu.all_reduce %gt3A {dim = 0 : i64, kind = #tpu.reduction_kind<sum>} : vector<16xi1> -> vector<16xi32>
          %add3A_108 = arith.constant 16 : i32
          %add3A_109 = arith.addi %mul3A_94, %add3A_108 : i32
          %get3A_110 = arith.constant 1 : i32
          %get3A_111 = arith.index_cast %get3A_110 : i32 to index
          %get3A_112 = arith.index_cast %scan3A_81 : i32 to index
          %get3A_113 = arith.index_cast %add3A_109 : i32 to index
          %get3A_114 = tpu.vector_load %arg6[%get3A_111, %get3A_112, %get3A_113] {strides = array<i32>} : memref<2x8x5632xf32, #tpu.memory_space<vmem>>, vector<16xf32>,
          %gt3A_115 = arith.cmpf ogt, %get3A_114, %get3A_96 : vector<16xf32>
          %convert_element_type3A_116 = arith.extui %gt3A_115 : vector<16xi1> to vector<16xi32>
          %broadcast_in_dim3A_117 = arith.constant true
          %broadcast_in_dim3A_118 = vector.broadcast %broadcast_in_dim3A_117 : i1 to vector<16xi1>
          %masked_cumsum3A_119 = tpu.scan <sum>, %convert_element_type3A_116 masked %broadcast_in_dim3A_118 : vector<16xi32>, vector<16xi1> -> vector<16xi32>
          %all_reduce_population_count3A_120 = tpu.all_reduce %gt3A_115 {dim = 0 : i64, kind = #tpu.reduction_kind<sum>} : vector<16xi1> -> vector<16xi32>
          %add3A_121 = arith.constant 32 : i32
          %add3A_122 = arith.addi %mul3A_94, %add3A_121 : i32
          %get3A_123 = arith.constant 1 : i32
          %get3A_124 = arith.index_cast %get3A_123 : i32 to index
          %get3A_125 = arith.index_cast %scan3A_81 : i32 to index
          %get3A_126 = arith.index_cast %add3A_122 : i32 to index
          %get3A_127 = tpu.vector_load %arg6[%get3A_124, %get3A_125, %get3A_126] {strides = array<i32>} : memref<2x8x5632xf32, #tpu.memory_space<vmem>>, vector<16xf32>,
          %gt3A_128 = arith.cmpf ogt, %get3A_127, %get3A_96 : vector<16xf32>
          %convert_element_type3A_129 = arith.extui %gt3A_128 : vector<16xi1> to vector<16xi32>
          %broadcast_in_dim3A_130 = arith.constant true
          %broadcast_in_dim3A_131 = vector.broadcast %broadcast_in_dim3A_130 : i1 to vector<16xi1>
          %masked_cumsum3A_132 = tpu.scan <sum>, %convert_element_type3A_129 masked %broadcast_in_dim3A_131 : vector<16xi32>, vector<16xi1> -> vector<16xi32>
          %all_reduce_population_count3A_133 = tpu.all_reduce %gt3A_128 {dim = 0 : i64, kind = #tpu.reduction_kind<sum>} : vector<16xi1> -> vector<16xi32>
          %add3A_134 = arith.constant 48 : i32
          %add3A_135 = arith.addi %mul3A_94, %add3A_134 : i32
          %get3A_136 = arith.constant 1 : i32
          %get3A_137 = arith.index_cast %get3A_136 : i32 to index
          %get3A_138 = arith.index_cast %scan3A_81 : i32 to index
          %get3A_139 = arith.index_cast %add3A_135 : i32 to index
          %get3A_140 = tpu.vector_load %arg6[%get3A_137, %get3A_138, %get3A_139] {strides = array<i32>} : memref<2x8x5632xf32, #tpu.memory_space<vmem>>, vector<16xf32>,
          %gt3A_141 = arith.cmpf ogt, %get3A_140, %get3A_96 : vector<16xf32>
          %convert_element_type3A_142 = arith.extui %gt3A_141 : vector<16xi1> to vector<16xi32>
          %broadcast_in_dim3A_143 = arith.constant true
          %broadcast_in_dim3A_144 = vector.broadcast %broadcast_in_dim3A_143 : i1 to vector<16xi1>
          %masked_cumsum3A_145 = tpu.scan <sum>, %convert_element_type3A_142 masked %broadcast_in_dim3A_144 : vector<16xi32>, vector<16xi1> -> vector<16xi32>
          %all_reduce_population_count3A_146 = tpu.all_reduce %gt3A_141 {dim = 0 : i64, kind = #tpu.reduction_kind<sum>} : vector<16xi1> -> vector<16xi32>
          %add3A_147 = arith.constant 64 : i32
          %add3A_148 = arith.addi %mul3A_94, %add3A_147 : i32
          %get3A_149 = arith.constant 1 : i32
          %get3A_150 = arith.index_cast %get3A_149 : i32 to index
          %get3A_151 = arith.index_cast %scan3A_81 : i32 to index
          %get3A_152 = arith.index_cast %add3A_148 : i32 to index
          %get3A_153 = tpu.vector_load %arg6[%get3A_150, %get3A_151, %get3A_152] {strides = array<i32>} : memref<2x8x5632xf32, #tpu.memory_space<vmem>>, vector<16xf32>,
          %gt3A_154 = arith.cmpf ogt, %get3A_153, %get3A_96 : vector<16xf32>
          %convert_element_type3A_155 = arith.extui %gt3A_154 : vector<16xi1> to vector<16xi32>
          %broadcast_in_dim3A_156 = arith.constant true
          %broadcast_in_dim3A_157 = vector.broadcast %broadcast_in_dim3A_156 : i1 to vector<16xi1>
          %masked_cumsum3A_158 = tpu.scan <sum>, %convert_element_type3A_155 masked %broadcast_in_dim3A_157 : vector<16xi32>, vector<16xi1> -> vector<16xi32>
          %all_reduce_population_count3A_159 = tpu.all_reduce %gt3A_154 {dim = 0 : i64, kind = #tpu.reduction_kind<sum>} : vector<16xi1> -> vector<16xi32>
          %add3A_160 = arith.constant 80 : i32
          %add3A_161 = arith.addi %mul3A_94, %add3A_160 : i32
          %get3A_162 = arith.constant 1 : i32
          %get3A_163 = arith.index_cast %get3A_162 : i32 to index
          %get3A_164 = arith.index_cast %scan3A_81 : i32 to index
          %get3A_165 = arith.index_cast %add3A_161 : i32 to index
          %get3A_166 = tpu.vector_load %arg6[%get3A_163, %get3A_164, %get3A_165] {strides = array<i32>} : memref<2x8x5632xf32, #tpu.memory_space<vmem>>, vector<16xf32>,
          %gt3A_167 = arith.cmpf ogt, %get3A_166, %get3A_96 : vector<16xf32>
          %convert_element_type3A_168 = arith.extui %gt3A_167 : vector<16xi1> to vector<16xi32>
          %broadcast_in_dim3A_169 = arith.constant true
          %broadcast_in_dim3A_170 = vector.broadcast %broadcast_in_dim3A_169 : i1 to vector<16xi1>
          %masked_cumsum3A_171 = tpu.scan <sum>, %convert_element_type3A_168 masked %broadcast_in_dim3A_170 : vector<16xi32>, vector<16xi1> -> vector<16xi32>
          %all_reduce_population_count3A_172 = tpu.all_reduce %gt3A_167 {dim = 0 : i64, kind = #tpu.reduction_kind<sum>} : vector<16xi1> -> vector<16xi32>
          %add3A_173 = arith.constant 96 : i32
          %add3A_174 = arith.addi %mul3A_94, %add3A_173 : i32
          %get3A_175 = arith.constant 1 : i32
          %get3A_176 = arith.index_cast %get3A_175 : i32 to index
          %get3A_177 = arith.index_cast %scan3A_81 : i32 to index
          %get3A_178 = arith.index_cast %add3A_174 : i32 to index
          %get3A_179 = tpu.vector_load %arg6[%get3A_176, %get3A_177, %get3A_178] {strides = array<i32>} : memref<2x8x5632xf32, #tpu.memory_space<vmem>>, vector<16xf32>,
          %gt3A_180 = arith.cmpf ogt, %get3A_179, %get3A_96 : vector<16xf32>
          %convert_element_type3A_181 = arith.extui %gt3A_180 : vector<16xi1> to vector<16xi32>
          %broadcast_in_dim3A_182 = arith.constant true
          %broadcast_in_dim3A_183 = vector.broadcast %broadcast_in_dim3A_182 : i1 to vector<16xi1>
          %masked_cumsum3A_184 = tpu.scan <sum>, %convert_element_type3A_181 masked %broadcast_in_dim3A_183 : vector<16xi32>, vector<16xi1> -> vector<16xi32>
          %all_reduce_population_count3A_185 = tpu.all_reduce %gt3A_180 {dim = 0 : i64, kind = #tpu.reduction_kind<sum>} : vector<16xi1> -> vector<16xi32>
          %add3A_186 = arith.constant 112 : i32
          %add3A_187 = arith.addi %mul3A_94, %add3A_186 : i32
          %get3A_188 = arith.constant 1 : i32
          %get3A_189 = arith.index_cast %get3A_188 : i32 to index
          %get3A_190 = arith.index_cast %scan3A_81 : i32 to index
          %get3A_191 = arith.index_cast %add3A_187 : i32 to index
          %get3A_192 = tpu.vector_load %arg6[%get3A_189, %get3A_190, %get3A_191] {strides = array<i32>} : memref<2x8x5632xf32, #tpu.memory_space<vmem>>, vector<16xf32>,
          %gt3A_193 = arith.cmpf ogt, %get3A_192, %get3A_96 : vector<16xf32>
          %convert_element_type3A_194 = arith.extui %gt3A_193 : vector<16xi1> to vector<16xi32>
          %broadcast_in_dim3A_195 = arith.constant true
          %broadcast_in_dim3A_196 = vector.broadcast %broadcast_in_dim3A_195 : i1 to vector<16xi1>
          %masked_cumsum3A_197 = tpu.scan <sum>, %convert_element_type3A_194 masked %broadcast_in_dim3A_196 : vector<16xi32>, vector<16xi1> -> vector<16xi32>
          %all_reduce_population_count3A_198 = tpu.all_reduce %gt3A_193 {dim = 0 : i64, kind = #tpu.reduction_kind<sum>} : vector<16xi1> -> vector<16xi32>
          %add3A_199 = arith.constant 128 : i32
          %add3A_200 = arith.addi %mul3A_94, %add3A_199 : i32
          %get3A_201 = arith.constant 1 : i32
          %get3A_202 = arith.index_cast %get3A_201 : i32 to index
          %get3A_203 = arith.index_cast %scan3A_81 : i32 to index
          %get3A_204 = arith.index_cast %add3A_200 : i32 to index
          %get3A_205 = tpu.vector_load %arg6[%get3A_202, %get3A_203, %get3A_204] {strides = array<i32>} : memref<2x8x5632xf32, #tpu.memory_space<vmem>>, vector<16xf32>,
          %gt3A_206 = arith.cmpf ogt, %get3A_205, %get3A_96 : vector<16xf32>
          %convert_element_type3A_207 = arith.extui %gt3A_206 : vector<16xi1> to vector<16xi32>
          %broadcast_in_dim3A_208 = arith.constant true
          %broadcast_in_dim3A_209 = vector.broadcast %broadcast_in_dim3A_208 : i1 to vector<16xi1>
          %masked_cumsum3A_210 = tpu.scan <sum>, %convert_element_type3A_207 masked %broadcast_in_dim3A_209 : vector<16xi32>, vector<16xi1> -> vector<16xi32>
          %all_reduce_population_count3A_211 = tpu.all_reduce %gt3A_206 {dim = 0 : i64, kind = #tpu.reduction_kind<sum>} : vector<16xi1> -> vector<16xi32>
          %add3A_212 = arith.constant 144 : i32
          %add3A_213 = arith.addi %mul3A_94, %add3A_212 : i32
          %get3A_214 = arith.constant 1 : i32
          %get3A_215 = arith.index_cast %get3A_214 : i32 to index
          %get3A_216 = arith.index_cast %scan3A_81 : i32 to index
          %get3A_217 = arith.index_cast %add3A_213 : i32 to index
          %get3A_218 = tpu.vector_load %arg6[%get3A_215, %get3A_216, %get3A_217] {strides = array<i32>} : memref<2x8x5632xf32, #tpu.memory_space<vmem>>, vector<16xf32>,
          %gt3A_219 = arith.cmpf ogt, %get3A_218, %get3A_96 : vector<16xf32>
          %convert_element_type3A_220 = arith.extui %gt3A_219 : vector<16xi1> to vector<16xi32>
          %broadcast_in_dim3A_221 = arith.constant true
          %broadcast_in_dim3A_222 = vector.broadcast %broadcast_in_dim3A_221 : i1 to vector<16xi1>
          %masked_cumsum3A_223 = tpu.scan <sum>, %convert_element_type3A_220 masked %broadcast_in_dim3A_222 : vector<16xi32>, vector<16xi1> -> vector<16xi32>
          %all_reduce_population_count3A_224 = tpu.all_reduce %gt3A_219 {dim = 0 : i64, kind = #tpu.reduction_kind<sum>} : vector<16xi1> -> vector<16xi32>
          %add3A_225 = arith.constant 160 : i32
          %add3A_226 = arith.addi %mul3A_94, %add3A_225 : i32
          %get3A_227 = arith.constant 1 : i32
          %get3A_228 = arith.index_cast %get3A_227 : i32 to index
          %get3A_229 = arith.index_cast %scan3A_81 : i32 to index
          %get3A_230 = arith.index_cast %add3A_226 : i32 to index
          %get3A_231 = tpu.vector_load %arg6[%get3A_228, %get3A_229, %get3A_230] {strides = array<i32>} : memref<2x8x5632xf32, #tpu.memory_space<vmem>>, vector<16xf32>,
          %gt3A_232 = arith.cmpf ogt, %get3A_231, %get3A_96 : vector<16xf32>
          %convert_element_type3A_233 = arith.extui %gt3A_232 : vector<16xi1> to vector<16xi32>
          %broadcast_in_dim3A_234 = arith.constant true
          %broadcast_in_dim3A_235 = vector.broadcast %broadcast_in_dim3A_234 : i1 to vector<16xi1>
          %masked_cumsum3A_236 = tpu.scan <sum>, %convert_element_type3A_233 masked %broadcast_in_dim3A_235 : vector<16xi32>, vector<16xi1> -> vector<16xi32>
          %all_reduce_population_count3A_237 = tpu.all_reduce %gt3A_232 {dim = 0 : i64, kind = #tpu.reduction_kind<sum>} : vector<16xi1> -> vector<16xi32>
          %add3A_238 = arith.constant 176 : i32
          %add3A_239 = arith.addi %mul3A_94, %add3A_238 : i32
          %get3A_240 = arith.constant 1 : i32
          %get3A_241 = arith.index_cast %get3A_240 : i32 to index
          %get3A_242 = arith.index_cast %scan3A_81 : i32 to index
          %get3A_243 = arith.index_cast %add3A_239 : i32 to index
          %get3A_244 = tpu.vector_load %arg6[%get3A_241, %get3A_242, %get3A_243] {strides = array<i32>} : memref<2x8x5632xf32, #tpu.memory_space<vmem>>, vector<16xf32>,
          %gt3A_245 = arith.cmpf ogt, %get3A_244, %get3A_96 : vector<16xf32>
          %convert_element_type3A_246 = arith.extui %gt3A_245 : vector<16xi1> to vector<16xi32>
          %broadcast_in_dim3A_247 = arith.constant true
          %broadcast_in_dim3A_248 = vector.broadcast %broadcast_in_dim3A_247 : i1 to vector<16xi1>
          %masked_cumsum3A_249 = tpu.scan <sum>, %convert_element_type3A_246 masked %broadcast_in_dim3A_248 : vector<16xi32>, vector<16xi1> -> vector<16xi32>
          %all_reduce_population_count3A_250 = tpu.all_reduce %gt3A_245 {dim = 0 : i64, kind = #tpu.reduction_kind<sum>} : vector<16xi1> -> vector<16xi32>
          %add3A_251 = arith.constant 192 : i32
          %add3A_252 = arith.addi %mul3A_94, %add3A_251 : i32
          %get3A_253 = arith.constant 1 : i32
          %get3A_254 = arith.index_cast %get3A_253 : i32 to index
          %get3A_255 = arith.index_cast %scan3A_81 : i32 to index
          %get3A_256 = arith.index_cast %add3A_252 : i32 to index
          %get3A_257 = tpu.vector_load %arg6[%get3A_254, %get3A_255, %get3A_256] {strides = array<i32>} : memref<2x8x5632xf32, #tpu.memory_space<vmem>>, vector<16xf32>,
          %gt3A_258 = arith.cmpf ogt, %get3A_257, %get3A_96 : vector<16xf32>
          %convert_element_type3A_259 = arith.extui %gt3A_258 : vector<16xi1> to vector<16xi32>
          %broadcast_in_dim3A_260 = arith.constant true
          %broadcast_in_dim3A_261 = vector.broadcast %broadcast_in_dim3A_260 : i1 to vector<16xi1>
          %masked_cumsum3A_262 = tpu.scan <sum>, %convert_element_type3A_259 masked %broadcast_in_dim3A_261 : vector<16xi32>, vector<16xi1> -> vector<16xi32>
          %all_reduce_population_count3A_263 = tpu.all_reduce %gt3A_258 {dim = 0 : i64, kind = #tpu.reduction_kind<sum>} : vector<16xi1> -> vector<16xi32>
          %add3A_264 = arith.constant 208 : i32
          %add3A_265 = arith.addi %mul3A_94, %add3A_264 : i32
          %get3A_266 = arith.constant 1 : i32
          %get3A_267 = arith.index_cast %get3A_266 : i32 to index
          %get3A_268 = arith.index_cast %scan3A_81 : i32 to index
          %get3A_269 = arith.index_cast %add3A_265 : i32 to index
          %get3A_270 = tpu.vector_load %arg6[%get3A_267, %get3A_268, %get3A_269] {strides = array<i32>} : memref<2x8x5632xf32, #tpu.memory_space<vmem>>, vector<16xf32>,
          %gt3A_271 = arith.cmpf ogt, %get3A_270, %get3A_96 : vector<16xf32>
          %convert_element_type3A_272 = arith.extui %gt3A_271 : vector<16xi1> to vector<16xi32>
          %broadcast_in_dim3A_273 = arith.constant true
          %broadcast_in_dim3A_274 = vector.broadcast %broadcast_in_dim3A_273 : i1 to vector<16xi1>
          %masked_cumsum3A_275 = tpu.scan <sum>, %convert_element_type3A_272 masked %broadcast_in_dim3A_274 : vector<16xi32>, vector<16xi1> -> vector<16xi32>
          %all_reduce_population_count3A_276 = tpu.all_reduce %gt3A_271 {dim = 0 : i64, kind = #tpu.reduction_kind<sum>} : vector<16xi1> -> vector<16xi32>
          %add3A_277 = arith.constant 224 : i32
          %add3A_278 = arith.addi %mul3A_94, %add3A_277 : i32
          %get3A_279 = arith.constant 1 : i32
          %get3A_280 = arith.index_cast %get3A_279 : i32 to index
          %get3A_281 = arith.index_cast %scan3A_81 : i32 to index
          %get3A_282 = arith.index_cast %add3A_278 : i32 to index
          %get3A_283 = tpu.vector_load %arg6[%get3A_280, %get3A_281, %get3A_282] {strides = array<i32>} : memref<2x8x5632xf32, #tpu.memory_space<vmem>>, vector<16xf32>,
          %gt3A_284 = arith.cmpf ogt, %get3A_283, %get3A_96 : vector<16xf32>
          %convert_element_type3A_285 = arith.extui %gt3A_284 : vector<16xi1> to vector<16xi32>
          %broadcast_in_dim3A_286 = arith.constant true
          %broadcast_in_dim3A_287 = vector.broadcast %broadcast_in_dim3A_286 : i1 to vector<16xi1>
          %masked_cumsum3A_288 = tpu.scan <sum>, %convert_element_type3A_285 masked %broadcast_in_dim3A_287 : vector<16xi32>, vector<16xi1> -> vector<16xi32>
          %all_reduce_population_count3A_289 = tpu.all_reduce %gt3A_284 {dim = 0 : i64, kind = #tpu.reduction_kind<sum>} : vector<16xi1> -> vector<16xi32>
          %add3A_290 = arith.constant 240 : i32
          %add3A_291 = arith.addi %mul3A_94, %add3A_290 : i32
          %get3A_292 = arith.constant 1 : i32
          %get3A_293 = arith.index_cast %get3A_292 : i32 to index
          %get3A_294 = arith.index_cast %scan3A_81 : i32 to index
          %get3A_295 = arith.index_cast %add3A_291 : i32 to index
          %get3A_296 = tpu.vector_load %arg6[%get3A_293, %get3A_294, %get3A_295] {strides = array<i32>} : memref<2x8x5632xf32, #tpu.memory_space<vmem>>, vector<16xf32>,
          %gt3A_297 = arith.cmpf ogt, %get3A_296, %get3A_96 : vector<16xf32>
          %convert_element_type3A_298 = arith.extui %gt3A_297 : vector<16xi1> to vector<16xi32>
          %broadcast_in_dim3A_299 = arith.constant true
          %broadcast_in_dim3A_300 = vector.broadcast %broadcast_in_dim3A_299 : i1 to vector<16xi1>
          %masked_cumsum3A_301 = tpu.scan <sum>, %convert_element_type3A_298 masked %broadcast_in_dim3A_300 : vector<16xi32>, vector<16xi1> -> vector<16xi32>
          %all_reduce_population_count3A_302 = tpu.all_reduce %gt3A_297 {dim = 0 : i64, kind = #tpu.reduction_kind<sum>} : vector<16xi1> -> vector<16xi32>
          %add3A_303 = arith.constant 256 : i32
          %add3A_304 = arith.addi %mul3A_94, %add3A_303 : i32
          %get3A_305 = arith.constant 1 : i32
          %get3A_306 = arith.index_cast %get3A_305 : i32 to index
          %get3A_307 = arith.index_cast %scan3A_81 : i32 to index
          %get3A_308 = arith.index_cast %add3A_304 : i32 to index
          %get3A_309 = tpu.vector_load %arg6[%get3A_306, %get3A_307, %get3A_308] {strides = array<i32>} : memref<2x8x5632xf32, #tpu.memory_space<vmem>>, vector<16xf32>,
          %gt3A_310 = arith.cmpf ogt, %get3A_309, %get3A_96 : vector<16xf32>
          %convert_element_type3A_311 = arith.extui %gt3A_310 : vector<16xi1> to vector<16xi32>
          %broadcast_in_dim3A_312 = arith.constant true
          %broadcast_in_dim3A_313 = vector.broadcast %broadcast_in_dim3A_312 : i1 to vector<16xi1>
          %masked_cumsum3A_314 = tpu.scan <sum>, %convert_element_type3A_311 masked %broadcast_in_dim3A_313 : vector<16xi32>, vector<16xi1> -> vector<16xi32>
          %all_reduce_population_count3A_315 = tpu.all_reduce %gt3A_310 {dim = 0 : i64, kind = #tpu.reduction_kind<sum>} : vector<16xi1> -> vector<16xi32>
          %add3A_316 = arith.constant 272 : i32
          %add3A_317 = arith.addi %mul3A_94, %add3A_316 : i32
          %get3A_318 = arith.constant 1 : i32
          %get3A_319 = arith.index_cast %get3A_318 : i32 to index
          %get3A_320 = arith.index_cast %scan3A_81 : i32 to index
          %get3A_321 = arith.index_cast %add3A_317 : i32 to index
          %get3A_322 = tpu.vector_load %arg6[%get3A_319, %get3A_320, %get3A_321] {strides = array<i32>} : memref<2x8x5632xf32, #tpu.memory_space<vmem>>, vector<16xf32>,
          %gt3A_323 = arith.cmpf ogt, %get3A_322, %get3A_96 : vector<16xf32>
          %convert_element_type3A_324 = arith.extui %gt3A_323 : vector<16xi1> to vector<16xi32>
          %broadcast_in_dim3A_325 = arith.constant true
          %broadcast_in_dim3A_326 = vector.broadcast %broadcast_in_dim3A_325 : i1 to vector<16xi1>
          %masked_cumsum3A_327 = tpu.scan <sum>, %convert_element_type3A_324 masked %broadcast_in_dim3A_326 : vector<16xi32>, vector<16xi1> -> vector<16xi32>
          %all_reduce_population_count3A_328 = tpu.all_reduce %gt3A_323 {dim = 0 : i64, kind = #tpu.reduction_kind<sum>} : vector<16xi1> -> vector<16xi32>
          %add3A_329 = arith.constant 288 : i32
          %add3A_330 = arith.addi %mul3A_94, %add3A_329 : i32
          %get3A_331 = arith.constant 1 : i32
          %get3A_332 = arith.index_cast %get3A_331 : i32 to index
          %get3A_333 = arith.index_cast %scan3A_81 : i32 to index
          %get3A_334 = arith.index_cast %add3A_330 : i32 to index
          %get3A_335 = tpu.vector_load %arg6[%get3A_332, %get3A_333, %get3A_334] {strides = array<i32>} : memref<2x8x5632xf32, #tpu.memory_space<vmem>>, vector<16xf32>,
          %gt3A_336 = arith.cmpf ogt, %get3A_335, %get3A_96 : vector<16xf32>
          %convert_element_type3A_337 = arith.extui %gt3A_336 : vector<16xi1> to vector<16xi32>
          %broadcast_in_dim3A_338 = arith.constant true
          %broadcast_in_dim3A_339 = vector.broadcast %broadcast_in_dim3A_338 : i1 to vector<16xi1>
          %masked_cumsum3A_340 = tpu.scan <sum>, %convert_element_type3A_337 masked %broadcast_in_dim3A_339 : vector<16xi32>, vector<16xi1> -> vector<16xi32>
          %all_reduce_population_count3A_341 = tpu.all_reduce %gt3A_336 {dim = 0 : i64, kind = #tpu.reduction_kind<sum>} : vector<16xi1> -> vector<16xi32>
          %add3A_342 = arith.constant 304 : i32
          %add3A_343 = arith.addi %mul3A_94, %add3A_342 : i32
          %get3A_344 = arith.constant 1 : i32
          %get3A_345 = arith.index_cast %get3A_344 : i32 to index
          %get3A_346 = arith.index_cast %scan3A_81 : i32 to index
          %get3A_347 = arith.index_cast %add3A_343 : i32 to index
          %get3A_348 = tpu.vector_load %arg6[%get3A_345, %get3A_346, %get3A_347] {strides = array<i32>} : memref<2x8x5632xf32, #tpu.memory_space<vmem>>, vector<16xf32>,
          %gt3A_349 = arith.cmpf ogt, %get3A_348, %get3A_96 : vector<16xf32>
          %convert_element_type3A_350 = arith.extui %gt3A_349 : vector<16xi1> to vector<16xi32>
          %broadcast_in_dim3A_351 = arith.constant true
          %broadcast_in_dim3A_352 = vector.broadcast %broadcast_in_dim3A_351 : i1 to vector<16xi1>
          %masked_cumsum3A_353 = tpu.scan <sum>, %convert_element_type3A_350 masked %broadcast_in_dim3A_352 : vector<16xi32>, vector<16xi1> -> vector<16xi32>
          %all_reduce_population_count3A_354 = tpu.all_reduce %gt3A_349 {dim = 0 : i64, kind = #tpu.reduction_kind<sum>} : vector<16xi1> -> vector<16xi32>
          %add3A_355 = arith.constant 320 : i32
          %add3A_356 = arith.addi %mul3A_94, %add3A_355 : i32
          %get3A_357 = arith.constant 1 : i32
          %get3A_358 = arith.index_cast %get3A_357 : i32 to index
          %get3A_359 = arith.index_cast %scan3A_81 : i32 to index
          %get3A_360 = arith.index_cast %add3A_356 : i32 to index
          %get3A_361 = tpu.vector_load %arg6[%get3A_358, %get3A_359, %get3A_360] {strides = array<i32>} : memref<2x8x5632xf32, #tpu.memory_space<vmem>>, vector<16xf32>,
          %gt3A_362 = arith.cmpf ogt, %get3A_361, %get3A_96 : vector<16xf32>
          %convert_element_type3A_363 = arith.extui %gt3A_362 : vector<16xi1> to vector<16xi32>
          %broadcast_in_dim3A_364 = arith.constant true
          %broadcast_in_dim3A_365 = vector.broadcast %broadcast_in_dim3A_364 : i1 to vector<16xi1>
          %masked_cumsum3A_366 = tpu.scan <sum>, %convert_element_type3A_363 masked %broadcast_in_dim3A_365 : vector<16xi32>, vector<16xi1> -> vector<16xi32>
          %all_reduce_population_count3A_367 = tpu.all_reduce %gt3A_362 {dim = 0 : i64, kind = #tpu.reduction_kind<sum>} : vector<16xi1> -> vector<16xi32>
          %add3A_368 = arith.constant 336 : i32
          %add3A_369 = arith.addi %mul3A_94, %add3A_368 : i32
          %get3A_370 = arith.constant 1 : i32
          %get3A_371 = arith.index_cast %get3A_370 : i32 to index
          %get3A_372 = arith.index_cast %scan3A_81 : i32 to index
          %get3A_373 = arith.index_cast %add3A_369 : i32 to index
          %get3A_374 = tpu.vector_load %arg6[%get3A_371, %get3A_372, %get3A_373] {strides = array<i32>} : memref<2x8x5632xf32, #tpu.memory_space<vmem>>, vector<16xf32>,
          %gt3A_375 = arith.cmpf ogt, %get3A_374, %get3A_96 : vector<16xf32>
          %convert_element_type3A_376 = arith.extui %gt3A_375 : vector<16xi1> to vector<16xi32>
          %broadcast_in_dim3A_377 = arith.constant true
          %broadcast_in_dim3A_378 = vector.broadcast %broadcast_in_dim3A_377 : i1 to vector<16xi1>
          %masked_cumsum3A_379 = tpu.scan <sum>, %convert_element_type3A_376 masked %broadcast_in_dim3A_378 : vector<16xi32>, vector<16xi1> -> vector<16xi32>
          %all_reduce_population_count3A_380 = tpu.all_reduce %gt3A_375 {dim = 0 : i64, kind = #tpu.reduction_kind<sum>} : vector<16xi1> -> vector<16xi32>
          %mul3A_381 = arith.constant 1024 : i32
          %mul3A_382 = arith.muli %scan3A_81, %mul3A_381 : i32
          %get3A_383 = arith.index_cast %scan3A_81 : i32 to index
          %get3A_384 = memref.load %arg13[%get3A_383] : memref<8xi32, #tpu.memory_space<smem>>
          %add3A_385 = arith.addi %mul3A_382, %get3A_384 : i32
          %sub3A = arith.constant 1 : i32
          %sub3A_386 = arith.subi %add3A_385, %sub3A : i32
          %broadcast_in_dim3A_387 = vector.broadcast %sub3A_386 : i32 to vector<16xi32>
          %add3A_388 = arith.addi %broadcast_in_dim3A_387, %all_reduce_population_count3A : vector<16xi32>
          %add3A_389 = arith.addi %add3A_388, %all_reduce_population_count3A_120 : vector<16xi32>
          %add3A_390 = arith.addi %add3A_389, %all_reduce_population_count3A_133 : vector<16xi32>
          %add3A_391 = arith.addi %add3A_390, %all_reduce_population_count3A_146 : vector<16xi32>
          %add3A_392 = arith.addi %add3A_391, %all_reduce_population_count3A_159 : vector<16xi32>
          %add3A_393 = arith.addi %add3A_392, %all_reduce_population_count3A_172 : vector<16xi32>
          %add3A_394 = arith.addi %add3A_393, %all_reduce_population_count3A_185 : vector<16xi32>
          %add3A_395 = arith.addi %add3A_394, %all_reduce_population_count3A_198 : vector<16xi32>
          %add3A_396 = arith.addi %add3A_395, %all_reduce_population_count3A_211 : vector<16xi32>
          %add3A_397 = arith.addi %add3A_396, %all_reduce_population_count3A_224 : vector<16xi32>
          %add3A_398 = arith.addi %add3A_397, %all_reduce_population_count3A_237 : vector<16xi32>
          %add3A_399 = arith.addi %add3A_398, %all_reduce_population_count3A_250 : vector<16xi32>
          %add3A_400 = arith.addi %add3A_399, %all_reduce_population_count3A_263 : vector<16xi32>
          %add3A_401 = arith.addi %add3A_400, %all_reduce_population_count3A_276 : vector<16xi32>
          %add3A_402 = arith.addi %add3A_401, %all_reduce_population_count3A_289 : vector<16xi32>
          %add3A_403 = arith.addi %add3A_402, %all_reduce_population_count3A_302 : vector<16xi32>
          %add3A_404 = arith.addi %add3A_403, %all_reduce_population_count3A_315 : vector<16xi32>
          %add3A_405 = arith.addi %add3A_404, %all_reduce_population_count3A_328 : vector<16xi32>
          %add3A_406 = arith.addi %add3A_405, %all_reduce_population_count3A_341 : vector<16xi32>
          %add3A_407 = arith.addi %add3A_406, %all_reduce_population_count3A_354 : vector<16xi32>
          %add3A_408 = arith.addi %add3A_407, %all_reduce_population_count3A_367 : vector<16xi32>
          %add3A_409 = arith.addi %add3A_408, %all_reduce_population_count3A_380 : vector<16xi32>
          %add3A_410 = arith.addi %broadcast_in_dim3A_387, %masked_cumsum3A : vector<16xi32>
          tpu.vector_store_idx %arg8[%add3A_410], %get3A_105 masked %gt3A : memref<8192xf32, #tpu.memory_space<vmem>>[vector<16xi32>], vector<16xf32>, vector<16xi1>
          %add3A_411 = arith.constant 0 : i32
          %add3A_412 = arith.addi %add3A_98, %add3A_411 : i32
          %add3A_413 = vector.broadcast %add3A_412 : i32 to vector<16xi32>
          %add3A_414 = arith.addi %add3A_413, %iota3A : vector<16xi32>
          tpu.vector_store_idx %arg9[%add3A_410], %add3A_414 masked %gt3A : memref<8192xi32, #tpu.memory_space<vmem>>[vector<16xi32>], vector<16xi32>, vector<16xi1>
          %add3A_415 = arith.addi %add3A_388, %masked_cumsum3A_119 : vector<16xi32>
          tpu.vector_store_idx %arg8[%add3A_415], %get3A_114 masked %gt3A_115 : memref<8192xf32, #tpu.memory_space<vmem>>[vector<16xi32>], vector<16xf32>, vector<16xi1>
          %add3A_416 = arith.constant 16 : i32
          %add3A_417 = arith.addi %add3A_98, %add3A_416 : i32
          %add3A_418 = vector.broadcast %add3A_417 : i32 to vector<16xi32>
          %add3A_419 = arith.addi %add3A_418, %iota3A : vector<16xi32>
          tpu.vector_store_idx %arg9[%add3A_415], %add3A_419 masked %gt3A_115 : memref<8192xi32, #tpu.memory_space<vmem>>[vector<16xi32>], vector<16xi32>, vector<16xi1>
          %add3A_420 = arith.addi %add3A_389, %masked_cumsum3A_132 : vector<16xi32>
          tpu.vector_store_idx %arg8[%add3A_420], %get3A_127 masked %gt3A_128 : memref<8192xf32, #tpu.memory_space<vmem>>[vector<16xi32>], vector<16xf32>, vector<16xi1>
          %add3A_421 = arith.constant 32 : i32
          %add3A_422 = arith.addi %add3A_98, %add3A_421 : i32
          %add3A_423 = vector.broadcast %add3A_422 : i32 to vector<16xi32>
          %add3A_424 = arith.addi %add3A_423, %iota3A : vector<16xi32>
          tpu.vector_store_idx %arg9[%add3A_420], %add3A_424 masked %gt3A_128 : memref<8192xi32, #tpu.memory_space<vmem>>[vector<16xi32>], vector<16xi32>, vector<16xi1>
          %add3A_425 = arith.addi %add3A_390, %masked_cumsum3A_145 : vector<16xi32>
          tpu.vector_store_idx %arg8[%add3A_425], %get3A_140 masked %gt3A_141 : memref<8192xf32, #tpu.memory_space<vmem>>[vector<16xi32>], vector<16xf32>, vector<16xi1>
          %add3A_426 = arith.constant 48 : i32
          %add3A_427 = arith.addi %add3A_98, %add3A_426 : i32
          %add3A_428 = vector.broadcast %add3A_427 : i32 to vector<16xi32>
          %add3A_429 = arith.addi %add3A_428, %iota3A : vector<16xi32>
          tpu.vector_store_idx %arg9[%add3A_425], %add3A_429 masked %gt3A_141 : memref<8192xi32, #tpu.memory_space<vmem>>[vector<16xi32>], vector<16xi32>, vector<16xi1>
          %add3A_430 = arith.addi %add3A_391, %masked_cumsum3A_158 : vector<16xi32>
          tpu.vector_store_idx %arg8[%add3A_430], %get3A_153 masked %gt3A_154 : memref<8192xf32, #tpu.memory_space<vmem>>[vector<16xi32>], vector<16xf32>, vector<16xi1>
          %add3A_431 = arith.constant 64 : i32
          %add3A_432 = arith.addi %add3A_98, %add3A_431 : i32
          %add3A_433 = vector.broadcast %add3A_432 : i32 to vector<16xi32>
          %add3A_434 = arith.addi %add3A_433, %iota3A : vector<16xi32>
          tpu.vector_store_idx %arg9[%add3A_430], %add3A_434 masked %gt3A_154 : memref<8192xi32, #tpu.memory_space<vmem>>[vector<16xi32>], vector<16xi32>, vector<16xi1>
          %add3A_435 = arith.addi %add3A_392, %masked_cumsum3A_171 : vector<16xi32>
          tpu.vector_store_idx %arg8[%add3A_435], %get3A_166 masked %gt3A_167 : memref<8192xf32, #tpu.memory_space<vmem>>[vector<16xi32>], vector<16xf32>, vector<16xi1>
          %add3A_436 = arith.constant 80 : i32
          %add3A_437 = arith.addi %add3A_98, %add3A_436 : i32
          %add3A_438 = vector.broadcast %add3A_437 : i32 to vector<16xi32>
          %add3A_439 = arith.addi %add3A_438, %iota3A : vector<16xi32>
          tpu.vector_store_idx %arg9[%add3A_435], %add3A_439 masked %gt3A_167 : memref<8192xi32, #tpu.memory_space<vmem>>[vector<16xi32>], vector<16xi32>, vector<16xi1>
          %add3A_440 = arith.addi %add3A_393, %masked_cumsum3A_184 : vector<16xi32>
          tpu.vector_store_idx %arg8[%add3A_440], %get3A_179 masked %gt3A_180 : memref<8192xf32, #tpu.memory_space<vmem>>[vector<16xi32>], vector<16xf32>, vector<16xi1>
          %add3A_441 = arith.constant 96 : i32
          %add3A_442 = arith.addi %add3A_98, %add3A_441 : i32
          %add3A_443 = vector.broadcast %add3A_442 : i32 to vector<16xi32>
          %add3A_444 = arith.addi %add3A_443, %iota3A : vector<16xi32>
          tpu.vector_store_idx %arg9[%add3A_440], %add3A_444 masked %gt3A_180 : memref<8192xi32, #tpu.memory_space<vmem>>[vector<16xi32>], vector<16xi32>, vector<16xi1>
          %add3A_445 = arith.addi %add3A_394, %masked_cumsum3A_197 : vector<16xi32>
          tpu.vector_store_idx %arg8[%add3A_445], %get3A_192 masked %gt3A_193 : memref<8192xf32, #tpu.memory_space<vmem>>[vector<16xi32>], vector<16xf32>, vector<16xi1>
          %add3A_446 = arith.constant 112 : i32
          %add3A_447 = arith.addi %add3A_98, %add3A_446 : i32
          %add3A_448 = vector.broadcast %add3A_447 : i32 to vector<16xi32>
          %add3A_449 = arith.addi %add3A_448, %iota3A : vector<16xi32>
          tpu.vector_store_idx %arg9[%add3A_445], %add3A_449 masked %gt3A_193 : memref<8192xi32, #tpu.memory_space<vmem>>[vector<16xi32>], vector<16xi32>, vector<16xi1>
          %add3A_450 = arith.addi %add3A_395, %masked_cumsum3A_210 : vector<16xi32>
          tpu.vector_store_idx %arg8[%add3A_450], %get3A_205 masked %gt3A_206 : memref<8192xf32, #tpu.memory_space<vmem>>[vector<16xi32>], vector<16xf32>, vector<16xi1>
          %add3A_451 = arith.constant 128 : i32
          %add3A_452 = arith.addi %add3A_98, %add3A_451 : i32
          %add3A_453 = vector.broadcast %add3A_452 : i32 to vector<16xi32>
          %add3A_454 = arith.addi %add3A_453, %iota3A : vector<16xi32>
          tpu.vector_store_idx %arg9[%add3A_450], %add3A_454 masked %gt3A_206 : memref<8192xi32, #tpu.memory_space<vmem>>[vector<16xi32>], vector<16xi32>, vector<16xi1>
          %add3A_455 = arith.addi %add3A_396, %masked_cumsum3A_223 : vector<16xi32>
          tpu.vector_store_idx %arg8[%add3A_455], %get3A_218 masked %gt3A_219 : memref<8192xf32, #tpu.memory_space<vmem>>[vector<16xi32>], vector<16xf32>, vector<16xi1>
          %add3A_456 = arith.constant 144 : i32
          %add3A_457 = arith.addi %add3A_98, %add3A_456 : i32
          %add3A_458 = vector.broadcast %add3A_457 : i32 to vector<16xi32>
          %add3A_459 = arith.addi %add3A_458, %iota3A : vector<16xi32>
          tpu.vector_store_idx %arg9[%add3A_455], %add3A_459 masked %gt3A_219 : memref<8192xi32, #tpu.memory_space<vmem>>[vector<16xi32>], vector<16xi32>, vector<16xi1>
          %add3A_460 = arith.addi %add3A_397, %masked_cumsum3A_236 : vector<16xi32>
          tpu.vector_store_idx %arg8[%add3A_460], %get3A_231 masked %gt3A_232 : memref<8192xf32, #tpu.memory_space<vmem>>[vector<16xi32>], vector<16xf32>, vector<16xi1>
          %add3A_461 = arith.constant 160 : i32
          %add3A_462 = arith.addi %add3A_98, %add3A_461 : i32
          %add3A_463 = vector.broadcast %add3A_462 : i32 to vector<16xi32>
          %add3A_464 = arith.addi %add3A_463, %iota3A : vector<16xi32>
          tpu.vector_store_idx %arg9[%add3A_460], %add3A_464 masked %gt3A_232 : memref<8192xi32, #tpu.memory_space<vmem>>[vector<16xi32>], vector<16xi32>, vector<16xi1>
          %add3A_465 = arith.addi %add3A_398, %masked_cumsum3A_249 : vector<16xi32>
          tpu.vector_store_idx %arg8[%add3A_465], %get3A_244 masked %gt3A_245 : memref<8192xf32, #tpu.memory_space<vmem>>[vector<16xi32>], vector<16xf32>, vector<16xi1>
          %add3A_466 = arith.constant 176 : i32
          %add3A_467 = arith.addi %add3A_98, %add3A_466 : i32
          %add3A_468 = vector.broadcast %add3A_467 : i32 to vector<16xi32>
          %add3A_469 = arith.addi %add3A_468, %iota3A : vector<16xi32>
          tpu.vector_store_idx %arg9[%add3A_465], %add3A_469 masked %gt3A_245 : memref<8192xi32, #tpu.memory_space<vmem>>[vector<16xi32>], vector<16xi32>, vector<16xi1>
          %add3A_470 = arith.addi %add3A_399, %masked_cumsum3A_262 : vector<16xi32>
          tpu.vector_store_idx %arg8[%add3A_470], %get3A_257 masked %gt3A_258 : memref<8192xf32, #tpu.memory_space<vmem>>[vector<16xi32>], vector<16xf32>, vector<16xi1>
          %add3A_471 = arith.constant 192 : i32
          %add3A_472 = arith.addi %add3A_98, %add3A_471 : i32
          %add3A_473 = vector.broadcast %add3A_472 : i32 to vector<16xi32>
          %add3A_474 = arith.addi %add3A_473, %iota3A : vector<16xi32>
          tpu.vector_store_idx %arg9[%add3A_470], %add3A_474 masked %gt3A_258 : memref<8192xi32, #tpu.memory_space<vmem>>[vector<16xi32>], vector<16xi32>, vector<16xi1>
          %add3A_475 = arith.addi %add3A_400, %masked_cumsum3A_275 : vector<16xi32>
          tpu.vector_store_idx %arg8[%add3A_475], %get3A_270 masked %gt3A_271 : memref<8192xf32, #tpu.memory_space<vmem>>[vector<16xi32>], vector<16xf32>, vector<16xi1>
          %add3A_476 = arith.constant 208 : i32
          %add3A_477 = arith.addi %add3A_98, %add3A_476 : i32
          %add3A_478 = vector.broadcast %add3A_477 : i32 to vector<16xi32>
          %add3A_479 = arith.addi %add3A_478, %iota3A : vector<16xi32>
          tpu.vector_store_idx %arg9[%add3A_475], %add3A_479 masked %gt3A_271 : memref<8192xi32, #tpu.memory_space<vmem>>[vector<16xi32>], vector<16xi32>, vector<16xi1>
          %add3A_480 = arith.addi %add3A_401, %masked_cumsum3A_288 : vector<16xi32>
          tpu.vector_store_idx %arg8[%add3A_480], %get3A_283 masked %gt3A_284 : memref<8192xf32, #tpu.memory_space<vmem>>[vector<16xi32>], vector<16xf32>, vector<16xi1>
          %add3A_481 = arith.constant 224 : i32
          %add3A_482 = arith.addi %add3A_98, %add3A_481 : i32
          %add3A_483 = vector.broadcast %add3A_482 : i32 to vector<16xi32>
          %add3A_484 = arith.addi %add3A_483, %iota3A : vector<16xi32>
          tpu.vector_store_idx %arg9[%add3A_480], %add3A_484 masked %gt3A_284 : memref<8192xi32, #tpu.memory_space<vmem>>[vector<16xi32>], vector<16xi32>, vector<16xi1>
          %add3A_485 = arith.addi %add3A_402, %masked_cumsum3A_301 : vector<16xi32>
          tpu.vector_store_idx %arg8[%add3A_485], %get3A_296 masked %gt3A_297 : memref<8192xf32, #tpu.memory_space<vmem>>[vector<16xi32>], vector<16xf32>, vector<16xi1>
          %add3A_486 = arith.constant 240 : i32
          %add3A_487 = arith.addi %add3A_98, %add3A_486 : i32
          %add3A_488 = vector.broadcast %add3A_487 : i32 to vector<16xi32>
          %add3A_489 = arith.addi %add3A_488, %iota3A : vector<16xi32>
          tpu.vector_store_idx %arg9[%add3A_485], %add3A_489 masked %gt3A_297 : memref<8192xi32, #tpu.memory_space<vmem>>[vector<16xi32>], vector<16xi32>, vector<16xi1>
          %add3A_490 = arith.addi %add3A_403, %masked_cumsum3A_314 : vector<16xi32>
          tpu.vector_store_idx %arg8[%add3A_490], %get3A_309 masked %gt3A_310 : memref<8192xf32, #tpu.memory_space<vmem>>[vector<16xi32>], vector<16xf32>, vector<16xi1>
          %add3A_491 = arith.constant 256 : i32
          %add3A_492 = arith.addi %add3A_98, %add3A_491 : i32
          %add3A_493 = vector.broadcast %add3A_492 : i32 to vector<16xi32>
          %add3A_494 = arith.addi %add3A_493, %iota3A : vector<16xi32>
          tpu.vector_store_idx %arg9[%add3A_490], %add3A_494 masked %gt3A_310 : memref<8192xi32, #tpu.memory_space<vmem>>[vector<16xi32>], vector<16xi32>, vector<16xi1>
          %add3A_495 = arith.addi %add3A_404, %masked_cumsum3A_327 : vector<16xi32>
          tpu.vector_store_idx %arg8[%add3A_495], %get3A_322 masked %gt3A_323 : memref<8192xf32, #tpu.memory_space<vmem>>[vector<16xi32>], vector<16xf32>, vector<16xi1>
          %add3A_496 = arith.constant 272 : i32
          %add3A_497 = arith.addi %add3A_98, %add3A_496 : i32
          %add3A_498 = vector.broadcast %add3A_497 : i32 to vector<16xi32>
          %add3A_499 = arith.addi %add3A_498, %iota3A : vector<16xi32>
          tpu.vector_store_idx %arg9[%add3A_495], %add3A_499 masked %gt3A_323 : memref<8192xi32, #tpu.memory_space<vmem>>[vector<16xi32>], vector<16xi32>, vector<16xi1>
          %add3A_500 = arith.addi %add3A_405, %masked_cumsum3A_340 : vector<16xi32>
          tpu.vector_store_idx %arg8[%add3A_500], %get3A_335 masked %gt3A_336 : memref<8192xf32, #tpu.memory_space<vmem>>[vector<16xi32>], vector<16xf32>, vector<16xi1>
          %add3A_501 = arith.constant 288 : i32
          %add3A_502 = arith.addi %add3A_98, %add3A_501 : i32
          %add3A_503 = vector.broadcast %add3A_502 : i32 to vector<16xi32>
          %add3A_504 = arith.addi %add3A_503, %iota3A : vector<16xi32>
          tpu.vector_store_idx %arg9[%add3A_500], %add3A_504 masked %gt3A_336 : memref<8192xi32, #tpu.memory_space<vmem>>[vector<16xi32>], vector<16xi32>, vector<16xi1>
          %add3A_505 = arith.addi %add3A_406, %masked_cumsum3A_353 : vector<16xi32>
          tpu.vector_store_idx %arg8[%add3A_505], %get3A_348 masked %gt3A_349 : memref<8192xf32, #tpu.memory_space<vmem>>[vector<16xi32>], vector<16xf32>, vector<16xi1>
          %add3A_506 = arith.constant 304 : i32
          %add3A_507 = arith.addi %add3A_98, %add3A_506 : i32
          %add3A_508 = vector.broadcast %add3A_507 : i32 to vector<16xi32>
          %add3A_509 = arith.addi %add3A_508, %iota3A : vector<16xi32>
          tpu.vector_store_idx %arg9[%add3A_505], %add3A_509 masked %gt3A_349 : memref<8192xi32, #tpu.memory_space<vmem>>[vector<16xi32>], vector<16xi32>, vector<16xi1>
          %add3A_510 = arith.addi %add3A_407, %masked_cumsum3A_366 : vector<16xi32>
          tpu.vector_store_idx %arg8[%add3A_510], %get3A_361 masked %gt3A_362 : memref<8192xf32, #tpu.memory_space<vmem>>[vector<16xi32>], vector<16xf32>, vector<16xi1>
          %add3A_511 = arith.constant 320 : i32
          %add3A_512 = arith.addi %add3A_98, %add3A_511 : i32
          %add3A_513 = vector.broadcast %add3A_512 : i32 to vector<16xi32>
          %add3A_514 = arith.addi %add3A_513, %iota3A : vector<16xi32>
          tpu.vector_store_idx %arg9[%add3A_510], %add3A_514 masked %gt3A_362 : memref<8192xi32, #tpu.memory_space<vmem>>[vector<16xi32>], vector<16xi32>, vector<16xi1>
          %add3A_515 = arith.addi %add3A_408, %masked_cumsum3A_379 : vector<16xi32>
          tpu.vector_store_idx %arg8[%add3A_515], %get3A_374 masked %gt3A_375 : memref<8192xf32, #tpu.memory_space<vmem>>[vector<16xi32>], vector<16xf32>, vector<16xi1>
          %add3A_516 = arith.constant 336 : i32
          %add3A_517 = arith.addi %add3A_98, %add3A_516 : i32
          %add3A_518 = vector.broadcast %add3A_517 : i32 to vector<16xi32>
          %add3A_519 = arith.addi %add3A_518, %iota3A : vector<16xi32>
          tpu.vector_store_idx %arg9[%add3A_515], %add3A_519 masked %gt3A_375 : memref<8192xi32, #tpu.memory_space<vmem>>[vector<16xi32>], vector<16xi32>, vector<16xi1>
          %reduce_max3A = arith.constant true
          %reduce_max3A_520 = vector.broadcast %reduce_max3A : i1 to vector<16xi1>
          %reduce_max3A_521 = arith.constant -2147483648 : i32
          %reduce_max3A_522 = vector.broadcast %reduce_max3A_521 : i32 to vector<16xi32>
          %reduce_max3A_523 = arith.xori %add3A_409, %reduce_max3A_522 : vector<16xi32>
          %reduce_max3A_524 = tpu.scan <max>, %reduce_max3A_523 masked %reduce_max3A_520 : vector<16xi32>, vector<16xi1> -> vector<16xi32>
          %reduce_max3A_525 = arith.xori %reduce_max3A_524, %reduce_max3A_522 : vector<16xi32>
          %reduce_max3A_526 = vector.extract %reduce_max3A_525[15] : i32 from vector<16xi32>
          %add3A_527 = arith.constant 1 : i32
          %add3A_528 = arith.addi %reduce_max3A_526, %add3A_527 : i32
          %mul3A_529 = arith.constant 1024 : i32
          %mul3A_530 = arith.muli %scan3A_81, %mul3A_529 : i32
          %sub3A_531 = arith.subi %add3A_528, %mul3A_530 : i32
          %swap3A = arith.index_cast %scan3A_81 : i32 to index
          %swap3A_532 = memref.load %arg13[%swap3A] : memref<8xi32, #tpu.memory_space<smem>>
          memref.store %sub3A_531, %arg13[%swap3A] : memref<8xi32, #tpu.memory_space<smem>>
          %get3A_533 = arith.index_cast %scan3A_81 : i32 to index
          %get3A_534 = memref.load %arg13[%get3A_533] : memref<8xi32, #tpu.memory_space<smem>>
          %gt3A_535 = arith.constant 656 : i32
          %gt3A_536 = arith.cmpi sgt, %get3A_534, %gt3A_535 : i32
          %convert_element_type3A_537 = arith.extui %gt3A_536 : i1 to i32
          %cond3A = arith.constant 0 : i32
          %cond3A_538 = arith.cmpi ne, %convert_element_type3A_537, %cond3A : i32
          scf.if %cond3A_538 {
            %mul3A_540 = arith.constant 1024 : i32
            %mul3A_541 = arith.muli %scan3A_81, %mul3A_540 : i32
            %mul3A_542 = arith.constant 1024 : i32
            %mul3A_543 = arith.muli %scan3A_81, %mul3A_542 : i32
            %get3A_544 = arith.index_cast %scan3A_81 : i32 to index
            %get3A_545 = memref.load %arg13[%get3A_544] : memref<8xi32, #tpu.memory_space<smem>>
            %add3A_546 = arith.addi %mul3A_543, %get3A_545 : i32
            %swap3A_547 = arith.index_cast %add3A_546 : i32 to index
            %swap3A_548 = tpu.vector_load %arg8[%swap3A_547] {strides = array<i32>} : memref<8192xf32, #tpu.memory_space<vmem>>, vector<16xf32>,
            tpu.vector_store %arg8[%swap3A_547], %broadcast_in_dim3A_3 {strides = array<i32>} : memref<8192xf32, #tpu.memory_space<vmem>>, vector<16xf32>,
            %jit3A = arith.constant 16 : i32
            %div3A = arith.divsi %get3A_545, %jit3A : i32
            %sign3A = arith.constant 0 : i32
            %sign3A_549 = arith.cmpi sgt, %get3A_545, %sign3A : i32
            %sign3A_550 = arith.extui %sign3A_549 : i1 to i32
            %sign3A_551 = arith.constant 0 : i32
            %sign3A_552 = arith.cmpi slt, %get3A_545, %sign3A_551 : i32
            %sign3A_553 = arith.extui %sign3A_552 : i1 to i32
            %sign3A_554 = arith.subi %sign3A_550, %sign3A_553 : i32
            %sign3A_555 = arith.constant 0 : i32
            %sign3A_556 = arith.cmpi sgt, %jit3A, %sign3A_555 : i32
            %sign3A_557 = arith.extui %sign3A_556 : i1 to i32
            %sign3A_558 = arith.constant 0 : i32
            %sign3A_559 = arith.cmpi slt, %jit3A, %sign3A_558 : i32
            %sign3A_560 = arith.extui %sign3A_559 : i1 to i32
            %sign3A_561 = arith.subi %sign3A_557, %sign3A_560 : i32
            %ne3A = arith.cmpi ne, %sign3A_554, %sign3A_561 : i32
            %rem3A = arith.remsi %get3A_545, %jit3A : i32
            %ne3A_562 = arith.constant 0 : i32
            %ne3A_563 = arith.cmpi ne, %rem3A, %ne3A_562 : i32
            %and3A = arith.andi %ne3A, %ne3A_563 : i1
            %sub3A_564 = arith.constant 1 : i32
            %sub3A_565 = arith.subi %div3A, %sub3A_564 : i32
            %select_n3A = arith.select %and3A, %sub3A_565, %div3A : i32
            %add3A_566 = arith.constant 1 : i32
            %add3A_567 = arith.addi %select_n3A, %add3A_566 : i32
            %get3A_568 = arith.index_cast %mul3A_543 : i32 to index
            %get3A_569 = tpu.vector_load %arg8[%get3A_568] {strides = array<i32>} : memref<8192xf32, #tpu.memory_space<vmem>>, vector<16xf32>,
            %masked_sort3A = arith.constant dense<true> : vector<16xi1>
            %masked_sort3A_570, %masked_sort3A_571, %masked_sort3A_572 = tpu.sort %get3A_569, %iota3A masked %masked_sort3A {descending = true} : (vector<16xf32>, vector<16xi32>, vector<16xi1>) -> (vector<16xi1>, vector<16xf32>, vector<16xi32>)
            %while3A = arith.constant 1 : i32
            %while3A_573 = arith.subi %add3A_567, %while3A : i32
            %while3A_574 = arith.addi %while3A, %while3A_573 : i32
            %while3A_575 = arith.constant 1 : i32
            %while3A_576 = arith.divsi %while3A_573, %while3A_575 : i32
            %while3A_577 = arith.muli %while3A_576, %while3A_575 : i32
            %while3A_578 = arith.addi %while3A, %while3A_577 : i32
            %while3A_579 = arith.constant 1 : i32
            %while3A_580:2 = scf.for %while3A_635 = %while3A to %while3A_578 step %while3A_579 iter_args(%while3A_636 = %masked_sort3A_571, %while3A_637 = %masked_sort3A_572) -> (vector<16xf32>, vector<16xi32>)  : i32 {
              %mul3A_638 = arith.constant 16 : i32
              %mul3A_639 = arith.muli %while3A_635, %mul3A_638 : i32
              %add3A_640 = arith.addi %mul3A_543, %mul3A_639 : i32
              %get3A_641 = arith.index_cast %add3A_640 : i32 to index
              %get3A_642 = tpu.vector_load %arg8[%get3A_641] {strides = array<i32>} : memref<8192xf32, #tpu.memory_space<vmem>>, vector<16xf32>,
              %mul3A_643 = arith.constant 16 : i32
              %mul3A_644 = arith.muli %while3A_635, %mul3A_643 : i32
              %add3A_645 = vector.broadcast %mul3A_644 : i32 to vector<16xi32>
              %add3A_646 = arith.addi %iota3A, %add3A_645 : vector<16xi32>
              %masked_sort3A_647 = arith.constant dense<true> : vector<16xi1>
              %masked_sort3A_648, %masked_sort3A_649, %masked_sort3A_650 = tpu.sort %get3A_642, %add3A_646 masked %masked_sort3A_647 {descending = true} : (vector<16xf32>, vector<16xi32>, vector<16xi1>) -> (vector<16xi1>, vector<16xf32>, vector<16xi32>)
              %rev3A = arith.constant 15 : i32
              %rev3A_651 = vector.broadcast %rev3A : i32 to vector<16xi32>
              %rev3A_652 = tpu.iota {dimensions = array<i32: 0>} : vector<16xi32>
              %rev3A_653 = arith.subi %rev3A_651, %rev3A_652 : vector<16xi32>
              %rev3A_654 = tpu.dynamic_gather %masked_sort3A_649[%rev3A_653] in [0] : vector<16xf32>, vector<16xi32> -> vector<16xf32>
              %rev3A_655 = arith.constant 15 : i32
              %rev3A_656 = vector.broadcast %rev3A_655 : i32 to vector<16xi32>
              %rev3A_657 = tpu.iota {dimensions = array<i32: 0>} : vector<16xi32>
              %rev3A_658 = arith.subi %rev3A_656, %rev3A_657 : vector<16xi32>
              %rev3A_659 = tpu.dynamic_gather %masked_sort3A_650[%rev3A_658] in [0] : vector<16xi32>, vector<16xi32> -> vector<16xi32>
              %ge3A = arith.cmpf oge, %while3A_636, %rev3A_654 : vector<16xf32>
              %select_n3A_660 = arith.select %ge3A, %while3A_636, %rev3A_654 : vector<16xi1>, vector<16xf32>
              %select_n3A_661 = arith.select %ge3A, %while3A_637, %rev3A_659 : vector<16xi1>, vector<16xi32>
              %masked_sort3A_662 = arith.constant dense<true> : vector<16xi1>
              %masked_sort3A_663, %masked_sort3A_664, %masked_sort3A_665 = tpu.sort %select_n3A_660, %select_n3A_661 masked %masked_sort3A_662 {descending = true} : (vector<16xf32>, vector<16xi32>, vector<16xi1>) -> (vector<16xi1>, vector<16xf32>, vector<16xi32>)
              scf.yield %masked_sort3A_664, %masked_sort3A_665 : vector<16xf32>, vector<16xi32>
            }
            %while3A_581 = arith.constant 1 : i32
            %while3A_582:2 = scf.for %while3A_635 = %while3A_578 to %while3A_574 step %while3A_581 iter_args(%while3A_636 = %while3A_580#0, %while3A_637 = %while3A_580#1) -> (vector<16xf32>, vector<16xi32>)  : i32 {
              %mul3A_638 = arith.constant 16 : i32
              %mul3A_639 = arith.muli %while3A_635, %mul3A_638 : i32
              %add3A_640 = arith.addi %mul3A_543, %mul3A_639 : i32
              %get3A_641 = arith.index_cast %add3A_640 : i32 to index
              %get3A_642 = tpu.vector_load %arg8[%get3A_641] {strides = array<i32>} : memref<8192xf32, #tpu.memory_space<vmem>>, vector<16xf32>,
              %mul3A_643 = arith.constant 16 : i32
              %mul3A_644 = arith.muli %while3A_635, %mul3A_643 : i32
              %add3A_645 = vector.broadcast %mul3A_644 : i32 to vector<16xi32>
              %add3A_646 = arith.addi %iota3A, %add3A_645 : vector<16xi32>
              %masked_sort3A_647 = arith.constant dense<true> : vector<16xi1>
              %masked_sort3A_648, %masked_sort3A_649, %masked_sort3A_650 = tpu.sort %get3A_642, %add3A_646 masked %masked_sort3A_647 {descending = true} : (vector<16xf32>, vector<16xi32>, vector<16xi1>) -> (vector<16xi1>, vector<16xf32>, vector<16xi32>)
              %rev3A = arith.constant 15 : i32
              %rev3A_651 = vector.broadcast %rev3A : i32 to vector<16xi32>
              %rev3A_652 = tpu.iota {dimensions = array<i32: 0>} : vector<16xi32>
              %rev3A_653 = arith.subi %rev3A_651, %rev3A_652 : vector<16xi32>
              %rev3A_654 = tpu.dynamic_gather %masked_sort3A_649[%rev3A_653] in [0] : vector<16xf32>, vector<16xi32> -> vector<16xf32>
              %rev3A_655 = arith.constant 15 : i32
              %rev3A_656 = vector.broadcast %rev3A_655 : i32 to vector<16xi32>
              %rev3A_657 = tpu.iota {dimensions = array<i32: 0>} : vector<16xi32>
              %rev3A_658 = arith.subi %rev3A_656, %rev3A_657 : vector<16xi32>
              %rev3A_659 = tpu.dynamic_gather %masked_sort3A_650[%rev3A_658] in [0] : vector<16xi32>, vector<16xi32> -> vector<16xi32>
              %ge3A = arith.cmpf oge, %while3A_636, %rev3A_654 : vector<16xf32>
              %select_n3A_660 = arith.select %ge3A, %while3A_636, %rev3A_654 : vector<16xi1>, vector<16xf32>
              %select_n3A_661 = arith.select %ge3A, %while3A_637, %rev3A_659 : vector<16xi1>, vector<16xi32>
              %masked_sort3A_662 = arith.constant dense<true> : vector<16xi1>
              %masked_sort3A_663, %masked_sort3A_664, %masked_sort3A_665 = tpu.sort %select_n3A_660, %select_n3A_661 masked %masked_sort3A_662 {descending = true} : (vector<16xf32>, vector<16xi32>, vector<16xi1>) -> (vector<16xi1>, vector<16xf32>, vector<16xi32>)
              scf.yield %masked_sort3A_664, %masked_sort3A_665 : vector<16xf32>, vector<16xi32>
            }
            %add3A_583 = vector.broadcast %mul3A_543 : i32 to vector<16xi32>
            %add3A_584 = arith.addi %add3A_583, %while3A_582#1 : vector<16xi32>
            %gather3A = tpu.vector_load_idx %arg8[%add3A_584] : memref<8192xf32, #tpu.memory_space<vmem>>[vector<16xi32>], vector<16xf32>,
            %add3A_585 = vector.broadcast %mul3A_543 : i32 to vector<16xi32>
            %add3A_586 = arith.addi %add3A_585, %while3A_582#1 : vector<16xi32>
            tpu.vector_store_idx %arg8[%add3A_586], %broadcast_in_dim3A_3 : memref<8192xf32, #tpu.memory_space<vmem>>[vector<16xi32>], vector<16xf32>,
            %get3A_587 = arith.index_cast %mul3A_543 : i32 to index
            %get3A_588 = tpu.vector_load %arg8[%get3A_587] {strides = array<i32>} : memref<8192xf32, #tpu.memory_space<vmem>>, vector<16xf32>,
            %masked_sort3A_589 = arith.constant dense<true> : vector<16xi1>
            %masked_sort3A_590, %masked_sort3A_591, %masked_sort3A_592 = tpu.sort %get3A_588, %iota3A masked %masked_sort3A_589 {descending = true} : (vector<16xf32>, vector<16xi32>, vector<16xi1>) -> (vector<16xi1>, vector<16xf32>, vector<16xi32>)
            %while3A_593 = arith.constant 1 : i32
            %while3A_594 = arith.subi %add3A_567, %while3A_593 : i32
            %while3A_595 = arith.addi %while3A_593, %while3A_594 : i32
            %while3A_596 = arith.constant 1 : i32
            %while3A_597 = arith.divsi %while3A_594, %while3A_596 : i32
            %while3A_598 = arith.muli %while3A_597, %while3A_596 : i32
            %while3A_599 = arith.addi %while3A_593, %while3A_598 : i32
            %while3A_600 = arith.constant 1 : i32
            %while3A_601:2 = scf.for %while3A_635 = %while3A_593 to %while3A_599 step %while3A_600 iter_args(%while3A_636 = %masked_sort3A_591, %while3A_637 = %masked_sort3A_592) -> (vector<16xf32>, vector<16xi32>)  : i32 {
              %mul3A_638 = arith.constant 16 : i32
              %mul3A_639 = arith.muli %while3A_635, %mul3A_638 : i32
              %add3A_640 = arith.addi %mul3A_543, %mul3A_639 : i32
              %get3A_641 = arith.index_cast %add3A_640 : i32 to index
              %get3A_642 = tpu.vector_load %arg8[%get3A_641] {strides = array<i32>} : memref<8192xf32, #tpu.memory_space<vmem>>, vector<16xf32>,
              %mul3A_643 = arith.constant 16 : i32
              %mul3A_644 = arith.muli %while3A_635, %mul3A_643 : i32
              %add3A_645 = vector.broadcast %mul3A_644 : i32 to vector<16xi32>
              %add3A_646 = arith.addi %iota3A, %add3A_645 : vector<16xi32>
              %masked_sort3A_647 = arith.constant dense<true> : vector<16xi1>
              %masked_sort3A_648, %masked_sort3A_649, %masked_sort3A_650 = tpu.sort %get3A_642, %add3A_646 masked %masked_sort3A_647 {descending = true} : (vector<16xf32>, vector<16xi32>, vector<16xi1>) -> (vector<16xi1>, vector<16xf32>, vector<16xi32>)
              %rev3A = arith.constant 15 : i32
              %rev3A_651 = vector.broadcast %rev3A : i32 to vector<16xi32>
              %rev3A_652 = tpu.iota {dimensions = array<i32: 0>} : vector<16xi32>
              %rev3A_653 = arith.subi %rev3A_651, %rev3A_652 : vector<16xi32>
              %rev3A_654 = tpu.dynamic_gather %masked_sort3A_649[%rev3A_653] in [0] : vector<16xf32>, vector<16xi32> -> vector<16xf32>
              %rev3A_655 = arith.constant 15 : i32
              %rev3A_656 = vector.broadcast %rev3A_655 : i32 to vector<16xi32>
              %rev3A_657 = tpu.iota {dimensions = array<i32: 0>} : vector<16xi32>
              %rev3A_658 = arith.subi %rev3A_656, %rev3A_657 : vector<16xi32>
              %rev3A_659 = tpu.dynamic_gather %masked_sort3A_650[%rev3A_658] in [0] : vector<16xi32>, vector<16xi32> -> vector<16xi32>
              %ge3A = arith.cmpf oge, %while3A_636, %rev3A_654 : vector<16xf32>
              %select_n3A_660 = arith.select %ge3A, %while3A_636, %rev3A_654 : vector<16xi1>, vector<16xf32>
              %select_n3A_661 = arith.select %ge3A, %while3A_637, %rev3A_659 : vector<16xi1>, vector<16xi32>
              %masked_sort3A_662 = arith.constant dense<true> : vector<16xi1>
              %masked_sort3A_663, %masked_sort3A_664, %masked_sort3A_665 = tpu.sort %select_n3A_660, %select_n3A_661 masked %masked_sort3A_662 {descending = true} : (vector<16xf32>, vector<16xi32>, vector<16xi1>) -> (vector<16xi1>, vector<16xf32>, vector<16xi32>)
              scf.yield %masked_sort3A_664, %masked_sort3A_665 : vector<16xf32>, vector<16xi32>
            }
            %while3A_602 = arith.constant 1 : i32
            %while3A_603:2 = scf.for %while3A_635 = %while3A_599 to %while3A_595 step %while3A_602 iter_args(%while3A_636 = %while3A_601#0, %while3A_637 = %while3A_601#1) -> (vector<16xf32>, vector<16xi32>)  : i32 {
              %mul3A_638 = arith.constant 16 : i32
              %mul3A_639 = arith.muli %while3A_635, %mul3A_638 : i32
              %add3A_640 = arith.addi %mul3A_543, %mul3A_639 : i32
              %get3A_641 = arith.index_cast %add3A_640 : i32 to index
              %get3A_642 = tpu.vector_load %arg8[%get3A_641] {strides = array<i32>} : memref<8192xf32, #tpu.memory_space<vmem>>, vector<16xf32>,
              %mul3A_643 = arith.constant 16 : i32
              %mul3A_644 = arith.muli %while3A_635, %mul3A_643 : i32
              %add3A_645 = vector.broadcast %mul3A_644 : i32 to vector<16xi32>
              %add3A_646 = arith.addi %iota3A, %add3A_645 : vector<16xi32>
              %masked_sort3A_647 = arith.constant dense<true> : vector<16xi1>
              %masked_sort3A_648, %masked_sort3A_649, %masked_sort3A_650 = tpu.sort %get3A_642, %add3A_646 masked %masked_sort3A_647 {descending = true} : (vector<16xf32>, vector<16xi32>, vector<16xi1>) -> (vector<16xi1>, vector<16xf32>, vector<16xi32>)
              %rev3A = arith.constant 15 : i32
              %rev3A_651 = vector.broadcast %rev3A : i32 to vector<16xi32>
              %rev3A_652 = tpu.iota {dimensions = array<i32: 0>} : vector<16xi32>
              %rev3A_653 = arith.subi %rev3A_651, %rev3A_652 : vector<16xi32>
              %rev3A_654 = tpu.dynamic_gather %masked_sort3A_649[%rev3A_653] in [0] : vector<16xf32>, vector<16xi32> -> vector<16xf32>
              %rev3A_655 = arith.constant 15 : i32
              %rev3A_656 = vector.broadcast %rev3A_655 : i32 to vector<16xi32>
              %rev3A_657 = tpu.iota {dimensions = array<i32: 0>} : vector<16xi32>
              %rev3A_658 = arith.subi %rev3A_656, %rev3A_657 : vector<16xi32>
              %rev3A_659 = tpu.dynamic_gather %masked_sort3A_650[%rev3A_658] in [0] : vector<16xi32>, vector<16xi32> -> vector<16xi32>
              %ge3A = arith.cmpf oge, %while3A_636, %rev3A_654 : vector<16xf32>
              %select_n3A_660 = arith.select %ge3A, %while3A_636, %rev3A_654 : vector<16xi1>, vector<16xf32>
              %select_n3A_661 = arith.select %ge3A, %while3A_637, %rev3A_659 : vector<16xi1>, vector<16xi32>
              %masked_sort3A_662 = arith.constant dense<true> : vector<16xi1>
              %masked_sort3A_663, %masked_sort3A_664, %masked_sort3A_665 = tpu.sort %select_n3A_660, %select_n3A_661 masked %masked_sort3A_662 {descending = true} : (vector<16xf32>, vector<16xi32>, vector<16xi1>) -> (vector<16xi1>, vector<16xf32>, vector<16xi32>)
              scf.yield %masked_sort3A_664, %masked_sort3A_665 : vector<16xf32>, vector<16xi32>
            }
            %add3A_604 = vector.broadcast %mul3A_543 : i32 to vector<16xi32>
            %add3A_605 = arith.addi %add3A_604, %while3A_582#1 : vector<16xi32>
            tpu.vector_store_idx %arg8[%add3A_605], %gather3A : memref<8192xf32, #tpu.memory_space<vmem>>[vector<16xi32>], vector<16xf32>,
            %add3A_606 = vector.broadcast %mul3A_543 : i32 to vector<16xi32>
            %add3A_607 = arith.addi %add3A_606, %while3A_582#1 : vector<16xi32>
            %gather3A_608 = tpu.vector_load_idx %arg9[%add3A_607] : memref<8192xi32, #tpu.memory_space<vmem>>[vector<16xi32>], vector<16xi32>,
            %add3A_609 = vector.broadcast %mul3A_543 : i32 to vector<16xi32>
            %add3A_610 = arith.addi %add3A_609, %while3A_603#1 : vector<16xi32>
            %gather3A_611 = tpu.vector_load_idx %arg9[%add3A_610] : memref<8192xi32, #tpu.memory_space<vmem>>[vector<16xi32>], vector<16xi32>,
            %swap3A_612 = arith.index_cast %mul3A_541 : i32 to index
            %swap3A_613 = tpu.vector_load %arg8[%swap3A_612] {strides = array<i32>} : memref<8192xf32, #tpu.memory_space<vmem>>, vector<16xf32>,
            tpu.vector_store %arg8[%swap3A_612], %while3A_582#0 {strides = array<i32>} : memref<8192xf32, #tpu.memory_space<vmem>>, vector<16xf32>,
            %add3A_614 = arith.constant 16 : i32
            %add3A_615 = arith.addi %mul3A_541, %add3A_614 : i32
            %swap3A_616 = arith.index_cast %add3A_615 : i32 to index
            %swap3A_617 = tpu.vector_load %arg8[%swap3A_616] {strides = array<i32>} : memref<8192xf32, #tpu.memory_space<vmem>>, vector<16xf32>,
            tpu.vector_store %arg8[%swap3A_616], %while3A_603#0 {strides = array<i32>} : memref<8192xf32, #tpu.memory_space<vmem>>, vector<16xf32>,
            %swap3A_618 = arith.index_cast %mul3A_541 : i32 to index
            %swap3A_619 = tpu.vector_load %arg9[%swap3A_618] {strides = array<i32>} : memref<8192xi32, #tpu.memory_space<vmem>>, vector<16xi32>,
            tpu.vector_store %arg9[%swap3A_618], %gather3A_608 {strides = array<i32>} : memref<8192xi32, #tpu.memory_space<vmem>>, vector<16xi32>,
            %add3A_620 = arith.constant 16 : i32
            %add3A_621 = arith.addi %mul3A_541, %add3A_620 : i32
            %swap3A_622 = arith.index_cast %add3A_621 : i32 to index
            %swap3A_623 = tpu.vector_load %arg9[%swap3A_622] {strides = array<i32>} : memref<8192xi32, #tpu.memory_space<vmem>>, vector<16xi32>,
            tpu.vector_store %arg9[%swap3A_622], %gather3A_611 {strides = array<i32>} : memref<8192xi32, #tpu.memory_space<vmem>>, vector<16xi32>,
            %swap3A_624 = arith.constant 32 : i32
            %swap3A_625 = arith.index_cast %scan3A_81 : i32 to index
            %swap3A_626 = memref.load %arg13[%swap3A_625] : memref<8xi32, #tpu.memory_space<smem>>
            memref.store %swap3A_624, %arg13[%swap3A_625] : memref<8xi32, #tpu.memory_space<smem>>
            %broadcast_in_dim3A_627 = arith.constant 31 : i32
            %broadcast_in_dim3A_628 = vector.broadcast %broadcast_in_dim3A_627 : i32 to vector<16xi32>
            %add3A_629 = vector.broadcast %mul3A_541 : i32 to vector<16xi32>
            %add3A_630 = arith.addi %broadcast_in_dim3A_628, %add3A_629 : vector<16xi32>
            %gather3A_631 = tpu.vector_load_idx %arg8[%add3A_630] : memref<8192xf32, #tpu.memory_space<vmem>>[vector<16xi32>], vector<16xf32>,
            %swap3A_632 = arith.index_cast %scan3A_81 : i32 to index
            %swap3A_633 = arith.constant 0 : index
            %swap3A_634 = tpu.vector_load %arg12[%swap3A_632, %swap3A_633] {strides = array<i32>} : memref<8x16xf32, #tpu.memory_space<vmem>>, vector<16xf32>,
            tpu.vector_store %arg12[%swap3A_632, %swap3A_633], %gather3A_631 {strides = array<i32>} : memref<8x16xf32, #tpu.memory_space<vmem>>, vector<16xf32>,
          } else {
          }
          %scan3A_539 = arith.constant 0 : i32
          scf.yield %scan3A_539 : i32
        }
        %scan3A_89 = arith.constant 12 : i32
        %scan3A_90 = arith.constant 0 : i32
        scf.yield %scan3A_90 : i32
      }
      %scan3A_65 = arith.constant 8 : i32
      %scan3A_66 = arith.constant 0 : i32
      %scan3A_67 = arith.constant 0 : i32
      %scan3A_68 = arith.constant 8 : i32
      %scan3A_69 = arith.addi %scan3A_67, %scan3A_68 : i32
      %scan3A_70 = arith.constant 1 : i32
      %scan3A_71 = scf.for %scan3A_81 = %scan3A_67 to %scan3A_69 step %scan3A_70 iter_args(%scan3A_82 = %scan3A_66) -> (i32)  : i32 {
        %mul3A_83 = arith.constant 32 : i32
        %mul3A_84 = arith.muli %scan3A_81, %mul3A_83 : i32
        %get3A = arith.index_cast %mul3A_84 : i32 to index
        %get3A_85 = tpu.vector_load %arg7[%get3A] {strides = array<i32>} : memref<256xf32, #tpu.memory_space<vmem>>, vector<16xf32>,
        %mul3A_86 = arith.constant 32 : i32
        %mul3A_87 = arith.muli %scan3A_81, %mul3A_86 : i32
        %add3A_88 = arith.constant 16 : i32
        %add3A_89 = arith.addi %mul3A_87, %add3A_88 : i32
        %get3A_90 = arith.index_cast %add3A_89 : i32 to index
        %get3A_91 = tpu.vector_load %arg7[%get3A_90] {strides = array<i32>} : memref<256xf32, #tpu.memory_space<vmem>>, vector<16xf32>,
        %get3A_92 = arith.index_cast %scan3A_81 : i32 to index
        %get3A_93 = arith.constant 0 : index
        %get3A_94 = tpu.vector_load %arg12[%get3A_92, %get3A_93] {strides = array<i32>} : memref<8x16xf32, #tpu.memory_space<vmem>>, vector<16xf32>,
        %max3A = arith.maximumf %get3A_85, %get3A_91 : vector<16xf32>
        %gt3A = arith.cmpf ogt, %max3A, %get3A_94 : vector<16xf32>
        %reduce_or3A = arith.constant 1.000000e+00 : f32
        %reduce_or3A_95 = arith.constant 0.000000e+00 : f32
        %reduce_or3A_96 = vector.broadcast %reduce_or3A : f32 to vector<16xf32>
        %reduce_or3A_97 = vector.broadcast %reduce_or3A_95 : f32 to vector<16xf32>
        %reduce_or3A_98 = arith.select %gt3A, %reduce_or3A_96, %reduce_or3A_97 : vector<16xi1>, vector<16xf32>
        %reduce_or3A_99 = arith.constant true
        %reduce_or3A_100 = vector.broadcast %reduce_or3A_99 : i1 to vector<16xi1>
        %reduce_or3A_101 = tpu.scan <max>, %reduce_or3A_98 masked %reduce_or3A_100 : vector<16xf32>, vector<16xi1> -> vector<16xf32>
        %reduce_or3A_102 = vector.extract %reduce_or3A_101[15] : f32 from vector<16xf32>
        %reduce_or3A_103 = arith.constant 0.000000e+00 : f32
        %reduce_or3A_104 = arith.cmpf ogt, %reduce_or3A_102, %reduce_or3A_103 : f32
        %convert_element_type3A = arith.extui %reduce_or3A_104 : i1 to i32
        %cond3A = arith.constant 0 : i32
        %cond3A_105 = arith.cmpi ne, %convert_element_type3A, %cond3A : i32
        scf.if %cond3A_105 {
          %add3A_107 = arith.constant 99968 : i32
          %add3A_108 = vector.broadcast %add3A_107 : i32 to vector<16xi32>
          %add3A_109 = arith.addi %add3A_108, %iota3A : vector<16xi32>
          %gt3A_110 = arith.cmpf ogt, %get3A_85, %get3A_94 : vector<16xf32>
          %mul3A_111 = arith.constant 1024 : i32
          %mul3A_112 = arith.muli %scan3A_81, %mul3A_111 : i32
          %get3A_113 = arith.index_cast %scan3A_81 : i32 to index
          %get3A_114 = memref.load %arg13[%get3A_113] : memref<8xi32, #tpu.memory_space<smem>>
          %add3A_115 = arith.addi %mul3A_112, %get3A_114 : i32
          %swap3A = arith.index_cast %add3A_115 : i32 to index
          %swap3A_116 = tpu.vector_load %arg8[%swap3A] masked %gt3A_110 {strides = array<i32>} : memref<8192xf32, #tpu.memory_space<vmem>>, vector<16xf32>, vector<16xi1>
          tpu.vector_store %arg8[%swap3A], %get3A_85 masked %gt3A_110 {strides = array<i32>} : memref<8192xf32, #tpu.memory_space<vmem>>, vector<16xf32>, vector<16xi1>
          %swap3A_117 = arith.index_cast %add3A_115 : i32 to index
          %swap3A_118 = tpu.vector_load %arg9[%swap3A_117] masked %gt3A_110 {strides = array<i32>} : memref<8192xi32, #tpu.memory_space<vmem>>, vector<16xi32>, vector<16xi1>
          tpu.vector_store %arg9[%swap3A_117], %add3A_109 masked %gt3A_110 {strides = array<i32>} : memref<8192xi32, #tpu.memory_space<vmem>>, vector<16xi32>, vector<16xi1>
          %get3A_119 = arith.index_cast %scan3A_81 : i32 to index
          %get3A_120 = memref.load %arg13[%get3A_119] : memref<8xi32, #tpu.memory_space<smem>>
          %convert_element_type3A_121 = arith.extui %gt3A_110 : vector<16xi1> to vector<16xi32>
          %reduce_sum3A = arith.constant true
          %reduce_sum3A_122 = vector.broadcast %reduce_sum3A : i1 to vector<16xi1>
          %reduce_sum3A_123 = tpu.scan <sum>, %convert_element_type3A_121 masked %reduce_sum3A_122 : vector<16xi32>, vector<16xi1> -> vector<16xi32>
          %reduce_sum3A_124 = vector.extract %reduce_sum3A_123[15] : i32 from vector<16xi32>
          %add3A_125 = arith.addi %get3A_120, %reduce_sum3A_124 : i32
          %swap3A_126 = arith.index_cast %scan3A_81 : i32 to index
          %swap3A_127 = memref.load %arg13[%swap3A_126] : memref<8xi32, #tpu.memory_space<smem>>
          memref.store %add3A_125, %arg13[%swap3A_126] : memref<8xi32, #tpu.memory_space<smem>>
          %add3A_128 = arith.constant 99984 : i32
          %add3A_129 = vector.broadcast %add3A_128 : i32 to vector<16xi32>
          %add3A_130 = arith.addi %add3A_129, %iota3A : vector<16xi32>
          %gt3A_131 = arith.cmpf ogt, %get3A_91, %get3A_94 : vector<16xf32>
          %mul3A_132 = arith.constant 1024 : i32
          %mul3A_133 = arith.muli %scan3A_81, %mul3A_132 : i32
          %get3A_134 = arith.index_cast %scan3A_81 : i32 to index
          %get3A_135 = memref.load %arg13[%get3A_134] : memref<8xi32, #tpu.memory_space<smem>>
          %add3A_136 = arith.addi %mul3A_133, %get3A_135 : i32
          %swap3A_137 = arith.index_cast %add3A_136 : i32 to index
          %swap3A_138 = tpu.vector_load %arg8[%swap3A_137] masked %gt3A_131 {strides = array<i32>} : memref<8192xf32, #tpu.memory_space<vmem>>, vector<16xf32>, vector<16xi1>
          tpu.vector_store %arg8[%swap3A_137], %get3A_91 masked %gt3A_131 {strides = array<i32>} : memref<8192xf32, #tpu.memory_space<vmem>>, vector<16xf32>, vector<16xi1>
          %swap3A_139 = arith.index_cast %add3A_136 : i32 to index
          %swap3A_140 = tpu.vector_load %arg9[%swap3A_139] masked %gt3A_131 {strides = array<i32>} : memref<8192xi32, #tpu.memory_space<vmem>>, vector<16xi32>, vector<16xi1>
          tpu.vector_store %arg9[%swap3A_139], %add3A_130 masked %gt3A_131 {strides = array<i32>} : memref<8192xi32, #tpu.memory_space<vmem>>, vector<16xi32>, vector<16xi1>
          %get3A_141 = arith.index_cast %scan3A_81 : i32 to index
          %get3A_142 = memref.load %arg13[%get3A_141] : memref<8xi32, #tpu.memory_space<smem>>
          %convert_element_type3A_143 = arith.extui %gt3A_131 : vector<16xi1> to vector<16xi32>
          %reduce_sum3A_144 = arith.constant true
          %reduce_sum3A_145 = vector.broadcast %reduce_sum3A_144 : i1 to vector<16xi1>
          %reduce_sum3A_146 = tpu.scan <sum>, %convert_element_type3A_143 masked %reduce_sum3A_145 : vector<16xi32>, vector<16xi1> -> vector<16xi32>
          %reduce_sum3A_147 = vector.extract %reduce_sum3A_146[15] : i32 from vector<16xi32>
          %add3A_148 = arith.addi %get3A_142, %reduce_sum3A_147 : i32
          %swap3A_149 = arith.index_cast %scan3A_81 : i32 to index
          %swap3A_150 = memref.load %arg13[%swap3A_149] : memref<8xi32, #tpu.memory_space<smem>>
          memref.store %add3A_148, %arg13[%swap3A_149] : memref<8xi32, #tpu.memory_space<smem>>
          %get3A_151 = arith.index_cast %scan3A_81 : i32 to index
          %get3A_152 = memref.load %arg13[%get3A_151] : memref<8xi32, #tpu.memory_space<smem>>
          %gt3A_153 = arith.constant 656 : i32
          %gt3A_154 = arith.cmpi sgt, %get3A_152, %gt3A_153 : i32
          %convert_element_type3A_155 = arith.extui %gt3A_154 : i1 to i32
          %cond3A_156 = arith.constant 0 : i32
          %cond3A_157 = arith.cmpi ne, %convert_element_type3A_155, %cond3A_156 : i32
          scf.if %cond3A_157 {
            %mul3A_158 = arith.constant 1024 : i32
            %mul3A_159 = arith.muli %scan3A_81, %mul3A_158 : i32
            %mul3A_160 = arith.constant 1024 : i32
            %mul3A_161 = arith.muli %scan3A_81, %mul3A_160 : i32
            %get3A_162 = arith.index_cast %scan3A_81 : i32 to index
            %get3A_163 = memref.load %arg13[%get3A_162] : memref<8xi32, #tpu.memory_space<smem>>
            %add3A_164 = arith.addi %mul3A_161, %get3A_163 : i32
            %swap3A_165 = arith.index_cast %add3A_164 : i32 to index
            %swap3A_166 = tpu.vector_load %arg8[%swap3A_165] {strides = array<i32>} : memref<8192xf32, #tpu.memory_space<vmem>>, vector<16xf32>,
            tpu.vector_store %arg8[%swap3A_165], %broadcast_in_dim3A_3 {strides = array<i32>} : memref<8192xf32, #tpu.memory_space<vmem>>, vector<16xf32>,
            %jit3A = arith.constant 16 : i32
            %div3A = arith.divsi %get3A_163, %jit3A : i32
            %sign3A = arith.constant 0 : i32
            %sign3A_167 = arith.cmpi sgt, %get3A_163, %sign3A : i32
            %sign3A_168 = arith.extui %sign3A_167 : i1 to i32
            %sign3A_169 = arith.constant 0 : i32
            %sign3A_170 = arith.cmpi slt, %get3A_163, %sign3A_169 : i32
            %sign3A_171 = arith.extui %sign3A_170 : i1 to i32
            %sign3A_172 = arith.subi %sign3A_168, %sign3A_171 : i32
            %sign3A_173 = arith.constant 0 : i32
            %sign3A_174 = arith.cmpi sgt, %jit3A, %sign3A_173 : i32
            %sign3A_175 = arith.extui %sign3A_174 : i1 to i32
            %sign3A_176 = arith.constant 0 : i32
            %sign3A_177 = arith.cmpi slt, %jit3A, %sign3A_176 : i32
            %sign3A_178 = arith.extui %sign3A_177 : i1 to i32
            %sign3A_179 = arith.subi %sign3A_175, %sign3A_178 : i32
            %ne3A = arith.cmpi ne, %sign3A_172, %sign3A_179 : i32
            %rem3A = arith.remsi %get3A_163, %jit3A : i32
            %ne3A_180 = arith.constant 0 : i32
            %ne3A_181 = arith.cmpi ne, %rem3A, %ne3A_180 : i32
            %and3A = arith.andi %ne3A, %ne3A_181 : i1
            %sub3A = arith.constant 1 : i32
            %sub3A_182 = arith.subi %div3A, %sub3A : i32
            %select_n3A = arith.select %and3A, %sub3A_182, %div3A : i32
            %add3A_183 = arith.constant 1 : i32
            %add3A_184 = arith.addi %select_n3A, %add3A_183 : i32
            %get3A_185 = arith.index_cast %mul3A_161 : i32 to index
            %get3A_186 = tpu.vector_load %arg8[%get3A_185] {strides = array<i32>} : memref<8192xf32, #tpu.memory_space<vmem>>, vector<16xf32>,
            %masked_sort3A = arith.constant dense<true> : vector<16xi1>
            %masked_sort3A_187, %masked_sort3A_188, %masked_sort3A_189 = tpu.sort %get3A_186, %iota3A masked %masked_sort3A {descending = true} : (vector<16xf32>, vector<16xi32>, vector<16xi1>) -> (vector<16xi1>, vector<16xf32>, vector<16xi32>)
            %while3A = arith.constant 1 : i32
            %while3A_190 = arith.subi %add3A_184, %while3A : i32
            %while3A_191 = arith.addi %while3A, %while3A_190 : i32
            %while3A_192 = arith.constant 1 : i32
            %while3A_193 = arith.divsi %while3A_190, %while3A_192 : i32
            %while3A_194 = arith.muli %while3A_193, %while3A_192 : i32
            %while3A_195 = arith.addi %while3A, %while3A_194 : i32
            %while3A_196 = arith.constant 1 : i32
            %while3A_197:2 = scf.for %while3A_252 = %while3A to %while3A_195 step %while3A_196 iter_args(%while3A_253 = %masked_sort3A_188, %while3A_254 = %masked_sort3A_189) -> (vector<16xf32>, vector<16xi32>)  : i32 {
              %mul3A_255 = arith.constant 16 : i32
              %mul3A_256 = arith.muli %while3A_252, %mul3A_255 : i32
              %add3A_257 = arith.addi %mul3A_161, %mul3A_256 : i32
              %get3A_258 = arith.index_cast %add3A_257 : i32 to index
              %get3A_259 = tpu.vector_load %arg8[%get3A_258] {strides = array<i32>} : memref<8192xf32, #tpu.memory_space<vmem>>, vector<16xf32>,
              %mul3A_260 = arith.constant 16 : i32
              %mul3A_261 = arith.muli %while3A_252, %mul3A_260 : i32
              %add3A_262 = vector.broadcast %mul3A_261 : i32 to vector<16xi32>
              %add3A_263 = arith.addi %iota3A, %add3A_262 : vector<16xi32>
              %masked_sort3A_264 = arith.constant dense<true> : vector<16xi1>
              %masked_sort3A_265, %masked_sort3A_266, %masked_sort3A_267 = tpu.sort %get3A_259, %add3A_263 masked %masked_sort3A_264 {descending = true} : (vector<16xf32>, vector<16xi32>, vector<16xi1>) -> (vector<16xi1>, vector<16xf32>, vector<16xi32>)
              %rev3A = arith.constant 15 : i32
              %rev3A_268 = vector.broadcast %rev3A : i32 to vector<16xi32>
              %rev3A_269 = tpu.iota {dimensions = array<i32: 0>} : vector<16xi32>
              %rev3A_270 = arith.subi %rev3A_268, %rev3A_269 : vector<16xi32>
              %rev3A_271 = tpu.dynamic_gather %masked_sort3A_266[%rev3A_270] in [0] : vector<16xf32>, vector<16xi32> -> vector<16xf32>
              %rev3A_272 = arith.constant 15 : i32
              %rev3A_273 = vector.broadcast %rev3A_272 : i32 to vector<16xi32>
              %rev3A_274 = tpu.iota {dimensions = array<i32: 0>} : vector<16xi32>
              %rev3A_275 = arith.subi %rev3A_273, %rev3A_274 : vector<16xi32>
              %rev3A_276 = tpu.dynamic_gather %masked_sort3A_267[%rev3A_275] in [0] : vector<16xi32>, vector<16xi32> -> vector<16xi32>
              %ge3A = arith.cmpf oge, %while3A_253, %rev3A_271 : vector<16xf32>
              %select_n3A_277 = arith.select %ge3A, %while3A_253, %rev3A_271 : vector<16xi1>, vector<16xf32>
              %select_n3A_278 = arith.select %ge3A, %while3A_254, %rev3A_276 : vector<16xi1>, vector<16xi32>
              %masked_sort3A_279 = arith.constant dense<true> : vector<16xi1>
              %masked_sort3A_280, %masked_sort3A_281, %masked_sort3A_282 = tpu.sort %select_n3A_277, %select_n3A_278 masked %masked_sort3A_279 {descending = true} : (vector<16xf32>, vector<16xi32>, vector<16xi1>) -> (vector<16xi1>, vector<16xf32>, vector<16xi32>)
              scf.yield %masked_sort3A_281, %masked_sort3A_282 : vector<16xf32>, vector<16xi32>
            }
            %while3A_198 = arith.constant 1 : i32
            %while3A_199:2 = scf.for %while3A_252 = %while3A_195 to %while3A_191 step %while3A_198 iter_args(%while3A_253 = %while3A_197#0, %while3A_254 = %while3A_197#1) -> (vector<16xf32>, vector<16xi32>)  : i32 {
              %mul3A_255 = arith.constant 16 : i32
              %mul3A_256 = arith.muli %while3A_252, %mul3A_255 : i32
              %add3A_257 = arith.addi %mul3A_161, %mul3A_256 : i32
              %get3A_258 = arith.index_cast %add3A_257 : i32 to index
              %get3A_259 = tpu.vector_load %arg8[%get3A_258] {strides = array<i32>} : memref<8192xf32, #tpu.memory_space<vmem>>, vector<16xf32>,
              %mul3A_260 = arith.constant 16 : i32
              %mul3A_261 = arith.muli %while3A_252, %mul3A_260 : i32
              %add3A_262 = vector.broadcast %mul3A_261 : i32 to vector<16xi32>
              %add3A_263 = arith.addi %iota3A, %add3A_262 : vector<16xi32>
              %masked_sort3A_264 = arith.constant dense<true> : vector<16xi1>
              %masked_sort3A_265, %masked_sort3A_266, %masked_sort3A_267 = tpu.sort %get3A_259, %add3A_263 masked %masked_sort3A_264 {descending = true} : (vector<16xf32>, vector<16xi32>, vector<16xi1>) -> (vector<16xi1>, vector<16xf32>, vector<16xi32>)
              %rev3A = arith.constant 15 : i32
              %rev3A_268 = vector.broadcast %rev3A : i32 to vector<16xi32>
              %rev3A_269 = tpu.iota {dimensions = array<i32: 0>} : vector<16xi32>
              %rev3A_270 = arith.subi %rev3A_268, %rev3A_269 : vector<16xi32>
              %rev3A_271 = tpu.dynamic_gather %masked_sort3A_266[%rev3A_270] in [0] : vector<16xf32>, vector<16xi32> -> vector<16xf32>
              %rev3A_272 = arith.constant 15 : i32
              %rev3A_273 = vector.broadcast %rev3A_272 : i32 to vector<16xi32>
              %rev3A_274 = tpu.iota {dimensions = array<i32: 0>} : vector<16xi32>
              %rev3A_275 = arith.subi %rev3A_273, %rev3A_274 : vector<16xi32>
              %rev3A_276 = tpu.dynamic_gather %masked_sort3A_267[%rev3A_275] in [0] : vector<16xi32>, vector<16xi32> -> vector<16xi32>
              %ge3A = arith.cmpf oge, %while3A_253, %rev3A_271 : vector<16xf32>
              %select_n3A_277 = arith.select %ge3A, %while3A_253, %rev3A_271 : vector<16xi1>, vector<16xf32>
              %select_n3A_278 = arith.select %ge3A, %while3A_254, %rev3A_276 : vector<16xi1>, vector<16xi32>
              %masked_sort3A_279 = arith.constant dense<true> : vector<16xi1>
              %masked_sort3A_280, %masked_sort3A_281, %masked_sort3A_282 = tpu.sort %select_n3A_277, %select_n3A_278 masked %masked_sort3A_279 {descending = true} : (vector<16xf32>, vector<16xi32>, vector<16xi1>) -> (vector<16xi1>, vector<16xf32>, vector<16xi32>)
              scf.yield %masked_sort3A_281, %masked_sort3A_282 : vector<16xf32>, vector<16xi32>
            }
            %add3A_200 = vector.broadcast %mul3A_161 : i32 to vector<16xi32>
            %add3A_201 = arith.addi %add3A_200, %while3A_199#1 : vector<16xi32>
            %gather3A = tpu.vector_load_idx %arg8[%add3A_201] : memref<8192xf32, #tpu.memory_space<vmem>>[vector<16xi32>], vector<16xf32>,
            %add3A_202 = vector.broadcast %mul3A_161 : i32 to vector<16xi32>
            %add3A_203 = arith.addi %add3A_202, %while3A_199#1 : vector<16xi32>
            tpu.vector_store_idx %arg8[%add3A_203], %broadcast_in_dim3A_3 : memref<8192xf32, #tpu.memory_space<vmem>>[vector<16xi32>], vector<16xf32>,
            %get3A_204 = arith.index_cast %mul3A_161 : i32 to index
            %get3A_205 = tpu.vector_load %arg8[%get3A_204] {strides = array<i32>} : memref<8192xf32, #tpu.memory_space<vmem>>, vector<16xf32>,
            %masked_sort3A_206 = arith.constant dense<true> : vector<16xi1>
            %masked_sort3A_207, %masked_sort3A_208, %masked_sort3A_209 = tpu.sort %get3A_205, %iota3A masked %masked_sort3A_206 {descending = true} : (vector<16xf32>, vector<16xi32>, vector<16xi1>) -> (vector<16xi1>, vector<16xf32>, vector<16xi32>)
            %while3A_210 = arith.constant 1 : i32
            %while3A_211 = arith.subi %add3A_184, %while3A_210 : i32
            %while3A_212 = arith.addi %while3A_210, %while3A_211 : i32
            %while3A_213 = arith.constant 1 : i32
            %while3A_214 = arith.divsi %while3A_211, %while3A_213 : i32
            %while3A_215 = arith.muli %while3A_214, %while3A_213 : i32
            %while3A_216 = arith.addi %while3A_210, %while3A_215 : i32
            %while3A_217 = arith.constant 1 : i32
            %while3A_218:2 = scf.for %while3A_252 = %while3A_210 to %while3A_216 step %while3A_217 iter_args(%while3A_253 = %masked_sort3A_208, %while3A_254 = %masked_sort3A_209) -> (vector<16xf32>, vector<16xi32>)  : i32 {
              %mul3A_255 = arith.constant 16 : i32
              %mul3A_256 = arith.muli %while3A_252, %mul3A_255 : i32
              %add3A_257 = arith.addi %mul3A_161, %mul3A_256 : i32
              %get3A_258 = arith.index_cast %add3A_257 : i32 to index
              %get3A_259 = tpu.vector_load %arg8[%get3A_258] {strides = array<i32>} : memref<8192xf32, #tpu.memory_space<vmem>>, vector<16xf32>,
              %mul3A_260 = arith.constant 16 : i32
              %mul3A_261 = arith.muli %while3A_252, %mul3A_260 : i32
              %add3A_262 = vector.broadcast %mul3A_261 : i32 to vector<16xi32>
              %add3A_263 = arith.addi %iota3A, %add3A_262 : vector<16xi32>
              %masked_sort3A_264 = arith.constant dense<true> : vector<16xi1>
              %masked_sort3A_265, %masked_sort3A_266, %masked_sort3A_267 = tpu.sort %get3A_259, %add3A_263 masked %masked_sort3A_264 {descending = true} : (vector<16xf32>, vector<16xi32>, vector<16xi1>) -> (vector<16xi1>, vector<16xf32>, vector<16xi32>)
              %rev3A = arith.constant 15 : i32
              %rev3A_268 = vector.broadcast %rev3A : i32 to vector<16xi32>
              %rev3A_269 = tpu.iota {dimensions = array<i32: 0>} : vector<16xi32>
              %rev3A_270 = arith.subi %rev3A_268, %rev3A_269 : vector<16xi32>
              %rev3A_271 = tpu.dynamic_gather %masked_sort3A_266[%rev3A_270] in [0] : vector<16xf32>, vector<16xi32> -> vector<16xf32>
              %rev3A_272 = arith.constant 15 : i32
              %rev3A_273 = vector.broadcast %rev3A_272 : i32 to vector<16xi32>
              %rev3A_274 = tpu.iota {dimensions = array<i32: 0>} : vector<16xi32>
              %rev3A_275 = arith.subi %rev3A_273, %rev3A_274 : vector<16xi32>
              %rev3A_276 = tpu.dynamic_gather %masked_sort3A_267[%rev3A_275] in [0] : vector<16xi32>, vector<16xi32> -> vector<16xi32>
              %ge3A = arith.cmpf oge, %while3A_253, %rev3A_271 : vector<16xf32>
              %select_n3A_277 = arith.select %ge3A, %while3A_253, %rev3A_271 : vector<16xi1>, vector<16xf32>
              %select_n3A_278 = arith.select %ge3A, %while3A_254, %rev3A_276 : vector<16xi1>, vector<16xi32>
              %masked_sort3A_279 = arith.constant dense<true> : vector<16xi1>
              %masked_sort3A_280, %masked_sort3A_281, %masked_sort3A_282 = tpu.sort %select_n3A_277, %select_n3A_278 masked %masked_sort3A_279 {descending = true} : (vector<16xf32>, vector<16xi32>, vector<16xi1>) -> (vector<16xi1>, vector<16xf32>, vector<16xi32>)
              scf.yield %masked_sort3A_281, %masked_sort3A_282 : vector<16xf32>, vector<16xi32>
            }
            %while3A_219 = arith.constant 1 : i32
            %while3A_220:2 = scf.for %while3A_252 = %while3A_216 to %while3A_212 step %while3A_219 iter_args(%while3A_253 = %while3A_218#0, %while3A_254 = %while3A_218#1) -> (vector<16xf32>, vector<16xi32>)  : i32 {
              %mul3A_255 = arith.constant 16 : i32
              %mul3A_256 = arith.muli %while3A_252, %mul3A_255 : i32
              %add3A_257 = arith.addi %mul3A_161, %mul3A_256 : i32
              %get3A_258 = arith.index_cast %add3A_257 : i32 to index
              %get3A_259 = tpu.vector_load %arg8[%get3A_258] {strides = array<i32>} : memref<8192xf32, #tpu.memory_space<vmem>>, vector<16xf32>,
              %mul3A_260 = arith.constant 16 : i32
              %mul3A_261 = arith.muli %while3A_252, %mul3A_260 : i32
              %add3A_262 = vector.broadcast %mul3A_261 : i32 to vector<16xi32>
              %add3A_263 = arith.addi %iota3A, %add3A_262 : vector<16xi32>
              %masked_sort3A_264 = arith.constant dense<true> : vector<16xi1>
              %masked_sort3A_265, %masked_sort3A_266, %masked_sort3A_267 = tpu.sort %get3A_259, %add3A_263 masked %masked_sort3A_264 {descending = true} : (vector<16xf32>, vector<16xi32>, vector<16xi1>) -> (vector<16xi1>, vector<16xf32>, vector<16xi32>)
              %rev3A = arith.constant 15 : i32
              %rev3A_268 = vector.broadcast %rev3A : i32 to vector<16xi32>
              %rev3A_269 = tpu.iota {dimensions = array<i32: 0>} : vector<16xi32>
              %rev3A_270 = arith.subi %rev3A_268, %rev3A_269 : vector<16xi32>
              %rev3A_271 = tpu.dynamic_gather %masked_sort3A_266[%rev3A_270] in [0] : vector<16xf32>, vector<16xi32> -> vector<16xf32>
              %rev3A_272 = arith.constant 15 : i32
              %rev3A_273 = vector.broadcast %rev3A_272 : i32 to vector<16xi32>
              %rev3A_274 = tpu.iota {dimensions = array<i32: 0>} : vector<16xi32>
              %rev3A_275 = arith.subi %rev3A_273, %rev3A_274 : vector<16xi32>
              %rev3A_276 = tpu.dynamic_gather %masked_sort3A_267[%rev3A_275] in [0] : vector<16xi32>, vector<16xi32> -> vector<16xi32>
              %ge3A = arith.cmpf oge, %while3A_253, %rev3A_271 : vector<16xf32>
              %select_n3A_277 = arith.select %ge3A, %while3A_253, %rev3A_271 : vector<16xi1>, vector<16xf32>
              %select_n3A_278 = arith.select %ge3A, %while3A_254, %rev3A_276 : vector<16xi1>, vector<16xi32>
              %masked_sort3A_279 = arith.constant dense<true> : vector<16xi1>
              %masked_sort3A_280, %masked_sort3A_281, %masked_sort3A_282 = tpu.sort %select_n3A_277, %select_n3A_278 masked %masked_sort3A_279 {descending = true} : (vector<16xf32>, vector<16xi32>, vector<16xi1>) -> (vector<16xi1>, vector<16xf32>, vector<16xi32>)
              scf.yield %masked_sort3A_281, %masked_sort3A_282 : vector<16xf32>, vector<16xi32>
            }
            %add3A_221 = vector.broadcast %mul3A_161 : i32 to vector<16xi32>
            %add3A_222 = arith.addi %add3A_221, %while3A_199#1 : vector<16xi32>
            tpu.vector_store_idx %arg8[%add3A_222], %gather3A : memref<8192xf32, #tpu.memory_space<vmem>>[vector<16xi32>], vector<16xf32>,
            %add3A_223 = vector.broadcast %mul3A_161 : i32 to vector<16xi32>
            %add3A_224 = arith.addi %add3A_223, %while3A_199#1 : vector<16xi32>
            %gather3A_225 = tpu.vector_load_idx %arg9[%add3A_224] : memref<8192xi32, #tpu.memory_space<vmem>>[vector<16xi32>], vector<16xi32>,
            %add3A_226 = vector.broadcast %mul3A_161 : i32 to vector<16xi32>
            %add3A_227 = arith.addi %add3A_226, %while3A_220#1 : vector<16xi32>
            %gather3A_228 = tpu.vector_load_idx %arg9[%add3A_227] : memref<8192xi32, #tpu.memory_space<vmem>>[vector<16xi32>], vector<16xi32>,
            %swap3A_229 = arith.index_cast %mul3A_159 : i32 to index
            %swap3A_230 = tpu.vector_load %arg8[%swap3A_229] {strides = array<i32>} : memref<8192xf32, #tpu.memory_space<vmem>>, vector<16xf32>,
            tpu.vector_store %arg8[%swap3A_229], %while3A_199#0 {strides = array<i32>} : memref<8192xf32, #tpu.memory_space<vmem>>, vector<16xf32>,
            %add3A_231 = arith.constant 16 : i32
            %add3A_232 = arith.addi %mul3A_159, %add3A_231 : i32
            %swap3A_233 = arith.index_cast %add3A_232 : i32 to index
            %swap3A_234 = tpu.vector_load %arg8[%swap3A_233] {strides = array<i32>} : memref<8192xf32, #tpu.memory_space<vmem>>, vector<16xf32>,
            tpu.vector_store %arg8[%swap3A_233], %while3A_220#0 {strides = array<i32>} : memref<8192xf32, #tpu.memory_space<vmem>>, vector<16xf32>,
            %swap3A_235 = arith.index_cast %mul3A_159 : i32 to index
            %swap3A_236 = tpu.vector_load %arg9[%swap3A_235] {strides = array<i32>} : memref<8192xi32, #tpu.memory_space<vmem>>, vector<16xi32>,
            tpu.vector_store %arg9[%swap3A_235], %gather3A_225 {strides = array<i32>} : memref<8192xi32, #tpu.memory_space<vmem>>, vector<16xi32>,
            %add3A_237 = arith.constant 16 : i32
            %add3A_238 = arith.addi %mul3A_159, %add3A_237 : i32
            %swap3A_239 = arith.index_cast %add3A_238 : i32 to index
            %swap3A_240 = tpu.vector_load %arg9[%swap3A_239] {strides = array<i32>} : memref<8192xi32, #tpu.memory_space<vmem>>, vector<16xi32>,
            tpu.vector_store %arg9[%swap3A_239], %gather3A_228 {strides = array<i32>} : memref<8192xi32, #tpu.memory_space<vmem>>, vector<16xi32>,
            %swap3A_241 = arith.constant 32 : i32
            %swap3A_242 = arith.index_cast %scan3A_81 : i32 to index
            %swap3A_243 = memref.load %arg13[%swap3A_242] : memref<8xi32, #tpu.memory_space<smem>>
            memref.store %swap3A_241, %arg13[%swap3A_242] : memref<8xi32, #tpu.memory_space<smem>>
            %broadcast_in_dim3A_244 = arith.constant 31 : i32
            %broadcast_in_dim3A_245 = vector.broadcast %broadcast_in_dim3A_244 : i32 to vector<16xi32>
            %add3A_246 = vector.broadcast %mul3A_159 : i32 to vector<16xi32>
            %add3A_247 = arith.addi %broadcast_in_dim3A_245, %add3A_246 : vector<16xi32>
            %gather3A_248 = tpu.vector_load_idx %arg8[%add3A_247] : memref<8192xf32, #tpu.memory_space<vmem>>[vector<16xi32>], vector<16xf32>,
            %swap3A_249 = arith.index_cast %scan3A_81 : i32 to index
            %swap3A_250 = arith.constant 0 : index
            %swap3A_251 = tpu.vector_load %arg12[%swap3A_249, %swap3A_250] {strides = array<i32>} : memref<8x16xf32, #tpu.memory_space<vmem>>, vector<16xf32>,
            tpu.vector_store %arg12[%swap3A_249, %swap3A_250], %gather3A_248 {strides = array<i32>} : memref<8x16xf32, #tpu.memory_space<vmem>>, vector<16xf32>,
          } else {
          }
        } else {
        }
        %scan3A_106 = arith.constant 0 : i32
        scf.yield %scan3A_106 : i32
      }
      %scan3A_72 = arith.constant 8 : i32
      %scan3A_73 = arith.constant 0 : i32
      %scan3A_74 = arith.constant 0 : i32
      %scan3A_75 = arith.constant 8 : i32
      %scan3A_76 = arith.addi %scan3A_74, %scan3A_75 : i32
      %scan3A_77 = arith.constant 1 : i32
      %scan3A_78 = scf.for %scan3A_81 = %scan3A_74 to %scan3A_76 step %scan3A_77 iter_args(%scan3A_82 = %scan3A_73) -> (i32)  : i32 {
        %mul3A_83 = arith.constant 1024 : i32
        %mul3A_84 = arith.muli %scan3A_81, %mul3A_83 : i32
        %get3A = arith.index_cast %scan3A_81 : i32 to index
        %get3A_85 = memref.load %arg13[%get3A] : memref<8xi32, #tpu.memory_space<smem>>
        %add3A_86 = arith.addi %mul3A_84, %get3A_85 : i32
        %swap3A = arith.index_cast %add3A_86 : i32 to index
        %swap3A_87 = tpu.vector_load %arg8[%swap3A] {strides = array<i32>} : memref<8192xf32, #tpu.memory_space<vmem>>, vector<16xf32>,
        tpu.vector_store %arg8[%swap3A], %broadcast_in_dim3A_3 {strides = array<i32>} : memref<8192xf32, #tpu.memory_space<vmem>>, vector<16xf32>,
        %jit3A = arith.constant 16 : i32
        %div3A = arith.divsi %get3A_85, %jit3A : i32
        %sign3A = arith.constant 0 : i32
        %sign3A_88 = arith.cmpi sgt, %get3A_85, %sign3A : i32
        %sign3A_89 = arith.extui %sign3A_88 : i1 to i32
        %sign3A_90 = arith.constant 0 : i32
        %sign3A_91 = arith.cmpi slt, %get3A_85, %sign3A_90 : i32
        %sign3A_92 = arith.extui %sign3A_91 : i1 to i32
        %sign3A_93 = arith.subi %sign3A_89, %sign3A_92 : i32
        %sign3A_94 = arith.constant 0 : i32
        %sign3A_95 = arith.cmpi sgt, %jit3A, %sign3A_94 : i32
        %sign3A_96 = arith.extui %sign3A_95 : i1 to i32
        %sign3A_97 = arith.constant 0 : i32
        %sign3A_98 = arith.cmpi slt, %jit3A, %sign3A_97 : i32
        %sign3A_99 = arith.extui %sign3A_98 : i1 to i32
        %sign3A_100 = arith.subi %sign3A_96, %sign3A_99 : i32
        %ne3A = arith.cmpi ne, %sign3A_93, %sign3A_100 : i32
        %rem3A = arith.remsi %get3A_85, %jit3A : i32
        %ne3A_101 = arith.constant 0 : i32
        %ne3A_102 = arith.cmpi ne, %rem3A, %ne3A_101 : i32
        %and3A = arith.andi %ne3A, %ne3A_102 : i1
        %sub3A = arith.constant 1 : i32
        %sub3A_103 = arith.subi %div3A, %sub3A : i32
        %select_n3A = arith.select %and3A, %sub3A_103, %div3A : i32
        %add3A_104 = arith.constant 1 : i32
        %add3A_105 = arith.addi %select_n3A, %add3A_104 : i32
        %get3A_106 = arith.index_cast %mul3A_84 : i32 to index
        %get3A_107 = tpu.vector_load %arg8[%get3A_106] {strides = array<i32>} : memref<8192xf32, #tpu.memory_space<vmem>>, vector<16xf32>,
        %masked_sort3A = arith.constant dense<true> : vector<16xi1>
        %masked_sort3A_108, %masked_sort3A_109, %masked_sort3A_110 = tpu.sort %get3A_107, %iota3A masked %masked_sort3A {descending = true} : (vector<16xf32>, vector<16xi32>, vector<16xi1>) -> (vector<16xi1>, vector<16xf32>, vector<16xi32>)
        %while3A = arith.constant 1 : i32
        %while3A_111 = arith.subi %add3A_105, %while3A : i32
        %while3A_112 = arith.addi %while3A, %while3A_111 : i32
        %while3A_113 = arith.constant 1 : i32
        %while3A_114 = arith.divsi %while3A_111, %while3A_113 : i32
        %while3A_115 = arith.muli %while3A_114, %while3A_113 : i32
        %while3A_116 = arith.addi %while3A, %while3A_115 : i32
        %while3A_117 = arith.constant 1 : i32
        %while3A_118:2 = scf.for %while3A_202 = %while3A to %while3A_116 step %while3A_117 iter_args(%while3A_203 = %masked_sort3A_109, %while3A_204 = %masked_sort3A_110) -> (vector<16xf32>, vector<16xi32>)  : i32 {
          %mul3A_205 = arith.constant 16 : i32
          %mul3A_206 = arith.muli %while3A_202, %mul3A_205 : i32
          %add3A_207 = arith.addi %mul3A_84, %mul3A_206 : i32
          %get3A_208 = arith.index_cast %add3A_207 : i32 to index
          %get3A_209 = tpu.vector_load %arg8[%get3A_208] {strides = array<i32>} : memref<8192xf32, #tpu.memory_space<vmem>>, vector<16xf32>,
          %mul3A_210 = arith.constant 16 : i32
          %mul3A_211 = arith.muli %while3A_202, %mul3A_210 : i32
          %add3A_212 = vector.broadcast %mul3A_211 : i32 to vector<16xi32>
          %add3A_213 = arith.addi %iota3A, %add3A_212 : vector<16xi32>
          %masked_sort3A_214 = arith.constant dense<true> : vector<16xi1>
          %masked_sort3A_215, %masked_sort3A_216, %masked_sort3A_217 = tpu.sort %get3A_209, %add3A_213 masked %masked_sort3A_214 {descending = true} : (vector<16xf32>, vector<16xi32>, vector<16xi1>) -> (vector<16xi1>, vector<16xf32>, vector<16xi32>)
          %rev3A = arith.constant 15 : i32
          %rev3A_218 = vector.broadcast %rev3A : i32 to vector<16xi32>
          %rev3A_219 = tpu.iota {dimensions = array<i32: 0>} : vector<16xi32>
          %rev3A_220 = arith.subi %rev3A_218, %rev3A_219 : vector<16xi32>
          %rev3A_221 = tpu.dynamic_gather %masked_sort3A_216[%rev3A_220] in [0] : vector<16xf32>, vector<16xi32> -> vector<16xf32>
          %rev3A_222 = arith.constant 15 : i32
          %rev3A_223 = vector.broadcast %rev3A_222 : i32 to vector<16xi32>
          %rev3A_224 = tpu.iota {dimensions = array<i32: 0>} : vector<16xi32>
          %rev3A_225 = arith.subi %rev3A_223, %rev3A_224 : vector<16xi32>
          %rev3A_226 = tpu.dynamic_gather %masked_sort3A_217[%rev3A_225] in [0] : vector<16xi32>, vector<16xi32> -> vector<16xi32>
          %ge3A = arith.cmpf oge, %while3A_203, %rev3A_221 : vector<16xf32>
          %select_n3A_227 = arith.select %ge3A, %while3A_203, %rev3A_221 : vector<16xi1>, vector<16xf32>
          %select_n3A_228 = arith.select %ge3A, %while3A_204, %rev3A_226 : vector<16xi1>, vector<16xi32>
          %masked_sort3A_229 = arith.constant dense<true> : vector<16xi1>
          %masked_sort3A_230, %masked_sort3A_231, %masked_sort3A_232 = tpu.sort %select_n3A_227, %select_n3A_228 masked %masked_sort3A_229 {descending = true} : (vector<16xf32>, vector<16xi32>, vector<16xi1>) -> (vector<16xi1>, vector<16xf32>, vector<16xi32>)
          scf.yield %masked_sort3A_231, %masked_sort3A_232 : vector<16xf32>, vector<16xi32>
        }
        %while3A_119 = arith.constant 1 : i32
        %while3A_120:2 = scf.for %while3A_202 = %while3A_116 to %while3A_112 step %while3A_119 iter_args(%while3A_203 = %while3A_118#0, %while3A_204 = %while3A_118#1) -> (vector<16xf32>, vector<16xi32>)  : i32 {
          %mul3A_205 = arith.constant 16 : i32
          %mul3A_206 = arith.muli %while3A_202, %mul3A_205 : i32
          %add3A_207 = arith.addi %mul3A_84, %mul3A_206 : i32
          %get3A_208 = arith.index_cast %add3A_207 : i32 to index
          %get3A_209 = tpu.vector_load %arg8[%get3A_208] {strides = array<i32>} : memref<8192xf32, #tpu.memory_space<vmem>>, vector<16xf32>,
          %mul3A_210 = arith.constant 16 : i32
          %mul3A_211 = arith.muli %while3A_202, %mul3A_210 : i32
          %add3A_212 = vector.broadcast %mul3A_211 : i32 to vector<16xi32>
          %add3A_213 = arith.addi %iota3A, %add3A_212 : vector<16xi32>
          %masked_sort3A_214 = arith.constant dense<true> : vector<16xi1>
          %masked_sort3A_215, %masked_sort3A_216, %masked_sort3A_217 = tpu.sort %get3A_209, %add3A_213 masked %masked_sort3A_214 {descending = true} : (vector<16xf32>, vector<16xi32>, vector<16xi1>) -> (vector<16xi1>, vector<16xf32>, vector<16xi32>)
          %rev3A = arith.constant 15 : i32
          %rev3A_218 = vector.broadcast %rev3A : i32 to vector<16xi32>
          %rev3A_219 = tpu.iota {dimensions = array<i32: 0>} : vector<16xi32>
          %rev3A_220 = arith.subi %rev3A_218, %rev3A_219 : vector<16xi32>
          %rev3A_221 = tpu.dynamic_gather %masked_sort3A_216[%rev3A_220] in [0] : vector<16xf32>, vector<16xi32> -> vector<16xf32>
          %rev3A_222 = arith.constant 15 : i32
          %rev3A_223 = vector.broadcast %rev3A_222 : i32 to vector<16xi32>
          %rev3A_224 = tpu.iota {dimensions = array<i32: 0>} : vector<16xi32>
          %rev3A_225 = arith.subi %rev3A_223, %rev3A_224 : vector<16xi32>
          %rev3A_226 = tpu.dynamic_gather %masked_sort3A_217[%rev3A_225] in [0] : vector<16xi32>, vector<16xi32> -> vector<16xi32>
          %ge3A = arith.cmpf oge, %while3A_203, %rev3A_221 : vector<16xf32>
          %select_n3A_227 = arith.select %ge3A, %while3A_203, %rev3A_221 : vector<16xi1>, vector<16xf32>
          %select_n3A_228 = arith.select %ge3A, %while3A_204, %rev3A_226 : vector<16xi1>, vector<16xi32>
          %masked_sort3A_229 = arith.constant dense<true> : vector<16xi1>
          %masked_sort3A_230, %masked_sort3A_231, %masked_sort3A_232 = tpu.sort %select_n3A_227, %select_n3A_228 masked %masked_sort3A_229 {descending = true} : (vector<16xf32>, vector<16xi32>, vector<16xi1>) -> (vector<16xi1>, vector<16xf32>, vector<16xi32>)
          scf.yield %masked_sort3A_231, %masked_sort3A_232 : vector<16xf32>, vector<16xi32>
        }
        %add3A_121 = vector.broadcast %mul3A_84 : i32 to vector<16xi32>
        %add3A_122 = arith.addi %add3A_121, %while3A_120#1 : vector<16xi32>
        %gather3A = tpu.vector_load_idx %arg8[%add3A_122] : memref<8192xf32, #tpu.memory_space<vmem>>[vector<16xi32>], vector<16xf32>,
        %add3A_123 = vector.broadcast %mul3A_84 : i32 to vector<16xi32>
        %add3A_124 = arith.addi %add3A_123, %while3A_120#1 : vector<16xi32>
        tpu.vector_store_idx %arg8[%add3A_124], %broadcast_in_dim3A_3 : memref<8192xf32, #tpu.memory_space<vmem>>[vector<16xi32>], vector<16xf32>,
        %get3A_125 = arith.index_cast %mul3A_84 : i32 to index
        %get3A_126 = tpu.vector_load %arg8[%get3A_125] {strides = array<i32>} : memref<8192xf32, #tpu.memory_space<vmem>>, vector<16xf32>,
        %masked_sort3A_127 = arith.constant dense<true> : vector<16xi1>
        %masked_sort3A_128, %masked_sort3A_129, %masked_sort3A_130 = tpu.sort %get3A_126, %iota3A masked %masked_sort3A_127 {descending = true} : (vector<16xf32>, vector<16xi32>, vector<16xi1>) -> (vector<16xi1>, vector<16xf32>, vector<16xi32>)
        %while3A_131 = arith.constant 1 : i32
        %while3A_132 = arith.subi %add3A_105, %while3A_131 : i32
        %while3A_133 = arith.addi %while3A_131, %while3A_132 : i32
        %while3A_134 = arith.constant 1 : i32
        %while3A_135 = arith.divsi %while3A_132, %while3A_134 : i32
        %while3A_136 = arith.muli %while3A_135, %while3A_134 : i32
        %while3A_137 = arith.addi %while3A_131, %while3A_136 : i32
        %while3A_138 = arith.constant 1 : i32
        %while3A_139:2 = scf.for %while3A_202 = %while3A_131 to %while3A_137 step %while3A_138 iter_args(%while3A_203 = %masked_sort3A_129, %while3A_204 = %masked_sort3A_130) -> (vector<16xf32>, vector<16xi32>)  : i32 {
          %mul3A_205 = arith.constant 16 : i32
          %mul3A_206 = arith.muli %while3A_202, %mul3A_205 : i32
          %add3A_207 = arith.addi %mul3A_84, %mul3A_206 : i32
          %get3A_208 = arith.index_cast %add3A_207 : i32 to index
          %get3A_209 = tpu.vector_load %arg8[%get3A_208] {strides = array<i32>} : memref<8192xf32, #tpu.memory_space<vmem>>, vector<16xf32>,
          %mul3A_210 = arith.constant 16 : i32
          %mul3A_211 = arith.muli %while3A_202, %mul3A_210 : i32
          %add3A_212 = vector.broadcast %mul3A_211 : i32 to vector<16xi32>
          %add3A_213 = arith.addi %iota3A, %add3A_212 : vector<16xi32>
          %masked_sort3A_214 = arith.constant dense<true> : vector<16xi1>
          %masked_sort3A_215, %masked_sort3A_216, %masked_sort3A_217 = tpu.sort %get3A_209, %add3A_213 masked %masked_sort3A_214 {descending = true} : (vector<16xf32>, vector<16xi32>, vector<16xi1>) -> (vector<16xi1>, vector<16xf32>, vector<16xi32>)
          %rev3A = arith.constant 15 : i32
          %rev3A_218 = vector.broadcast %rev3A : i32 to vector<16xi32>
          %rev3A_219 = tpu.iota {dimensions = array<i32: 0>} : vector<16xi32>
          %rev3A_220 = arith.subi %rev3A_218, %rev3A_219 : vector<16xi32>
          %rev3A_221 = tpu.dynamic_gather %masked_sort3A_216[%rev3A_220] in [0] : vector<16xf32>, vector<16xi32> -> vector<16xf32>
          %rev3A_222 = arith.constant 15 : i32
          %rev3A_223 = vector.broadcast %rev3A_222 : i32 to vector<16xi32>
          %rev3A_224 = tpu.iota {dimensions = array<i32: 0>} : vector<16xi32>
          %rev3A_225 = arith.subi %rev3A_223, %rev3A_224 : vector<16xi32>
          %rev3A_226 = tpu.dynamic_gather %masked_sort3A_217[%rev3A_225] in [0] : vector<16xi32>, vector<16xi32> -> vector<16xi32>
          %ge3A = arith.cmpf oge, %while3A_203, %rev3A_221 : vector<16xf32>
          %select_n3A_227 = arith.select %ge3A, %while3A_203, %rev3A_221 : vector<16xi1>, vector<16xf32>
          %select_n3A_228 = arith.select %ge3A, %while3A_204, %rev3A_226 : vector<16xi1>, vector<16xi32>
          %masked_sort3A_229 = arith.constant dense<true> : vector<16xi1>
          %masked_sort3A_230, %masked_sort3A_231, %masked_sort3A_232 = tpu.sort %select_n3A_227, %select_n3A_228 masked %masked_sort3A_229 {descending = true} : (vector<16xf32>, vector<16xi32>, vector<16xi1>) -> (vector<16xi1>, vector<16xf32>, vector<16xi32>)
          scf.yield %masked_sort3A_231, %masked_sort3A_232 : vector<16xf32>, vector<16xi32>
        }
        %while3A_140 = arith.constant 1 : i32
        %while3A_141:2 = scf.for %while3A_202 = %while3A_137 to %while3A_133 step %while3A_140 iter_args(%while3A_203 = %while3A_139#0, %while3A_204 = %while3A_139#1) -> (vector<16xf32>, vector<16xi32>)  : i32 {
          %mul3A_205 = arith.constant 16 : i32
          %mul3A_206 = arith.muli %while3A_202, %mul3A_205 : i32
          %add3A_207 = arith.addi %mul3A_84, %mul3A_206 : i32
          %get3A_208 = arith.index_cast %add3A_207 : i32 to index
          %get3A_209 = tpu.vector_load %arg8[%get3A_208] {strides = array<i32>} : memref<8192xf32, #tpu.memory_space<vmem>>, vector<16xf32>,
          %mul3A_210 = arith.constant 16 : i32
          %mul3A_211 = arith.muli %while3A_202, %mul3A_210 : i32
          %add3A_212 = vector.broadcast %mul3A_211 : i32 to vector<16xi32>
          %add3A_213 = arith.addi %iota3A, %add3A_212 : vector<16xi32>
          %masked_sort3A_214 = arith.constant dense<true> : vector<16xi1>
          %masked_sort3A_215, %masked_sort3A_216, %masked_sort3A_217 = tpu.sort %get3A_209, %add3A_213 masked %masked_sort3A_214 {descending = true} : (vector<16xf32>, vector<16xi32>, vector<16xi1>) -> (vector<16xi1>, vector<16xf32>, vector<16xi32>)
          %rev3A = arith.constant 15 : i32
          %rev3A_218 = vector.broadcast %rev3A : i32 to vector<16xi32>
          %rev3A_219 = tpu.iota {dimensions = array<i32: 0>} : vector<16xi32>
          %rev3A_220 = arith.subi %rev3A_218, %rev3A_219 : vector<16xi32>
          %rev3A_221 = tpu.dynamic_gather %masked_sort3A_216[%rev3A_220] in [0] : vector<16xf32>, vector<16xi32> -> vector<16xf32>
          %rev3A_222 = arith.constant 15 : i32
          %rev3A_223 = vector.broadcast %rev3A_222 : i32 to vector<16xi32>
          %rev3A_224 = tpu.iota {dimensions = array<i32: 0>} : vector<16xi32>
          %rev3A_225 = arith.subi %rev3A_223, %rev3A_224 : vector<16xi32>
          %rev3A_226 = tpu.dynamic_gather %masked_sort3A_217[%rev3A_225] in [0] : vector<16xi32>, vector<16xi32> -> vector<16xi32>
          %ge3A = arith.cmpf oge, %while3A_203, %rev3A_221 : vector<16xf32>
          %select_n3A_227 = arith.select %ge3A, %while3A_203, %rev3A_221 : vector<16xi1>, vector<16xf32>
          %select_n3A_228 = arith.select %ge3A, %while3A_204, %rev3A_226 : vector<16xi1>, vector<16xi32>
          %masked_sort3A_229 = arith.constant dense<true> : vector<16xi1>
          %masked_sort3A_230, %masked_sort3A_231, %masked_sort3A_232 = tpu.sort %select_n3A_227, %select_n3A_228 masked %masked_sort3A_229 {descending = true} : (vector<16xf32>, vector<16xi32>, vector<16xi1>) -> (vector<16xi1>, vector<16xf32>, vector<16xi32>)
          scf.yield %masked_sort3A_231, %masked_sort3A_232 : vector<16xf32>, vector<16xi32>
        }
        %add3A_142 = vector.broadcast %mul3A_84 : i32 to vector<16xi32>
        %add3A_143 = arith.addi %add3A_142, %while3A_120#1 : vector<16xi32>
        tpu.vector_store_idx %arg8[%add3A_143], %gather3A : memref<8192xf32, #tpu.memory_space<vmem>>[vector<16xi32>], vector<16xf32>,
        %add3A_144 = vector.broadcast %mul3A_84 : i32 to vector<16xi32>
        %add3A_145 = arith.addi %add3A_144, %while3A_120#1 : vector<16xi32>
        %gather3A_146 = tpu.vector_load_idx %arg9[%add3A_145] : memref<8192xi32, #tpu.memory_space<vmem>>[vector<16xi32>], vector<16xi32>,
        %add3A_147 = vector.broadcast %mul3A_84 : i32 to vector<16xi32>
        %add3A_148 = arith.addi %add3A_147, %while3A_141#1 : vector<16xi32>
        %gather3A_149 = tpu.vector_load_idx %arg9[%add3A_148] : memref<8192xi32, #tpu.memory_space<vmem>>[vector<16xi32>], vector<16xi32>,
        %mul3A_150 = arith.constant 8 : i32
        %mul3A_151 = arith.muli %scan3A_14, %mul3A_150 : i32
        %add3A_152 = arith.addi %mul3A_151, %scan3A_81 : i32
        %mul3A_153 = arith.constant 32 : i32
        %mul3A_154 = arith.muli %add3A_152, %mul3A_153 : i32
        %swap3A_155 = arith.index_cast %mul3A_154 : i32 to index
        %swap3A_156 = tpu.vector_load %arg10[%swap3A_155] {strides = array<i32>} : memref<1024xf32, #tpu.memory_space<vmem>>, vector<16xf32>,
        tpu.vector_store %arg10[%swap3A_155], %while3A_120#0 {strides = array<i32>} : memref<1024xf32, #tpu.memory_space<vmem>>, vector<16xf32>,
        %mul3A_157 = arith.constant 32 : i32
        %mul3A_158 = arith.muli %add3A_152, %mul3A_157 : i32
        %add3A_159 = arith.constant 16 : i32
        %add3A_160 = arith.addi %mul3A_158, %add3A_159 : i32
        %swap3A_161 = arith.index_cast %add3A_160 : i32 to index
        %swap3A_162 = tpu.vector_load %arg10[%swap3A_161] {strides = array<i32>} : memref<1024xf32, #tpu.memory_space<vmem>>, vector<16xf32>,
        tpu.vector_store %arg10[%swap3A_161], %while3A_141#0 {strides = array<i32>} : memref<1024xf32, #tpu.memory_space<vmem>>, vector<16xf32>,
        %add3A_163 = arith.addi %multiple_of3A, %scan3A_81 : i32
        %shift_right_arithmetic3A = arith.constant 7 : i32
        %shift_right_arithmetic3A_164 = vector.broadcast %shift_right_arithmetic3A : i32 to vector<16xi32>
        %shift_right_arithmetic3A_165 = arith.shrsi %gather3A_146, %shift_right_arithmetic3A_164 : vector<16xi32>
        %mul3A_166 = arith.constant 131072 : i32
        %mul3A_167 = vector.broadcast %mul3A_166 : i32 to vector<16xi32>
        %mul3A_168 = arith.muli %shift_right_arithmetic3A_165, %mul3A_167 : vector<16xi32>
        %mul3A_169 = arith.constant 128 : i32
        %mul3A_170 = arith.muli %add3A_163, %mul3A_169 : i32
        %add3A_171 = vector.broadcast %mul3A_170 : i32 to vector<16xi32>
        %add3A_172 = arith.addi %mul3A_168, %add3A_171 : vector<16xi32>
        %and3A_173 = arith.constant 127 : i32
        %and3A_174 = vector.broadcast %and3A_173 : i32 to vector<16xi32>
        %and3A_175 = arith.andi %gather3A_146, %and3A_174 : vector<16xi32>
        %add3A_176 = arith.addi %add3A_172, %and3A_175 : vector<16xi32>
        %mul3A_177 = arith.constant 32 : i32
        %mul3A_178 = arith.muli %add3A_152, %mul3A_177 : i32
        %swap3A_179 = arith.index_cast %mul3A_178 : i32 to index
        %swap3A_180 = tpu.vector_load %arg11[%swap3A_179] {strides = array<i32>} : memref<1024xi32, #tpu.memory_space<vmem>>, vector<16xi32>,
        tpu.vector_store %arg11[%swap3A_179], %add3A_176 {strides = array<i32>} : memref<1024xi32, #tpu.memory_space<vmem>>, vector<16xi32>,
        %shift_right_arithmetic3A_181 = arith.constant 7 : i32
        %shift_right_arithmetic3A_182 = vector.broadcast %shift_right_arithmetic3A_181 : i32 to vector<16xi32>
        %shift_right_arithmetic3A_183 = arith.shrsi %gather3A_149, %shift_right_arithmetic3A_182 : vector<16xi32>
        %mul3A_184 = arith.constant 131072 : i32
        %mul3A_185 = vector.broadcast %mul3A_184 : i32 to vector<16xi32>
        %mul3A_186 = arith.muli %shift_right_arithmetic3A_183, %mul3A_185 : vector<16xi32>
        %mul3A_187 = arith.constant 128 : i32
        %mul3A_188 = arith.muli %add3A_163, %mul3A_187 : i32
        %add3A_189 = vector.broadcast %mul3A_188 : i32 to vector<16xi32>
        %add3A_190 = arith.addi %mul3A_186, %add3A_189 : vector<16xi32>
        %and3A_191 = arith.constant 127 : i32
        %and3A_192 = vector.broadcast %and3A_191 : i32 to vector<16xi32>
        %and3A_193 = arith.andi %gather3A_149, %and3A_192 : vector<16xi32>
        %add3A_194 = arith.addi %add3A_190, %and3A_193 : vector<16xi32>
        %mul3A_195 = arith.constant 32 : i32
        %mul3A_196 = arith.muli %add3A_152, %mul3A_195 : i32
        %add3A_197 = arith.constant 16 : i32
        %add3A_198 = arith.addi %mul3A_196, %add3A_197 : i32
        %swap3A_199 = arith.index_cast %add3A_198 : i32 to index
        %swap3A_200 = tpu.vector_load %arg11[%swap3A_199] {strides = array<i32>} : memref<1024xi32, #tpu.memory_space<vmem>>, vector<16xi32>,
        tpu.vector_store %arg11[%swap3A_199], %add3A_194 {strides = array<i32>} : memref<1024xi32, #tpu.memory_space<vmem>>, vector<16xi32>,
        %scan3A_201 = arith.constant 0 : i32
        scf.yield %scan3A_201 : i32
      }
      %scan3A_79 = arith.constant 8 : i32
      %scan3A_80 = arith.constant 0 : i32
      scf.yield %scan3A_80 : i32
    }
    %scan3A_9 = arith.constant 4 : i32
    %mul3A_10 = arith.constant 32 : i32
    %mul3A_11 = arith.muli %add3A, %mul3A_10 : i32
    %mul3A_12 = arith.constant 32 : i32
    %mul3A_13 = arith.muli %mul3A_11, %mul3A_12 : i32
    "tpu.region"() ({
      %run_scoped3A = tpu.sem_alloc : memref<!tpu.dma_semaphore, #tpu.memory_space<semaphore_mem>>
      %dma_start3A = tpu.memref_slice %arg4[%mul3A_13] : memref<32768xf32, #tpu.memory_space<hbm>> -> memref<1024xf32, #tpu.memory_space<hbm>>
      %dma_start3A_14 = tpu.memref_slice %arg4[%mul3A_13] : memref<32768xf32, #tpu.memory_space<hbm>> -> memref<1024xf32, #tpu.memory_space<hbm>>
      tpu.enqueue_dma source(%arg10 : memref<1024xf32, #tpu.memory_space<vmem>>) target(%dma_start3A_14 : memref<1024xf32, #tpu.memory_space<hbm>>) target_semaphore(%run_scoped3A : memref<!tpu.dma_semaphore, #tpu.memory_space<semaphore_mem>>)
      %dma_wait3A = tpu.memref_slice %arg4[%mul3A_13] : memref<32768xf32, #tpu.memory_space<hbm>> -> memref<1024xf32, #tpu.memory_space<hbm>>
      %dma_wait3A_15 = tpu.memref_slice %arg4[%mul3A_13] : memref<32768xf32, #tpu.memory_space<hbm>> -> memref<1024xf32, #tpu.memory_space<hbm>>
      tpu.wait_dma2 semaphore(%run_scoped3A : memref<!tpu.dma_semaphore, #tpu.memory_space<semaphore_mem>>) src(%arg10 : memref<1024xf32, #tpu.memory_space<vmem>>) dst(%dma_wait3A_15 : memref<1024xf32, #tpu.memory_space<hbm>>)
      tpu.yield
    }) : () -> ()
    "tpu.region"() ({
      %run_scoped3A = tpu.sem_alloc : memref<!tpu.dma_semaphore, #tpu.memory_space<semaphore_mem>>
      %dma_start3A = tpu.memref_slice %arg5[%mul3A_13] : memref<32768xi32, #tpu.memory_space<hbm>> -> memref<1024xi32, #tpu.memory_space<hbm>>
      %dma_start3A_14 = tpu.memref_slice %arg5[%mul3A_13] : memref<32768xi32, #tpu.memory_space<hbm>> -> memref<1024xi32, #tpu.memory_space<hbm>>
      tpu.enqueue_dma source(%arg11 : memref<1024xi32, #tpu.memory_space<vmem>>) target(%dma_start3A_14 : memref<1024xi32, #tpu.memory_space<hbm>>) target_semaphore(%run_scoped3A : memref<!tpu.dma_semaphore, #tpu.memory_space<semaphore_mem>>)
      %dma_wait3A = tpu.memref_slice %arg5[%mul3A_13] : memref<32768xi32, #tpu.memory_space<hbm>> -> memref<1024xi32, #tpu.memory_space<hbm>>
      %dma_wait3A_15 = tpu.memref_slice %arg5[%mul3A_13] : memref<32768xi32, #tpu.memory_space<hbm>> -> memref<1024xi32, #tpu.memory_space<hbm>>
      tpu.wait_dma2 semaphore(%run_scoped3A : memref<!tpu.dma_semaphore, #tpu.memory_space<semaphore_mem>>) src(%arg11 : memref<1024xi32, #tpu.memory_space<vmem>>) dst(%dma_wait3A_15 : memref<1024xi32, #tpu.memory_space<hbm>>)
      tpu.yield
    }) : () -> ()
    return
  }
}

#map = affine_map<(d0, d1) -> (0)>
module attributes {stable_mosaic.version = 14 : i64} {
  func.func @_sc_gather_body(%arg0: i32, %arg1: i32, %arg2: memref<102760448xf32, #tpu.memory_space<hbm>>, %arg3: memref<32768xi32, #tpu.memory_space<hbm>>, %arg4: memref<32768xf32, #tpu.memory_space<hbm>>, %arg5: memref<1024xi32, #tpu.memory_space<vmem>>, %arg6: memref<1024xf32, #tpu.memory_space<vmem>>, %arg7: memref<!tpu.dma_semaphore, #tpu.memory_space<semaphore_mem>>, %arg8: memref<!tpu.dma_semaphore, #tpu.memory_space<semaphore_mem>>) attributes {dimension_semantics = [#tpu.dimension_semantics<core_parallel>, #tpu.dimension_semantics<subcore_parallel>], iteration_bounds = array<i64: 2, 16>, scalar_prefetch = 0 : i64, scratch_operands = 4 : i64, tpu.core_type = #tpu.core_type<sc_vector_subcore>, window_params = [{transform_indices = #map}, {transform_indices = #map}, {transform_indices = #map}]} {
    %mul3A = arith.constant 2 : i32
    %mul3A_0 = arith.muli %arg1, %mul3A : i32
    %add3A = arith.addi %mul3A_0, %arg0 : i32
    %mul3A_1 = arith.constant 32 : i32
    %mul3A_2 = arith.muli %add3A, %mul3A_1 : i32
    %mul3A_3 = arith.constant 32 : i32
    %mul3A_4 = arith.muli %mul3A_2, %mul3A_3 : i32
    %dma_start3A = tpu.memref_slice %arg3[%mul3A_4] : memref<32768xi32, #tpu.memory_space<hbm>> -> memref<1024xi32, #tpu.memory_space<hbm>>
    %dma_start3A_5 = tpu.memref_slice %arg3[%mul3A_4] : memref<32768xi32, #tpu.memory_space<hbm>> -> memref<1024xi32, #tpu.memory_space<hbm>>
    tpu.enqueue_dma source(%dma_start3A_5 : memref<1024xi32, #tpu.memory_space<hbm>>) target(%arg5 : memref<1024xi32, #tpu.memory_space<vmem>>) target_semaphore(%arg7 : memref<!tpu.dma_semaphore, #tpu.memory_space<semaphore_mem>>)
    %dma_wait3A = tpu.memref_slice %arg3[%mul3A_4] : memref<32768xi32, #tpu.memory_space<hbm>> -> memref<1024xi32, #tpu.memory_space<hbm>>
    %dma_wait3A_6 = tpu.memref_slice %arg3[%mul3A_4] : memref<32768xi32, #tpu.memory_space<hbm>> -> memref<1024xi32, #tpu.memory_space<hbm>>
    tpu.wait_dma2 semaphore(%arg7 : memref<!tpu.dma_semaphore, #tpu.memory_space<semaphore_mem>>) src(%dma_wait3A_6 : memref<1024xi32, #tpu.memory_space<hbm>>) dst(%arg5 : memref<1024xi32, #tpu.memory_space<vmem>>)
    %dma_start3A_7 = arith.constant 0 : i32
    %dma_start3A_8 = tpu.memref_slice %arg6[%dma_start3A_7] : memref<1024xf32, #tpu.memory_space<vmem>> -> memref<128xf32, #tpu.memory_space<vmem>>
    %dma_start3A_9 = arith.constant 0 : i32
    %dma_start3A_10 = tpu.memref_slice %arg5[%dma_start3A_9] : memref<1024xi32, #tpu.memory_space<vmem>> -> memref<128xi32, #tpu.memory_space<vmem>>
    %dma_start3A_11 = arith.constant 0 : i32
    %dma_start3A_12 = tpu.memref_slice %arg2[%dma_start3A_11] : memref<102760448xf32, #tpu.memory_space<hbm>> -> memref<102760448xf32, #tpu.memory_space<hbm>>
    tpu.enqueue_indirect_dma source(%dma_start3A_12 : memref<102760448xf32, #tpu.memory_space<hbm>>) target(%dma_start3A_8 : memref<128xf32, #tpu.memory_space<vmem>>) offsets(%dma_start3A_10 : memref<128xi32, #tpu.memory_space<vmem>>) semaphore(%arg8 : memref<!tpu.dma_semaphore, #tpu.memory_space<semaphore_mem>>)
    %dma_wait3A_13 = arith.constant 0 : i32
    %dma_wait3A_14 = tpu.memref_slice %arg6[%dma_wait3A_13] : memref<1024xf32, #tpu.memory_space<vmem>> -> memref<128xf32, #tpu.memory_space<vmem>>
    %dma_wait3A_15 = arith.constant 0 : i32
    %dma_wait3A_16 = tpu.memref_slice %arg5[%dma_wait3A_15] : memref<1024xi32, #tpu.memory_space<vmem>> -> memref<128xi32, #tpu.memory_space<vmem>>
    %dma_wait3A_17 = arith.constant 0 : i32
    %dma_wait3A_18 = tpu.memref_slice %arg2[%dma_wait3A_17] : memref<102760448xf32, #tpu.memory_space<hbm>> -> memref<102760448xf32, #tpu.memory_space<hbm>>
    tpu.wait_indirect_dma semaphore(%arg8 : memref<!tpu.dma_semaphore, #tpu.memory_space<semaphore_mem>>) src(%dma_wait3A_18 : memref<102760448xf32, #tpu.memory_space<hbm>>) dst(%dma_wait3A_14 : memref<128xf32, #tpu.memory_space<vmem>>)
    %dma_start3A_19 = arith.constant 128 : i32
    %dma_start3A_20 = tpu.memref_slice %arg6[%dma_start3A_19] : memref<1024xf32, #tpu.memory_space<vmem>> -> memref<128xf32, #tpu.memory_space<vmem>>
    %dma_start3A_21 = arith.constant 128 : i32
    %dma_start3A_22 = tpu.memref_slice %arg5[%dma_start3A_21] : memref<1024xi32, #tpu.memory_space<vmem>> -> memref<128xi32, #tpu.memory_space<vmem>>
    %dma_start3A_23 = arith.constant 0 : i32
    %dma_start3A_24 = tpu.memref_slice %arg2[%dma_start3A_23] : memref<102760448xf32, #tpu.memory_space<hbm>> -> memref<102760448xf32, #tpu.memory_space<hbm>>
    tpu.enqueue_indirect_dma source(%dma_start3A_24 : memref<102760448xf32, #tpu.memory_space<hbm>>) target(%dma_start3A_20 : memref<128xf32, #tpu.memory_space<vmem>>) offsets(%dma_start3A_22 : memref<128xi32, #tpu.memory_space<vmem>>) semaphore(%arg8 : memref<!tpu.dma_semaphore, #tpu.memory_space<semaphore_mem>>)
    %dma_wait3A_25 = arith.constant 128 : i32
    %dma_wait3A_26 = tpu.memref_slice %arg6[%dma_wait3A_25] : memref<1024xf32, #tpu.memory_space<vmem>> -> memref<128xf32, #tpu.memory_space<vmem>>
    %dma_wait3A_27 = arith.constant 128 : i32
    %dma_wait3A_28 = tpu.memref_slice %arg5[%dma_wait3A_27] : memref<1024xi32, #tpu.memory_space<vmem>> -> memref<128xi32, #tpu.memory_space<vmem>>
    %dma_wait3A_29 = arith.constant 0 : i32
    %dma_wait3A_30 = tpu.memref_slice %arg2[%dma_wait3A_29] : memref<102760448xf32, #tpu.memory_space<hbm>> -> memref<102760448xf32, #tpu.memory_space<hbm>>
    tpu.wait_indirect_dma semaphore(%arg8 : memref<!tpu.dma_semaphore, #tpu.memory_space<semaphore_mem>>) src(%dma_wait3A_30 : memref<102760448xf32, #tpu.memory_space<hbm>>) dst(%dma_wait3A_26 : memref<128xf32, #tpu.memory_space<vmem>>)
    %dma_start3A_31 = arith.constant 256 : i32
    %dma_start3A_32 = tpu.memref_slice %arg6[%dma_start3A_31] : memref<1024xf32, #tpu.memory_space<vmem>> -> memref<128xf32, #tpu.memory_space<vmem>>
    %dma_start3A_33 = arith.constant 256 : i32
    %dma_start3A_34 = tpu.memref_slice %arg5[%dma_start3A_33] : memref<1024xi32, #tpu.memory_space<vmem>> -> memref<128xi32, #tpu.memory_space<vmem>>
    %dma_start3A_35 = arith.constant 0 : i32
    %dma_start3A_36 = tpu.memref_slice %arg2[%dma_start3A_35] : memref<102760448xf32, #tpu.memory_space<hbm>> -> memref<102760448xf32, #tpu.memory_space<hbm>>
    tpu.enqueue_indirect_dma source(%dma_start3A_36 : memref<102760448xf32, #tpu.memory_space<hbm>>) target(%dma_start3A_32 : memref<128xf32, #tpu.memory_space<vmem>>) offsets(%dma_start3A_34 : memref<128xi32, #tpu.memory_space<vmem>>) semaphore(%arg8 : memref<!tpu.dma_semaphore, #tpu.memory_space<semaphore_mem>>)
    %dma_wait3A_37 = arith.constant 256 : i32
    %dma_wait3A_38 = tpu.memref_slice %arg6[%dma_wait3A_37] : memref<1024xf32, #tpu.memory_space<vmem>> -> memref<128xf32, #tpu.memory_space<vmem>>
    %dma_wait3A_39 = arith.constant 256 : i32
    %dma_wait3A_40 = tpu.memref_slice %arg5[%dma_wait3A_39] : memref<1024xi32, #tpu.memory_space<vmem>> -> memref<128xi32, #tpu.memory_space<vmem>>
    %dma_wait3A_41 = arith.constant 0 : i32
    %dma_wait3A_42 = tpu.memref_slice %arg2[%dma_wait3A_41] : memref<102760448xf32, #tpu.memory_space<hbm>> -> memref<102760448xf32, #tpu.memory_space<hbm>>
    tpu.wait_indirect_dma semaphore(%arg8 : memref<!tpu.dma_semaphore, #tpu.memory_space<semaphore_mem>>) src(%dma_wait3A_42 : memref<102760448xf32, #tpu.memory_space<hbm>>) dst(%dma_wait3A_38 : memref<128xf32, #tpu.memory_space<vmem>>)
    %dma_start3A_43 = arith.constant 384 : i32
    %dma_start3A_44 = tpu.memref_slice %arg6[%dma_start3A_43] : memref<1024xf32, #tpu.memory_space<vmem>> -> memref<128xf32, #tpu.memory_space<vmem>>
    %dma_start3A_45 = arith.constant 384 : i32
    %dma_start3A_46 = tpu.memref_slice %arg5[%dma_start3A_45] : memref<1024xi32, #tpu.memory_space<vmem>> -> memref<128xi32, #tpu.memory_space<vmem>>
    %dma_start3A_47 = arith.constant 0 : i32
    %dma_start3A_48 = tpu.memref_slice %arg2[%dma_start3A_47] : memref<102760448xf32, #tpu.memory_space<hbm>> -> memref<102760448xf32, #tpu.memory_space<hbm>>
    tpu.enqueue_indirect_dma source(%dma_start3A_48 : memref<102760448xf32, #tpu.memory_space<hbm>>) target(%dma_start3A_44 : memref<128xf32, #tpu.memory_space<vmem>>) offsets(%dma_start3A_46 : memref<128xi32, #tpu.memory_space<vmem>>) semaphore(%arg8 : memref<!tpu.dma_semaphore, #tpu.memory_space<semaphore_mem>>)
    %dma_wait3A_49 = arith.constant 384 : i32
    %dma_wait3A_50 = tpu.memref_slice %arg6[%dma_wait3A_49] : memref<1024xf32, #tpu.memory_space<vmem>> -> memref<128xf32, #tpu.memory_space<vmem>>
    %dma_wait3A_51 = arith.constant 384 : i32
    %dma_wait3A_52 = tpu.memref_slice %arg5[%dma_wait3A_51] : memref<1024xi32, #tpu.memory_space<vmem>> -> memref<128xi32, #tpu.memory_space<vmem>>
    %dma_wait3A_53 = arith.constant 0 : i32
    %dma_wait3A_54 = tpu.memref_slice %arg2[%dma_wait3A_53] : memref<102760448xf32, #tpu.memory_space<hbm>> -> memref<102760448xf32, #tpu.memory_space<hbm>>
    tpu.wait_indirect_dma semaphore(%arg8 : memref<!tpu.dma_semaphore, #tpu.memory_space<semaphore_mem>>) src(%dma_wait3A_54 : memref<102760448xf32, #tpu.memory_space<hbm>>) dst(%dma_wait3A_50 : memref<128xf32, #tpu.memory_space<vmem>>)
    %dma_start3A_55 = arith.constant 512 : i32
    %dma_start3A_56 = tpu.memref_slice %arg6[%dma_start3A_55] : memref<1024xf32, #tpu.memory_space<vmem>> -> memref<128xf32, #tpu.memory_space<vmem>>
    %dma_start3A_57 = arith.constant 512 : i32
    %dma_start3A_58 = tpu.memref_slice %arg5[%dma_start3A_57] : memref<1024xi32, #tpu.memory_space<vmem>> -> memref<128xi32, #tpu.memory_space<vmem>>
    %dma_start3A_59 = arith.constant 0 : i32
    %dma_start3A_60 = tpu.memref_slice %arg2[%dma_start3A_59] : memref<102760448xf32, #tpu.memory_space<hbm>> -> memref<102760448xf32, #tpu.memory_space<hbm>>
    tpu.enqueue_indirect_dma source(%dma_start3A_60 : memref<102760448xf32, #tpu.memory_space<hbm>>) target(%dma_start3A_56 : memref<128xf32, #tpu.memory_space<vmem>>) offsets(%dma_start3A_58 : memref<128xi32, #tpu.memory_space<vmem>>) semaphore(%arg8 : memref<!tpu.dma_semaphore, #tpu.memory_space<semaphore_mem>>)
    %dma_wait3A_61 = arith.constant 512 : i32
    %dma_wait3A_62 = tpu.memref_slice %arg6[%dma_wait3A_61] : memref<1024xf32, #tpu.memory_space<vmem>> -> memref<128xf32, #tpu.memory_space<vmem>>
    %dma_wait3A_63 = arith.constant 512 : i32
    %dma_wait3A_64 = tpu.memref_slice %arg5[%dma_wait3A_63] : memref<1024xi32, #tpu.memory_space<vmem>> -> memref<128xi32, #tpu.memory_space<vmem>>
    %dma_wait3A_65 = arith.constant 0 : i32
    %dma_wait3A_66 = tpu.memref_slice %arg2[%dma_wait3A_65] : memref<102760448xf32, #tpu.memory_space<hbm>> -> memref<102760448xf32, #tpu.memory_space<hbm>>
    tpu.wait_indirect_dma semaphore(%arg8 : memref<!tpu.dma_semaphore, #tpu.memory_space<semaphore_mem>>) src(%dma_wait3A_66 : memref<102760448xf32, #tpu.memory_space<hbm>>) dst(%dma_wait3A_62 : memref<128xf32, #tpu.memory_space<vmem>>)
    %dma_start3A_67 = arith.constant 640 : i32
    %dma_start3A_68 = tpu.memref_slice %arg6[%dma_start3A_67] : memref<1024xf32, #tpu.memory_space<vmem>> -> memref<128xf32, #tpu.memory_space<vmem>>
    %dma_start3A_69 = arith.constant 640 : i32
    %dma_start3A_70 = tpu.memref_slice %arg5[%dma_start3A_69] : memref<1024xi32, #tpu.memory_space<vmem>> -> memref<128xi32, #tpu.memory_space<vmem>>
    %dma_start3A_71 = arith.constant 0 : i32
    %dma_start3A_72 = tpu.memref_slice %arg2[%dma_start3A_71] : memref<102760448xf32, #tpu.memory_space<hbm>> -> memref<102760448xf32, #tpu.memory_space<hbm>>
    tpu.enqueue_indirect_dma source(%dma_start3A_72 : memref<102760448xf32, #tpu.memory_space<hbm>>) target(%dma_start3A_68 : memref<128xf32, #tpu.memory_space<vmem>>) offsets(%dma_start3A_70 : memref<128xi32, #tpu.memory_space<vmem>>) semaphore(%arg8 : memref<!tpu.dma_semaphore, #tpu.memory_space<semaphore_mem>>)
    %dma_wait3A_73 = arith.constant 640 : i32
    %dma_wait3A_74 = tpu.memref_slice %arg6[%dma_wait3A_73] : memref<1024xf32, #tpu.memory_space<vmem>> -> memref<128xf32, #tpu.memory_space<vmem>>
    %dma_wait3A_75 = arith.constant 640 : i32
    %dma_wait3A_76 = tpu.memref_slice %arg5[%dma_wait3A_75] : memref<1024xi32, #tpu.memory_space<vmem>> -> memref<128xi32, #tpu.memory_space<vmem>>
    %dma_wait3A_77 = arith.constant 0 : i32
    %dma_wait3A_78 = tpu.memref_slice %arg2[%dma_wait3A_77] : memref<102760448xf32, #tpu.memory_space<hbm>> -> memref<102760448xf32, #tpu.memory_space<hbm>>
    tpu.wait_indirect_dma semaphore(%arg8 : memref<!tpu.dma_semaphore, #tpu.memory_space<semaphore_mem>>) src(%dma_wait3A_78 : memref<102760448xf32, #tpu.memory_space<hbm>>) dst(%dma_wait3A_74 : memref<128xf32, #tpu.memory_space<vmem>>)
    %dma_start3A_79 = arith.constant 768 : i32
    %dma_start3A_80 = tpu.memref_slice %arg6[%dma_start3A_79] : memref<1024xf32, #tpu.memory_space<vmem>> -> memref<128xf32, #tpu.memory_space<vmem>>
    %dma_start3A_81 = arith.constant 768 : i32
    %dma_start3A_82 = tpu.memref_slice %arg5[%dma_start3A_81] : memref<1024xi32, #tpu.memory_space<vmem>> -> memref<128xi32, #tpu.memory_space<vmem>>
    %dma_start3A_83 = arith.constant 0 : i32
    %dma_start3A_84 = tpu.memref_slice %arg2[%dma_start3A_83] : memref<102760448xf32, #tpu.memory_space<hbm>> -> memref<102760448xf32, #tpu.memory_space<hbm>>
    tpu.enqueue_indirect_dma source(%dma_start3A_84 : memref<102760448xf32, #tpu.memory_space<hbm>>) target(%dma_start3A_80 : memref<128xf32, #tpu.memory_space<vmem>>) offsets(%dma_start3A_82 : memref<128xi32, #tpu.memory_space<vmem>>) semaphore(%arg8 : memref<!tpu.dma_semaphore, #tpu.memory_space<semaphore_mem>>)
    %dma_wait3A_85 = arith.constant 768 : i32
    %dma_wait3A_86 = tpu.memref_slice %arg6[%dma_wait3A_85] : memref<1024xf32, #tpu.memory_space<vmem>> -> memref<128xf32, #tpu.memory_space<vmem>>
    %dma_wait3A_87 = arith.constant 768 : i32
    %dma_wait3A_88 = tpu.memref_slice %arg5[%dma_wait3A_87] : memref<1024xi32, #tpu.memory_space<vmem>> -> memref<128xi32, #tpu.memory_space<vmem>>
    %dma_wait3A_89 = arith.constant 0 : i32
    %dma_wait3A_90 = tpu.memref_slice %arg2[%dma_wait3A_89] : memref<102760448xf32, #tpu.memory_space<hbm>> -> memref<102760448xf32, #tpu.memory_space<hbm>>
    tpu.wait_indirect_dma semaphore(%arg8 : memref<!tpu.dma_semaphore, #tpu.memory_space<semaphore_mem>>) src(%dma_wait3A_90 : memref<102760448xf32, #tpu.memory_space<hbm>>) dst(%dma_wait3A_86 : memref<128xf32, #tpu.memory_space<vmem>>)
    %dma_start3A_91 = arith.constant 896 : i32
    %dma_start3A_92 = tpu.memref_slice %arg6[%dma_start3A_91] : memref<1024xf32, #tpu.memory_space<vmem>> -> memref<128xf32, #tpu.memory_space<vmem>>
    %dma_start3A_93 = arith.constant 896 : i32
    %dma_start3A_94 = tpu.memref_slice %arg5[%dma_start3A_93] : memref<1024xi32, #tpu.memory_space<vmem>> -> memref<128xi32, #tpu.memory_space<vmem>>
    %dma_start3A_95 = arith.constant 0 : i32
    %dma_start3A_96 = tpu.memref_slice %arg2[%dma_start3A_95] : memref<102760448xf32, #tpu.memory_space<hbm>> -> memref<102760448xf32, #tpu.memory_space<hbm>>
    tpu.enqueue_indirect_dma source(%dma_start3A_96 : memref<102760448xf32, #tpu.memory_space<hbm>>) target(%dma_start3A_92 : memref<128xf32, #tpu.memory_space<vmem>>) offsets(%dma_start3A_94 : memref<128xi32, #tpu.memory_space<vmem>>) semaphore(%arg8 : memref<!tpu.dma_semaphore, #tpu.memory_space<semaphore_mem>>)
    %dma_wait3A_97 = arith.constant 896 : i32
    %dma_wait3A_98 = tpu.memref_slice %arg6[%dma_wait3A_97] : memref<1024xf32, #tpu.memory_space<vmem>> -> memref<128xf32, #tpu.memory_space<vmem>>
    %dma_wait3A_99 = arith.constant 896 : i32
    %dma_wait3A_100 = tpu.memref_slice %arg5[%dma_wait3A_99] : memref<1024xi32, #tpu.memory_space<vmem>> -> memref<128xi32, #tpu.memory_space<vmem>>
    %dma_wait3A_101 = arith.constant 0 : i32
    %dma_wait3A_102 = tpu.memref_slice %arg2[%dma_wait3A_101] : memref<102760448xf32, #tpu.memory_space<hbm>> -> memref<102760448xf32, #tpu.memory_space<hbm>>
    tpu.wait_indirect_dma semaphore(%arg8 : memref<!tpu.dma_semaphore, #tpu.memory_space<semaphore_mem>>) src(%dma_wait3A_102 : memref<102760448xf32, #tpu.memory_space<hbm>>) dst(%dma_wait3A_98 : memref<128xf32, #tpu.memory_space<vmem>>)
    "tpu.region"() ({
      %run_scoped3A = tpu.sem_alloc : memref<!tpu.dma_semaphore, #tpu.memory_space<semaphore_mem>>
      %dma_start3A_103 = tpu.memref_slice %arg4[%mul3A_4] : memref<32768xf32, #tpu.memory_space<hbm>> -> memref<1024xf32, #tpu.memory_space<hbm>>
      %dma_start3A_104 = tpu.memref_slice %arg4[%mul3A_4] : memref<32768xf32, #tpu.memory_space<hbm>> -> memref<1024xf32, #tpu.memory_space<hbm>>
      tpu.enqueue_dma source(%arg6 : memref<1024xf32, #tpu.memory_space<vmem>>) target(%dma_start3A_104 : memref<1024xf32, #tpu.memory_space<hbm>>) target_semaphore(%run_scoped3A : memref<!tpu.dma_semaphore, #tpu.memory_space<semaphore_mem>>)
      %dma_wait3A_105 = tpu.memref_slice %arg4[%mul3A_4] : memref<32768xf32, #tpu.memory_space<hbm>> -> memref<1024xf32, #tpu.memory_space<hbm>>
      %dma_wait3A_106 = tpu.memref_slice %arg4[%mul3A_4] : memref<32768xf32, #tpu.memory_space<hbm>> -> memref<1024xf32, #tpu.memory_space<hbm>>
      tpu.wait_dma2 semaphore(%run_scoped3A : memref<!tpu.dma_semaphore, #tpu.memory_space<semaphore_mem>>) src(%arg6 : memref<1024xf32, #tpu.memory_space<vmem>>) dst(%dma_wait3A_106 : memref<1024xf32, #tpu.memory_space<hbm>>)
      tpu.yield
    }) : () -> ()
    return
  }
}

module attributes {stable_mosaic.version = 14 : i64} {
  func.func @_lin_body(%arg0: i32, %arg1: memref<1024x2048xf32, #tpu.memory_space<vmem>>, %arg2: memref<2097152xf32, #tpu.memory_space<vmem>>) attributes {dimension_semantics = [#tpu.dimension_semantics<arbitrary>], iteration_bounds = array<i64: 49>, scalar_prefetch = 0 : i64, scratch_operands = 0 : i64, tpu.core_type = #tpu.core_type<tc>, window_params = [{transform_indices = @transform_0, window_bounds = array<i64: 1024, 2048>}, {transform_indices = @transform_1, window_bounds = array<i64: 2097152>}]} {
    %get3A = arith.constant 0 : index
    %get3A_0 = arith.constant 0 : index
    %get3A_1 = vector.load %arg1[%get3A, %get3A_0] : memref<1024x2048xf32, #tpu.memory_space<vmem>>, vector<1024x128xf32>
    %reshape3A = vector.shape_cast %get3A_1 : vector<1024x128xf32> to vector<131072xf32>
    %swap3A = arith.constant 0 : index
    %swap3A_2 = vector.load %arg2[%swap3A] : memref<2097152xf32, #tpu.memory_space<vmem>>, vector<131072xf32>
    tpu.vector_store %arg2[%swap3A], %reshape3A {strides = array<i32>} : memref<2097152xf32, #tpu.memory_space<vmem>>, vector<131072xf32>,
    %get3A_3 = arith.constant 0 : index
    %get3A_4 = arith.constant 128 : index
    %get3A_5 = vector.load %arg1[%get3A_3, %get3A_4] : memref<1024x2048xf32, #tpu.memory_space<vmem>>, vector<1024x128xf32>
    %reshape3A_6 = vector.shape_cast %get3A_5 : vector<1024x128xf32> to vector<131072xf32>
    %swap3A_7 = arith.constant 131072 : index
    %swap3A_8 = vector.load %arg2[%swap3A_7] : memref<2097152xf32, #tpu.memory_space<vmem>>, vector<131072xf32>
    tpu.vector_store %arg2[%swap3A_7], %reshape3A_6 {strides = array<i32>} : memref<2097152xf32, #tpu.memory_space<vmem>>, vector<131072xf32>,
    %get3A_9 = arith.constant 0 : index
    %get3A_10 = arith.constant 256 : index
    %get3A_11 = vector.load %arg1[%get3A_9, %get3A_10] : memref<1024x2048xf32, #tpu.memory_space<vmem>>, vector<1024x128xf32>
    %reshape3A_12 = vector.shape_cast %get3A_11 : vector<1024x128xf32> to vector<131072xf32>
    %swap3A_13 = arith.constant 262144 : index
    %swap3A_14 = vector.load %arg2[%swap3A_13] : memref<2097152xf32, #tpu.memory_space<vmem>>, vector<131072xf32>
    tpu.vector_store %arg2[%swap3A_13], %reshape3A_12 {strides = array<i32>} : memref<2097152xf32, #tpu.memory_space<vmem>>, vector<131072xf32>,
    %get3A_15 = arith.constant 0 : index
    %get3A_16 = arith.constant 384 : index
    %get3A_17 = vector.load %arg1[%get3A_15, %get3A_16] : memref<1024x2048xf32, #tpu.memory_space<vmem>>, vector<1024x128xf32>
    %reshape3A_18 = vector.shape_cast %get3A_17 : vector<1024x128xf32> to vector<131072xf32>
    %swap3A_19 = arith.constant 393216 : index
    %swap3A_20 = vector.load %arg2[%swap3A_19] : memref<2097152xf32, #tpu.memory_space<vmem>>, vector<131072xf32>
    tpu.vector_store %arg2[%swap3A_19], %reshape3A_18 {strides = array<i32>} : memref<2097152xf32, #tpu.memory_space<vmem>>, vector<131072xf32>,
    %get3A_21 = arith.constant 0 : index
    %get3A_22 = arith.constant 512 : index
    %get3A_23 = vector.load %arg1[%get3A_21, %get3A_22] : memref<1024x2048xf32, #tpu.memory_space<vmem>>, vector<1024x128xf32>
    %reshape3A_24 = vector.shape_cast %get3A_23 : vector<1024x128xf32> to vector<131072xf32>
    %swap3A_25 = arith.constant 524288 : index
    %swap3A_26 = vector.load %arg2[%swap3A_25] : memref<2097152xf32, #tpu.memory_space<vmem>>, vector<131072xf32>
    tpu.vector_store %arg2[%swap3A_25], %reshape3A_24 {strides = array<i32>} : memref<2097152xf32, #tpu.memory_space<vmem>>, vector<131072xf32>,
    %get3A_27 = arith.constant 0 : index
    %get3A_28 = arith.constant 640 : index
    %get3A_29 = vector.load %arg1[%get3A_27, %get3A_28] : memref<1024x2048xf32, #tpu.memory_space<vmem>>, vector<1024x128xf32>
    %reshape3A_30 = vector.shape_cast %get3A_29 : vector<1024x128xf32> to vector<131072xf32>
    %swap3A_31 = arith.constant 655360 : index
    %swap3A_32 = vector.load %arg2[%swap3A_31] : memref<2097152xf32, #tpu.memory_space<vmem>>, vector<131072xf32>
    tpu.vector_store %arg2[%swap3A_31], %reshape3A_30 {strides = array<i32>} : memref<2097152xf32, #tpu.memory_space<vmem>>, vector<131072xf32>,
    %get3A_33 = arith.constant 0 : index
    %get3A_34 = arith.constant 768 : index
    %get3A_35 = vector.load %arg1[%get3A_33, %get3A_34] : memref<1024x2048xf32, #tpu.memory_space<vmem>>, vector<1024x128xf32>
    %reshape3A_36 = vector.shape_cast %get3A_35 : vector<1024x128xf32> to vector<131072xf32>
    %swap3A_37 = arith.constant 786432 : index
    %swap3A_38 = vector.load %arg2[%swap3A_37] : memref<2097152xf32, #tpu.memory_space<vmem>>, vector<131072xf32>
    tpu.vector_store %arg2[%swap3A_37], %reshape3A_36 {strides = array<i32>} : memref<2097152xf32, #tpu.memory_space<vmem>>, vector<131072xf32>,
    %get3A_39 = arith.constant 0 : index
    %get3A_40 = arith.constant 896 : index
    %get3A_41 = vector.load %arg1[%get3A_39, %get3A_40] : memref<1024x2048xf32, #tpu.memory_space<vmem>>, vector<1024x128xf32>
    %reshape3A_42 = vector.shape_cast %get3A_41 : vector<1024x128xf32> to vector<131072xf32>
    %swap3A_43 = arith.constant 917504 : index
    %swap3A_44 = vector.load %arg2[%swap3A_43] : memref<2097152xf32, #tpu.memory_space<vmem>>, vector<131072xf32>
    tpu.vector_store %arg2[%swap3A_43], %reshape3A_42 {strides = array<i32>} : memref<2097152xf32, #tpu.memory_space<vmem>>, vector<131072xf32>,
    %get3A_45 = arith.constant 0 : index
    %get3A_46 = arith.constant 1024 : index
    %get3A_47 = vector.load %arg1[%get3A_45, %get3A_46] : memref<1024x2048xf32, #tpu.memory_space<vmem>>, vector<1024x128xf32>
    %reshape3A_48 = vector.shape_cast %get3A_47 : vector<1024x128xf32> to vector<131072xf32>
    %swap3A_49 = arith.constant 1048576 : index
    %swap3A_50 = vector.load %arg2[%swap3A_49] : memref<2097152xf32, #tpu.memory_space<vmem>>, vector<131072xf32>
    tpu.vector_store %arg2[%swap3A_49], %reshape3A_48 {strides = array<i32>} : memref<2097152xf32, #tpu.memory_space<vmem>>, vector<131072xf32>,
    %get3A_51 = arith.constant 0 : index
    %get3A_52 = arith.constant 1152 : index
    %get3A_53 = vector.load %arg1[%get3A_51, %get3A_52] : memref<1024x2048xf32, #tpu.memory_space<vmem>>, vector<1024x128xf32>
    %reshape3A_54 = vector.shape_cast %get3A_53 : vector<1024x128xf32> to vector<131072xf32>
    %swap3A_55 = arith.constant 1179648 : index
    %swap3A_56 = vector.load %arg2[%swap3A_55] : memref<2097152xf32, #tpu.memory_space<vmem>>, vector<131072xf32>
    tpu.vector_store %arg2[%swap3A_55], %reshape3A_54 {strides = array<i32>} : memref<2097152xf32, #tpu.memory_space<vmem>>, vector<131072xf32>,
    %get3A_57 = arith.constant 0 : index
    %get3A_58 = arith.constant 1280 : index
    %get3A_59 = vector.load %arg1[%get3A_57, %get3A_58] : memref<1024x2048xf32, #tpu.memory_space<vmem>>, vector<1024x128xf32>
    %reshape3A_60 = vector.shape_cast %get3A_59 : vector<1024x128xf32> to vector<131072xf32>
    %swap3A_61 = arith.constant 1310720 : index
    %swap3A_62 = vector.load %arg2[%swap3A_61] : memref<2097152xf32, #tpu.memory_space<vmem>>, vector<131072xf32>
    tpu.vector_store %arg2[%swap3A_61], %reshape3A_60 {strides = array<i32>} : memref<2097152xf32, #tpu.memory_space<vmem>>, vector<131072xf32>,
    %get3A_63 = arith.constant 0 : index
    %get3A_64 = arith.constant 1408 : index
    %get3A_65 = vector.load %arg1[%get3A_63, %get3A_64] : memref<1024x2048xf32, #tpu.memory_space<vmem>>, vector<1024x128xf32>
    %reshape3A_66 = vector.shape_cast %get3A_65 : vector<1024x128xf32> to vector<131072xf32>
    %swap3A_67 = arith.constant 1441792 : index
    %swap3A_68 = vector.load %arg2[%swap3A_67] : memref<2097152xf32, #tpu.memory_space<vmem>>, vector<131072xf32>
    tpu.vector_store %arg2[%swap3A_67], %reshape3A_66 {strides = array<i32>} : memref<2097152xf32, #tpu.memory_space<vmem>>, vector<131072xf32>,
    %get3A_69 = arith.constant 0 : index
    %get3A_70 = arith.constant 1536 : index
    %get3A_71 = vector.load %arg1[%get3A_69, %get3A_70] : memref<1024x2048xf32, #tpu.memory_space<vmem>>, vector<1024x128xf32>
    %reshape3A_72 = vector.shape_cast %get3A_71 : vector<1024x128xf32> to vector<131072xf32>
    %swap3A_73 = arith.constant 1572864 : index
    %swap3A_74 = vector.load %arg2[%swap3A_73] : memref<2097152xf32, #tpu.memory_space<vmem>>, vector<131072xf32>
    tpu.vector_store %arg2[%swap3A_73], %reshape3A_72 {strides = array<i32>} : memref<2097152xf32, #tpu.memory_space<vmem>>, vector<131072xf32>,
    %get3A_75 = arith.constant 0 : index
    %get3A_76 = arith.constant 1664 : index
    %get3A_77 = vector.load %arg1[%get3A_75, %get3A_76] : memref<1024x2048xf32, #tpu.memory_space<vmem>>, vector<1024x128xf32>
    %reshape3A_78 = vector.shape_cast %get3A_77 : vector<1024x128xf32> to vector<131072xf32>
    %swap3A_79 = arith.constant 1703936 : index
    %swap3A_80 = vector.load %arg2[%swap3A_79] : memref<2097152xf32, #tpu.memory_space<vmem>>, vector<131072xf32>
    tpu.vector_store %arg2[%swap3A_79], %reshape3A_78 {strides = array<i32>} : memref<2097152xf32, #tpu.memory_space<vmem>>, vector<131072xf32>,
    %get3A_81 = arith.constant 0 : index
    %get3A_82 = arith.constant 1792 : index
    %get3A_83 = vector.load %arg1[%get3A_81, %get3A_82] : memref<1024x2048xf32, #tpu.memory_space<vmem>>, vector<1024x128xf32>
    %reshape3A_84 = vector.shape_cast %get3A_83 : vector<1024x128xf32> to vector<131072xf32>
    %swap3A_85 = arith.constant 1835008 : index
    %swap3A_86 = vector.load %arg2[%swap3A_85] : memref<2097152xf32, #tpu.memory_space<vmem>>, vector<131072xf32>
    tpu.vector_store %arg2[%swap3A_85], %reshape3A_84 {strides = array<i32>} : memref<2097152xf32, #tpu.memory_space<vmem>>, vector<131072xf32>,
    %get3A_87 = arith.constant 0 : index
    %get3A_88 = arith.constant 1920 : index
    %get3A_89 = vector.load %arg1[%get3A_87, %get3A_88] : memref<1024x2048xf32, #tpu.memory_space<vmem>>, vector<1024x128xf32>
    %reshape3A_90 = vector.shape_cast %get3A_89 : vector<1024x128xf32> to vector<131072xf32>
    %swap3A_91 = arith.constant 1966080 : index
    %swap3A_92 = vector.load %arg2[%swap3A_91] : memref<2097152xf32, #tpu.memory_space<vmem>>, vector<131072xf32>
    tpu.vector_store %arg2[%swap3A_91], %reshape3A_90 {strides = array<i32>} : memref<2097152xf32, #tpu.memory_space<vmem>>, vector<131072xf32>,
    return
  }
  func.func @transform_0(%arg0: i32) -> (i32, i32) {
    %c0_i32 = arith.constant 0 : i32
    %c0_i32_0 = arith.constant 0 : i32
    return %c0_i32, %arg0 : i32, i32
  }
  func.func @transform_1(%arg0: i32) -> i32 {
    %c0_i32 = arith.constant 0 : i32
    return %arg0 : i32
  }
}

module attributes {stable_mosaic.version = 14 : i64} {
  func.func @_loss_body(%arg0: memref<1024x32xf32, #tpu.memory_space<vmem>>, %arg1: memref<1024x32xf32, #tpu.memory_space<vmem>>, %arg2: memref<1x1xf32, #tpu.memory_space<vmem>>) attributes {dimension_semantics = [], scalar_prefetch = 0 : i64, scratch_operands = 0 : i64, tpu.core_type = #tpu.core_type<tc>} {
    %get3A = arith.constant 0 : index
    %get3A_0 = arith.constant 0 : index
    %get3A_1 = vector.load %arg0[%get3A, %get3A_0] : memref<1024x32xf32, #tpu.memory_space<vmem>>, vector<1024x32xf32>
    %get3A_2 = arith.constant 0 : index
    %get3A_3 = arith.constant 0 : index
    %get3A_4 = vector.load %arg1[%get3A_2, %get3A_3] : memref<1024x32xf32, #tpu.memory_space<vmem>>, vector<1024x32xf32>
    %iota3A = tpu.iota {dimensions = array<i32: 1>} : vector<1024x32xi32>
    %lt3A = arith.constant 30 : i32
    %lt3A_5 = vector.broadcast %lt3A : i32 to vector<1024x32xi32>
    %lt3A_6 = arith.cmpi slt, %iota3A, %lt3A_5 : vector<1024x32xi32>
    %jit3A = arith.constant -1.000000e+30 : f32
    %broadcast_in_dim3A = vector.broadcast %jit3A : f32 to vector<1024x32xf32>
    %select_n3A = arith.select %lt3A_6, %get3A_1, %broadcast_in_dim3A : vector<1024x32xi1>, vector<1024x32xf32>
    %jit3A_7 = arith.constant -1.000000e+30 : f32
    %broadcast_in_dim3A_8 = vector.broadcast %jit3A_7 : f32 to vector<1024x32xf32>
    %select_n3A_9 = arith.select %lt3A_6, %get3A_4, %broadcast_in_dim3A_8 : vector<1024x32xi1>, vector<1024x32xf32>
    %reduce_max3A = arith.constant dense<0xFF800000> : vector<1024xf32>
    %reduce_max3A_10 = vector.multi_reduction <maximumf>, %select_n3A, %reduce_max3A [1] : vector<1024x32xf32> to vector<1024xf32>
    %broadcast_in_dim3A_11 = vector.shape_cast %reduce_max3A_10 : vector<1024xf32> to vector<1024x1xf32>
    %reduce_max3A_12 = arith.constant dense<0xFF800000> : vector<1024xf32>
    %reduce_max3A_13 = vector.multi_reduction <maximumf>, %select_n3A_9, %reduce_max3A_12 [1] : vector<1024x32xf32> to vector<1024xf32>
    %broadcast_in_dim3A_14 = vector.shape_cast %reduce_max3A_13 : vector<1024xf32> to vector<1024x1xf32>
    %sub3A = vector.broadcast %broadcast_in_dim3A_11 : vector<1024x1xf32> to vector<1024x32xf32>
    %sub3A_15 = arith.subf %select_n3A, %sub3A : vector<1024x32xf32>
    %exp3A = math.exp %sub3A_15 : vector<1024x32xf32>
    %sub3A_16 = vector.broadcast %broadcast_in_dim3A_14 : vector<1024x1xf32> to vector<1024x32xf32>
    %sub3A_17 = arith.subf %select_n3A_9, %sub3A_16 : vector<1024x32xf32>
    %exp3A_18 = math.exp %sub3A_17 : vector<1024x32xf32>
    %jit3A_19 = arith.constant 0.000000e+00 : f32
    %broadcast_in_dim3A_20 = vector.broadcast %jit3A_19 : f32 to vector<1024x32xf32>
    %select_n3A_21 = arith.select %lt3A_6, %exp3A, %broadcast_in_dim3A_20 : vector<1024x32xi1>, vector<1024x32xf32>
    %reduce_sum3A = arith.constant dense<0.000000e+00> : vector<1024xf32>
    %reduce_sum3A_22 = vector.multi_reduction <add>, %select_n3A_21, %reduce_sum3A [1] : vector<1024x32xf32> to vector<1024xf32>
    %broadcast_in_dim3A_23 = vector.shape_cast %reduce_sum3A_22 : vector<1024xf32> to vector<1024x1xf32>
    %jit3A_24 = arith.constant 0.000000e+00 : f32
    %broadcast_in_dim3A_25 = vector.broadcast %jit3A_24 : f32 to vector<1024x32xf32>
    %select_n3A_26 = arith.select %lt3A_6, %exp3A_18, %broadcast_in_dim3A_25 : vector<1024x32xi1>, vector<1024x32xf32>
    %reduce_sum3A_27 = arith.constant dense<0.000000e+00> : vector<1024xf32>
    %reduce_sum3A_28 = vector.multi_reduction <add>, %select_n3A_26, %reduce_sum3A_27 [1] : vector<1024x32xf32> to vector<1024xf32>
    %broadcast_in_dim3A_29 = vector.shape_cast %reduce_sum3A_28 : vector<1024xf32> to vector<1024x1xf32>
    %div3A = vector.broadcast %broadcast_in_dim3A_23 : vector<1024x1xf32> to vector<1024x32xf32>
    %div3A_30 = arith.divf %exp3A, %div3A : vector<1024x32xf32>
    %sub3A_31 = vector.broadcast %broadcast_in_dim3A_11 : vector<1024x1xf32> to vector<1024x32xf32>
    %sub3A_32 = arith.subf %select_n3A, %sub3A_31 : vector<1024x32xf32>
    %log3A = math.log %broadcast_in_dim3A_23 : vector<1024x1xf32>
    %sub3A_33 = vector.broadcast %log3A : vector<1024x1xf32> to vector<1024x32xf32>
    %sub3A_34 = arith.subf %sub3A_32, %sub3A_33 : vector<1024x32xf32>
    %sub3A_35 = vector.broadcast %broadcast_in_dim3A_14 : vector<1024x1xf32> to vector<1024x32xf32>
    %sub3A_36 = arith.subf %select_n3A_9, %sub3A_35 : vector<1024x32xf32>
    %sub3A_37 = arith.subf %sub3A_34, %sub3A_36 : vector<1024x32xf32>
    %log3A_38 = math.log %broadcast_in_dim3A_29 : vector<1024x1xf32>
    %add3A = vector.broadcast %log3A_38 : vector<1024x1xf32> to vector<1024x32xf32>
    %add3A_39 = arith.addf %sub3A_37, %add3A : vector<1024x32xf32>
    %mul3A = arith.mulf %div3A_30, %add3A_39 : vector<1024x32xf32>
    %jit3A_40 = arith.constant 0.000000e+00 : f32
    %broadcast_in_dim3A_41 = vector.broadcast %jit3A_40 : f32 to vector<1024x32xf32>
    %select_n3A_42 = arith.select %lt3A_6, %mul3A, %broadcast_in_dim3A_41 : vector<1024x32xi1>, vector<1024x32xf32>
    %reduce_sum3A_43 = vector.shape_cast %select_n3A_42 : vector<1024x32xf32> to vector<1x1024x32xf32>
    %reduce_sum3A_44 = arith.constant dense<0.000000e+00> : vector<1xf32>
    %reduce_sum3A_45 = vector.multi_reduction <add>, %reduce_sum3A_43, %reduce_sum3A_44 [1, 2] : vector<1x1024x32xf32> to vector<1xf32>
    %reduce_sum3A_46 = vector.shape_cast %reduce_sum3A_45 : vector<1xf32> to vector<1x1x1xf32>
    %reduce_sum3A_47 = vector.extract %reduce_sum3A_46[0, 0, 0] : f32 from vector<1x1x1xf32>
    %mul3A_48 = arith.constant 9.765625E-4 : f32
    %mul3A_49 = arith.mulf %reduce_sum3A_47, %mul3A_48 : f32
    %broadcast_in_dim3A_50 = vector.broadcast %mul3A_49 : f32 to vector<1x1xf32>
    %swap3A = arith.constant 0 : index
    %swap3A_51 = arith.constant 0 : index
    %swap3A_52 = vector.load %arg2[%swap3A, %swap3A_51] : memref<1x1xf32, #tpu.memory_space<vmem>>, vector<1x1xf32>
    tpu.vector_store %arg2[%swap3A, %swap3A_51], %broadcast_in_dim3A_50 {strides = array<i32>} : memref<1x1xf32, #tpu.memory_space<vmem>>, vector<1x1xf32>,
    return
  }
}

</mosaic_0001>

<sc_bundles>
// kernel: kernel.6.cloned.1.call-start
scs
__scs_entry_jumppad:
0x0: {  	(pc) =	sbr.rel $0x88, $3  }
0x1: {  	(tag) =	ssettag $0x0;
	lr =	simm.s32 $0x1  }
0x2: {  	[smem:$0x3F9F] =	sst lr;
	_ =	strace $0xD0000000  }
0x3: {  	_ = 	snop  }
0x4: {  	_ = 	snop  }
0x5: {  	_ = 	snop  }
0x6: {  	_ = 	snop  }
0x7: {  	_ = 	snop  }
__scs_overlays_trampoline_lowered:
0x8: {  	[smem:$0x3FAE] =	sst s0  }
0x9: {  	[smem:$0x3FAF] =	sst s1  }
0xa: {  	[smem:$0x3FB0] =	sst s2  }
0xb: {  	[smem:$0x3FB1] =	sst s3  }
0xc: {  	[smem:$0x3FB2] =	sst s4  }
0xd: {  	[smem:$0x3FB3] =	sst s5  }
0xe: {  	[smem:$0x3FB4] =	sst s6  }
0xf: {  	[smem:$0x3FB5] =	sst s7  }
0x10: {  	[smem:$0x3FB6] =	sst s8  }
0x11: {  	[smem:$0x3FB7] =	sst s9;
	s0 =	simm.s32 @!p0 $0x0  }
0x12: {  	s1 =	sld [smem:$0x3F9D];
	s0 =	simm.s32 @p0 $0x1  }
0x13: {  	[smem:$0x3FB8] =	sst s0;
	s0 =	simm.s32 @!p1 $0x0  }
0x14: {  	s2 =	sld [smem:$0x3F9C];
	s0 =	simm.s32 @p1 $0x1  }
0x15: {  	[smem:$0x3FB9] =	sst s0;
	s0 =	simm.s32 @!p2 $0x0  }
0x16: {  	s3 =	sld [smem:$0x3FDB];
	s0 =	simm.s32 @p2 $0x1  }
0x17: {  	s4 =	simm.s32 $0x1BF5;
	[smem:$0x3FBB] =	sst s0  }
0x18: {  	s0 =	sld [smem:$0x3F9E];
	_ =	swait.ge [sflag:s4], $0x0  }
0x19: {  	s7 =	sld [smem:$0x3F9F]  }
0x1a: {  	s8 =	sadd.s32 $0xFFFFE003, lr  }
0x1b: {  	s9 =	sadd.s32 $0xFFFFFEF7, lr;
	s5 =	simm.s32 $0xFFFFFFFF;
	p2 =	slt.u32 s8, $0xFFFFF086  }
0x1c: {  	p1 =	slt.u32 s9, $0xF7A;
	s5 =	simm.s32 @!p2 $0x0  }
0x1d: {  	s5 =	simm.s32 @p1 $0x1;
	p0 =	seq.s32 s7, s2  }
0x1e: {  	s7 =	smul.u32 @!p0 $0xF7A, s2;
	p2 =	seq.s32 @!p0 s5, $0x0  }
0x1f: {  	s9 =	smul.u32 $0xF7A, s1;
	s8 =	simm.s32 @!p0 $0x1BF5;
	p2 =	por !p2, p0  }
0x20: {  	[sflag:s8] =	ssyncset.s32 @!p0 $0xFFFFF086;
	s6 =	sadd.s32 @!p0 s3, s7;
	s7 =	simm.s32 @!p0 $0x108  }
0x21: {  	s3 =	sadd.s32 s3, s9;
	s6 =	sadd.s32 @!p0 $0x88, s6;
	s7 =	simm.s32 @p2 $0x1082  }
0x22: {  	[simem:s7], [sflag:s8] =	dma.local @!p0 [hbm:s6], $0xF7A  }
0x23: {  	s9 =	sor.u32 $0xD0000000, s2;
	s6 =	simm.s32 $0x108;
	_ =	swait.ge @!p0 [sflag:s8], $0x0  }
0x24: {  	s3 =	sadd.s32 $0x88, s3;
	s6 =	simm.s32 @!p1 $0x1082;
	[sflag:s4] =	ssyncset.s32 $0xFFFFF086  }
0x25: {  	[simem:s6], [sflag:s4] =	dma.local [hbm:s3], $0xF7A  }
0x26: {  	[smem:$0x3F9F] =	sst s1;
	(tag) =	ssettag s2;
	_ =	strace s9  }
0x27: {  	s1 =	sld [smem:$0x3FAF]  }
0x28: {  	s2 =	sld [smem:$0x3FB0]  }
0x29: {  	s4 =	sld [smem:$0x3FB2]  }
0x2a: {  	p0 =	seq.s32 s5, $0x0;
	s5 =	sld [smem:$0x3FB3]  }
0x2b: {  	s6 =	sld [smem:$0x3FB4]  }
0x2c: {  	s7 =	sld [smem:$0x3FB5]  }
0x2d: {  	s3 =	simm.s32 $0x108;
	s8 =	sld [smem:$0x3FB6]  }
0x2e: {  	s3 =	simm.s32 @!p0 $0x1082;
	s9 =	sld [smem:$0x3FB7]  }
0x2f: {  	lr =	sadd.s32 s0, s3;
	s0 =	sld [smem:$0x3FAE]  }
0x30: {  	s3 =	sld [smem:$0x3FB1]  }
0x31: {  	[smem:$0x3FBA] =	sst s10  }
0x32: {  	s10 =	sld [smem:$0x3FB8];
	_ =	sdelay $0x3  }
0x33: {  	p0 =	seq.s32 s10, $0x1;
	s10 =	sld [smem:$0x3FBA];
	_ =	sdelay $0x3  }
0x34: {  	[smem:$0x3FBA] =	sst s10  }
0x35: {  	s10 =	sld [smem:$0x3FB9];
	_ =	sdelay $0x3  }
0x36: {  	p1 =	seq.s32 s10, $0x1;
	s10 =	sld [smem:$0x3FBA];
	_ =	sdelay $0x3  }
0x37: {  	[smem:$0x3FBA] =	sst s10  }
0x38: {  	s10 =	sld [smem:$0x3FBB]  }
0x39: {  	_ = 	snop;
	(pc) =	sbr.ind lr, $3  }
0x3a: {  	_ = 	snop  }
0x3b: {  	_ = 	snop  }
0x3c: {  	p2 =	seq.s32 s10, $0x1;
	s10 =	sld [smem:$0x3FBA]  }
0x3d: {  	_ =	shalt  }
0x3e: {  	_ =	shalt  }
0x3f: {  	_ =	shalt  }
0x40: {  	_ =	shalt  }
0x41: {  	_ =	shalt  }
0x42: {  	_ =	shalt  }
0x43: {  	_ =	shalt  }
0x44: {  	_ =	shalt  }
0x45: {  	_ =	shalt  }
0x46: {  	_ =	shalt  }
0x47: {  	_ =	shalt  }
0x48: {  	_ =	shalt  }
0x49: {  	_ =	shalt  }
0x4a: {  	_ =	shalt  }
0x4b: {  	_ =	shalt  }
0x4c: {  	_ =	shalt  }
0x4d: {  	_ =	shalt  }
0x4e: {  	_ =	shalt  }
0x4f: {  	_ =	shalt  }
0x50: {  	_ =	shalt  }
0x51: {  	_ =	shalt  }
0x52: {  	_ =	shalt  }
0x53: {  	_ =	shalt  }
0x54: {  	_ =	shalt  }
0x55: {  	_ =	shalt  }
0x56: {  	_ =	shalt  }
0x57: {  	_ =	shalt  }
0x58: {  	_ =	shalt  }
0x59: {  	_ =	shalt  }
0x5a: {  	_ =	shalt  }
0x5b: {  	_ =	shalt  }
0x5c: {  	_ =	shalt  }
0x5d: {  	_ =	shalt  }
0x5e: {  	_ =	shalt  }
0x5f: {  	_ =	shalt  }
0x60: {  	_ =	shalt  }
0x61: {  	_ =	shalt  }
0x62: {  	_ =	shalt  }
0x63: {  	_ =	shalt  }
0x64: {  	_ =	shalt  }
0x65: {  	_ =	shalt  }
0x66: {  	_ =	shalt  }
0x67: {  	_ =	shalt  }
0x68: {  	_ =	shalt  }
0x69: {  	_ =	shalt  }
0x6a: {  	_ =	shalt  }
0x6b: {  	_ =	shalt  }
0x6c: {  	_ =	shalt  }
0x6d: {  	_ =	shalt  }
0x6e: {  	_ =	shalt  }
0x6f: {  	_ =	shalt  }
0x70: {  	_ =	shalt  }
0x71: {  	_ =	shalt  }
0x72: {  	_ =	shalt  }
0x73: {  	_ =	shalt  }
0x74: {  	_ =	shalt  }
0x75: {  	_ =	shalt  }
0x76: {  	_ =	shalt  }
0x77: {  	_ =	shalt  }
0x78: {  	_ =	shalt  }
0x79: {  	_ =	shalt  }
0x7a: {  	_ =	shalt  }
0x7b: {  	_ =	shalt  }
0x7c: {  	_ =	shalt  }
0x7d: {  	_ =	shalt  }
0x7e: {  	_ =	shalt  }
0x7f: {  	_ =	shalt  }
0x80: {  	_ =	shalt  }
0x81: {  	_ =	shalt  }
0x82: {  	_ =	shalt  }
0x83: {  	_ =	shalt  }
0x84: {  	_ =	shalt  }
0x85: {  	_ =	shalt  }
0x86: {  	_ =	shalt  }
0x87: {  	_ =	shalt  }
.Lfunc_end0:
.L_simem_size_0:
called_computation_lowered:
.L_overlay_start_0:
0x88: {  	s2 =	sld [smem:$0x3FD9]  }
0x89: {  	s3 =	sld [smem:$0x3FFE];
	_ =	sdelay $0x1  }
0x8a: {  	s1 =	srdreg.scid  }
0x8b: {  	s0 =	sand.u32 $0x1, s1  }
0x8c: {  	s16 =	sshll.u32 s0, $0xA;
	s2 =	sadd.s32 s3, s2  }
0x8d: {  	s2 =	sadd.s32 s2, s16  }
0x8e: {  	[smem:$0x3FC6] =	sst s2  }
0x8f: {  	_ = 	snop  }
0x90: {  	(tm) =	ssettm $0x1  }
0x91: {  	s17 =	sld [smem:$0x3FFB];
	_ =	sdelay $0x3  }
0x92: {  	_ =	strace s17  }
0x93: {  	s2 =	sld [smem:$0x3FFC];
	_ =	sdelay $0x3  }
0x94: {  	_ =	strace s2  }
0x95: {  	s2 =	sld [smem:$0x3FFD];
	_ =	sdelay $0x3  }
0x96: {  	_ =	strace s2  }
0x97: {  	_ =	strace $0x8FFFFFFF  }
0x98: {  	s18 =	sld [smem:$0x3FDB];
	_ =	sdelay $0x1  }
0x99: {  	s19 =	simm.s32 $_scs_section_size  }
0x9a: {  	s4 =	simm.s32 $_size__tile_overlayer_lowered;
	s5 =	simm.s32 $_tile_overlayer_lowered  }
0x9b: {  	s22 =	simm.s32 $0x1BFF;
	s21 =	sshll.u32 s5, $0x1;
	s2 =	sadd.s32 s19, s18  }
0x9c: {  	s6 =	simm.s32 $0x0;
	s20 =	sshll.u32 s4, $0x1;
	s4 =	sadd.s32 s21, s2  }
0x9d: {  	[timem:s6], [sflag:s22] =	dma.local [hbm:s4], s20  }
0x9e: {  	_ =	swait.ge [sflag:s22], s20  }
0x9f: {  	s3 =	ssub.s32 $0x0, s20;
	[sflag:s22] =	ssyncset.done $0x0  }
0xa0: {  	[sflag:s22] =	ssyncadd.s32 s3;
	_ =	sdelay $0x1  }
0xa1: {  	s23 =	simm.s32 $0x1B8B  }
0xa2: {  	_ =	swait.ge [sflag:s23], $0x1  }
0xa3: {  	[sflag:s23] =	ssyncset.done $0x0  }
0xa4: {  	s25 =	simm.s32 $0x1B8E;
	s24 =	sld [smem:$0x3FFE];
	[sflag:s23] =	ssyncadd.s32 $0xFFFFFFFF  }
0xa5: {  	s26 =	simm.s32 $execute0_lowered;
	[smem:$0x3FD2] =	sst s25  }
0xa6: {  	s4 =	sshll.u32 s26, $0x1;
	_ =	strace $0x80000046;
	[dreg:$0x1] =	wrdreg $0xFFFFFFFF  }
0xa7: {  	s28 =	simm.s32 $_size_execute0_lowered;
	s2 =	sadd.s32 s2, s4;
	[dreg:$0x0] =	wrdreg $0x0  }
0xa8: {  	s4 =	sshll.u32 s28, $0x1;
	[dreg:$0x2] =	wrdreg s2  }
0xa9: {  	[dreg:$0x3] =	wrdreg s4  }
0xaa: {  	[dreg:$0x4] =	wrdreg $0xC0  }
0xab: {  	_ =	task [dreg:s6], $0x5FFFF  }
0xac: {  	[dreg:$0x1] =	wrdreg $0xFFFFFFFF  }
0xad: {  	[dreg:$0x0] =	wrdreg $0x60  }
0xae: {  	[dreg:$0x2] =	wrdreg s24  }
0xaf: {  	[dreg:$0x3] =	wrdreg $0x9  }
0xb0: {  	_ =	task.clear_ibuf [dreg:s6], $0x4FFFF;
	_ =	strace $0x90000046  }
0xb1: {  	s29 =	simm.s32 $0x9;
	_ =	strace $0x80000048  }
0xb2: {  	_ =	swait.ge [sflag:s29], $0x1  }
0xb3: {  	[sflag:s29] =	ssyncadd.s32 $0xFFFFFFFF  }
0xb4: {  	_ =	strace $0x90000048  }
0xb5: {  	_ =	sfence  }
0xb6: {  	s30 =	sld [smem:$0x0];
	_ =	sdelay $0x2  }
0xb7: {  	s31 =	sshll.u32 s1, $0xD;
	s1 =	sshrl.u32 s1, $0x2  }
0xb8: {  	s3 =	sand.u32 $0x4000, s31;
	s1 =	sadd.s32 s1, s30  }
0xb9: {  	s0 =	sor.u32 s3, s0;
	s1 =	sshll.u32 s1, $0x11  }
0xba: {  	s0 =	sor.u32 s1, s0  }
0xbb: {  	s0 =	sadd.s32 $0x8F2B, s0  }
0xbc: {  	[sflag:s0] =	ssyncadd.remote.s32 $0x1  }
0xbd: {  	_ =	sfence.sel $0xFFFF  }
0xbe: {  	[dreg:$0x0] =	wrdreg $0xFFFFFFFF;
	(pc) =	sbr.abs _section_cstart, $3  }
0xbf: {  	[dreg:$0x1] =	wrdreg $0xFFFFFFFF  }
0xc0: {  	_ =	task.clear_ibuf [dreg:s6], $0x2FFFF;
	_ =	strace $0x9FFFFFFF  }
0xc1: {  	(tm) =	ssettm $0x7FFFFFFF  }
tec
execute0_lowered:
.L_overlay_start_1:
0x0: {  	(tag) =	ssettag $0x1  }
0x1: {  	s0 =	rddreg [dreg:$0x0];
	s1 =	simm.s32 $0x0  }
0x2: {  	s28 =	srdreg.scid;
	s2 =	stileid.u32;
	s11 =	simm.s32 $0x1  }
0x3: {  	s12 =	simm.s32 $0x16100;
	[smem:$0x7FF] =	sst s1;
	s1 =	sand.u32 $0x1, s28  }
0x4: {  	s2 =	sshll.u32 s2, $0x1;
	s3 =	sadd.s32 $0x1200, s0;
	s29 =	sadd.s32 $0xC39200, s0  }
0x5: {  	_ =	strace $0x80000047;
	[dreg:$0x2] =	wrdreg s3;
	s2 =	sor.u32 s1, s2  }
0x6: {  	s1 =	ssub.s32 $0x2, s1;
	[dreg:$0x3] =	wrdreg s29;
	s5 =	sshll.u32 s2, $0x7  }
.Ltmp0:
0x7: {  	s2 =	sshll.u32 s2, $0x5;
	s0 =	sadd.s32 s5, s0;
	(pc) =	sbr.rel .LBB2_1-.Ltmp0, $4  }
0x8: {  	s6 =	sshrl.u32 s1, $0x1;
	[dreg:$0x4] =	wrdreg s2;
	s30 =	sadd.s32 $0xC3A200, s0  }
0x9: {  	s1 =	ssub.s32 s1, s6;
	s0 =	sadd.s32 $0xC3B200, s0;
	[dreg:$0x5] =	wrdreg s30  }
0xa: {  	v0 =	vimm.f32 $-1.000000020e+30;
	s13 =	simm.s32 $0x18100;
	s31 =	smax.u32 s1, $0x1;
	[dreg:$0x6] =	wrdreg s0  }
0xb: {  	s14 =	simm.s32 $0x20;
	v1 =	vimm.s32 $0x0;
	v2 =	vlaneseq.u32;
	v3 =	vimm.f32 $0.0e+00;
	s1 =	simm.s32 $0x0;
	[dreg:$0x7] =	wrdreg s31  }
.LBB2_72:
0xc: {  	s0 =	simm.s32 $0x0  }
0xd: {  	s1 =	rddreg [dreg:$0x5];
	s2 =	simm.s32 $0x1A100;
	s28 =	simm.s32 $0x2  }
0xe: {  	[hbm4b:s1+s0] =	stream.linear.scatter [tilespmem:s2], [sflag:$0x2], $0x400, $0x38;
	[tilespmem:$0x1AD00] =	vst v63  }
0xf: {  	_ =	swait.ge [sflag:s28], $0x400  }
0x10: {  	[sflag:s28] =	ssyncset.done $0x0  }
0x11: {  	s3 =	simm.s32 $0x1A500;
	s29 =	rddreg [dreg:$0x6];
	[sflag:s28] =	ssyncadd.s32 $0xFFFFFC00  }
0x12: {  	[hbm4b:s29+s0] =	stream.linear.scatter [tilespmem:s3], [sflag:$0x2], $0x400, $0x38;
	[tilespmem:$0x1AD00] =	vst v63  }
0x13: {  	_ =	swait.ge [sflag:s28], $0x400  }
0x14: {  	s30 =	rddreg [dreg:$0x8]  }
0x15: {  	s31 =	rddreg [dreg:$0x7];
	s1 =	sadd.s32 $0x1, s30  }
0x16: {  	p0 =	sne.s32 s1, s31  }
.Ltmp1:
0x17: {  	_ = 	snop;
	(pc) =	sbr.rel @!p0 .LBB2_73-.Ltmp1, $3  }
0x18: {  	_ =	sdelay $0x1  }
0x19: {  	[sflag:s28] =	ssyncset.done $0x0  }
0x1a: {  	[sflag:s28] =	ssyncadd.s32 $0xFFFFFC00  }
.LBB2_1:
.Ltmp2:
0x1b: {  	(pc) =	sbr.rel .LBB2_2-.Ltmp2, $2  }
0x1c: {  	_ =	sdelay $0x2  }
0x1d: {  	[dreg:$0x8] =	wrdreg s1;
	s0 =	simm.s32 $0x0  }
.LBB2_71:
0x1e: {  	s0 =	rddreg [dreg:$0x9]  }
0x1f: {  	s0 =	sadd.s32 $0x1, s0  }
0x20: {  	p0 =	sne.s32 s0, $0x4  }
.Ltmp3:
0x21: {  	_ = 	snop;
	(pc) =	sbr.rel @!p0 .LBB2_72-.Ltmp3, $1  }
0x22: {  	_ =	sdelay $0x3  }
.LBB2_2:
0x23: {  	[dreg:$0x9] =	wrdreg s0  }
0x24: {  	s28 =	rddreg [dreg:$0x4]  }
0x25: {  	[tilespmem:$0x1A900] =	vst v0;
	s1 =	rddreg [dreg:$0x2]  }
0x26: {  	s21 =	simm.s32 $0x0;
	[tilespmem:$0x1A980] =	vst v0;
	s19 =	sshll.u32 s0, $0x3;
	s2 =	rddreg [dreg:$0x3]  }
0x27: {  	[tilespmem:$0x1AA00] =	vst v0;
	[smem:$0x0] =	sst s21;
	s20 =	sadd.s32 s28, s19  }
0x28: {  	[tilespmem:$0x1AA80] =	vst v0;
	[smem:$0x1] =	sst s21;
	s0 =	sshrl.u32 s20, $0x3  }
0x29: {  	[tilespmem:$0x1AB00] =	vst v0;
	[smem:$0x2] =	sst s21;
	s22 =	smul.u32 $0xC3800, s0  }
0x2a: {  	[tilespmem:$0x1AB80] =	vst v0;
	[smem:$0x3] =	sst s21  }
0x2b: {  	[tilespmem:$0x1AC00] =	vst v0;
	[smem:$0x4] =	sst s21;
	s0 =	sshrl.u32 s22, $0x3  }
0x2c: {  	[tilespmem:$0x1AC80] =	vst v0;
	s30 =	simm.s32 $0x16000;
	[smem:$0x5] =	sst s21;
	s0 =	sadd.s32 s1, s0  }
0x2d: {  	[tilespmem:s21], [sflag:$0x1] =	stream.linear.gather [hbm4b:s0+s21], $0xB000, $0x38;
	[tilespmem:$0x1AD00] =	vst v63  }
0x2e: {  	s31 =	simm.s32 $0x2;
	s29 =	sshll.u32 s20, $0x2;
	[smem:$0x6] =	sst s21  }
.Ltmp4:
0x2f: {  	s1 =	sadd.s32 s2, s29;
	[smem:$0x7] =	sst s21;
	(pc) =	sbr.rel .LBB2_4-.Ltmp4, $4  }
0x30: {  	[tilespmem:s30], [sflag:$0x2] =	stream.linear.gather [hbm4b:s1+s21], $0x100, $0x38;
	[tilespmem:$0x1AD00] =	vst v63  }
0x31: {  	_ =	swait.ge [sflag:s31], $0x100  }
0x32: {  	[sflag:s31] =	ssyncset.done $0x0  }
0x33: {  	s23 =	sadd.s32 $0x17600, s0;
	[sflag:s31] =	ssyncadd.s32 $0xFFFFFF00  }
.LBB2_3:
0x34: {  	p0 =	seq.s32 s21, $0x11  }
.Ltmp5:
0x35: {  	_ = 	snop;
	(pc) =	sbr.rel @p0 .LBB2_21-.Ltmp5, $1  }
0x36: {  	_ =	sdelay $0x3  }
.LBB2_4:
0x37: {  	_ =	swait.ge [sflag:s11], $0xB000;
	s0 =	smov.u32 s21;
	s1 =	sand.u32 $0x1, s21  }
0x38: {  	p0 =	seq.s32 s21, $0x10;
	s21 =	sadd.s32 $0x1, s21;
	[sflag:s11] =	ssyncset.done $0x0  }
0x39: {  	s2 =	simm.s32 @p0 $0x0;
	s6 =	simm.s32 @p0 $0xB000;
	[sflag:s11] =	ssyncadd.s32 $0xFFFF5000  }
0x3a: {  	[tilespmem:s6], [sflag:$0x1] =	stream.linear.gather @p0 [hbm4b:s23+s2], $0x8400, $0x38;
	[tilespmem:$0x1AD00] =	vst v63  }
0x3b: {  	s2 =	smul.u32 @!p0 $0xB000, s21  }
0x3c: {  	s26 =	simm.s32 $0x80000001;
	s6 =	sxor.u32 @!p0 $0x1, s1;
	s1 =	smul.u32 $0x2C000, s1  }
.Ltmp6:
0x3d: {  	s28 =	simm.s32 $0x0;
	s29 =	simm.s32 $0x0;
	(pc) =	sbr.rel .LBB2_5-.Ltmp6, $4  }
0x3e: {  	s3 =	rddreg [dreg:$0x2];
	s6 =	smul.u32 @!p0 $0x2C000, s6;
	s2 =	sadd.s32 @!p0 s22, s2  }
0x3f: {  	s7 =	simm.s32 @!p0 $0x0;
	s24 =	smul.u32 $0x1600, s0;
	s2 =	sshrl.u32 @!p0 s2, $0x3  }
0x40: {  	s25 =	sshrl.u32 s1, $0x2;
	s6 =	sshrl.u32 @!p0 s6, $0x2;
	s2 =	sadd.s32 @!p0 s3, s2  }
0x41: {  	[tilespmem:s6], [sflag:$0x1] =	stream.linear.gather @!p0 [hbm4b:s2+s7], $0xB000, $0x38;
	[tilespmem:$0x1AD00] =	vst v63  }
.LBB2_20:
0x42: {  	s29 =	sadd.s32 $0x1, s29  }
0x43: {  	p0 =	seq.s32 s29, $0x8  }
.Ltmp7:
0x44: {  	_ = 	snop;
	(pc) =	sbr.rel @p0 .LBB2_3-.Ltmp7, $2  }
0x45: {  	_ =	sdelay $0x2  }
0x46: {  	s26 =	sadd.s32 $0xFFFFFC00, s26;
	s28 =	sadd.s32 $0x400, s28  }
.LBB2_5:
.Ltmp8:
0x47: {  	(pc) =	sbr.rel .LBB2_6-.Ltmp8, $4  }
0x48: {  	_ = 	snop  }
0x49: {  	s30 =	sshll.u32 s29, $0xA  }
0x4a: {  	s2 =	sshll.u32 s29, $0x7;
	v4 =	vmov s30  }
0x4b: {  	s31 =	sshll.u32 s29, $0x9;
	s1 =	simm.s32 $0x0;
	s0 =	sadd.s32 $0xFFFFFFFF, s30;
	v6 =	vmov s2;
	v5 =	vor.u32 $0x1F, v4  }
.LBB2_13:
0x4c: {  	p1 =	por $0x0, $0x0  }
.LBB2_18:
0x4d: {  	s2 =	sand.u32 $0xFFFFFF80, s17;
	s3 =	sand.u32 $0x70, s16  }
0x4e: {  	s2 =	sor.u32 s3, s2  }
0x4f: {  	v13 =	vld [tilespmem:s2+$0x16100]  }
0x50: {  	v14, v15, _ =	vpop @p1 (xrf1)  }
0x51: {  	v14 =	vperm.xlane @p1 v14, v8;
	v16, v17, _ =	vpop @p0 (xrf1)  }
0x52: {  	v15 =	vperm.xlane @p1 v15, v8;
	v16 =	vpsel p0, v16, v12  }
0x53: {  	v18 =	vor.u32 s16, v2;
	v17 =	vpsel p0, v17, v11;
	vm0 =	vge.f32 @p1 v16, v14  }
0x54: {  	(xrf1) =	vsort.dscd.msk.f32 $0xffff, v13, v18;
	v13 =	vsel @p1 vm0, v16, v14;
	v14 =	vsel @p1 vm0, v17, v15  }
0x55: {  	(xrf1) =	vsort.dscd.msk.f32 @p1 $0xffff, v13, v14;
	_ =	sdelay $0xc  }
0x56: {  	v13, v14, _ =	vpop (xrf1)  }
0x57: {  	v13 =	vperm.xlane v13, v8;
	v15, v16, _ =	vpop @p1 (xrf1)  }
0x58: {  	v8 =	vperm.xlane v14, v8;
	v62 =	vpsel p1, v15, v12  }
0x59: {  	v63 =	vpsel p1, v16, v11;
	vm15 =	vge.f32 v62, v13  }
0x5a: {  	v12 =	vsel vm15, v62, v13;
	v8 =	vsel vm15, v63, v8  }
0x5b: {  	(xrf1) =	vsort.dscd.msk.f32 $0xffff, v12, v8;
	_ =	sdelay $0xd  }
0x5c: {  	v8, v11, _ =	vpop (xrf1)  }
0x5d: {  	v11 =	vadd.s32 v4, v11;
	_ =	sdelay $0x2  }
0x5e: {  	[tilespmem:v9+s12+$0x0] =	vst.idx.msk $0xffff, v10  }
0x5f: {  	v9 =	vld.idx.msk [tilespmem:v9+s13+$0x0], $0xffff  }
0x60: {  	v10 =	vld.idx.msk [tilespmem:v11+s13+$0x0], $0xffff;
	_ =	sdelay $0x1  }
0x61: {  	[tilespmem:s30+$0x16100] =	vst v7  }
0x62: {  	[tilespmem:s30+$0x16110] =	vst v8  }
0x63: {  	[tilespmem:s30+$0x18100] =	vst v9  }
0x64: {  	[tilespmem:s30+$0x18110] =	vst v10  }
0x65: {  	v7 =	vld.idx.msk [tilespmem:v5+s12+$0x0], $0xffff;
	_ =	sdelay $0x4  }
0x66: {  	[smem:s29] =	sst s14;
	[tilespmem:s15+$0x1A900] =	vst v7  }
.LBB2_19:
0x67: {  	s1 =	sadd.s32 $0x1, s1  }
0x68: {  	p0 =	sne.s32 s1, $0x10  }
.Ltmp9:
0x69: {  	_ = 	snop;
	(pc) =	sbr.rel @!p0 .LBB2_20-.Ltmp9, $1  }
0x6a: {  	_ =	sdelay $0x3  }
.LBB2_6:
0x6b: {  	s2 =	smul.u32 $0xB00, s1  }
0x6c: {  	s16 =	smul.u32 $0x160, s1  }
0x6d: {  	s15 =	sshrl.u32 s31, $0x2;
	s2 =	sand.u32 $0xFC00, s2  }
0x6e: {  	s6 =	sadd.s32 $0x20, s16;
	s7 =	sand.u32 $0x60, s16;
	s10 =	sadd.s32 $0x30, s16  }
0x6f: {  	s3 =	sadd.s32 $0x40, s16;
	s5 =	sadd.s32 $0x50, s16;
	s2 =	sadd.s32 s2, s25  }
0x70: {  	s8 =	sshll.u32 s6, $0x3;
	s6 =	sand.u32 $0x60, s6;
	s17 =	sshll.u32 s10, $0x3  }
0x71: {  	s2 =	sadd.s32 s7, s2;
	s9 =	sand.u32 $0x1FC00, s8;
	s18 =	sand.u32 $0x1FC00, s17  }
0x72: {  	s8 =	sand.u32 $0x70, s10;
	s17 =	sand.u32 $0x60, s3;
	s7 =	sadd.s32 s9, s25  }
0x73: {  	s10 =	sadd.s32 $0x60, s16;
	s9 =	sshll.u32 s3, $0x3;
	s6 =	sadd.s32 s6, s7  }
0x74: {  	s7 =	sadd.s32 s18, s25;
	s4 =	sand.u32 $0x1FC00, s9;
	s9 =	sand.u32 $0x70, s5  }
0x75: {  	s18 =	sadd.s32 $0x70, s16;
	s7 =	sadd.s32 s8, s7;
	s8 =	sadd.s32 s4, s25  }
0x76: {  	s4 =	sshll.u32 s5, $0x3;
	s5 =	sshll.u32 s10, $0x3;
	s8 =	sadd.s32 s17, s8  }
0x77: {  	s4 =	sand.u32 $0x1FC00, s4;
	s5 =	sand.u32 $0x1FC00, s5;
	s17 =	sand.u32 $0x60, s10  }
0x78: {  	s10 =	sshll.u32 s18, $0x3;
	s4 =	sadd.s32 s4, s25;
	s5 =	sadd.s32 s5, s25  }
0x79: {  	s10 =	sand.u32 $0x1FC00, s10;
	s4 =	sadd.s32 s9, s4;
	s5 =	sadd.s32 s17, s5  }
0x7a: {  	s17 =	sadd.s32 $0x90, s16;
	s9 =	sand.u32 $0x70, s18;
	s10 =	sadd.s32 s10, s25  }
0x7b: {  	v7 =	vld [tilespmem:s15+$0x1A900];
	s18 =	sshll.u32 s17, $0x3;
	s9 =	sadd.s32 s9, s10  }
0x7c: {  	v28 =	vld.idx.msk [tilespmem:v6+s2+$0x0 ss:$0x1], $0xffff;
	s17 =	sand.u32 $0x70, s17;
	s3 =	sand.u32 $0x1FC00, s18;
	s18 =	sadd.s32 $0xA0, s16  }
0x7d: {  	v27 =	vld.idx.msk [tilespmem:v6+s6+$0x0 ss:$0x1], $0xffff;
	s10 =	sadd.s32 s3, s25;
	s3 =	sshll.u32 s18, $0x3;
	s6 =	sand.u32 $0x60, s18  }
0x7e: {  	v29 =	vld.idx.msk [tilespmem:v6+s2+$0x10 ss:$0x1], $0xffff;
	s10 =	sadd.s32 s17, s10;
	s3 =	sand.u32 $0x1FC00, s3;
	s17 =	sadd.s32 $0xB0, s16  }
0x7f: {  	v26 =	vld.idx.msk [tilespmem:v6+s7+$0x0 ss:$0x1], $0xffff;
	s3 =	sadd.s32 s3, s25;
	s18 =	sshll.u32 s17, $0x3;
	s7 =	sand.u32 $0x70, s17  }
0x80: {  	s3 =	sadd.s32 s6, s3;
	s6 =	sand.u32 $0x1FC00, s18;
	s18 =	sadd.s32 $0xC0, s16  }
0x81: {  	v10 =	vld.idx.msk [tilespmem:v6+s10+$0x0 ss:$0x1], $0xffff;
	s10 =	sadd.s32 $0x120, s16;
	s6 =	sadd.s32 s6, s25;
	s17 =	sshll.u32 s18, $0x3  }
0x82: {  	v14 =	vld.idx.msk [tilespmem:v6+s2+$0x400 ss:$0x1], $0xffff;
	s6 =	sadd.s32 s7, s6;
	s7 =	sand.u32 $0x1FC00, s17;
	s17 =	sadd.s32 $0xD0, s16  }
0x83: {  	v25 =	vld.idx.msk [tilespmem:v6+s8+$0x0 ss:$0x1], $0xffff;
	vm2 =	vgt.f32 v28, v7;
	s8 =	sand.u32 $0x60, s18;
	s7 =	sadd.s32 s7, s25;
	s18 =	sshll.u32 s17, $0x3  }
0x84: {  	v17 =	vld.idx.msk [tilespmem:v6+s2+$0x800 ss:$0x1], $0xffff;
	vm5 =	vgt.f32 v29, v7;
	v8 =	vsel vm2, $0x1, v1;
	s7 =	sadd.s32 s8, s7;
	s8 =	sand.u32 $0x1FC00, s18;
	s18 =	sadd.s32 $0xE0, s16  }
0x85: {  	v24 =	vld.idx.msk [tilespmem:v6+s4+$0x0 ss:$0x1], $0xffff;
	v11 =	vsel vm5, $0x1, v1;
	(xrf0) =	vadd.scan.msk.s32 $0xffff, v8;
	s4 =	sand.u32 $0x70, s17;
	s8 =	sadd.s32 s8, s25;
	s17 =	sshll.u32 s18, $0x3  }
0x86: {  	(xrf0) =	vadd.scan.msk.s32 $0xffff, v11;
	v11 =	vld.idx.msk [tilespmem:v6+s7+$0x0 ss:$0x1], $0xffff;
	s7 =	sand.u32 $0x60, s10;
	s4 =	sadd.s32 s4, s8;
	s8 =	sadd.s32 $0xF0, s16  }
0x87: {  	v23 =	vld.idx.msk [tilespmem:v6+s5+$0x0 ss:$0x1], $0xffff;
	s5 =	sand.u32 $0x1FC00, s17;
	s17 =	sand.u32 $0x60, s18;
	s18 =	sshll.u32 s8, $0x3  }
0x88: {  	s5 =	sadd.s32 s5, s25;
	s8 =	sand.u32 $0x70, s8;
	s18 =	sand.u32 $0x1FC00, s18  }
0x89: {  	vm0 =	vgt.f32 v14, v7;
	vm10 =	vgt.f32 v17, v7;
	v18 =	vmpcnt.ones.xlane vm2;
	v20 =	vld.idx.msk [tilespmem:v6+s9+$0x0 ss:$0x1], $0xffff;
	s5 =	sadd.s32 s17, s5;
	s17 =	sadd.s32 $0x110, s16;
	s9 =	sadd.s32 s18, s25  }
0x8a: {  	v22 =	vmpcnt.ones.xlane vm5;
	v39 =	vsel vm0, $0x1, v1;
	vm8 =	vgt.f32 v27, v7;
	v8 =	vld.idx.msk [tilespmem:v6+s6+$0x0 ss:$0x1], $0xffff;
	s18 =	sshll.u32 s17, $0x3;
	s6 =	sand.u32 $0x70, s17;
	s17 =	sshll.u32 s10, $0x3  }
0x8b: {  	v15 =	vsel vm8, $0x1, v1;
	v30 =	vmpcnt.ones.xlane vm8;
	vm13 =	vgt.f32 v26, v7;
	v9 =	vld.idx.msk [tilespmem:v6+s3+$0x0 ss:$0x1], $0xffff;
	s10 =	sadd.s32 $0x130, s16;
	s3 =	sadd.s32 s8, s9;
	s9 =	sand.u32 $0x1FC00, s18  }
0x8c: {  	vm9 =	vgt.f32 v25, v7;
	(xrf0) =	vadd.scan.msk.s32 $0xffff, v15;
	v16 =	vsel vm13, $0x1, v1;
	v31 =	vmpcnt.ones.xlane vm13;
	s18 =	sand.u32 $0x1FC00, s17;
	s17 =	sld [smem:s29+$0x0];
	s8 =	sadd.s32 s9, s25  }
0x8d: {  	v19 =	vsel vm9, $0x1, v1;
	v32 =	vmpcnt.ones.xlane vm9;
	(xrf0) =	vadd.scan.msk.s32 $0xffff, v16;
	vm12 =	vgt.f32 v24, v7;
	v12 =	vld.idx.msk [tilespmem:v6+s5+$0x0 ss:$0x1], $0xffff;
	s9 =	sadd.s32 s18, s25;
	s18 =	sshll.u32 s10, $0x3;
	s5 =	sadd.s32 s6, s8  }
0x8e: {  	vm7 =	vgt.f32 v23, v7;
	(xrf0) =	vadd.scan.msk.s32 $0xffff, v19;
	v33 =	vsel vm12, $0x1, v1;
	v34 =	vmpcnt.ones.xlane vm12;
	v13 =	vld.idx.msk [tilespmem:v6+s4+$0x0 ss:$0x1], $0xffff;
	s4 =	sadd.s32 s7, s9;
	s18 =	sand.u32 $0x1FC00, s18;
	s7 =	sand.u32 $0x70, s10  }
0x8f: {  	v35 =	vsel vm7, $0x1, v1;
	vm1 =	vgt.f32 v20, v7;
	v54 =	vmpcnt.ones.xlane vm7;
	v21, _, _ =	vpop (xrf0);
	(xrf0) =	vadd.scan.msk.s32 $0xffff, v33;
	s8 =	sadd.s32 $0x140, s16;
	s6 =	sadd.s32 s18, s25;
	s18 =	sadd.s32 s17, s0  }
0x90: {  	v38 =	vsel vm1, $0x1, v1;
	v55 =	vmpcnt.ones.xlane vm1;
	(xrf0) =	vadd.scan.msk.s32 $0xffff, v35;
	v15 =	vld.idx.msk [tilespmem:v6+s3+$0x0 ss:$0x1], $0xffff;
	s10 =	sadd.s32 $0x150, s16;
	s16 =	sadd.s32 s24, s16;
	s9 =	sshll.u32 s8, $0x3;
	v37 =	vadd.s32 s18, v21  }
0x91: {  	v53, _, _ =	vpop (xrf0);
	(xrf0) =	vadd.scan.msk.s32 $0xffff, v38;
	v38 =	vmpcnt.ones.xlane vm0;
	vm3 =	vgt.f32 v10, v7;
	v16 =	vld.idx.msk [tilespmem:v6+s5+$0x0 ss:$0x1], $0xffff;
	s3 =	sadd.s32 s7, s6;
	s2 =	sand.u32 $0x1FC00, s9;
	v36 =	vadd.s32 s18, v18;
	s6 =	sshll.u32 s10, $0x3  }
0x92: {  	v41, _, _ =	vpop (xrf0);
	(xrf0) =	vadd.scan.msk.s32 $0xffff, v39;
	v56 =	vsel vm3, $0x1, v1;
	v42 =	vmpcnt.ones.xlane vm3;
	v18 =	vld.idx.msk [tilespmem:v6+s4+$0x0 ss:$0x1], $0xffff;
	s7 =	sand.u32 $0x60, s8;
	s2 =	sadd.s32 s2, s25;
	s5 =	sand.u32 $0x1FC00, s6;
	v40 =	vadd.s32 v53, v36  }
0x93: {  	vm4 =	vgt.f32 v9, v7;
	(xrf0) =	vadd.scan.msk.s32 $0xffff, v56;
	v56 =	vsel vm10, $0x1, v1;
	vm6 =	vgt.f32 v8, v7;
	s8 =	sand.u32 $0x70, s10;
	v19 =	vld.idx.msk [tilespmem:v6+s3+$0x0 ss:$0x1], $0xffff;
	s2 =	sadd.s32 s7, s2;
	s9 =	sadd.s32 s5, s25  }
0x94: {  	v57 =	vsel vm4, $0x1, v1;
	v59 =	vmpcnt.ones.xlane vm4;
	v61 =	vsel vm6, $0x1, v1;
	s17 =	sor.u32 $0x10, s16;
	v21 =	vld.idx.msk [tilespmem:v6+s2+$0x0 ss:$0x1], $0xffff;
	s10 =	sadd.s32 s8, s9  }
0x95: {  	v58 =	vor.u32 s16, v2;
	v60 =	vor.u32 s17, v2;
	s18 =	sadd.s32 $0x20, s16;
	v36 =	vadd.s32 v22, v36;
	v22 =	vld.idx.msk [tilespmem:v6+s10+$0x0 ss:$0x1], $0xffff;
	[tilespmem:v37+s12+$0x0] =	vst.idx.msk vm2, v28  }
0x96: {  	v43 =	vor.u32 s18, v2;
	s3 =	sadd.s32 $0x30, s16;
	v41 =	vadd.s32 v41, v36;
	v30 =	vadd.s32 v30, v36;
	[tilespmem:v37+s13+$0x0] =	vst.idx.msk vm2, v58  }
0x97: {  	v63, _, _ =	vpop (xrf0);
	vm11 =	vgt.f32 v15, v7;
	v53 =	vor.u32 s3, v2;
	vm2 =	vgt.f32 v11, v7;
	[tilespmem:v40+s12+$0x0] =	vst.idx.msk vm5, v29  }
0x98: {  	v52 =	vsel vm11, $0x1, v1;
	[tilespmem:v40+s13+$0x0] =	vst.idx.msk vm5, v60;
	v40 =	vadd.s32 v63, v30;
	v30 =	vadd.s32 v31, v30  }
0x99: {  	(xrf0) =	vadd.scan.msk.s32 $0xffff, v57;
	v37 =	vmpcnt.ones.xlane vm6;
	v58 =	vmpcnt.ones.xlane vm10;
	v32 =	vadd.s32 v32, v30  }
0x9a: {  	(xrf0) =	vadd.scan.msk.s32 $0xffff, v61;
	s5 =	sadd.s32 $0x50, s16;
	v62 =	vsel vm2, $0x1, v1;
	v44 =	vmpcnt.ones.xlane vm2;
	v34 =	vadd.s32 v34, v32  }
0x9b: {  	v46, _, _ =	vpop (xrf0);
	vm5 =	vgt.f32 v13, v7;
	(xrf0) =	vadd.scan.msk.s32 $0xffff, v62;
	v62 =	vor.u32 s5, v2;
	v33 =	vadd.s32 v54, v34  }
0x9c: {  	vm14 =	vgt.f32 v21, v7;
	[tilespmem:v41+s12+$0x0] =	vst.idx.msk vm8, v27;
	v45 =	vsel vm5, $0x1, v1;
	v35 =	vadd.s32 v55, v33  }
0x9d: {  	v30 =	vadd.s32 v46, v30;
	vm15 =	vgt.f32 v22, v7;
	v38 =	vadd.s32 v38, v35  }
0x9e: {  	v48, _, _ =	vpop (xrf0);
	v47 =	vmpcnt.ones.xlane vm5;
	[tilespmem:v41+s13+$0x0] =	vst.idx.msk vm8, v43;
	vm8 =	vgt.f32 v12, v7;
	v41 =	vadd.s32 v42, v38  }
0x9f: {  	v50, _, _ =	vpop (xrf0);
	(xrf0) =	vadd.scan.msk.s32 $0xffff, v45;
	v31 =	vadd.s32 v48, v32;
	v49 =	vsel vm8, $0x1, v1;
	v39 =	vadd.s32 v59, v41  }
0xa0: {  	v51 =	vmpcnt.ones.xlane vm8;
	v57 =	vadd.s32 v50, v34;
	[tilespmem:v40+s12+$0x0] =	vst.idx.msk vm13, v26;
	v37 =	vadd.s32 v37, v39  }
0xa1: {  	s4 =	sadd.s32 $0x40, s16;
	v54, _, _ =	vpop (xrf0);
	(xrf0) =	vadd.scan.msk.s32 $0xffff, v49;
	v55 =	vmpcnt.ones.xlane vm11;
	[tilespmem:v40+s13+$0x0] =	vst.idx.msk vm13, v53;
	v36 =	vadd.s32 v44, v37  }
0xa2: {  	v45 =	vadd.s32 v54, v33;
	[tilespmem:v30+s12+$0x0] =	vst.idx.msk vm9, v25;
	v59 =	vor.u32 s4, v2;
	v29 =	vadd.s32 v47, v36  }
0xa3: {  	(xrf0) =	vadd.scan.msk.s32 $0xffff, v52;
	vm13 =	vgt.f32 v16, v7;
	[tilespmem:v30+s13+$0x0] =	vst.idx.msk vm9, v59;
	v27 =	vadd.s32 v51, v29  }
0xa4: {  	v46, _, _ =	vpop (xrf0);
	v61 =	vmpcnt.ones.xlane vm13;
	vm9 =	vgt.f32 v18, v7;
	[tilespmem:v31+s12+$0x0] =	vst.idx.msk vm12, v24;
	v26 =	vadd.s32 v55, v27  }
0xa5: {  	v49, _, _ =	vpop (xrf0);
	[tilespmem:v31+s13+$0x0] =	vst.idx.msk vm12, v62;
	vm12 =	vgt.f32 v19, v7;
	v47 =	vmpcnt.ones.xlane vm9;
	v34 =	vadd.s32 v58, v26  }
0xa6: {  	(xrf0) =	vadd.scan.msk.s32 $0xffff, v56;
	v60 =	vsel vm13, $0x1, v1;
	v50 =	vmpcnt.ones.xlane vm12;
	v51, _, _ =	vpop (xrf0);
	v7 =	vadd.s32 v61, v34  }
0xa7: {  	v54 =	vmpcnt.ones.xlane vm14;
	(xrf0) =	vadd.scan.msk.s32 $0xffff, v60;
	v63 =	vsel vm9, $0x1, v1;
	v53, _, _ =	vpop (xrf0);
	v33 =	vadd.s32 v47, v7  }
0xa8: {  	v48 =	vsel vm12, $0x1, v1;
	(xrf0) =	vadd.scan.msk.s32 $0xffff, v63;
	v55 =	vmpcnt.ones.xlane vm15;
	v56, _, _ =	vpop (xrf0);
	v40 =	vadd.s32 v50, v33  }
0xa9: {  	v59 =	vsel vm14, $0x1, v1;
	(xrf0) =	vadd.scan.msk.s32 $0xffff, v48;
	v58, _, _ =	vpop (xrf0);
	v24 =	vadd.s32 v54, v40  }
0xaa: {  	s6 =	sadd.s32 $0x60, s16;
	v52 =	vadd.s32 v46, v35;
	(xrf0) =	vadd.scan.msk.s32 $0xffff, v59;
	v61 =	vsel vm15, $0x1, v1;
	v60, _, _ =	vpop (xrf0);
	v35 =	vadd.s32 v55, v24  }
0xab: {  	v44 =	vor.u32 s6, v2;
	[tilespmem:v57+s12+$0x0] =	vst.idx.msk vm7, v23;
	(xrf0) =	vadd.scan.msk.s32 $0xffff, v61;
	v62, _, _ =	vpop (xrf0);
	v35 =	vxor.u32 $0x80000000, v35  }
0xac: {  	s7 =	sadd.s32 $0x70, s16;
	v28 =	vadd.s32 v49, v38;
	[tilespmem:v57+s13+$0x0] =	vst.idx.msk vm7, v44;
	v42, _, _ =	vpop (xrf0);
	(xrf0) =	vmax.scan.msk.u32 $0xffff, v35  }
0xad: {  	v57 =	vor.u32 s7, v2;
	[tilespmem:v45+s12+$0x0] =	vst.idx.msk vm1, v20;
	v43, _, _ =	vpop (xrf0)  }
0xae: {  	s8 =	sadd.s32 $0x80, s16;
	v25 =	vadd.s32 v51, v41;
	[tilespmem:v45+s13+$0x0] =	vst.idx.msk vm1, v57;
	v45, _, _ =	vpop (xrf0)  }
0xaf: {  	v63 =	vor.u32 s8, v2;
	[tilespmem:v52+s12+$0x0] =	vst.idx.msk vm0, v14;
	v46, _, _ =	vpop (xrf0)  }
0xb0: {  	s9 =	sadd.s32 $0x90, s16;
	v41 =	vadd.s32 v53, v39;
	[tilespmem:v52+s13+$0x0] =	vst.idx.msk vm0, v63;
	v48, _, _ =	vpop (xrf0)  }
0xb1: {  	v44 =	vor.u32 s9, v2;
	[tilespmem:v28+s12+$0x0] =	vst.idx.msk vm3, v10;
	v50, _, _ =	vpop (xrf0)  }
0xb2: {  	s10 =	sadd.s32 $0xA0, s16;
	v20 =	vadd.s32 v56, v37;
	[tilespmem:v28+s13+$0x0] =	vst.idx.msk vm3, v44;
	v51, _, _ =	vpop (xrf0)  }
0xb3: {  	v47 =	vor.u32 s10, v2;
	[tilespmem:v25+s12+$0x0] =	vst.idx.msk vm4, v9;
	(v2sf) =	vpush v51, $0xF  }
0xb4: {  	s17 =	sadd.s32 $0xB0, s16;
	v49 =	vadd.s32 v58, v36;
	[tilespmem:v25+s13+$0x0] =	vst.idx.msk vm4, v47  }
0xb5: {  	[tilespmem:v41+s12+$0x0] =	vst.idx.msk vm6, v8;
	v8 =	vor.u32 s17, v2  }
0xb6: {  	s18 =	sadd.s32 $0xC0, s16;
	[tilespmem:v41+s13+$0x0] =	vst.idx.msk vm6, v8;
	v8 =	vadd.s32 v60, v29  }
0xb7: {  	v52 =	vor.u32 s18, v2;
	[tilespmem:v20+s12+$0x0] =	vst.idx.msk vm2, v11  }
0xb8: {  	s3 =	sadd.s32 $0xD0, s16;
	v53 =	vadd.s32 v62, v27;
	[tilespmem:v20+s13+$0x0] =	vst.idx.msk vm2, v52  }
0xb9: {  	v54 =	vor.u32 s3, v2;
	[tilespmem:v49+s12+$0x0] =	vst.idx.msk vm5, v13  }
0xba: {  	s4 =	sadd.s32 $0xE0, s16;
	v55 =	vadd.s32 v42, v26;
	[tilespmem:v49+s13+$0x0] =	vst.idx.msk vm5, v54  }
0xbb: {  	v56 =	vor.u32 s4, v2;
	[tilespmem:v8+s12+$0x0] =	vst.idx.msk vm8, v12  }
0xbc: {  	s5 =	sadd.s32 $0xF0, s16;
	[tilespmem:v8+s13+$0x0] =	vst.idx.msk vm8, v56;
	v8 =	vadd.s32 v43, v34  }
0xbd: {  	v57 =	vor.u32 s5, v2;
	[tilespmem:v53+s12+$0x0] =	vst.idx.msk vm11, v15  }
0xbe: {  	s6 =	sadd.s32 $0x100, s16;
	v7 =	vadd.s32 v45, v7;
	[tilespmem:v53+s13+$0x0] =	vst.idx.msk vm11, v57  }
0xbf: {  	v58 =	vor.u32 s6, v2;
	[tilespmem:v55+s12+$0x0] =	vst.idx.msk vm10, v17  }
0xc0: {  	s7 =	sadd.s32 $0x110, s16;
	v59 =	vadd.s32 v46, v33;
	[tilespmem:v55+s13+$0x0] =	vst.idx.msk vm10, v58  }
0xc1: {  	v60 =	vor.u32 s7, v2;
	[tilespmem:v8+s12+$0x0] =	vst.idx.msk vm13, v16  }
0xc2: {  	s8 =	sadd.s32 $0x120, s16;
	[tilespmem:v8+s13+$0x0] =	vst.idx.msk vm13, v60;
	v8 =	vadd.s32 v48, v40;
	s2 =	spop (v2sf)  }
0xc3: {  	v61 =	vor.u32 s8, v2;
	[tilespmem:v7+s12+$0x0] =	vst.idx.msk vm9, v18;
	s6 =	sadd.s32 $0x80000001, s2  }
0xc4: {  	s9 =	sadd.s32 $0x130, s16;
	[tilespmem:v7+s13+$0x0] =	vst.idx.msk vm9, v61;
	v7 =	vadd.s32 v50, v24;
	s18 =	ssub.s32 s6, s30  }
0xc5: {  	v62 =	vor.u32 s9, v2;
	[tilespmem:v59+s12+$0x0] =	vst.idx.msk vm12, v19;
	p0 =	slt.s32 s18, $0x291  }
.Ltmp10:
0xc6: {  	s10 =	sadd.s32 $0x140, s16;
	[tilespmem:v59+s13+$0x0] =	vst.idx.msk vm12, v62;
	(pc) =	sbr.rel @p0 .LBB2_19-.Ltmp10, $4  }
0xc7: {  	v63 =	vor.u32 s10, v2;
	[tilespmem:v8+s12+$0x0] =	vst.idx.msk vm14, v21  }
0xc8: {  	s17 =	sadd.s32 $0x150, s16;
	[tilespmem:v8+s13+$0x0] =	vst.idx.msk vm14, v63  }
0xc9: {  	v8 =	vor.u32 s17, v2;
	[tilespmem:v7+s12+$0x0] =	vst.idx.msk vm15, v22  }
0xca: {  	[tilespmem:v7+s13+$0x0] =	vst.idx.msk vm15, v8;
	[smem:s29] =	sst s18  }
0xcb: {  	[tilespmem:s6+$0x16100] =	vst v0  }
0xcc: {  	v7 =	vld [tilespmem:s30+$0x16100];
	_ =	sdelay $0x4  }
0xcd: {  	(xrf1) =	vsort.dscd.msk.f32 $0xffff, v7, v2;
	_ =	sdelay $0x6  }
0xce: {  	s2 =	sadd.s32 s2, s26  }
0xcf: {  	s2 =	sshrl.u32 s2, $0x4  }
0xd0: {  	p1 =	sne.s32 s2, $0x1  }
.Ltmp11:
0xd1: {  	_ = 	snop;
	(pc) =	sbr.rel @!p1 .LBB2_12-.Ltmp11, $4  }
0xd2: {  	_ = 	snop  }
0xd3: {  	s16 =	simm.s32 $0x10;
	s17 =	sadd.s32 $0x10, s28  }
0xd4: {  	p2 =	por $0x0, $0x0;
	p0 =	por $0x0, $0x0;
	s7 =	simm.s32 $0x10  }
0xd5: {  	p3 =	por $0x0, $0x0;
	s6 =	sadd.s32 $0xFFFFFFFF, s2;
	s2 =	smov.u32 s17;
	v9, v7, _ =	vpop (xrf1)  }
0xd6: {  	s2 =	sand.u32 $0xFFFFFF80, s17;
	s3 =	sand.u32 $0x70, s16  }
0xd7: {  	s2 =	sor.u32 s3, s2  }
0xd8: {  	p3 =	sne.s32 s6, $0x1;
	v8 =	vld [tilespmem:s2+$0x16100]  }
.Ltmp12:
0xd9: {  	_ = 	snop;
	(pc) =	sbr.rel @!p3 .LBB2_9-.Ltmp12, $3  }
0xda: {  	_ =	sdelay $0x1  }
0xdb: {  	v10 =	vor.u32 s16, v2;
	s7 =	simm.s32 $0x20  }
0xdc: {  	s8 =	sadd.s32 $0xFFFFFFFF, s6;
	p2 =	por $0x1, $0x1;
	s2 =	sadd.s32 $0x20, s28;
	(xrf1) =	vsort.dscd.msk.f32 $0xffff, v8, v10  }
0xdd: {  	_ =	sdelay $0x8  }
0xde: {  	s2 =	sand.u32 $0xFFFFFF80, s2;
	s3 =	sand.u32 $0x70, s7  }
0xdf: {  	s2 =	sor.u32 s3, s2  }
0xe0: {  	v8 =	vmul.u32 $0xFFFFFFFF, v2;
	v10 =	vld [tilespmem:s2+$0x16100];
	_ =	sdelay $0x1  }
0xe1: {  	v8 =	vadd.s32 $0xF, v8;
	v11, v12, _ =	vpop (xrf1)  }
0xe2: {  	v11 =	vperm.xlane v11, v8  }
0xe3: {  	v13 =	vor.u32 s7, v2;
	v12 =	vperm.xlane v12, v8  }
0xe4: {  	(xrf1) =	vsort.dscd.msk.f32 $0xffff, v10, v13;
	vm0 =	vge.f32 v9, v11  }
0xe5: {  	v10 =	vsel vm0, v9, v11;
	v11 =	vsel vm0, v7, v12  }
0xe6: {  	(xrf1) =	vsort.dscd.msk.f32 $0xffff, v10, v11;
	_ =	sdelay $0x1  }
0xe7: {  	p4 =	sne.s32 s8, $0x1  }
.Ltmp13:
0xe8: {  	_ = 	snop;
	(pc) =	sbr.rel @!p4 .LBB2_12-.Ltmp13, $3  }
0xe9: {  	_ =	sdelay $0x1  }
0xea: {  	s7 =	simm.s32 $0x30  }
0xeb: {  	s8 =	sadd.s32 $0xFFFFFFFF, s8;
	p3 =	por $0x1, $0x1;
	s2 =	sadd.s32 $0x30, s28  }
.LBB2_11:
0xec: {  	p4 =	sne.s32 s8, $0x1;
	s2 =	sand.u32 $0xFFFFFF80, s2;
	s3 =	sand.u32 $0x70, s7  }
0xed: {  	s2 =	sor.u32 s3, s2  }
0xee: {  	v10 =	vld [tilespmem:s2+$0x16100];
	_ =	sdelay $0x1  }
0xef: {  	v11, v12, _ =	vpop (xrf1)  }
0xf0: {  	v11 =	vperm.xlane v11, v8  }
0xf1: {  	v13 =	vor.u32 s7, v2;
	v12 =	vperm.xlane v12, v8;
	v15, v14, _ =	vpop (xrf1)  }
0xf2: {  	(xrf1) =	vsort.dscd.msk.f32 $0xffff, v10, v13;
	vm0 =	vge.f32 v15, v11  }
0xf3: {  	v10 =	vsel vm0, v15, v11;
	v11 =	vsel vm0, v14, v12  }
0xf4: {  	(xrf1) =	vsort.dscd.msk.f32 $0xffff, v10, v11;
	_ =	sdelay $0x2  }
.Ltmp14:
0xf5: {  	(pc) =	sbr.rel @p4 .LBB2_11-.Ltmp14, $3  }
0xf6: {  	_ =	sdelay $0x1  }
0xf7: {  	s7 =	sadd.s32 $0x10, s7  }
0xf8: {  	s8 =	sadd.s32 $0xFFFFFFFF, s8;
	s2 =	sadd.s32 s7, s28  }
.LBB2_12:
0xf9: {  	_ =	sdelay $0x1  }
0xfa: {  	s2 =	sand.u32 $0xFFFFFF80, s2;
	s3 =	sand.u32 $0x70, s7  }
0xfb: {  	v8 =	vmul.u32 @p2 $0xFFFFFFFF, v2;
	s2 =	sor.u32 s3, s2  }
0xfc: {  	v10 =	vld [tilespmem:s2+$0x16100]  }
0xfd: {  	v8 =	vadd.s32 @p2 $0xF, v8;
	v11, v12, _ =	vpop @p2 (xrf1)  }
0xfe: {  	v11 =	vperm.xlane @p2 v11, v8;
	v13, v14, _ =	vpop @p3 (xrf1)  }
0xff: {  	v8 =	vperm.xlane @p2 v12, v8;
	v12 =	vpsel p3, v13, v9  }
0x100: {  	v13 =	vor.u32 s7, v2;
	v14 =	vpsel p3, v14, v7;
	vm0 =	vge.f32 @p2 v12, v11  }
0x101: {  	(xrf1) =	vsort.dscd.msk.f32 $0xffff, v10, v13;
	v10 =	vsel @p2 vm0, v12, v11;
	v8 =	vsel @p2 vm0, v14, v8  }
0x102: {  	(xrf1) =	vsort.dscd.msk.f32 @p2 $0xffff, v10, v8;
	_ =	sdelay $0xa  }
0x103: {  	v8 =	vmul.u32 $0xFFFFFFFF, v2;
	_ =	sdelay $0x1  }
0x104: {  	v8 =	vadd.s32 $0xF, v8;
	v10, v11, _ =	vpop (xrf1)  }
0x105: {  	v10 =	vperm.xlane v10, v8;
	v12, v13, _ =	vpop @p2 (xrf1)  }
0x106: {  	v11 =	vperm.xlane v11, v8;
	v9 =	vpsel p2, v12, v9  }
0x107: {  	v7 =	vpsel p2, v13, v7;
	vm15 =	vge.f32 v9, v10  }
0x108: {  	v9 =	vsel vm15, v9, v10;
	v7 =	vsel vm15, v7, v11  }
0x109: {  	(xrf1) =	vsort.dscd.msk.f32 $0xffff, v9, v7;
	_ =	sdelay $0xd  }
0x10a: {  	v7, v9, _ =	vpop (xrf1)  }
0x10b: {  	v9 =	vadd.s32 v4, v9;
	_ =	sdelay $0x4  }
0x10c: {  	v10 =	vld.idx.msk [tilespmem:v9+s12+$0x0], $0xffff;
	[tilespmem:v9+s12+$0x0] =	vst.idx.msk $0xffff, v0  }
0x10d: {  	v11 =	vld [tilespmem:s30+$0x16100];
	_ =	sdelay $0x4  }
0x10e: {  	(xrf1) =	vsort.dscd.msk.f32 $0xffff, v11, v2;
	_ =	sdelay $0x9  }
.Ltmp15:
0x10f: {  	_ = 	snop;
	(pc) =	sbr.rel @!p1 .LBB2_13-.Ltmp15, $2  }
0x110: {  	_ =	sdelay $0x2  }
0x111: {  	v12, v11, _ =	vpop (xrf1)  }
0x112: {  	s2 =	sand.u32 $0xFFFFFF80, s17;
	s3 =	sand.u32 $0x70, s16  }
0x113: {  	s2 =	sor.u32 s3, s2  }
0x114: {  	v13 =	vld [tilespmem:s2+$0x16100];
	_ =	sdelay $0x3  }
0x115: {  	v14 =	vor.u32 s16, v2  }
0x116: {  	(xrf1) =	vsort.dscd.msk.f32 $0xffff, v13, v14;
	_ =	sdelay $0x4  }
0x117: {  	p2 =	sne.s32 s6, $0x1  }
.Ltmp16:
0x118: {  	_ = 	snop;
	(pc) =	sbr.rel @!p2 .LBB2_15-.Ltmp16, $3  }
0x119: {  	_ =	sdelay $0x1  }
0x11a: {  	s16 =	simm.s32 $0x20  }
0x11b: {  	s17 =	sadd.s32 $0x20, s28;
	p1 =	por $0x1, $0x1;
	s2 =	sadd.s32 $0xFFFFFFFF, s6  }
0x11c: {  	s3 =	sand.u32 $0xFFFFFF80, s17;
	s4 =	sand.u32 $0x70, s16  }
0x11d: {  	s3 =	sor.u32 s4, s3  }
0x11e: {  	v13 =	vld [tilespmem:s3+$0x16100]  }
0x11f: {  	v14, v15, _ =	vpop (xrf1)  }
0x120: {  	v14 =	vperm.xlane v14, v8  }
0x121: {  	v15 =	vperm.xlane v15, v8  }
0x122: {  	v16 =	vor.u32 s16, v2;
	vm0 =	vge.f32 v12, v14  }
0x123: {  	(xrf1) =	vsort.dscd.msk.f32 $0xffff, v13, v16;
	v13 =	vsel vm0, v12, v14;
	v14 =	vsel vm0, v11, v15  }
0x124: {  	(xrf1) =	vsort.dscd.msk.f32 $0xffff, v13, v14;
	_ =	sdelay $0x3  }
0x125: {  	p2 =	sne.s32 s2, $0x1  }
.Ltmp17:
0x126: {  	_ = 	snop;
	(pc) =	sbr.rel @!p2 .LBB2_18-.Ltmp17, $3  }
0x127: {  	_ =	sdelay $0x1  }
0x128: {  	s16 =	simm.s32 $0x30  }
0x129: {  	s17 =	sadd.s32 $0x30, s28;
	s6 =	sadd.s32 $0xFFFFFFFF, s2;
	p0 =	por $0x1, $0x1  }
.LBB2_17:
0x12a: {  	p2 =	sne.s32 s6, $0x1;
	s2 =	sand.u32 $0xFFFFFF80, s17;
	s3 =	sand.u32 $0x70, s16  }
0x12b: {  	s2 =	sor.u32 s3, s2  }
0x12c: {  	v13 =	vld [tilespmem:s2+$0x16100];
	_ =	sdelay $0x1  }
0x12d: {  	v14, v15, _ =	vpop (xrf1)  }
0x12e: {  	v14 =	vperm.xlane v14, v8  }
0x12f: {  	v16 =	vor.u32 s16, v2;
	v15 =	vperm.xlane v15, v8;
	v18, v17, _ =	vpop (xrf1)  }
0x130: {  	(xrf1) =	vsort.dscd.msk.f32 $0xffff, v13, v16;
	vm0 =	vge.f32 v18, v14  }
0x131: {  	v13 =	vsel vm0, v18, v14;
	v14 =	vsel vm0, v17, v15  }
0x132: {  	(xrf1) =	vsort.dscd.msk.f32 $0xffff, v13, v14;
	_ =	sdelay $0x2  }
.Ltmp18:
0x133: {  	(pc) =	sbr.rel @p2 .LBB2_17-.Ltmp18, $3  }
0x134: {  	_ =	sdelay $0x1  }
0x135: {  	s16 =	sadd.s32 $0x10, s16  }
0x136: {  	s6 =	sadd.s32 $0xFFFFFFFF, s6;
	s17 =	sadd.s32 s16, s28  }
.Ltmp19:
0x137: {  	_ = 	snop;
	(pc) =	sbr.rel .LBB2_18-.Ltmp19, $1  }
0x138: {  	_ =	sdelay $0x3  }
.LBB2_9:
.Ltmp20:
0x139: {  	(pc) =	sbr.rel .LBB2_12-.Ltmp20, $2  }
0x13a: {  	_ =	sdelay $0x2  }
0x13b: {  	p3 =	por $0x0, $0x0  }
.LBB2_15:
.Ltmp21:
0x13c: {  	(pc) =	sbr.rel .LBB2_18-.Ltmp21, $2  }
0x13d: {  	_ =	sdelay $0x2  }
0x13e: {  	_ = 	snop  }
.LBB2_21:
.Ltmp22:
0x13f: {  	(pc) =	sbr.rel .LBB2_22-.Ltmp22, $4  }
0x140: {  	_ = 	snop  }
0x141: {  	_ =	swait.ge [sflag:s11], $0x8400  }
0x142: {  	s0 =	simm.s32 $0x80000001;
	[sflag:s11] =	ssyncset.done $0x0  }
0x143: {  	s1 =	simm.s32 $0x0;
	s21 =	simm.s32 $0x0;
	[sflag:s11] =	ssyncadd.s32 $0xFFFF7C00  }
.LBB2_37:
0x144: {  	s21 =	sadd.s32 $0x1, s21  }
0x145: {  	p0 =	sne.s32 s21, $0x8  }
.Ltmp23:
0x146: {  	_ = 	snop;
	(pc) =	sbr.rel @!p0 .LBB2_38-.Ltmp23, $2  }
0x147: {  	_ =	sdelay $0x2  }
0x148: {  	s0 =	sadd.s32 $0xFFFFFC00, s0;
	s1 =	sadd.s32 $0x400, s1  }
.LBB2_22:
.Ltmp24:
0x149: {  	(pc) =	sbr.rel .LBB2_23-.Ltmp24, $4  }
0x14a: {  	_ = 	snop  }
0x14b: {  	s15 =	sshll.u32 s21, $0xA  }
0x14c: {  	s2 =	sshll.u32 s21, $0x7;
	v4 =	vmov s15  }
0x14d: {  	s22 =	sshll.u32 s21, $0x9;
	s24 =	simm.s32 $0x0;
	s23 =	sadd.s32 $0xFFFFFFFF, s15;
	v6 =	vmov s2;
	v5 =	vor.u32 $0x1F, v4  }
.LBB2_30:
0x14e: {  	p1 =	por $0x0, $0x0  }
.LBB2_35:
0x14f: {  	s2 =	sand.u32 $0xFFFFFF80, s2;
	s3 =	sand.u32 $0x70, s16  }
0x150: {  	s2 =	sor.u32 s3, s2  }
0x151: {  	v13 =	vld [tilespmem:s2+$0x16100]  }
0x152: {  	v14, v15, _ =	vpop @p1 (xrf1)  }
0x153: {  	v14 =	vperm.xlane @p1 v14, v8;
	v16, v17, _ =	vpop @p0 (xrf1)  }
0x154: {  	v15 =	vperm.xlane @p1 v15, v8;
	v16 =	vpsel p0, v16, v12  }
0x155: {  	v18 =	vor.u32 s16, v2;
	v17 =	vpsel p0, v17, v11;
	vm0 =	vge.f32 @p1 v16, v14  }
0x156: {  	(xrf1) =	vsort.dscd.msk.f32 $0xffff, v13, v18;
	v13 =	vsel @p1 vm0, v16, v14;
	v14 =	vsel @p1 vm0, v17, v15  }
0x157: {  	(xrf1) =	vsort.dscd.msk.f32 @p1 $0xffff, v13, v14;
	_ =	sdelay $0xc  }
0x158: {  	v13, v14, _ =	vpop (xrf1)  }
0x159: {  	v13 =	vperm.xlane v13, v8;
	v15, v16, _ =	vpop @p1 (xrf1)  }
0x15a: {  	v8 =	vperm.xlane v14, v8;
	v62 =	vpsel p1, v15, v12  }
0x15b: {  	v63 =	vpsel p1, v16, v11;
	vm15 =	vge.f32 v62, v13  }
0x15c: {  	v12 =	vsel vm15, v62, v13;
	v8 =	vsel vm15, v63, v8  }
0x15d: {  	(xrf1) =	vsort.dscd.msk.f32 $0xffff, v12, v8;
	_ =	sdelay $0xd  }
0x15e: {  	v8, v11, _ =	vpop (xrf1)  }
0x15f: {  	v11 =	vadd.s32 v4, v11;
	_ =	sdelay $0x2  }
0x160: {  	[tilespmem:v9+s12+$0x0] =	vst.idx.msk $0xffff, v10  }
0x161: {  	v9 =	vld.idx.msk [tilespmem:v9+s13+$0x0], $0xffff  }
0x162: {  	v10 =	vld.idx.msk [tilespmem:v11+s13+$0x0], $0xffff;
	_ =	sdelay $0x1  }
0x163: {  	[tilespmem:s15+$0x16100] =	vst v7  }
0x164: {  	[tilespmem:s15+$0x16110] =	vst v8  }
0x165: {  	[tilespmem:s15+$0x18100] =	vst v9  }
0x166: {  	[tilespmem:s15+$0x18110] =	vst v10  }
0x167: {  	v7 =	vld.idx.msk [tilespmem:v5+s12+$0x0], $0xffff;
	_ =	sdelay $0x4  }
0x168: {  	[smem:s21] =	sst s14;
	[tilespmem:s25+$0x1A900] =	vst v7  }
.LBB2_36:
0x169: {  	s24 =	sadd.s32 $0x1, s24  }
0x16a: {  	p0 =	sne.s32 s24, $0xC  }
.Ltmp25:
0x16b: {  	_ = 	snop;
	(pc) =	sbr.rel @!p0 .LBB2_37-.Ltmp25, $1  }
0x16c: {  	_ =	sdelay $0x3  }
.LBB2_23:
0x16d: {  	s26 =	smul.u32 $0x160, s24  }
0x16e: {  	s2 =	smul.u32 $0xB00, s24  }
0x16f: {  	s25 =	sshrl.u32 s22, $0x2;
	s3 =	sadd.s32 $0x20, s26;
	s4 =	sand.u32 $0x60, s26  }
0x170: {  	s2 =	sand.u32 $0xFC00, s2;
	s6 =	sadd.s32 $0x30, s26;
	s9 =	sadd.s32 $0x40, s26  }
0x171: {  	s18 =	sadd.s32 $0x70, s26;
	s31 =	sadd.s32 $0xB0, s26;
	s5 =	sshll.u32 s3, $0x3  }
0x172: {  	s3 =	sand.u32 $0x60, s3;
	s2 =	sor.u32 s4, s2;
	s7 =	sshll.u32 s6, $0x3  }
0x173: {  	s8 =	sand.u32 $0x70, s6;
	s10 =	sshll.u32 s9, $0x3;
	s6 =	sand.u32 $0x60, s9  }
0x174: {  	s9 =	sadd.s32 $0x60, s26;
	s28 =	sshll.u32 s18, $0x3;
	s5 =	sand.u32 $0x1FC00, s5  }
0x175: {  	s4 =	sand.u32 $0x1FC00, s7;
	s7 =	sadd.s32 $0x50, s26;
	s16 =	sshll.u32 s9, $0x3  }
0x176: {  	s17 =	sand.u32 $0x60, s9;
	s9 =	sand.u32 $0x70, s18;
	s18 =	sand.u32 $0x70, s31  }
0x177: {  	s3 =	sor.u32 s3, s5;
	s4 =	sor.u32 s8, s4;
	s8 =	sshll.u32 s7, $0x3  }
0x178: {  	s5 =	sand.u32 $0x1FC00, s10;
	s7 =	sand.u32 $0x70, s7;
	s8 =	sand.u32 $0x1FC00, s8  }
0x179: {  	s10 =	sadd.s32 $0x90, s26;
	s5 =	sor.u32 s6, s5;
	s6 =	sor.u32 s7, s8  }
0x17a: {  	v9 =	vld [tilespmem:s25+$0x1A900];
	s7 =	sand.u32 $0x1FC00, s16;
	s8 =	sand.u32 $0x1FC00, s28;
	s16 =	sshll.u32 s10, $0x3  }
0x17b: {  	v29 =	vld.idx.msk [tilespmem:v6+s2+$0xB000 ss:$0x1], $0xffff;
	s10 =	sand.u32 $0x70, s10;
	s7 =	sor.u32 s17, s7;
	s16 =	sand.u32 $0x1FC00, s16  }
0x17c: {  	v28 =	vld.idx.msk [tilespmem:v6+s2+$0xB010 ss:$0x1], $0xffff;
	s17 =	sadd.s32 $0xA0, s26;
	s8 =	sor.u32 s9, s8;
	s9 =	sor.u32 s10, s16  }
0x17d: {  	v20 =	vld.idx.msk [tilespmem:v6+s2+$0xB400 ss:$0x1], $0xffff;
	s29 =	sshll.u32 s17, $0x3;
	s30 =	sand.u32 $0x60, s17;
	s17 =	sadd.s32 $0xC0, s26  }
0x17e: {  	v27 =	vld.idx.msk [tilespmem:v6+s3+$0xB000 ss:$0x1], $0xffff;
	s10 =	sand.u32 $0x1FC00, s29;
	s28 =	sshll.u32 s17, $0x3;
	s29 =	sand.u32 $0x60, s17  }
0x17f: {  	v10 =	vld.idx.msk [tilespmem:v6+s9+$0xB000 ss:$0x1], $0xffff;
	s9 =	sadd.s32 $0x130, s26;
	s3 =	sor.u32 s30, s10;
	s10 =	sshll.u32 s31, $0x3  }
0x180: {  	v26 =	vld.idx.msk [tilespmem:v6+s4+$0xB000 ss:$0x1], $0xffff;
	s30 =	sand.u32 $0x1FC00, s28;
	s31 =	sadd.s32 $0xD0, s26;
	s28 =	sadd.s32 $0xE0, s26  }
0x181: {  	v25 =	vld.idx.msk [tilespmem:v6+s5+$0xB000 ss:$0x1], $0xffff;
	s4 =	sand.u32 $0x1FC00, s10;
	s5 =	sor.u32 s29, s30;
	s17 =	sshll.u32 s31, $0x3  }
0x182: {  	s29 =	sshll.u32 s28, $0x3;
	s30 =	sadd.s32 $0xF0, s26;
	s4 =	sor.u32 s18, s4  }
0x183: {  	v24 =	vld.idx.msk [tilespmem:v6+s6+$0xB000 ss:$0x1], $0xffff;
	s18 =	sand.u32 $0x70, s31;
	s6 =	sand.u32 $0x1FC00, s17;
	s31 =	sand.u32 $0x60, s28  }
0x184: {  	v23 =	vld.idx.msk [tilespmem:v6+s7+$0xB000 ss:$0x1], $0xffff;
	vm2 =	vgt.f32 v29, v9;
	vm5 =	vgt.f32 v28, v9;
	vm0 =	vgt.f32 v20, v9;
	s7 =	sand.u32 $0x1FC00, s29;
	s10 =	sshll.u32 s30, $0x3;
	s16 =	sand.u32 $0x70, s30  }
0x185: {  	v19 =	vld.idx.msk [tilespmem:v6+s8+$0xB000 ss:$0x1], $0xffff;
	v7 =	vsel vm2, $0x1, v1;
	v11 =	vsel vm5, $0x1, v1;
	v18 =	vmpcnt.ones.xlane vm2;
	s17 =	sadd.s32 $0x110, s26;
	s29 =	sadd.s32 $0x120, s26;
	s6 =	sor.u32 s18, s6  }
0x186: {  	v22 =	vmpcnt.ones.xlane vm5;
	v39 =	vsel vm0, $0x1, v1;
	vm8 =	vgt.f32 v27, v9;
	v8 =	vld.idx.msk [tilespmem:v6+s3+$0xB000 ss:$0x1], $0xffff;
	s8 =	sand.u32 $0x1FC00, s10;
	s3 =	sor.u32 s31, s7;
	s18 =	sshll.u32 s17, $0x3  }
0x187: {  	v41 =	vmpcnt.ones.xlane vm0;
	(xrf0) =	vadd.scan.msk.s32 $0xffff, v7;
	vm13 =	vgt.f32 v26, v9;
	v13 =	vsel vm8, $0x1, v1;
	s28 =	sand.u32 $0x70, s17;
	s30 =	sshll.u32 s29, $0x3;
	s31 =	sld [smem:s21+$0x0]  }
0x188: {  	v30 =	vmpcnt.ones.xlane vm8;
	vm9 =	vgt.f32 v25, v9;
	v15 =	vsel vm13, $0x1, v1;
	v7 =	vld.idx.msk [tilespmem:v6+s4+$0xB000 ss:$0x1], $0xffff;
	s10 =	sand.u32 $0x70, s9;
	s4 =	sor.u32 s16, s8;
	s7 =	sand.u32 $0x1FC00, s18  }
0x189: {  	(xrf0) =	vadd.scan.msk.s32 $0xffff, v11;
	v31 =	vmpcnt.ones.xlane vm13;
	v16 =	vsel vm9, $0x1, v1;
	vm12 =	vgt.f32 v24, v9;
	v12 =	vld.idx.msk [tilespmem:v6+s6+$0xB000 ss:$0x1], $0xffff;
	s8 =	sand.u32 $0x60, s29;
	s6 =	sand.u32 $0x1FC00, s30;
	s16 =	sshll.u32 s9, $0x3  }
0x18a: {  	v11 =	vld.idx.msk [tilespmem:v6+s5+$0xB000 ss:$0x1], $0xffff;
	v32 =	vmpcnt.ones.xlane vm9;
	vm7 =	vgt.f32 v23, v9;
	v21 =	vsel vm12, $0x1, v1;
	s18 =	sadd.s32 $0x140, s26;
	s29 =	sadd.s32 $0x150, s26;
	s5 =	sor.u32 s28, s7  }
0x18b: {  	(xrf0) =	vadd.scan.msk.s32 $0xffff, v13;
	v33 =	vmpcnt.ones.xlane vm12;
	vm1 =	vgt.f32 v19, v9;
	v14 =	vld.idx.msk [tilespmem:v6+s3+$0xB000 ss:$0x1], $0xffff;
	v34 =	vsel vm7, $0x1, v1;
	s3 =	sor.u32 s8, s6;
	s17 =	sand.u32 $0x1FC00, s16;
	s28 =	sshll.u32 s18, $0x3  }
0x18c: {  	(xrf0) =	vadd.scan.msk.s32 $0xffff, v15;
	v15 =	vld.idx.msk [tilespmem:v6+s2+$0xB800 ss:$0x1], $0xffff;
	v35 =	vmpcnt.ones.xlane vm7;
	v57 =	vsel vm1, $0x1, v1;
	vm3 =	vgt.f32 v10, v9;
	s30 =	sand.u32 $0x60, s18;
	s16 =	sadd.s32 $0x17610, s26;
	s18 =	sadd.s32 $0x17630, s26  }
0x18d: {  	(xrf0) =	vadd.scan.msk.s32 $0xffff, v16;
	v58 =	vmpcnt.ones.xlane vm1;
	v13 =	vld.idx.msk [tilespmem:v6+s4+$0xB000 ss:$0x1], $0xffff;
	v59 =	vsel vm3, $0x1, v1;
	v42 =	vmpcnt.ones.xlane vm3;
	v17, _, _ =	vpop (xrf0);
	s7 =	sadd.s32 s31, s23;
	s2 =	sor.u32 s10, s17;
	s4 =	sand.u32 $0x1FC00, s28  }
0x18e: {  	(xrf0) =	vadd.scan.msk.s32 $0xffff, v21;
	v16 =	vld.idx.msk [tilespmem:v6+s5+$0xB000 ss:$0x1], $0xffff;
	s31 =	sshll.u32 s29, $0x3;
	s10 =	sadd.s32 $0x17600, s26;
	vm4 =	vgt.f32 v8, v9;
	v62 =	vor.u32 s16, v2;
	s17 =	sadd.s32 $0x17620, s26;
	v36 =	vadd.s32 s7, v17  }
0x18f: {  	(xrf0) =	vadd.scan.msk.s32 $0xffff, v34;
	v56 =	vor.u32 s18, v2;
	v17 =	vld.idx.msk [tilespmem:v6+s3+$0xB000 ss:$0x1], $0xffff;
	v37, _, _ =	vpop (xrf0);
	v38 =	vadd.s32 s7, v18;
	s4 =	sor.u32 s30, s4;
	s7 =	sand.u32 $0x70, s29;
	s8 =	sand.u32 $0x1FC00, s31;
	v60 =	vsel vm4, $0x1, v1  }
0x190: {  	(xrf0) =	vadd.scan.msk.s32 $0xffff, v57;
	v61 =	vor.u32 s10, v2;
	v46 =	vor.u32 s17, v2;
	v37 =	vadd.s32 v37, v38;
	v21 =	vld.idx.msk [tilespmem:v6+s4+$0xB000 ss:$0x1], $0xffff;
	s9 =	sor.u32 s7, s8  }
0x191: {  	s29 =	sadd.s32 $0x17650, s26;
	v40, _, _ =	vpop (xrf0);
	v38 =	vadd.s32 v22, v38;
	(xrf0) =	vadd.scan.msk.s32 $0xffff, v39;
	v39 =	vmpcnt.ones.xlane vm4;
	vm6 =	vgt.f32 v7, v9;
	v22 =	vld.idx.msk [tilespmem:v6+s9+$0xB000 ss:$0x1], $0xffff  }
0x192: {  	v18 =	vld.idx.msk [tilespmem:v6+s2+$0xB000 ss:$0x1], $0xffff;
	vm10 =	vgt.f32 v15, v9;
	v43 =	vor.u32 s29, v2;
	v40 =	vadd.s32 v40, v38;
	(xrf0) =	vadd.scan.msk.s32 $0xffff, v59  }
0x193: {  	v63 =	vsel vm6, $0x1, v1;
	v30 =	vadd.s32 v30, v38;
	vm11 =	vgt.f32 v13, v9;
	[tilespmem:v36+s12+$0x0] =	vst.idx.msk vm2, v29  }
0x194: {  	v59 =	vsel vm10, $0x1, v1;
	v55 =	vsel vm11, $0x1, v1;
	[tilespmem:v36+s13+$0x0] =	vst.idx.msk vm2, v61;
	vm2 =	vgt.f32 v11, v9  }
0x195: {  	v36 =	vmpcnt.ones.xlane vm6;
	v61 =	vmpcnt.ones.xlane vm10;
	vm14 =	vgt.f32 v21, v9;
	[tilespmem:v37+s12+$0x0] =	vst.idx.msk vm5, v28  }
0x196: {  	v45, _, _ =	vpop (xrf0);
	v44 =	vsel vm2, $0x1, v1;
	v47 =	vmpcnt.ones.xlane vm2;
	vm15 =	vgt.f32 v22, v9;
	[tilespmem:v37+s13+$0x0] =	vst.idx.msk vm5, v62  }
0x197: {  	s28 =	sadd.s32 $0x17640, s26;
	s30 =	sadd.s32 $0x17660, s26;
	(xrf0) =	vadd.scan.msk.s32 $0xffff, v60;
	vm5 =	vgt.f32 v12, v9;
	v37 =	vadd.s32 v45, v30;
	v30 =	vadd.s32 v31, v30  }
0x198: {  	v49, _, _ =	vpop (xrf0);
	(xrf0) =	vadd.scan.msk.s32 $0xffff, v63;
	v62 =	vor.u32 s28, v2;
	v45 =	vor.u32 s30, v2;
	v32 =	vadd.s32 v32, v30  }
0x199: {  	[tilespmem:v40+s12+$0x0] =	vst.idx.msk vm8, v27;
	v48 =	vsel vm5, $0x1, v1;
	v30 =	vadd.s32 v49, v30;
	v33 =	vadd.s32 v33, v32  }
0x19a: {  	v51, _, _ =	vpop (xrf0);
	v50 =	vmpcnt.ones.xlane vm5;
	[tilespmem:v40+s13+$0x0] =	vst.idx.msk vm8, v46;
	vm8 =	vgt.f32 v14, v9;
	v35 =	vadd.s32 v35, v33  }
0x19b: {  	v53, _, _ =	vpop (xrf0);
	(xrf0) =	vadd.scan.msk.s32 $0xffff, v44;
	v31 =	vadd.s32 v51, v32;
	v52 =	vsel vm8, $0x1, v1;
	v34 =	vadd.s32 v58, v35  }
0x19c: {  	(xrf0) =	vadd.scan.msk.s32 $0xffff, v48;
	v54 =	vmpcnt.ones.xlane vm8;
	v60 =	vadd.s32 v53, v33;
	v41 =	vadd.s32 v41, v34  }
0x19d: {  	v57, _, _ =	vpop (xrf0);
	(xrf0) =	vadd.scan.msk.s32 $0xffff, v52;
	v58 =	vmpcnt.ones.xlane vm11;
	[tilespmem:v37+s12+$0x0] =	vst.idx.msk vm13, v26;
	v40 =	vadd.s32 v42, v41  }
0x19e: {  	v46 =	vadd.s32 v57, v35;
	(xrf0) =	vadd.scan.msk.s32 $0xffff, v55;
	[tilespmem:v37+s13+$0x0] =	vst.idx.msk vm13, v56;
	v39 =	vadd.s32 v39, v40  }
0x19f: {  	v55 =	vmpcnt.ones.xlane vm14;
	vm13 =	vgt.f32 v16, v9;
	[tilespmem:v30+s12+$0x0] =	vst.idx.msk vm9, v25;
	v36 =	vadd.s32 v36, v39  }
0x1a0: {  	v56 =	vmpcnt.ones.xlane vm15;
	v63 =	vsel vm13, $0x1, v1;
	[tilespmem:v30+s13+$0x0] =	vst.idx.msk vm9, v62;
	v38 =	vadd.s32 v47, v36  }
0x1a1: {  	v42 =	vmpcnt.ones.xlane vm13;
	vm9 =	vgt.f32 v17, v9;
	[tilespmem:v31+s12+$0x0] =	vst.idx.msk vm12, v24;
	v29 =	vadd.s32 v50, v38  }
0x1a2: {  	v44 =	vsel vm9, $0x1, v1;
	v47, _, _ =	vpop (xrf0);
	v48 =	vmpcnt.ones.xlane vm9;
	[tilespmem:v31+s13+$0x0] =	vst.idx.msk vm12, v43;
	v27 =	vadd.s32 v54, v29  }
0x1a3: {  	s3 =	sadd.s32 $0x17680, s26;
	(xrf0) =	vadd.scan.msk.s32 $0xffff, v59;
	vm12 =	vgt.f32 v18, v9;
	v53 =	vadd.s32 v47, v34;
	v26 =	vadd.s32 v58, v27  }
0x1a4: {  	v50, _, _ =	vpop (xrf0);
	(xrf0) =	vadd.scan.msk.s32 $0xffff, v63;
	v43 =	vor.u32 s3, v2;
	[tilespmem:v60+s12+$0x0] =	vst.idx.msk vm7, v23;
	v33 =	vadd.s32 v61, v26  }
0x1a5: {  	s31 =	sadd.s32 $0x17670, s26;
	v51 =	vmpcnt.ones.xlane vm12;
	v52, _, _ =	vpop (xrf0);
	v28 =	vadd.s32 v50, v41;
	[tilespmem:v60+s13+$0x0] =	vst.idx.msk vm7, v45;
	v9 =	vadd.s32 v42, v33  }
0x1a6: {  	v49 =	vsel vm12, $0x1, v1;
	v54, _, _ =	vpop (xrf0);
	v58 =	vor.u32 s31, v2;
	[tilespmem:v46+s12+$0x0] =	vst.idx.msk vm1, v19;
	v35 =	vadd.s32 v48, v9  }
0x1a7: {  	(xrf0) =	vadd.scan.msk.s32 $0xffff, v44;
	v25 =	vadd.s32 v52, v40;
	v57, _, _ =	vpop (xrf0);
	[tilespmem:v46+s13+$0x0] =	vst.idx.msk vm1, v58;
	v37 =	vadd.s32 v51, v35  }
0x1a8: {  	v60 =	vsel vm14, $0x1, v1;
	(xrf0) =	vadd.scan.msk.s32 $0xffff, v49;
	v59, _, _ =	vpop (xrf0);
	[tilespmem:v53+s12+$0x0] =	vst.idx.msk vm0, v20;
	v24 =	vadd.s32 v55, v37  }
0x1a9: {  	s4 =	sadd.s32 $0x17690, s26;
	v62 =	vsel vm15, $0x1, v1;
	(xrf0) =	vadd.scan.msk.s32 $0xffff, v60;
	v61, _, _ =	vpop (xrf0);
	[tilespmem:v53+s13+$0x0] =	vst.idx.msk vm0, v43;
	v34 =	vadd.s32 v56, v24  }
0x1aa: {  	v47 =	vor.u32 s4, v2;
	(xrf0) =	vadd.scan.msk.s32 $0xffff, v62;
	v63, _, _ =	vpop (xrf0);
	[tilespmem:v28+s12+$0x0] =	vst.idx.msk vm3, v10;
	v34 =	vxor.u32 $0x80000000, v34  }
0x1ab: {  	s5 =	sadd.s32 $0x176A0, s26;
	v45, _, _ =	vpop (xrf0);
	[tilespmem:v28+s13+$0x0] =	vst.idx.msk vm3, v47;
	(xrf0) =	vmax.scan.msk.u32 $0xffff, v34  }
0x1ac: {  	v46, _, _ =	vpop (xrf0);
	[tilespmem:v25+s12+$0x0] =	vst.idx.msk vm4, v8;
	v8 =	vor.u32 s5, v2  }
0x1ad: {  	v48, _, _ =	vpop (xrf0)  }
0x1ae: {  	v49, _, _ =	vpop (xrf0)  }
0x1af: {  	v44 =	vadd.s32 v54, v39;
	[tilespmem:v25+s13+$0x0] =	vst.idx.msk vm4, v8;
	v8, _, _ =	vpop (xrf0)  }
0x1b0: {  	v51, _, _ =	vpop (xrf0)  }
0x1b1: {  	v19 =	vadd.s32 v57, v36;
	v52, _, _ =	vpop (xrf0)  }
0x1b2: {  	(v2sf) =	vpush v52, $0xF  }
0x1b3: {  	s6 =	sadd.s32 $0x176B0, s26;
	v50 =	vadd.s32 v59, v38  }
0x1b4: {  	[tilespmem:v44+s12+$0x0] =	vst.idx.msk vm6, v7;
	v7 =	vor.u32 s6, v2  }
0x1b5: {  	s7 =	sadd.s32 $0x176C0, s26;
	[tilespmem:v44+s13+$0x0] =	vst.idx.msk vm6, v7;
	v7 =	vadd.s32 v61, v29  }
0x1b6: {  	v53 =	vor.u32 s7, v2;
	[tilespmem:v19+s12+$0x0] =	vst.idx.msk vm2, v11  }
0x1b7: {  	s8 =	sadd.s32 $0x176D0, s26;
	v54 =	vadd.s32 v63, v27;
	[tilespmem:v19+s13+$0x0] =	vst.idx.msk vm2, v53  }
0x1b8: {  	v55 =	vor.u32 s8, v2;
	[tilespmem:v50+s12+$0x0] =	vst.idx.msk vm5, v12  }
0x1b9: {  	s9 =	sadd.s32 $0x176E0, s26;
	v56 =	vadd.s32 v45, v26;
	[tilespmem:v50+s13+$0x0] =	vst.idx.msk vm5, v55  }
0x1ba: {  	v57 =	vor.u32 s9, v2;
	[tilespmem:v7+s12+$0x0] =	vst.idx.msk vm8, v14  }
0x1bb: {  	s10 =	sadd.s32 $0x176F0, s26;
	[tilespmem:v7+s13+$0x0] =	vst.idx.msk vm8, v57;
	v7 =	vadd.s32 v46, v33  }
0x1bc: {  	v58 =	vor.u32 s10, v2;
	[tilespmem:v54+s12+$0x0] =	vst.idx.msk vm11, v13  }
0x1bd: {  	s16 =	sadd.s32 $0x17700, s26;
	v9 =	vadd.s32 v48, v9;
	[tilespmem:v54+s13+$0x0] =	vst.idx.msk vm11, v58  }
0x1be: {  	v59 =	vor.u32 s16, v2;
	[tilespmem:v56+s12+$0x0] =	vst.idx.msk vm10, v15  }
0x1bf: {  	s17 =	sadd.s32 $0x17710, s26;
	v60 =	vadd.s32 v49, v35;
	[tilespmem:v56+s13+$0x0] =	vst.idx.msk vm10, v59  }
0x1c0: {  	v61 =	vor.u32 s17, v2;
	[tilespmem:v7+s12+$0x0] =	vst.idx.msk vm13, v16  }
0x1c1: {  	s18 =	sadd.s32 $0x17720, s26;
	[tilespmem:v7+s13+$0x0] =	vst.idx.msk vm13, v61;
	v7 =	vadd.s32 v8, v37;
	s2 =	spop (v2sf)  }
0x1c2: {  	v8 =	vor.u32 s18, v2;
	[tilespmem:v9+s12+$0x0] =	vst.idx.msk vm9, v17;
	s6 =	sadd.s32 $0x80000001, s2  }
0x1c3: {  	s28 =	sadd.s32 $0x17730, s26;
	[tilespmem:v9+s13+$0x0] =	vst.idx.msk vm9, v8;
	v8 =	vadd.s32 v51, v24;
	s31 =	ssub.s32 s6, s15  }
0x1c4: {  	v62 =	vor.u32 s28, v2;
	[tilespmem:v60+s12+$0x0] =	vst.idx.msk vm12, v18;
	p0 =	slt.s32 s31, $0x291  }
.Ltmp26:
0x1c5: {  	s29 =	sadd.s32 $0x17740, s26;
	[tilespmem:v60+s13+$0x0] =	vst.idx.msk vm12, v62;
	(pc) =	sbr.rel @p0 .LBB2_36-.Ltmp26, $4  }
0x1c6: {  	v63 =	vor.u32 s29, v2;
	[tilespmem:v7+s12+$0x0] =	vst.idx.msk vm14, v21  }
0x1c7: {  	s30 =	sadd.s32 $0x17750, s26;
	[tilespmem:v7+s13+$0x0] =	vst.idx.msk vm14, v63  }
0x1c8: {  	v7 =	vor.u32 s30, v2;
	[tilespmem:v8+s12+$0x0] =	vst.idx.msk vm15, v22  }
0x1c9: {  	[tilespmem:v8+s13+$0x0] =	vst.idx.msk vm15, v7;
	[smem:s21] =	sst s31  }
0x1ca: {  	[tilespmem:s6+$0x16100] =	vst v0  }
0x1cb: {  	v7 =	vld [tilespmem:s15+$0x16100];
	_ =	sdelay $0x4  }
0x1cc: {  	(xrf1) =	vsort.dscd.msk.f32 $0xffff, v7, v2;
	_ =	sdelay $0x6  }
0x1cd: {  	s2 =	sadd.s32 s2, s0  }
0x1ce: {  	s3 =	sshrl.u32 s2, $0x4  }
0x1cf: {  	p1 =	sne.s32 s3, $0x1  }
.Ltmp27:
0x1d0: {  	_ = 	snop;
	(pc) =	sbr.rel @!p1 .LBB2_29-.Ltmp27, $4  }
0x1d1: {  	_ = 	snop  }
0x1d2: {  	s16 =	simm.s32 $0x10;
	p2 =	por $0x0, $0x0  }
0x1d3: {  	p0 =	por $0x0, $0x0;
	s7 =	simm.s32 $0x10;
	s2 =	sadd.s32 $0x10, s1  }
0x1d4: {  	p3 =	por $0x0, $0x0;
	s6 =	sadd.s32 $0xFFFFFFFF, s3;
	s17 =	smov.u32 s2;
	v9, v7, _ =	vpop (xrf1)  }
0x1d5: {  	s3 =	sand.u32 $0xFFFFFF80, s2;
	s4 =	sand.u32 $0x70, s16  }
0x1d6: {  	s3 =	sor.u32 s4, s3  }
0x1d7: {  	p3 =	sne.s32 s6, $0x1;
	v8 =	vld [tilespmem:s3+$0x16100]  }
.Ltmp28:
0x1d8: {  	_ = 	snop;
	(pc) =	sbr.rel @!p3 .LBB2_26-.Ltmp28, $3  }
0x1d9: {  	_ =	sdelay $0x1  }
0x1da: {  	v10 =	vor.u32 s16, v2;
	s7 =	simm.s32 $0x20  }
0x1db: {  	s17 =	sadd.s32 $0x20, s1;
	s8 =	sadd.s32 $0xFFFFFFFF, s6;
	p2 =	por $0x1, $0x1;
	(xrf1) =	vsort.dscd.msk.f32 $0xffff, v8, v10  }
0x1dc: {  	_ =	sdelay $0x8  }
0x1dd: {  	s3 =	sand.u32 $0xFFFFFF80, s17;
	s4 =	sand.u32 $0x70, s7  }
0x1de: {  	s3 =	sor.u32 s4, s3  }
0x1df: {  	v8 =	vmul.u32 $0xFFFFFFFF, v2;
	v10 =	vld [tilespmem:s3+$0x16100];
	_ =	sdelay $0x1  }
0x1e0: {  	v8 =	vadd.s32 $0xF, v8;
	v11, v12, _ =	vpop (xrf1)  }
0x1e1: {  	v11 =	vperm.xlane v11, v8  }
0x1e2: {  	v13 =	vor.u32 s7, v2;
	v12 =	vperm.xlane v12, v8  }
0x1e3: {  	(xrf1) =	vsort.dscd.msk.f32 $0xffff, v10, v13;
	vm0 =	vge.f32 v9, v11  }
0x1e4: {  	v10 =	vsel vm0, v9, v11;
	v11 =	vsel vm0, v7, v12  }
0x1e5: {  	(xrf1) =	vsort.dscd.msk.f32 $0xffff, v10, v11;
	_ =	sdelay $0x1  }
0x1e6: {  	p4 =	sne.s32 s8, $0x1  }
.Ltmp29:
0x1e7: {  	_ = 	snop;
	(pc) =	sbr.rel @!p4 .LBB2_29-.Ltmp29, $3  }
0x1e8: {  	_ =	sdelay $0x1  }
0x1e9: {  	s7 =	simm.s32 $0x30  }
0x1ea: {  	s17 =	sadd.s32 $0x30, s1;
	s8 =	sadd.s32 $0xFFFFFFFF, s8;
	p3 =	por $0x1, $0x1  }
.LBB2_28:
0x1eb: {  	p4 =	sne.s32 s8, $0x1;
	s3 =	sand.u32 $0xFFFFFF80, s17;
	s4 =	sand.u32 $0x70, s7  }
0x1ec: {  	s3 =	sor.u32 s4, s3  }
0x1ed: {  	v10 =	vld [tilespmem:s3+$0x16100];
	_ =	sdelay $0x1  }
0x1ee: {  	v11, v12, _ =	vpop (xrf1)  }
0x1ef: {  	v11 =	vperm.xlane v11, v8  }
0x1f0: {  	v13 =	vor.u32 s7, v2;
	v12 =	vperm.xlane v12, v8;
	v15, v14, _ =	vpop (xrf1)  }
0x1f1: {  	(xrf1) =	vsort.dscd.msk.f32 $0xffff, v10, v13;
	vm0 =	vge.f32 v15, v11  }
0x1f2: {  	v10 =	vsel vm0, v15, v11;
	v11 =	vsel vm0, v14, v12  }
0x1f3: {  	(xrf1) =	vsort.dscd.msk.f32 $0xffff, v10, v11;
	_ =	sdelay $0x2  }
.Ltmp30:
0x1f4: {  	(pc) =	sbr.rel @p4 .LBB2_28-.Ltmp30, $3  }
0x1f5: {  	_ =	sdelay $0x1  }
0x1f6: {  	s7 =	sadd.s32 $0x10, s7  }
0x1f7: {  	s8 =	sadd.s32 $0xFFFFFFFF, s8;
	s17 =	sadd.s32 s7, s1  }
.LBB2_29:
0x1f8: {  	_ =	sdelay $0x1  }
0x1f9: {  	s3 =	sand.u32 $0xFFFFFF80, s17;
	s4 =	sand.u32 $0x70, s7  }
0x1fa: {  	v8 =	vmul.u32 @p2 $0xFFFFFFFF, v2;
	s3 =	sor.u32 s4, s3  }
0x1fb: {  	v10 =	vld [tilespmem:s3+$0x16100]  }
0x1fc: {  	v8 =	vadd.s32 @p2 $0xF, v8;
	v11, v12, _ =	vpop @p2 (xrf1)  }
0x1fd: {  	v11 =	vperm.xlane @p2 v11, v8;
	v13, v14, _ =	vpop @p3 (xrf1)  }
0x1fe: {  	v8 =	vperm.xlane @p2 v12, v8;
	v12 =	vpsel p3, v13, v9  }
0x1ff: {  	v13 =	vor.u32 s7, v2;
	v14 =	vpsel p3, v14, v7;
	vm0 =	vge.f32 @p2 v12, v11  }
0x200: {  	(xrf1) =	vsort.dscd.msk.f32 $0xffff, v10, v13;
	v10 =	vsel @p2 vm0, v12, v11;
	v8 =	vsel @p2 vm0, v14, v8  }
0x201: {  	(xrf1) =	vsort.dscd.msk.f32 @p2 $0xffff, v10, v8;
	_ =	sdelay $0xa  }
0x202: {  	v8 =	vmul.u32 $0xFFFFFFFF, v2;
	_ =	sdelay $0x1  }
0x203: {  	v8 =	vadd.s32 $0xF, v8;
	v10, v11, _ =	vpop (xrf1)  }
0x204: {  	v10 =	vperm.xlane v10, v8;
	v12, v13, _ =	vpop @p2 (xrf1)  }
0x205: {  	v11 =	vperm.xlane v11, v8;
	v9 =	vpsel p2, v12, v9  }
0x206: {  	v7 =	vpsel p2, v13, v7;
	vm15 =	vge.f32 v9, v10  }
0x207: {  	v9 =	vsel vm15, v9, v10;
	v7 =	vsel vm15, v7, v11  }
0x208: {  	(xrf1) =	vsort.dscd.msk.f32 $0xffff, v9, v7;
	_ =	sdelay $0xd  }
0x209: {  	v7, v9, _ =	vpop (xrf1)  }
0x20a: {  	v9 =	vadd.s32 v4, v9;
	_ =	sdelay $0x4  }
0x20b: {  	v10 =	vld.idx.msk [tilespmem:v9+s12+$0x0], $0xffff;
	[tilespmem:v9+s12+$0x0] =	vst.idx.msk $0xffff, v0  }
0x20c: {  	v11 =	vld [tilespmem:s15+$0x16100];
	_ =	sdelay $0x4  }
0x20d: {  	(xrf1) =	vsort.dscd.msk.f32 $0xffff, v11, v2;
	_ =	sdelay $0x9  }
.Ltmp31:
0x20e: {  	_ = 	snop;
	(pc) =	sbr.rel @!p1 .LBB2_30-.Ltmp31, $2  }
0x20f: {  	_ =	sdelay $0x2  }
0x210: {  	v12, v11, _ =	vpop (xrf1)  }
0x211: {  	s2 =	sand.u32 $0xFFFFFF80, s2;
	s3 =	sand.u32 $0x70, s16  }
0x212: {  	s2 =	sor.u32 s3, s2  }
0x213: {  	v13 =	vld [tilespmem:s2+$0x16100];
	_ =	sdelay $0x3  }
0x214: {  	v14 =	vor.u32 s16, v2  }
0x215: {  	(xrf1) =	vsort.dscd.msk.f32 $0xffff, v13, v14;
	_ =	sdelay $0x4  }
0x216: {  	p2 =	sne.s32 s6, $0x1  }
.Ltmp32:
0x217: {  	_ = 	snop;
	(pc) =	sbr.rel @!p2 .LBB2_32-.Ltmp32, $3  }
0x218: {  	_ =	sdelay $0x1  }
0x219: {  	s16 =	simm.s32 $0x20  }
0x21a: {  	s6 =	sadd.s32 $0xFFFFFFFF, s6;
	p1 =	por $0x1, $0x1;
	s2 =	sadd.s32 $0x20, s1  }
0x21b: {  	s2 =	sand.u32 $0xFFFFFF80, s2;
	s3 =	sand.u32 $0x70, s16  }
0x21c: {  	s2 =	sor.u32 s3, s2  }
0x21d: {  	v13 =	vld [tilespmem:s2+$0x16100]  }
0x21e: {  	v14, v15, _ =	vpop (xrf1)  }
0x21f: {  	v14 =	vperm.xlane v14, v8  }
0x220: {  	v15 =	vperm.xlane v15, v8  }
0x221: {  	v16 =	vor.u32 s16, v2;
	vm0 =	vge.f32 v12, v14  }
0x222: {  	(xrf1) =	vsort.dscd.msk.f32 $0xffff, v13, v16;
	v13 =	vsel vm0, v12, v14;
	v14 =	vsel vm0, v11, v15  }
0x223: {  	(xrf1) =	vsort.dscd.msk.f32 $0xffff, v13, v14;
	_ =	sdelay $0x3  }
0x224: {  	p2 =	sne.s32 s6, $0x1  }
.Ltmp33:
0x225: {  	_ = 	snop;
	(pc) =	sbr.rel @!p2 .LBB2_35-.Ltmp33, $3  }
0x226: {  	_ =	sdelay $0x1  }
0x227: {  	s16 =	simm.s32 $0x30  }
0x228: {  	s6 =	sadd.s32 $0xFFFFFFFF, s6;
	p0 =	por $0x1, $0x1;
	s2 =	sadd.s32 $0x30, s1  }
.LBB2_34:
0x229: {  	p2 =	sne.s32 s6, $0x1;
	s2 =	sand.u32 $0xFFFFFF80, s2;
	s3 =	sand.u32 $0x70, s16  }
0x22a: {  	s2 =	sor.u32 s3, s2  }
0x22b: {  	v13 =	vld [tilespmem:s2+$0x16100];
	_ =	sdelay $0x1  }
0x22c: {  	v14, v15, _ =	vpop (xrf1)  }
0x22d: {  	v14 =	vperm.xlane v14, v8  }
0x22e: {  	v16 =	vor.u32 s16, v2;
	v15 =	vperm.xlane v15, v8;
	v18, v17, _ =	vpop (xrf1)  }
0x22f: {  	(xrf1) =	vsort.dscd.msk.f32 $0xffff, v13, v16;
	vm0 =	vge.f32 v18, v14  }
0x230: {  	v13 =	vsel vm0, v18, v14;
	v14 =	vsel vm0, v17, v15  }
0x231: {  	(xrf1) =	vsort.dscd.msk.f32 $0xffff, v13, v14;
	_ =	sdelay $0x2  }
.Ltmp34:
0x232: {  	(pc) =	sbr.rel @p2 .LBB2_34-.Ltmp34, $3  }
0x233: {  	_ =	sdelay $0x1  }
0x234: {  	s16 =	sadd.s32 $0x10, s16  }
0x235: {  	s6 =	sadd.s32 $0xFFFFFFFF, s6;
	s2 =	sadd.s32 s16, s1  }
.Ltmp35:
0x236: {  	_ = 	snop;
	(pc) =	sbr.rel .LBB2_35-.Ltmp35, $1  }
0x237: {  	_ =	sdelay $0x3  }
.LBB2_26:
.Ltmp36:
0x238: {  	(pc) =	sbr.rel .LBB2_29-.Ltmp36, $2  }
0x239: {  	_ =	sdelay $0x2  }
0x23a: {  	p3 =	por $0x0, $0x0  }
.LBB2_32:
.Ltmp37:
0x23b: {  	(pc) =	sbr.rel .LBB2_35-.Ltmp37, $2  }
0x23c: {  	_ =	sdelay $0x2  }
0x23d: {  	_ = 	snop  }
.LBB2_38:
.Ltmp38:
0x23e: {  	(pc) =	sbr.rel .LBB2_39-.Ltmp38, $2  }
0x23f: {  	_ =	sdelay $0x2  }
0x240: {  	s0 =	simm.s32 $0x0;
	s1 =	simm.s32 $0x0  }
.LBB2_46:
0x241: {  	p1 =	por $0x0, $0x0  }
.LBB2_51:
0x242: {  	s2 =	sand.u32 $0xFFFFFF80, s16;
	s3 =	sand.u32 $0x70, s22  }
0x243: {  	s2 =	sor.u32 s3, s2  }
0x244: {  	v11 =	vld [tilespmem:s2+$0x16100]  }
0x245: {  	v12, v13, _ =	vpop @p1 (xrf1)  }
0x246: {  	v12 =	vperm.xlane @p1 v12, v5;
	v14, v15, _ =	vpop @p0 (xrf1)  }
0x247: {  	v13 =	vperm.xlane @p1 v13, v5;
	v14 =	vpsel p0, v14, v10  }
0x248: {  	v16 =	vor.u32 s22, v2;
	v15 =	vpsel p0, v15, v9;
	vm0 =	vge.f32 @p1 v14, v12  }
0x249: {  	(xrf1) =	vsort.dscd.msk.f32 $0xffff, v11, v16;
	v11 =	vsel @p1 vm0, v14, v12;
	v12 =	vsel @p1 vm0, v15, v13  }
0x24a: {  	(xrf1) =	vsort.dscd.msk.f32 @p1 $0xffff, v11, v12;
	_ =	sdelay $0xc  }
0x24b: {  	v11, v12, _ =	vpop (xrf1)  }
0x24c: {  	v11 =	vperm.xlane v11, v5;
	v13, v14, _ =	vpop @p1 (xrf1)  }
0x24d: {  	v5 =	vperm.xlane v12, v5;
	v61 =	vpsel p1, v13, v10  }
0x24e: {  	v62 =	vpsel p1, v14, v9;
	vm15 =	vge.f32 v61, v11  }
0x24f: {  	v10 =	vsel vm15, v61, v11;
	v5 =	vsel vm15, v62, v5  }
0x250: {  	(xrf1) =	vsort.dscd.msk.f32 $0xffff, v10, v5;
	_ =	sdelay $0xd  }
0x251: {  	v5, v9, _ =	vpop (xrf1)  }
0x252: {  	v9 =	vadd.s32 v8, v9;
	_ =	sdelay $0x2  }
0x253: {  	[tilespmem:v6+s12+$0x0] =	vst.idx.msk $0xffff, v7  }
0x254: {  	v6 =	vld.idx.msk [tilespmem:v6+s13+$0x0], $0xffff  }
0x255: {  	v7 =	vld.idx.msk [tilespmem:v9+s13+$0x0], $0xffff  }
0x256: {  	v63 =	vor.u32 $0x1F, v8  }
0x257: {  	[tilespmem:s21+$0x16100] =	vst v4  }
0x258: {  	[tilespmem:s21+$0x16110] =	vst v5  }
0x259: {  	[tilespmem:s21+$0x18100] =	vst v6  }
0x25a: {  	[tilespmem:s21+$0x18110] =	vst v7  }
0x25b: {  	v4 =	vld.idx.msk [tilespmem:v63+s12+$0x0], $0xffff;
	_ =	sdelay $0x4  }
0x25c: {  	[smem:s1] =	sst s14;
	[tilespmem:s15+$0x1A900] =	vst v4  }
.LBB2_52:
0x25d: {  	s1 =	sadd.s32 $0x1, s1  }
0x25e: {  	p0 =	sne.s32 s1, $0x8  }
.Ltmp39:
0x25f: {  	_ = 	snop;
	(pc) =	sbr.rel @!p0 .LBB2_53-.Ltmp39, $2  }
0x260: {  	_ =	sdelay $0x2  }
0x261: {  	s0 =	sadd.s32 $0x400, s0  }
.LBB2_39:
0x262: {  	s2 =	sshll.u32 s1, $0x5  }
0x263: {  	s2 =	sand.u32 $0x3FFFFFE0, s2  }
0x264: {  	s3 =	sshll.u32 s1, $0x9;
	v4 =	vld [tilespmem:s2+$0x16000]  }
0x265: {  	s15 =	sshrl.u32 s3, $0x2;
	v5 =	vld [tilespmem:s2+$0x16010]  }
0x266: {  	v6 =	vld [tilespmem:s15+$0x1A900];
	_ =	sdelay $0x3  }
0x267: {  	v7 =	vmax.f32 v4, v5  }
0x268: {  	vm0 =	vgt.f32 v7, v6  }
0x269: {  	v7 =	vsel vm0, $0x3F800000, v3  }
0x26a: {  	(xrf0) =	vmax.scan.msk.f32 $0xffff, v7;
	_ =	sdelay $0x5  }
0x26b: {  	v7, _, _ =	vpop (xrf0)  }
0x26c: {  	(v2sf) =	vpush v7, $0xF;
	_ =	sdelay $0xe  }
0x26d: {  	s31 =	spop (v2sf)  }
0x26e: {  	p0 =	sgt.f32 s31, $0.0e+00;
	_ =	sdelay $0x1  }
0x26f: {  	vm0 =	vgt.f32 @p0 v4, v6;
	v7 =	vimm.s32 @p0 $0x0  }
0x270: {  	vm1 =	vgt.f32 @p0 v5, v6;
	v8 =	vsel @p0 vm0, $0x1, v7  }
0x271: {  	v6 =	vsel @p0 vm1, $0x1, v7;
	(xrf0) =	vadd.scan.msk.s32 @p0 $0xffff, v8  }
0x272: {  	(xrf0) =	vadd.scan.msk.s32 @p0 $0xffff, v6;
	_ =	sdelay $0x4  }
0x273: {  	v6, _, _ =	vpop @p0 (xrf0)  }
0x274: {  	(v2sf) =	vpush @p0 v6, $0xF;
	v6, _, _ =	vpop @p0 (xrf0)  }
0x275: {  	(v2sf) =	vpush @p0 v6, $0xF;
	_ =	sdelay $0xb  }
0x276: {  	s2 =	sld @p0 [smem:s1+$0x0];
	_ =	sdelay $0x1  }
0x277: {  	s21 =	sshll.u32 @p0 s1, $0xA;
	s3 =	spop @p0 (v2sf)  }
0x278: {  	s4 =	sadd.s32 @p0 s21, s2;
	s3 =	sadd.s32 @p0 s3, s2;
	s2 =	spop @p0 (v2sf)  }
0x279: {  	s2 =	sadd.s32 @p0 s2, s3  }
0x27a: {  	p1 =	slt.s32 @p0 s2, $0x291  }
0x27b: {  	p1 =	por !p0, p1  }
.Ltmp40:
0x27c: {  	v6 =	vlaneseq.u32 @p0;
	(pc) =	sbr.rel @p1 .LBB2_52-.Ltmp40, $4  }
0x27d: {  	[tilespmem:s4+$0x16100] =	vst.msk @p0 vm0, v4;
	v4 =	vor.u32 @p0 $0x18680, v6  }
0x27e: {  	[tilespmem:s4+$0x18100] =	vst.msk @p0 vm0, v4;
	s3 =	sadd.s32 @p0 s21, s3  }
0x27f: {  	v4 =	vor.u32 @p0 $0x18690, v6;
	[tilespmem:s3+$0x16100] =	vst.msk @p0 vm1, v5  }
0x280: {  	[smem:s1] =	sst @p0 s2;
	[tilespmem:s3+$0x18100] =	vst.msk @p0 vm1, v4  }
0x281: {  	s3 =	sadd.s32 $0x16100, s21  }
0x282: {  	s3 =	sadd.s32 s2, s3  }
0x283: {  	[tilespmem:s3+$0x0] =	vst v0  }
0x284: {  	v4 =	vld [tilespmem:s21+$0x16100];
	_ =	sdelay $0x4  }
0x285: {  	(xrf1) =	vsort.dscd.msk.f32 $0xffff, v4, v2;
	_ =	sdelay $0x7  }
0x286: {  	s31 =	sshrl.u32 s2, $0x4  }
0x287: {  	p1 =	sne.s32 s31, $0x1  }
.Ltmp41:
0x288: {  	_ = 	snop;
	(pc) =	sbr.rel @!p1 .LBB2_45-.Ltmp41, $4  }
0x289: {  	_ = 	snop  }
0x28a: {  	s22 =	simm.s32 $0x10;
	s16 =	sadd.s32 $0x10, s0  }
0x28b: {  	p2 =	por $0x0, $0x0;
	p0 =	por $0x0, $0x0;
	s6 =	simm.s32 $0x10  }
0x28c: {  	p3 =	por $0x0, $0x0;
	s2 =	sadd.s32 $0xFFFFFFFF, s31;
	s8 =	smov.u32 s16;
	v6, v4, _ =	vpop (xrf1)  }
0x28d: {  	s3 =	sand.u32 $0xFFFFFF80, s16;
	s4 =	sand.u32 $0x70, s22  }
0x28e: {  	s3 =	sor.u32 s4, s3  }
0x28f: {  	p3 =	sne.s32 s2, $0x1;
	v5 =	vld [tilespmem:s3+$0x16100]  }
.Ltmp42:
0x290: {  	_ = 	snop;
	(pc) =	sbr.rel @!p3 .LBB2_42-.Ltmp42, $3  }
0x291: {  	_ =	sdelay $0x1  }
0x292: {  	v7 =	vor.u32 s22, v2;
	s6 =	simm.s32 $0x20  }
0x293: {  	s8 =	sadd.s32 $0x20, s0;
	s7 =	sadd.s32 $0xFFFFFFFF, s2;
	p2 =	por $0x1, $0x1;
	(xrf1) =	vsort.dscd.msk.f32 $0xffff, v5, v7  }
0x294: {  	_ =	sdelay $0x8  }
0x295: {  	s3 =	sand.u32 $0xFFFFFF80, s8;
	s4 =	sand.u32 $0x70, s6  }
0x296: {  	s3 =	sor.u32 s4, s3  }
0x297: {  	v5 =	vmul.u32 $0xFFFFFFFF, v2;
	v7 =	vld [tilespmem:s3+$0x16100];
	_ =	sdelay $0x1  }
0x298: {  	v5 =	vadd.s32 $0xF, v5;
	v8, v9, _ =	vpop (xrf1)  }
0x299: {  	v8 =	vperm.xlane v8, v5  }
0x29a: {  	v10 =	vor.u32 s6, v2;
	v9 =	vperm.xlane v9, v5  }
0x29b: {  	(xrf1) =	vsort.dscd.msk.f32 $0xffff, v7, v10;
	vm0 =	vge.f32 v6, v8  }
0x29c: {  	v7 =	vsel vm0, v6, v8;
	v8 =	vsel vm0, v4, v9  }
0x29d: {  	(xrf1) =	vsort.dscd.msk.f32 $0xffff, v7, v8;
	_ =	sdelay $0x1  }
0x29e: {  	p4 =	sne.s32 s7, $0x1  }
.Ltmp43:
0x29f: {  	_ = 	snop;
	(pc) =	sbr.rel @!p4 .LBB2_45-.Ltmp43, $3  }
0x2a0: {  	_ =	sdelay $0x1  }
0x2a1: {  	s6 =	simm.s32 $0x30  }
0x2a2: {  	s8 =	sadd.s32 $0x30, s0;
	s7 =	sadd.s32 $0xFFFFFFFF, s7;
	p3 =	por $0x1, $0x1  }
.LBB2_44:
0x2a3: {  	p4 =	sne.s32 s7, $0x1;
	s3 =	sand.u32 $0xFFFFFF80, s8;
	s4 =	sand.u32 $0x70, s6  }
0x2a4: {  	s3 =	sor.u32 s4, s3  }
0x2a5: {  	v7 =	vld [tilespmem:s3+$0x16100];
	_ =	sdelay $0x1  }
0x2a6: {  	v8, v9, _ =	vpop (xrf1)  }
0x2a7: {  	v8 =	vperm.xlane v8, v5  }
0x2a8: {  	v10 =	vor.u32 s6, v2;
	v9 =	vperm.xlane v9, v5;
	v12, v11, _ =	vpop (xrf1)  }
0x2a9: {  	(xrf1) =	vsort.dscd.msk.f32 $0xffff, v7, v10;
	vm0 =	vge.f32 v12, v8  }
0x2aa: {  	v7 =	vsel vm0, v12, v8;
	v8 =	vsel vm0, v11, v9  }
0x2ab: {  	(xrf1) =	vsort.dscd.msk.f32 $0xffff, v7, v8;
	_ =	sdelay $0x2  }
.Ltmp44:
0x2ac: {  	(pc) =	sbr.rel @p4 .LBB2_44-.Ltmp44, $3  }
0x2ad: {  	_ =	sdelay $0x1  }
0x2ae: {  	s6 =	sadd.s32 $0x10, s6  }
0x2af: {  	s7 =	sadd.s32 $0xFFFFFFFF, s7;
	s8 =	sadd.s32 s6, s0  }
.LBB2_45:
0x2b0: {  	_ =	sdelay $0x1  }
0x2b1: {  	s3 =	sand.u32 $0xFFFFFF80, s8;
	s4 =	sand.u32 $0x70, s6  }
0x2b2: {  	v5 =	vmul.u32 @p2 $0xFFFFFFFF, v2;
	s3 =	sor.u32 s4, s3  }
0x2b3: {  	v7 =	vld [tilespmem:s3+$0x16100]  }
0x2b4: {  	v5 =	vadd.s32 @p2 $0xF, v5;
	v8, v9, _ =	vpop @p2 (xrf1)  }
0x2b5: {  	v8 =	vperm.xlane @p2 v8, v5;
	v10, v11, _ =	vpop @p3 (xrf1)  }
0x2b6: {  	v5 =	vperm.xlane @p2 v9, v5;
	v9 =	vpsel p3, v10, v6  }
0x2b7: {  	v10 =	vor.u32 s6, v2;
	v11 =	vpsel p3, v11, v4;
	vm0 =	vge.f32 @p2 v9, v8  }
0x2b8: {  	(xrf1) =	vsort.dscd.msk.f32 $0xffff, v7, v10;
	v7 =	vsel @p2 vm0, v9, v8;
	v5 =	vsel @p2 vm0, v11, v5  }
0x2b9: {  	(xrf1) =	vsort.dscd.msk.f32 @p2 $0xffff, v7, v5;
	_ =	sdelay $0xa  }
0x2ba: {  	v5 =	vmul.u32 $0xFFFFFFFF, v2;
	_ =	sdelay $0x1  }
0x2bb: {  	v5 =	vadd.s32 $0xF, v5;
	v7, v8, _ =	vpop (xrf1)  }
0x2bc: {  	v7 =	vperm.xlane v7, v5;
	v9, v10, _ =	vpop @p2 (xrf1)  }
0x2bd: {  	v8 =	vperm.xlane v8, v5;
	v6 =	vpsel p2, v9, v6  }
0x2be: {  	v4 =	vpsel p2, v10, v4;
	vm15 =	vge.f32 v6, v7  }
0x2bf: {  	v6 =	vsel vm15, v6, v7;
	v4 =	vsel vm15, v4, v8  }
0x2c0: {  	(xrf1) =	vsort.dscd.msk.f32 $0xffff, v6, v4;
	_ =	sdelay $0xd  }
0x2c1: {  	v4, v6, _ =	vpop (xrf1)  }
0x2c2: {  	v6 =	vadd.s32 s21, v6;
	_ =	sdelay $0x4  }
0x2c3: {  	v7 =	vld.idx.msk [tilespmem:v6+s12+$0x0], $0xffff;
	[tilespmem:v6+s12+$0x0] =	vst.idx.msk $0xffff, v0  }
0x2c4: {  	v8 =	vld [tilespmem:s21+$0x16100];
	_ =	sdelay $0x4  }
0x2c5: {  	(xrf1) =	vsort.dscd.msk.f32 $0xffff, v8, v2;
	_ =	sdelay $0x9  }
.Ltmp45:
0x2c6: {  	_ = 	snop;
	(pc) =	sbr.rel @!p1 .LBB2_46-.Ltmp45, $2  }
0x2c7: {  	_ =	sdelay $0x2  }
0x2c8: {  	v8 =	vmov s21;
	v10, v9, _ =	vpop (xrf1)  }
0x2c9: {  	s3 =	sand.u32 $0xFFFFFF80, s16;
	s4 =	sand.u32 $0x70, s22  }
0x2ca: {  	s3 =	sor.u32 s4, s3  }
0x2cb: {  	v11 =	vld [tilespmem:s3+$0x16100];
	_ =	sdelay $0x3  }
0x2cc: {  	v12 =	vor.u32 s22, v2  }
0x2cd: {  	(xrf1) =	vsort.dscd.msk.f32 $0xffff, v11, v12;
	_ =	sdelay $0x4  }
0x2ce: {  	p2 =	sne.s32 s2, $0x1  }
.Ltmp46:
0x2cf: {  	_ = 	snop;
	(pc) =	sbr.rel @!p2 .LBB2_48-.Ltmp46, $3  }
0x2d0: {  	_ =	sdelay $0x1  }
0x2d1: {  	s22 =	simm.s32 $0x20  }
0x2d2: {  	s16 =	sadd.s32 $0x20, s0;
	s2 =	sadd.s32 $0xFFFFFFFF, s2;
	p1 =	por $0x1, $0x1  }
0x2d3: {  	s3 =	sand.u32 $0xFFFFFF80, s16;
	s4 =	sand.u32 $0x70, s22  }
0x2d4: {  	s3 =	sor.u32 s4, s3  }
0x2d5: {  	v11 =	vld [tilespmem:s3+$0x16100]  }
0x2d6: {  	v12, v13, _ =	vpop (xrf1)  }
0x2d7: {  	v12 =	vperm.xlane v12, v5  }
0x2d8: {  	v13 =	vperm.xlane v13, v5  }
0x2d9: {  	v14 =	vor.u32 s22, v2;
	vm0 =	vge.f32 v10, v12  }
0x2da: {  	(xrf1) =	vsort.dscd.msk.f32 $0xffff, v11, v14;
	v11 =	vsel vm0, v10, v12;
	v63 =	vsel vm0, v9, v13  }
0x2db: {  	(xrf1) =	vsort.dscd.msk.f32 $0xffff, v11, v63;
	_ =	sdelay $0x3  }
0x2dc: {  	p2 =	sne.s32 s2, $0x1  }
.Ltmp47:
0x2dd: {  	_ = 	snop;
	(pc) =	sbr.rel @!p2 .LBB2_51-.Ltmp47, $3  }
0x2de: {  	_ =	sdelay $0x1  }
0x2df: {  	s22 =	simm.s32 $0x30  }
0x2e0: {  	s16 =	sadd.s32 $0x30, s0;
	s2 =	sadd.s32 $0xFFFFFFFF, s2;
	p0 =	por $0x1, $0x1  }
.LBB2_50:
0x2e1: {  	p2 =	sne.s32 s2, $0x1;
	s3 =	sand.u32 $0xFFFFFF80, s16;
	s4 =	sand.u32 $0x70, s22  }
0x2e2: {  	s3 =	sor.u32 s4, s3  }
0x2e3: {  	v11 =	vld [tilespmem:s3+$0x16100];
	_ =	sdelay $0x1  }
0x2e4: {  	v12, v13, _ =	vpop (xrf1)  }
0x2e5: {  	v12 =	vperm.xlane v12, v5  }
0x2e6: {  	v14 =	vor.u32 s22, v2;
	v13 =	vperm.xlane v13, v5;
	v16, v15, _ =	vpop (xrf1)  }
0x2e7: {  	(xrf1) =	vsort.dscd.msk.f32 $0xffff, v11, v14;
	vm0 =	vge.f32 v16, v12  }
0x2e8: {  	v11 =	vsel vm0, v16, v12;
	v12 =	vsel vm0, v15, v13  }
0x2e9: {  	(xrf1) =	vsort.dscd.msk.f32 $0xffff, v11, v12;
	_ =	sdelay $0x2  }
.Ltmp48:
0x2ea: {  	(pc) =	sbr.rel @p2 .LBB2_50-.Ltmp48, $3  }
0x2eb: {  	_ =	sdelay $0x1  }
0x2ec: {  	s22 =	sadd.s32 $0x10, s22  }
0x2ed: {  	s2 =	sadd.s32 $0xFFFFFFFF, s2;
	s16 =	sadd.s32 s22, s0  }
.Ltmp49:
0x2ee: {  	_ = 	snop;
	(pc) =	sbr.rel .LBB2_51-.Ltmp49, $1  }
0x2ef: {  	_ =	sdelay $0x3  }
.LBB2_42:
.Ltmp50:
0x2f0: {  	(pc) =	sbr.rel .LBB2_45-.Ltmp50, $2  }
0x2f1: {  	_ =	sdelay $0x2  }
0x2f2: {  	p3 =	por $0x0, $0x0  }
.LBB2_48:
.Ltmp51:
0x2f3: {  	(pc) =	sbr.rel .LBB2_51-.Ltmp51, $2  }
0x2f4: {  	_ =	sdelay $0x2  }
0x2f5: {  	_ = 	snop  }
.LBB2_53:
.Ltmp52:
0x2f6: {  	(pc) =	sbr.rel .LBB2_54-.Ltmp52, $2  }
0x2f7: {  	_ =	sdelay $0x2  }
0x2f8: {  	s0 =	simm.s32 $0x0;
	s1 =	simm.s32 $0x0  }
.LBB2_64:
0x2f9: {  	_ = 	snop  }
.LBB2_69:
0x2fa: {  	s2 =	sand.u32 $0xFFFFFF80, s7;
	s3 =	sand.u32 $0x70, s6  }
0x2fb: {  	v9 =	vmul.u32 @p0 $0xFFFFFFFF, v2;
	s2 =	sor.u32 s3, s2  }
0x2fc: {  	v10 =	vld [tilespmem:s2+$0x16100]  }
0x2fd: {  	v11, v12, _ =	vpop @p0 (xrf1);
	v9 =	vadd.s32 @p0 $0xF, v9  }
0x2fe: {  	v13, v14, _ =	vpop @p1 (xrf1);
	v11 =	vperm.xlane @p0 v11, v9  }
0x2ff: {  	v9 =	vperm.xlane @p0 v12, v9;
	v12 =	vpsel p1, v13, v5  }
0x300: {  	v63 =	vor.u32 s6, v2;
	v14 =	vpsel p1, v14, v8;
	vm0 =	vge.f32 @p0 v12, v11  }
0x301: {  	v9 =	vsel @p0 vm0, v14, v9;
	(xrf1) =	vsort.dscd.msk.f32 $0xffff, v10, v63;
	v10 =	vsel @p0 vm0, v12, v11  }
0x302: {  	(xrf1) =	vsort.dscd.msk.f32 @p0 $0xffff, v10, v9;
	_ =	sdelay $0xa  }
0x303: {  	v9 =	vmul.u32 $0xFFFFFFFF, v2;
	_ =	sdelay $0x1  }
0x304: {  	v9 =	vadd.s32 $0xF, v9;
	v10, v11, _ =	vpop (xrf1)  }
0x305: {  	v10 =	vperm.xlane v10, v9;
	v12, v13, _ =	vpop @p0 (xrf1)  }
0x306: {  	v9 =	vperm.xlane v11, v9;
	v5 =	vpsel p0, v12, v5  }
0x307: {  	v8 =	vpsel p0, v13, v8;
	vm15 =	vge.f32 v5, v10  }
0x308: {  	v5 =	vsel vm15, v5, v10;
	v8 =	vsel vm15, v8, v9  }
0x309: {  	(xrf1) =	vsort.dscd.msk.f32 $0xffff, v5, v8;
	_ =	sdelay $0xd  }
0x30a: {  	v5, v8, _ =	vpop (xrf1)  }
.LBB2_70:
0x30b: {  	v9 =	vmov s15  }
0x30c: {  	v8 =	vadd.s32 v9, v8;
	_ =	sdelay $0x2  }
0x30d: {  	[tilespmem:v6+s12+$0x0] =	vst.idx.msk $0xffff, v7  }
0x30e: {  	v6 =	vld.idx.msk [tilespmem:v6+s13+$0x0], $0xffff  }
0x30f: {  	v7 =	vld.idx.msk [tilespmem:v8+s13+$0x0], $0xffff;
	_ =	sdelay $0x2  }
0x310: {  	s2 =	sor.u32 s19, s1;
	s3 =	sadd.s32 s20, s1;
	s1 =	sadd.s32 $0x1, s1  }
0x311: {  	p0 =	sne.s32 s1, $0x8;
	v60 =	vshll.u32 v6, $0xA  }
.Ltmp53:
0x312: {  	s2 =	sshll.u32 s2, $0x5;
	s3 =	sshll.u32 s3, $0x7;
	v8 =	vand.u32 $0xFFFE0000, v60;
	v61 =	vshll.u32 v7, $0xA;
	(pc) =	sbr.rel @!p0 .LBB2_71-.Ltmp53, $4  }
0x313: {  	[tilespmem:s2+$0x1A100] =	vst v4;
	v6 =	vand.u32 $0x7F, v6;
	v4 =	vadd.s32 s3, v8;
	v62 =	vand.u32 $0xFFFE0000, v61  }
0x314: {  	[tilespmem:s2+$0x1A110] =	vst v5;
	v4 =	vor.u32 v6, v4;
	v63 =	vand.u32 $0x7F, v7;
	v5 =	vadd.s32 s3, v62  }
0x315: {  	[tilespmem:s2+$0x1A500] =	vst v4;
	v4 =	vor.u32 v63, v5  }
0x316: {  	s0 =	sadd.s32 $0x400, s0;
	[tilespmem:s2+$0x1A510] =	vst v4  }
.LBB2_54:
0x317: {  	s2 =	sld [smem:s1+$0x0]  }
0x318: {  	s15 =	sshll.u32 s1, $0xA  }
0x319: {  	s3 =	sadd.s32 $0x16100, s15  }
0x31a: {  	s3 =	sadd.s32 s2, s3  }
0x31b: {  	[tilespmem:s3+$0x0] =	vst v0  }
0x31c: {  	v4 =	vld [tilespmem:s15+$0x16100];
	_ =	sdelay $0x4  }
0x31d: {  	(xrf1) =	vsort.dscd.msk.f32 $0xffff, v4, v2;
	_ =	sdelay $0x2  }
0x31e: {  	s30 =	sand.u32 $0xF, s2  }
0x31f: {  	s31 =	sshra.s32 s2, $0x1F;
	p1 =	slt.s32 s2, $0x1;
	p0 =	sne.s32 s30, $0x0  }
0x320: {  	s3 =	sshrl.u32 s31, $0x1C;
	p0 =	por !p1, !p0  }
0x321: {  	s2 =	sadd.s32 s3, s2;
	s3 =	simm.s32 $0x1;
	p0 =	por !p0, !p0  }
0x322: {  	s2 =	sshra.s32 s2, $0x4;
	s3 =	simm.s32 @!p0 $0x0  }
0x323: {  	s2 =	ssub.s32 s2, s3  }
0x324: {  	p0 =	slt.s32 s2, $0x1  }
.Ltmp54:
0x325: {  	_ = 	snop;
	(pc) =	sbr.rel @p0 .LBB2_62-.Ltmp54, $2  }
0x326: {  	_ =	sdelay $0x2  }
0x327: {  	s6 =	simm.s32 $0x10;
	v4, v5, _ =	vpop (xrf1)  }
0x328: {  	p3 =	sne.s32 s2, $0x1  }
.Ltmp55:
0x329: {  	_ = 	snop;
	(pc) =	sbr.rel @!p3 .LBB2_56-.Ltmp55, $3  }
0x32a: {  	_ =	sdelay $0x1  }
0x32b: {  	s8 =	sadd.s32 s6, s0  }
0x32c: {  	s7 =	sadd.s32 $0xFFFFFFFF, s2;
	p1 =	por $0x0, $0x0;
	p2 =	por $0x0, $0x0  }
0x32d: {  	s3 =	sand.u32 $0xFFFFFF80, s8;
	s4 =	sand.u32 $0x70, s6  }
0x32e: {  	s3 =	sor.u32 s4, s3  }
0x32f: {  	p3 =	sne.s32 s7, $0x1;
	v6 =	vld [tilespmem:s3+$0x16100]  }
.Ltmp56:
0x330: {  	_ = 	snop;
	(pc) =	sbr.rel @!p3 .LBB2_58-.Ltmp56, $3  }
0x331: {  	_ =	sdelay $0x1  }
0x332: {  	v7 =	vor.u32 s6, v2;
	s6 =	sadd.s32 $0x10, s6  }
0x333: {  	s7 =	sadd.s32 $0xFFFFFFFF, s7;
	p1 =	por $0x1, $0x1;
	s8 =	sadd.s32 s6, s0;
	(xrf1) =	vsort.dscd.msk.f32 $0xffff, v6, v7  }
0x334: {  	_ =	sdelay $0x8  }
0x335: {  	s3 =	sand.u32 $0xFFFFFF80, s8;
	s4 =	sand.u32 $0x70, s6  }
0x336: {  	s3 =	sor.u32 s4, s3  }
0x337: {  	v6 =	vmul.u32 $0xFFFFFFFF, v2;
	v7 =	vld [tilespmem:s3+$0x16100];
	_ =	sdelay $0x1  }
0x338: {  	v6 =	vadd.s32 $0xF, v6;
	v8, v9, _ =	vpop (xrf1)  }
0x339: {  	v8 =	vperm.xlane v8, v6  }
0x33a: {  	v10 =	vor.u32 s6, v2;
	v9 =	vperm.xlane v9, v6  }
0x33b: {  	(xrf1) =	vsort.dscd.msk.f32 $0xffff, v7, v10;
	vm0 =	vge.f32 v4, v8  }
0x33c: {  	v7 =	vsel vm0, v4, v8;
	v8 =	vsel vm0, v5, v9  }
0x33d: {  	(xrf1) =	vsort.dscd.msk.f32 $0xffff, v7, v8;
	_ =	sdelay $0x1  }
0x33e: {  	p3 =	sne.s32 s7, $0x1  }
.Ltmp57:
0x33f: {  	_ = 	snop;
	(pc) =	sbr.rel @!p3 .LBB2_61-.Ltmp57, $3  }
0x340: {  	_ =	sdelay $0x1  }
0x341: {  	s6 =	sadd.s32 $0x10, s6  }
0x342: {  	s7 =	sadd.s32 $0xFFFFFFFF, s7;
	p2 =	por $0x1, $0x1;
	s8 =	sadd.s32 s6, s0  }
.LBB2_60:
0x343: {  	p3 =	sne.s32 s7, $0x1;
	s3 =	sand.u32 $0xFFFFFF80, s8;
	s4 =	sand.u32 $0x70, s6  }
0x344: {  	s3 =	sor.u32 s4, s3  }
0x345: {  	v7 =	vld [tilespmem:s3+$0x16100];
	_ =	sdelay $0x1  }
0x346: {  	v8, v9, _ =	vpop (xrf1)  }
0x347: {  	v8 =	vperm.xlane v8, v6  }
0x348: {  	v10 =	vor.u32 s6, v2;
	v9 =	vperm.xlane v9, v6;
	v12, v11, _ =	vpop (xrf1)  }
0x349: {  	(xrf1) =	vsort.dscd.msk.f32 $0xffff, v7, v10;
	vm0 =	vge.f32 v12, v8  }
0x34a: {  	v7 =	vsel vm0, v12, v8;
	v8 =	vsel vm0, v11, v9  }
0x34b: {  	(xrf1) =	vsort.dscd.msk.f32 $0xffff, v7, v8;
	_ =	sdelay $0x2  }
.Ltmp58:
0x34c: {  	(pc) =	sbr.rel @p3 .LBB2_60-.Ltmp58, $3  }
0x34d: {  	_ =	sdelay $0x1  }
0x34e: {  	s6 =	sadd.s32 $0x10, s6  }
0x34f: {  	s7 =	sadd.s32 $0xFFFFFFFF, s7;
	s8 =	sadd.s32 s6, s0  }
.LBB2_61:
0x350: {  	_ =	sdelay $0x1  }
0x351: {  	s3 =	sand.u32 $0xFFFFFF80, s8;
	s4 =	sand.u32 $0x70, s6  }
0x352: {  	v6 =	vmul.u32 @p1 $0xFFFFFFFF, v2;
	s3 =	sor.u32 s4, s3  }
0x353: {  	v7 =	vld [tilespmem:s3+$0x16100]  }
0x354: {  	v6 =	vadd.s32 @p1 $0xF, v6;
	v8, v9, _ =	vpop @p1 (xrf1)  }
0x355: {  	v8 =	vperm.xlane @p1 v8, v6;
	v10, v11, _ =	vpop @p2 (xrf1)  }
0x356: {  	v6 =	vperm.xlane @p1 v9, v6;
	v9 =	vpsel p2, v10, v4  }
0x357: {  	v63 =	vor.u32 s6, v2;
	v11 =	vpsel p2, v11, v5;
	vm0 =	vge.f32 @p1 v9, v8  }
0x358: {  	(xrf1) =	vsort.dscd.msk.f32 $0xffff, v7, v63;
	v7 =	vsel @p1 vm0, v9, v8;
	v6 =	vsel @p1 vm0, v11, v6  }
0x359: {  	(xrf1) =	vsort.dscd.msk.f32 @p1 $0xffff, v7, v6;
	_ =	sdelay $0xa  }
0x35a: {  	v6 =	vmul.u32 $0xFFFFFFFF, v2;
	_ =	sdelay $0x1  }
0x35b: {  	v6 =	vadd.s32 $0xF, v6;
	v7, v8, _ =	vpop (xrf1)  }
0x35c: {  	v7 =	vperm.xlane v7, v6;
	v9, v10, _ =	vpop @p1 (xrf1)  }
0x35d: {  	v6 =	vperm.xlane v8, v6;
	v4 =	vpsel p1, v9, v4  }
0x35e: {  	v5 =	vpsel p1, v10, v5;
	vm15 =	vge.f32 v4, v7  }
0x35f: {  	v4 =	vsel vm15, v4, v7;
	v5 =	vsel vm15, v5, v6  }
0x360: {  	(xrf1) =	vsort.dscd.msk.f32 $0xffff, v4, v5;
	_ =	sdelay $0xd  }
0x361: {  	v4, v5, _ =	vpop (xrf1)  }
.LBB2_62:
0x362: {  	v6 =	vadd.s32 s15, v5;
	_ =	sdelay $0x4  }
0x363: {  	v7 =	vld.idx.msk [tilespmem:v6+s12+$0x0], $0xffff;
	[tilespmem:v6+s12+$0x0] =	vst.idx.msk $0xffff, v0  }
0x364: {  	v5 =	vld [tilespmem:s15+$0x16100];
	_ =	sdelay $0x4  }
0x365: {  	(xrf1) =	vsort.dscd.msk.f32 $0xffff, v5, v2;
	_ =	sdelay $0x9  }
.Ltmp59:
0x366: {  	_ = 	snop;
	(pc) =	sbr.rel @p0 .LBB2_70-.Ltmp59, $2  }
0x367: {  	_ =	sdelay $0x2  }
0x368: {  	s6 =	simm.s32 $0x10;
	v5, v8, _ =	vpop (xrf1)  }
0x369: {  	p2 =	sne.s32 s2, $0x1  }
.Ltmp60:
0x36a: {  	_ = 	snop;
	(pc) =	sbr.rel @!p2 .LBB2_64-.Ltmp60, $3  }
0x36b: {  	_ =	sdelay $0x1  }
0x36c: {  	s7 =	sadd.s32 s6, s0  }
0x36d: {  	s2 =	sadd.s32 $0xFFFFFFFF, s2;
	p0 =	por $0x0, $0x0;
	p1 =	por $0x0, $0x0  }
0x36e: {  	s3 =	sand.u32 $0xFFFFFF80, s7;
	s4 =	sand.u32 $0x70, s6  }
0x36f: {  	s3 =	sor.u32 s4, s3  }
0x370: {  	v9 =	vld [tilespmem:s3+$0x16100];
	_ =	sdelay $0x3  }
0x371: {  	v10 =	vor.u32 s6, v2  }
0x372: {  	(xrf1) =	vsort.dscd.msk.f32 $0xffff, v9, v10;
	_ =	sdelay $0x4  }
0x373: {  	p2 =	sne.s32 s2, $0x1  }
.Ltmp61:
0x374: {  	_ = 	snop;
	(pc) =	sbr.rel @!p2 .LBB2_66-.Ltmp61, $3  }
0x375: {  	_ =	sdelay $0x1  }
0x376: {  	s6 =	sadd.s32 $0x10, s6  }
0x377: {  	s2 =	sadd.s32 $0xFFFFFFFF, s2;
	p0 =	por $0x1, $0x1;
	s7 =	sadd.s32 s6, s0  }
0x378: {  	s3 =	sand.u32 $0xFFFFFF80, s7;
	s4 =	sand.u32 $0x70, s6  }
0x379: {  	v9 =	vmul.u32 $0xFFFFFFFF, v2;
	s3 =	sor.u32 s4, s3  }
0x37a: {  	v10 =	vld [tilespmem:s3+$0x16100]  }
0x37b: {  	v9 =	vadd.s32 $0xF, v9;
	v11, v12, _ =	vpop (xrf1)  }
0x37c: {  	v11 =	vperm.xlane v11, v9  }
0x37d: {  	v12 =	vperm.xlane v12, v9  }
0x37e: {  	v13 =	vor.u32 s6, v2;
	vm0 =	vge.f32 v5, v11  }
0x37f: {  	(xrf1) =	vsort.dscd.msk.f32 $0xffff, v10, v13;
	v10 =	vsel vm0, v5, v11;
	v11 =	vsel vm0, v8, v12  }
0x380: {  	(xrf1) =	vsort.dscd.msk.f32 $0xffff, v10, v11;
	_ =	sdelay $0x3  }
0x381: {  	p2 =	sne.s32 s2, $0x1  }
.Ltmp62:
0x382: {  	_ = 	snop;
	(pc) =	sbr.rel @!p2 .LBB2_69-.Ltmp62, $3  }
0x383: {  	_ =	sdelay $0x1  }
0x384: {  	s6 =	sadd.s32 $0x10, s6  }
0x385: {  	s2 =	sadd.s32 $0xFFFFFFFF, s2;
	p1 =	por $0x1, $0x1;
	s7 =	sadd.s32 s6, s0  }
.LBB2_68:
0x386: {  	p2 =	sne.s32 s2, $0x1;
	s3 =	sand.u32 $0xFFFFFF80, s7;
	s4 =	sand.u32 $0x70, s6  }
0x387: {  	s3 =	sor.u32 s4, s3  }
0x388: {  	v10 =	vld [tilespmem:s3+$0x16100];
	_ =	sdelay $0x1  }
0x389: {  	v11, v12, _ =	vpop (xrf1)  }
0x38a: {  	v11 =	vperm.xlane v11, v9  }
0x38b: {  	v13 =	vor.u32 s6, v2;
	v12 =	vperm.xlane v12, v9;
	v15, v14, _ =	vpop (xrf1)  }
0x38c: {  	(xrf1) =	vsort.dscd.msk.f32 $0xffff, v10, v13;
	vm0 =	vge.f32 v15, v11  }
0x38d: {  	v10 =	vsel vm0, v15, v11;
	v11 =	vsel vm0, v14, v12  }
0x38e: {  	(xrf1) =	vsort.dscd.msk.f32 $0xffff, v10, v11;
	_ =	sdelay $0x2  }
.Ltmp63:
0x38f: {  	(pc) =	sbr.rel @p2 .LBB2_68-.Ltmp63, $3  }
0x390: {  	_ =	sdelay $0x1  }
0x391: {  	s6 =	sadd.s32 $0x10, s6  }
0x392: {  	s2 =	sadd.s32 $0xFFFFFFFF, s2;
	s7 =	sadd.s32 s6, s0  }
.Ltmp64:
0x393: {  	_ = 	snop;
	(pc) =	sbr.rel .LBB2_69-.Ltmp64, $1  }
0x394: {  	_ =	sdelay $0x3  }
.LBB2_56:
.Ltmp65:
0x395: {  	(pc) =	sbr.rel .LBB2_61-.Ltmp65, $2  }
0x396: {  	_ =	sdelay $0x2  }
0x397: {  	_ = 	snop  }
.LBB2_58:
.Ltmp66:
0x398: {  	(pc) =	sbr.rel .LBB2_61-.Ltmp66, $2  }
0x399: {  	_ =	sdelay $0x2  }
0x39a: {  	_ = 	snop  }
.LBB2_66:
.Ltmp67:
0x39b: {  	(pc) =	sbr.rel .LBB2_69-.Ltmp67, $2  }
0x39c: {  	_ =	sdelay $0x2  }
0x39d: {  	_ = 	snop  }
.LBB2_73:
0x39e: {  	_ =	sfence.sel $0x180000  }
0x39f: {  	[bflag:$0x0] =	sbarrier.arrive $0xFFFF  }
0x3a0: {  	_ =	strace $0x90000047  }
0x3a1: {  	s0 =	stileid.u32;
	[bflag:$0x2] =	sbarrier.arrive $0xFFFF  }
0x3a2: {  	p0 =	sne.s32 s0, $0x0;
	s0 =	rddreg [dreg:$0x1]  }
0x3a3: {  	s0 =	sadd.s32 @!p0 $0x100000, s0  }
0x3a4: {  	[sflag:s0] =	ssyncadd.tile.s32 @!p0 $0x1;
	_ =	shalt  }
.Lfunc_end2:
_tile_overlayer_lowered:
.L_overlay_start_2:
0x3a5: {  	(tag) =	ssettag $0x2  }
0x3a6: {  	s0 =	rddreg [dreg:$0x0];
	s2 =	stileid.u32  }
0x3a7: {  	s1 =	rddreg [dreg:$0x1];
	p0 =	sne.s32 s2, $0x0  }
0x3a8: {  	s3 =	rddreg [dreg:$0x2];
	[bflag:$0x3] =	sbarrier.arrive $0xFFFF;
	s2 =	simm.s32 @!p0 $0x1C02  }
0x3a9: {  	[timem:s3], [sflag:s2] =	dma.local @!p0 [hbm:s0], s1  }
0x3aa: {  	s0 =	simm.s32 @!p0 $0x2  }
0x3ab: {  	_ =	swait.ge @!p0 [sflag:s0], s1  }
0x3ac: {  	s1 =	ssub.s32 @!p0 $0x0, s1;
	[sflag:s0] =	ssyncset.done @!p0 $0x0  }
0x3ad: {  	[sflag:s0] =	ssyncadd.s32 @!p0 s1  }
0x3ae: {  	[bflag:$0x3] =	sbarrier.arrive $0xFFFF  }
0x3af: {  	_ =	shalt  }

// kernel: kernel.9.cloned.1.call-start
scs
__scs_entry_jumppad:
0x0: {  	(pc) =	sbr.rel $0x88, $3  }
0x1: {  	(tag) =	ssettag $0x0;
	lr =	simm.s32 $0x1  }
0x2: {  	[smem:$0x3F9F] =	sst lr;
	_ =	strace $0xD0000000  }
0x3: {  	_ = 	snop  }
0x4: {  	_ = 	snop  }
0x5: {  	_ = 	snop  }
0x6: {  	_ = 	snop  }
0x7: {  	_ = 	snop  }
__scs_overlays_trampoline_lowered:
0x8: {  	[smem:$0x3FAE] =	sst s0  }
0x9: {  	[smem:$0x3FAF] =	sst s1  }
0xa: {  	[smem:$0x3FB0] =	sst s2  }
0xb: {  	[smem:$0x3FB1] =	sst s3  }
0xc: {  	[smem:$0x3FB2] =	sst s4  }
0xd: {  	[smem:$0x3FB3] =	sst s5  }
0xe: {  	[smem:$0x3FB4] =	sst s6  }
0xf: {  	[smem:$0x3FB5] =	sst s7  }
0x10: {  	[smem:$0x3FB6] =	sst s8  }
0x11: {  	[smem:$0x3FB7] =	sst s9;
	s0 =	simm.s32 @!p0 $0x0  }
0x12: {  	s1 =	sld [smem:$0x3F9D];
	s0 =	simm.s32 @p0 $0x1  }
0x13: {  	[smem:$0x3FB8] =	sst s0;
	s0 =	simm.s32 @!p1 $0x0  }
0x14: {  	s2 =	sld [smem:$0x3F9C];
	s0 =	simm.s32 @p1 $0x1  }
0x15: {  	[smem:$0x3FB9] =	sst s0;
	s0 =	simm.s32 @!p2 $0x0  }
0x16: {  	s3 =	sld [smem:$0x3FDB];
	s0 =	simm.s32 @p2 $0x1  }
0x17: {  	s4 =	simm.s32 $0x1BF5;
	[smem:$0x3FBB] =	sst s0  }
0x18: {  	s0 =	sld [smem:$0x3F9E];
	_ =	swait.ge [sflag:s4], $0x0  }
0x19: {  	s7 =	sld [smem:$0x3F9F]  }
0x1a: {  	s8 =	sadd.s32 $0xFFFFE003, lr  }
0x1b: {  	s9 =	sadd.s32 $0xFFFFFEF7, lr;
	s5 =	simm.s32 $0xFFFFFFFF;
	p2 =	slt.u32 s8, $0xFFFFF086  }
0x1c: {  	p1 =	slt.u32 s9, $0xF7A;
	s5 =	simm.s32 @!p2 $0x0  }
0x1d: {  	s5 =	simm.s32 @p1 $0x1;
	p0 =	seq.s32 s7, s2  }
0x1e: {  	s7 =	smul.u32 @!p0 $0xF7A, s2;
	p2 =	seq.s32 @!p0 s5, $0x0  }
0x1f: {  	s9 =	smul.u32 $0xF7A, s1;
	s8 =	simm.s32 @!p0 $0x1BF5;
	p2 =	por !p2, p0  }
0x20: {  	[sflag:s8] =	ssyncset.s32 @!p0 $0xFFFFF086;
	s6 =	sadd.s32 @!p0 s3, s7;
	s7 =	simm.s32 @!p0 $0x108  }
0x21: {  	s3 =	sadd.s32 s3, s9;
	s6 =	sadd.s32 @!p0 $0x88, s6;
	s7 =	simm.s32 @p2 $0x1082  }
0x22: {  	[simem:s7], [sflag:s8] =	dma.local @!p0 [hbm:s6], $0xF7A  }
0x23: {  	s9 =	sor.u32 $0xD0000000, s2;
	s6 =	simm.s32 $0x108;
	_ =	swait.ge @!p0 [sflag:s8], $0x0  }
0x24: {  	s3 =	sadd.s32 $0x88, s3;
	s6 =	simm.s32 @!p1 $0x1082;
	[sflag:s4] =	ssyncset.s32 $0xFFFFF086  }
0x25: {  	[simem:s6], [sflag:s4] =	dma.local [hbm:s3], $0xF7A  }
0x26: {  	[smem:$0x3F9F] =	sst s1;
	(tag) =	ssettag s2;
	_ =	strace s9  }
0x27: {  	s1 =	sld [smem:$0x3FAF]  }
0x28: {  	s2 =	sld [smem:$0x3FB0]  }
0x29: {  	s4 =	sld [smem:$0x3FB2]  }
0x2a: {  	p0 =	seq.s32 s5, $0x0;
	s5 =	sld [smem:$0x3FB3]  }
0x2b: {  	s6 =	sld [smem:$0x3FB4]  }
0x2c: {  	s7 =	sld [smem:$0x3FB5]  }
0x2d: {  	s3 =	simm.s32 $0x108;
	s8 =	sld [smem:$0x3FB6]  }
0x2e: {  	s3 =	simm.s32 @!p0 $0x1082;
	s9 =	sld [smem:$0x3FB7]  }
0x2f: {  	lr =	sadd.s32 s0, s3;
	s0 =	sld [smem:$0x3FAE]  }
0x30: {  	s3 =	sld [smem:$0x3FB1]  }
0x31: {  	[smem:$0x3FBA] =	sst s10  }
0x32: {  	s10 =	sld [smem:$0x3FB8];
	_ =	sdelay $0x3  }
0x33: {  	p0 =	seq.s32 s10, $0x1;
	s10 =	sld [smem:$0x3FBA];
	_ =	sdelay $0x3  }
0x34: {  	[smem:$0x3FBA] =	sst s10  }
0x35: {  	s10 =	sld [smem:$0x3FB9];
	_ =	sdelay $0x3  }
0x36: {  	p1 =	seq.s32 s10, $0x1;
	s10 =	sld [smem:$0x3FBA];
	_ =	sdelay $0x3  }
0x37: {  	[smem:$0x3FBA] =	sst s10  }
0x38: {  	s10 =	sld [smem:$0x3FBB]  }
0x39: {  	_ = 	snop;
	(pc) =	sbr.ind lr, $3  }
0x3a: {  	_ = 	snop  }
0x3b: {  	_ = 	snop  }
0x3c: {  	p2 =	seq.s32 s10, $0x1;
	s10 =	sld [smem:$0x3FBA]  }
0x3d: {  	_ =	shalt  }
0x3e: {  	_ =	shalt  }
0x3f: {  	_ =	shalt  }
0x40: {  	_ =	shalt  }
0x41: {  	_ =	shalt  }
0x42: {  	_ =	shalt  }
0x43: {  	_ =	shalt  }
0x44: {  	_ =	shalt  }
0x45: {  	_ =	shalt  }
0x46: {  	_ =	shalt  }
0x47: {  	_ =	shalt  }
0x48: {  	_ =	shalt  }
0x49: {  	_ =	shalt  }
0x4a: {  	_ =	shalt  }
0x4b: {  	_ =	shalt  }
0x4c: {  	_ =	shalt  }
0x4d: {  	_ =	shalt  }
0x4e: {  	_ =	shalt  }
0x4f: {  	_ =	shalt  }
0x50: {  	_ =	shalt  }
0x51: {  	_ =	shalt  }
0x52: {  	_ =	shalt  }
0x53: {  	_ =	shalt  }
0x54: {  	_ =	shalt  }
0x55: {  	_ =	shalt  }
0x56: {  	_ =	shalt  }
0x57: {  	_ =	shalt  }
0x58: {  	_ =	shalt  }
0x59: {  	_ =	shalt  }
0x5a: {  	_ =	shalt  }
0x5b: {  	_ =	shalt  }
0x5c: {  	_ =	shalt  }
0x5d: {  	_ =	shalt  }
0x5e: {  	_ =	shalt  }
0x5f: {  	_ =	shalt  }
0x60: {  	_ =	shalt  }
0x61: {  	_ =	shalt  }
0x62: {  	_ =	shalt  }
0x63: {  	_ =	shalt  }
0x64: {  	_ =	shalt  }
0x65: {  	_ =	shalt  }
0x66: {  	_ =	shalt  }
0x67: {  	_ =	shalt  }
0x68: {  	_ =	shalt  }
0x69: {  	_ =	shalt  }
0x6a: {  	_ =	shalt  }
0x6b: {  	_ =	shalt  }
0x6c: {  	_ =	shalt  }
0x6d: {  	_ =	shalt  }
0x6e: {  	_ =	shalt  }
0x6f: {  	_ =	shalt  }
0x70: {  	_ =	shalt  }
0x71: {  	_ =	shalt  }
0x72: {  	_ =	shalt  }
0x73: {  	_ =	shalt  }
0x74: {  	_ =	shalt  }
0x75: {  	_ =	shalt  }
0x76: {  	_ =	shalt  }
0x77: {  	_ =	shalt  }
0x78: {  	_ =	shalt  }
0x79: {  	_ =	shalt  }
0x7a: {  	_ =	shalt  }
0x7b: {  	_ =	shalt  }
0x7c: {  	_ =	shalt  }
0x7d: {  	_ =	shalt  }
0x7e: {  	_ =	shalt  }
0x7f: {  	_ =	shalt  }
0x80: {  	_ =	shalt  }
0x81: {  	_ =	shalt  }
0x82: {  	_ =	shalt  }
0x83: {  	_ =	shalt  }
0x84: {  	_ =	shalt  }
0x85: {  	_ =	shalt  }
0x86: {  	_ =	shalt  }
0x87: {  	_ =	shalt  }
.Lfunc_end0:
.L_simem_size_0:
called_computation.1_lowered:
.L_overlay_start_0:
0x88: {  	s2 =	sld [smem:$0x3FD9]  }
0x89: {  	s3 =	sld [smem:$0x3FFE];
	_ =	sdelay $0x1  }
0x8a: {  	s1 =	srdreg.scid  }
0x8b: {  	s0 =	sand.u32 $0x1, s1  }
0x8c: {  	s16 =	sshll.u32 s0, $0xA;
	s2 =	sadd.s32 s3, s2  }
0x8d: {  	s2 =	sadd.s32 s2, s16  }
0x8e: {  	[smem:$0x3FC6] =	sst s2  }
0x8f: {  	_ = 	snop  }
0x90: {  	(tm) =	ssettm $0x1  }
0x91: {  	s17 =	sld [smem:$0x3FFB];
	_ =	sdelay $0x3  }
0x92: {  	_ =	strace s17  }
0x93: {  	s2 =	sld [smem:$0x3FFC];
	_ =	sdelay $0x3  }
0x94: {  	_ =	strace s2  }
0x95: {  	s2 =	sld [smem:$0x3FFD];
	_ =	sdelay $0x3  }
0x96: {  	_ =	strace s2  }
0x97: {  	_ =	strace $0x8FFFFFFF  }
0x98: {  	s18 =	sld [smem:$0x3FDB];
	_ =	sdelay $0x1  }
0x99: {  	s19 =	simm.s32 $_scs_section_size  }
0x9a: {  	s4 =	simm.s32 $_size__tile_overlayer_lowered;
	s5 =	simm.s32 $_tile_overlayer_lowered  }
0x9b: {  	s22 =	simm.s32 $0x1BFF;
	s21 =	sshll.u32 s5, $0x1;
	s2 =	sadd.s32 s19, s18  }
0x9c: {  	s6 =	simm.s32 $0x0;
	s20 =	sshll.u32 s4, $0x1;
	s4 =	sadd.s32 s21, s2  }
0x9d: {  	[timem:s6], [sflag:s22] =	dma.local [hbm:s4], s20  }
0x9e: {  	_ =	swait.ge [sflag:s22], s20  }
0x9f: {  	s3 =	ssub.s32 $0x0, s20;
	[sflag:s22] =	ssyncset.done $0x0  }
0xa0: {  	[sflag:s22] =	ssyncadd.s32 s3;
	_ =	sdelay $0x1  }
0xa1: {  	s23 =	simm.s32 $0x1B8B  }
0xa2: {  	_ =	swait.ge [sflag:s23], $0x1  }
0xa3: {  	[sflag:s23] =	ssyncset.done $0x0  }
0xa4: {  	s25 =	simm.s32 $0x1B8E;
	s24 =	sld [smem:$0x3FFE];
	[sflag:s23] =	ssyncadd.s32 $0xFFFFFFFF  }
0xa5: {  	s26 =	simm.s32 $execute0_lowered;
	[smem:$0x3FD2] =	sst s25  }
0xa6: {  	s4 =	sshll.u32 s26, $0x1;
	_ =	strace $0x80000049;
	[dreg:$0x1] =	wrdreg $0xFFFFFFFF  }
0xa7: {  	s28 =	simm.s32 $_size_execute0_lowered;
	s2 =	sadd.s32 s2, s4;
	[dreg:$0x0] =	wrdreg $0x0  }
0xa8: {  	s4 =	sshll.u32 s28, $0x1;
	[dreg:$0x2] =	wrdreg s2  }
0xa9: {  	[dreg:$0x3] =	wrdreg s4  }
0xaa: {  	[dreg:$0x4] =	wrdreg $0xC0  }
0xab: {  	_ =	task [dreg:s6], $0x5FFFF  }
0xac: {  	[dreg:$0x1] =	wrdreg $0xFFFFFFFF  }
0xad: {  	[dreg:$0x0] =	wrdreg $0x60  }
0xae: {  	[dreg:$0x2] =	wrdreg s24  }
0xaf: {  	[dreg:$0x3] =	wrdreg $0x9  }
0xb0: {  	_ =	task.clear_ibuf [dreg:s6], $0x4FFFF;
	_ =	strace $0x90000049  }
0xb1: {  	s29 =	simm.s32 $0x9;
	_ =	strace $0x8000004B  }
0xb2: {  	_ =	swait.ge [sflag:s29], $0x1  }
0xb3: {  	[sflag:s29] =	ssyncadd.s32 $0xFFFFFFFF  }
0xb4: {  	_ =	strace $0x9000004B  }
0xb5: {  	_ =	sfence  }
0xb6: {  	s30 =	sld [smem:$0x0];
	_ =	sdelay $0x2  }
0xb7: {  	s31 =	sshll.u32 s1, $0xD;
	s1 =	sshrl.u32 s1, $0x2  }
0xb8: {  	s3 =	sand.u32 $0x4000, s31;
	s1 =	sadd.s32 s1, s30  }
0xb9: {  	s0 =	sor.u32 s3, s0;
	s1 =	sshll.u32 s1, $0x11  }
0xba: {  	s0 =	sor.u32 s1, s0  }
0xbb: {  	s0 =	sadd.s32 $0x8F2B, s0  }
0xbc: {  	[sflag:s0] =	ssyncadd.remote.s32 $0x1  }
0xbd: {  	_ =	sfence.sel $0xFFFF  }
0xbe: {  	[dreg:$0x0] =	wrdreg $0xFFFFFFFF;
	(pc) =	sbr.abs _section_cstart, $3  }
0xbf: {  	[dreg:$0x1] =	wrdreg $0xFFFFFFFF  }
0xc0: {  	_ =	task.clear_ibuf [dreg:s6], $0x2FFFF;
	_ =	strace $0x9FFFFFFF  }
0xc1: {  	(tm) =	ssettm $0x7FFFFFFF  }
tec
execute0_lowered:
.L_overlay_start_1:
0x0: {  	(tag) =	ssettag $0x1  }
0x1: {  	s1 =	srdreg.scid  }
0x2: {  	s0 =	stileid.u32;
	s20 =	sand.u32 $0x1, s1  }
0x3: {  	s5 =	rddreg [dreg:$0x0];
	s3 =	sshll.u32 s0, $0x8;
	s4 =	sshll.u32 s20, $0x7  }
0x4: {  	s2 =	simm.s32 $0x0;
	s1 =	rddreg [dreg:$0x1];
	s3 =	sor.u32 s4, s3  }
0x5: {  	[smem:$0x7FF] =	sst s2;
	s22 =	sadd.s32 s3, s5  }
0x6: {  	_ =	strace $0x8000004A;
	s4 =	simm.s32 $0x1;
	s3 =	sadd.s32 $0xC3B200, s22  }
0x7: {  	[tilespmem:s2], [sflag:$0x1] =	stream.linear.gather [hbm4b:s3+s2], $0x400, $0x38;
	[tilespmem:$0x800] =	vst v63  }
0x8: {  	_ =	swait.ge [sflag:s4], $0x400  }
0x9: {  	s6 =	simm.s32 $0x80;
	s7 =	simm.s32 $0x400;
	[sflag:s4] =	ssyncset.done $0x0  }
0xa: {  	s8 =	simm.s32 $0x2;
	s5 =	sadd.s32 $0x1874200, s5;
	[sflag:s4] =	ssyncadd.s32 $0xFFFFFC00  }
0xb: {  	[tilespmem:s7], [sflag:$0x2] =	stream.indirect.gather [hbm4b:s5+s6], $0x1, s2, s6, $0xb8;
	[tilespmem:$0x800] =	vst v63  }
0xc: {  	_ =	swait.ge [sflag:s8], $0x80  }
0xd: {  	[sflag:s8] =	ssyncset.done $0x0  }
0xe: {  	s9 =	simm.s32 $0x480;
	[sflag:s8] =	ssyncadd.s32 $0xFFFFFF80  }
0xf: {  	[tilespmem:s9], [sflag:$0x2] =	stream.indirect.gather [hbm4b:s5+s6], $0x1, s6, s6, $0xb8;
	[tilespmem:$0x800] =	vst v63  }
0x10: {  	_ =	swait.ge [sflag:s8], $0x80  }
0x11: {  	[sflag:s8] =	ssyncset.done $0x0  }
0x12: {  	s10 =	simm.s32 $0x100;
	s11 =	simm.s32 $0x500;
	[sflag:s8] =	ssyncadd.s32 $0xFFFFFF80  }
0x13: {  	[tilespmem:s11], [sflag:$0x2] =	stream.indirect.gather [hbm4b:s5+s6], $0x1, s10, s6, $0xb8;
	[tilespmem:$0x800] =	vst v63  }
0x14: {  	_ =	swait.ge [sflag:s8], $0x80  }
0x15: {  	[sflag:s8] =	ssyncset.done $0x0  }
0x16: {  	s12 =	simm.s32 $0x180;
	s13 =	simm.s32 $0x580;
	[sflag:s8] =	ssyncadd.s32 $0xFFFFFF80  }
0x17: {  	[tilespmem:s13], [sflag:$0x2] =	stream.indirect.gather [hbm4b:s5+s6], $0x1, s12, s6, $0xb8;
	[tilespmem:$0x800] =	vst v63  }
0x18: {  	_ =	swait.ge [sflag:s8], $0x80  }
0x19: {  	[sflag:s8] =	ssyncset.done $0x0  }
0x1a: {  	s14 =	simm.s32 $0x200;
	s15 =	simm.s32 $0x600;
	[sflag:s8] =	ssyncadd.s32 $0xFFFFFF80  }
0x1b: {  	[tilespmem:s15], [sflag:$0x2] =	stream.indirect.gather [hbm4b:s5+s6], $0x1, s14, s6, $0xb8;
	[tilespmem:$0x800] =	vst v63  }
0x1c: {  	_ =	swait.ge [sflag:s8], $0x80  }
0x1d: {  	[sflag:s8] =	ssyncset.done $0x0  }
0x1e: {  	s16 =	simm.s32 $0x280;
	s17 =	simm.s32 $0x680;
	[sflag:s8] =	ssyncadd.s32 $0xFFFFFF80  }
0x1f: {  	[tilespmem:s17], [sflag:$0x2] =	stream.indirect.gather [hbm4b:s5+s6], $0x1, s16, s6, $0xb8;
	[tilespmem:$0x800] =	vst v63  }
0x20: {  	_ =	swait.ge [sflag:s8], $0x80  }
0x21: {  	s18 =	simm.s32 $0x300;
	[sflag:s8] =	ssyncset.done $0x0  }
0x22: {  	s19 =	simm.s32 $0x700;
	s23 =	ssub.s32 $0x2, s20;
	[sflag:s8] =	ssyncadd.s32 $0xFFFFFF80  }
0x23: {  	[tilespmem:s19], [sflag:$0x2] =	stream.indirect.gather [hbm4b:s5+s6], $0x1, s18, s6, $0xb8;
	[tilespmem:$0x800] =	vst v63  }
0x24: {  	s24 =	sshrl.u32 s23, $0x1;
	_ =	swait.ge [sflag:s8], $0x80  }
0x25: {  	s21 =	simm.s32 $0x780;
	s23 =	ssub.s32 s23, s24;
	[sflag:s8] =	ssyncset.done $0x0  }
0x26: {  	s20 =	simm.s32 $0x380;
	s24 =	smax.u32 s23, $0x1;
	[sflag:s8] =	ssyncadd.s32 $0xFFFFFF80  }
0x27: {  	[tilespmem:s21], [sflag:$0x2] =	stream.indirect.gather [hbm4b:s5+s6], $0x1, s20, s6, $0xb8;
	[tilespmem:$0x800] =	vst v63  }
0x28: {  	p0 =	sne.s32 s24, $0x1;
	_ =	swait.ge [sflag:s8], $0x80  }
.Ltmp0:
0x29: {  	[sflag:s8] =	ssyncset.done $0x0;
	(pc) =	sbr.rel @!p0 .LBB2_2-.Ltmp0, $4  }
0x2a: {  	s22 =	sadd.s32 $0xC3C200, s22;
	s23 =	simm.s32 $0x3;
	[sflag:s8] =	ssyncadd.s32 $0xFFFFFF80  }
0x2b: {  	[hbm4b:s22+s2] =	stream.linear.scatter [tilespmem:s7], [sflag:$0x3], $0x400, $0x38;
	[tilespmem:$0x800] =	vst v63  }
0x2c: {  	_ =	swait.ge [sflag:s23], $0x400  }
0x2d: {  	s24 =	sadd.s32 $0xFFFFFFFF, s24;
	[sflag:s23] =	ssyncset.done $0x0  }
.LBB2_1:
0x2e: {  	p0 =	sne.s32 s24, $0x1;
	s24 =	sadd.s32 $0xFFFFFFFF, s24;
	[sflag:s23] =	ssyncadd.s32 $0xFFFFFC00  }
0x2f: {  	[tilespmem:s2], [sflag:$0x1] =	stream.linear.gather [hbm4b:s3+s2], $0x400, $0x38;
	[tilespmem:$0x800] =	vst v63  }
0x30: {  	_ =	swait.ge [sflag:s4], $0x400  }
0x31: {  	[sflag:s4] =	ssyncset.done $0x0  }
0x32: {  	[sflag:s4] =	ssyncadd.s32 $0xFFFFFC00  }
0x33: {  	[tilespmem:s7], [sflag:$0x2] =	stream.indirect.gather [hbm4b:s5+s6], $0x1, s2, s6, $0xb8;
	[tilespmem:$0x800] =	vst v63  }
0x34: {  	_ =	swait.ge [sflag:s8], $0x80  }
0x35: {  	[sflag:s8] =	ssyncset.done $0x0  }
0x36: {  	[sflag:s8] =	ssyncadd.s32 $0xFFFFFF80  }
0x37: {  	[tilespmem:s9], [sflag:$0x2] =	stream.indirect.gather [hbm4b:s5+s6], $0x1, s6, s6, $0xb8;
	[tilespmem:$0x800] =	vst v63  }
0x38: {  	_ =	swait.ge [sflag:s8], $0x80  }
0x39: {  	[sflag:s8] =	ssyncset.done $0x0  }
0x3a: {  	[sflag:s8] =	ssyncadd.s32 $0xFFFFFF80  }
0x3b: {  	[tilespmem:s11], [sflag:$0x2] =	stream.indirect.gather [hbm4b:s5+s6], $0x1, s10, s6, $0xb8;
	[tilespmem:$0x800] =	vst v63  }
0x3c: {  	_ =	swait.ge [sflag:s8], $0x80  }
0x3d: {  	[sflag:s8] =	ssyncset.done $0x0  }
0x3e: {  	[sflag:s8] =	ssyncadd.s32 $0xFFFFFF80  }
0x3f: {  	[tilespmem:s13], [sflag:$0x2] =	stream.indirect.gather [hbm4b:s5+s6], $0x1, s12, s6, $0xb8;
	[tilespmem:$0x800] =	vst v63  }
0x40: {  	_ =	swait.ge [sflag:s8], $0x80  }
0x41: {  	[sflag:s8] =	ssyncset.done $0x0  }
0x42: {  	[sflag:s8] =	ssyncadd.s32 $0xFFFFFF80  }
0x43: {  	[tilespmem:s15], [sflag:$0x2] =	stream.indirect.gather [hbm4b:s5+s6], $0x1, s14, s6, $0xb8;
	[tilespmem:$0x800] =	vst v63  }
0x44: {  	_ =	swait.ge [sflag:s8], $0x80  }
0x45: {  	[sflag:s8] =	ssyncset.done $0x0  }
0x46: {  	[sflag:s8] =	ssyncadd.s32 $0xFFFFFF80  }
0x47: {  	[tilespmem:s17], [sflag:$0x2] =	stream.indirect.gather [hbm4b:s5+s6], $0x1, s16, s6, $0xb8;
	[tilespmem:$0x800] =	vst v63  }
0x48: {  	_ =	swait.ge [sflag:s8], $0x80  }
0x49: {  	[sflag:s8] =	ssyncset.done $0x0  }
0x4a: {  	[sflag:s8] =	ssyncadd.s32 $0xFFFFFF80  }
0x4b: {  	[tilespmem:s19], [sflag:$0x2] =	stream.indirect.gather [hbm4b:s5+s6], $0x1, s18, s6, $0xb8;
	[tilespmem:$0x800] =	vst v63  }
0x4c: {  	_ =	swait.ge [sflag:s8], $0x80  }
0x4d: {  	[sflag:s8] =	ssyncset.done $0x0  }
0x4e: {  	[sflag:s8] =	ssyncadd.s32 $0xFFFFFF80  }
0x4f: {  	[tilespmem:s21], [sflag:$0x2] =	stream.indirect.gather [hbm4b:s5+s6], $0x1, s20, s6, $0xb8;
	[tilespmem:$0x800] =	vst v63  }
0x50: {  	_ =	swait.ge [sflag:s8], $0x80  }
.Ltmp1:
0x51: {  	[sflag:s8] =	ssyncset.done $0x0;
	(pc) =	sbr.rel @p0 .LBB2_1-.Ltmp1, $4  }
0x52: {  	[sflag:s8] =	ssyncadd.s32 $0xFFFFFF80  }
0x53: {  	[hbm4b:s22+s2] =	stream.linear.scatter [tilespmem:s7], [sflag:$0x3], $0x400, $0x38;
	[tilespmem:$0x800] =	vst v63  }
0x54: {  	_ =	swait.ge [sflag:s23], $0x400  }
0x55: {  	[sflag:s23] =	ssyncset.done $0x0  }
.LBB2_2:
0x56: {  	[sflag:s23] =	ssyncadd.s32 $0xFFFFFC00  }
0x57: {  	_ =	sfence.sel $0x180000  }
0x58: {  	[bflag:$0x0] =	sbarrier.arrive $0xFFFF  }
0x59: {  	p0 =	sne.s32 s0, $0x0;
	_ =	strace $0x9000004A  }
0x5a: {  	s0 =	sadd.s32 @!p0 $0x100000, s1;
	[bflag:$0x2] =	sbarrier.arrive $0xFFFF  }
0x5b: {  	[sflag:s0] =	ssyncadd.tile.s32 @!p0 $0x1;
	_ =	shalt  }
.Lfunc_end2:
_tile_overlayer_lowered:
.L_overlay_start_2:
0x5c: {  	(tag) =	ssettag $0x2  }
0x5d: {  	s0 =	rddreg [dreg:$0x0];
	s2 =	stileid.u32  }
0x5e: {  	s1 =	rddreg [dreg:$0x1];
	p0 =	sne.s32 s2, $0x0  }
0x5f: {  	s3 =	rddreg [dreg:$0x2];
	[bflag:$0x3] =	sbarrier.arrive $0xFFFF;
	s2 =	simm.s32 @!p0 $0x1C03  }
0x60: {  	[timem:s3], [sflag:s2] =	dma.local @!p0 [hbm:s0], s1  }
0x61: {  	s0 =	simm.s32 @!p0 $0x3  }
0x62: {  	_ =	swait.ge @!p0 [sflag:s0], s1  }
0x63: {  	s1 =	ssub.s32 @!p0 $0x0, s1;
	[sflag:s0] =	ssyncset.done @!p0 $0x0  }
0x64: {  	[sflag:s0] =	ssyncadd.s32 @!p0 s1  }
0x65: {  	[bflag:$0x3] =	sbarrier.arrive $0xFFFF  }
0x66: {  	_ =	shalt  }

</sc_bundles>
